<compile_context>
chip_gen: v7x
topology: tpu7x:2x2x1
jax: 0.10.2.dev20260603
libtpu: 0.0.44.dev20260713+nightly
codegen_flags: <defaults>
</compile_context>

<pallas_src>
import jax
import jax.numpy as jnp
from jax import lax
from jax.experimental import pallas as pl
from jax.experimental.pallas import tpu as pltpu
from jax.experimental.pallas import tpu_sc as plsc

_NC = 2
_NS = 16
_NW = _NC * _NS
_LANES = 16

_B = 4
_S = 4096
_D = 1024
_CR = 8
_CHUNK = _B * _CR * _D
_SEQ_PER_W = _S // _NW
_NCHUNK = _SEQ_PER_W // _CR
_XBUFS = 3
_PEBUFS = 3


def _sc_body(x_hbm, pe_hbm, o_hbm, xbufs, pebufs, sin, sout, spe):
    wid = lax.axis_index("s") * _NC + lax.axis_index("c")
    row0 = wid * _SEQ_PER_W

    def start_in(c):
        r = row0 + c * _CR
        return pltpu.async_copy(
            x_hbm.at[:, pl.ds(r, _CR), :], xbufs[c % _XBUFS], sin[c % _XBUFS]
        )

    def start_pe(c):
        return pltpu.async_copy(
            pe_hbm.at[pl.ds(row0 + c * _CR, _CR), :],
            pebufs[c % _PEBUFS],
            spe[c % _PEBUFS],
        )

    pre = _XBUFS - 1
    in_h = {}
    out_h = {}
    pe_h = {}
    for c in range(min(pre, _NCHUNK)):
        in_h[c] = start_in(c)
        pe_h[c] = start_pe(c)

    for c in range(_NCHUNK):
        sl = c % _XBUFS
        xbuf = xbufs[sl]
        pebuf = pebufs[c % _PEBUFS]

        nc = c + pre
        if nc < _NCHUNK:
            if nc - _XBUFS >= 0:
                out_h.pop(nc - _XBUFS).wait()
            in_h[nc] = start_in(nc)
            pe_h[nc] = start_pe(nc)

        pe_h.pop(c).wait()
        in_h.pop(c).wait()

        @plsc.parallel_loop(0, _CR * _D, step=_LANES, unroll=4)
        def add_loop(o):
            r = lax.shift_right_logical(o, 10)
            col = pl.multiple_of(lax.bitwise_and(o, _D - 1), _LANES)
            pv = pebuf[r, pl.ds(col, _LANES)]
            for b in range(_B):
                xbuf[b, r, pl.ds(col, _LANES)] = xbuf[b, r, pl.ds(col, _LANES)] + pv

        r = row0 + c * _CR
        out_h[c] = pltpu.async_copy(
            xbuf, o_hbm.at[:, pl.ds(r, _CR), :], sout[sl]
        )

    for c in sorted(out_h):
        out_h.pop(c).wait()


def kernel(x, pe_table):
    B, S, D = x.shape

    sc_call = pl.kernel(
        _sc_body,
        out_type=jax.ShapeDtypeStruct((B, S, D), x.dtype),
        mesh=plsc.VectorSubcoreMesh(core_axis_name="c", subcore_axis_name="s"),
        compiler_params=pltpu.CompilerParams(use_tc_tiling_on_sc=True),
        scratch_types=[
            [pltpu.VMEM((_B, _CR, _D), jnp.float32) for _ in range(_XBUFS)],
            [pltpu.VMEM((_CR, _D), jnp.float32) for _ in range(_PEBUFS)],
            [pltpu.SemaphoreType.DMA for _ in range(_XBUFS)],
            [pltpu.SemaphoreType.DMA for _ in range(_XBUFS)],
            [pltpu.SemaphoreType.DMA for _ in range(_PEBUFS)],
        ],
    )
    return sc_call(x, pe_table)

# --- scband reference (transcript-rebuilt; emitter-appended) ---
"""Pipeline reference for scband-positional-encoder-65481071395285 (READ-ONLY COPY).

The authoritative reference and input builder live on the scoring server;
editing this copy changes nothing except your own understanding.
"""

import jax, jax.numpy as jnp
import numpy as np


def setup_inputs(seed: int = 0) -> dict:
    key = jax.random.key(seed)
    k1, k2 = jax.random.split(key)
    x = jax.random.normal(k1, (4, 4096, 1024), dtype=jnp.float32)
    # learned positional embedding table: nn.Embedding(max_len=8192, embed_dim=1024)
    pe_table = jax.random.normal(k2, (8192, 1024), dtype=jnp.float32)
    return {"x": x, "pe_table": pe_table}


def reference(x, pe_table):
    # learned=True branch: positions = arange(seq_len); out = x + pe(positions)
    seq_len = x.shape[1]
    positions = jnp.arange(seq_len)
    pe = jnp.take(pe_table, positions, axis=0)  # [seq_len, embed_dim]
    return x + pe[None, :, :]

if __name__ == "__main__":
    import jax
    _d = setup_inputs()
    print(jax.jit(kernel)(*tuple(_d.values())))

</pallas_src>

<mosaic_0001>
#map = affine_map<(d0, d1) -> (0, 0, 0)>
#map1 = affine_map<(d0, d1) -> (0, 0)>
module attributes {stable_mosaic.version = 14 : i64} {
  func.func @_sc_body(%arg0: i32, %arg1: i32, %arg2: memref<4x4096x1024xf32, #tpu.memory_space<hbm>>, %arg3: memref<8192x1024xf32, #tpu.memory_space<hbm>>, %arg4: memref<4x4096x1024xf32, #tpu.memory_space<hbm>>, %arg5: memref<4x8x1024xf32, #tpu.memory_space<vmem>>, %arg6: memref<4x8x1024xf32, #tpu.memory_space<vmem>>, %arg7: memref<4x8x1024xf32, #tpu.memory_space<vmem>>, %arg8: memref<8x1024xf32, #tpu.memory_space<vmem>>, %arg9: memref<8x1024xf32, #tpu.memory_space<vmem>>, %arg10: memref<8x1024xf32, #tpu.memory_space<vmem>>, %arg11: memref<!tpu.dma_semaphore, #tpu.memory_space<semaphore_mem>>, %arg12: memref<!tpu.dma_semaphore, #tpu.memory_space<semaphore_mem>>, %arg13: memref<!tpu.dma_semaphore, #tpu.memory_space<semaphore_mem>>, %arg14: memref<!tpu.dma_semaphore, #tpu.memory_space<semaphore_mem>>, %arg15: memref<!tpu.dma_semaphore, #tpu.memory_space<semaphore_mem>>, %arg16: memref<!tpu.dma_semaphore, #tpu.memory_space<semaphore_mem>>, %arg17: memref<!tpu.dma_semaphore, #tpu.memory_space<semaphore_mem>>, %arg18: memref<!tpu.dma_semaphore, #tpu.memory_space<semaphore_mem>>, %arg19: memref<!tpu.dma_semaphore, #tpu.memory_space<semaphore_mem>>) attributes {dimension_semantics = [#tpu.dimension_semantics<core_parallel>, #tpu.dimension_semantics<subcore_parallel>], iteration_bounds = array<i64: 2, 16>, scalar_prefetch = 0 : i64, scratch_operands = 15 : i64, tpu.core_type = #tpu.core_type<sc_vector_subcore>, window_params = [{transform_indices = #map}, {transform_indices = #map1}, {transform_indices = #map}]} {
    %mul3A = arith.constant 2 : i32
    %mul3A_0 = arith.muli %arg1, %mul3A : i32
    %add3A = arith.addi %mul3A_0, %arg0 : i32
    %mul3A_1 = arith.constant 128 : i32
    %mul3A_2 = arith.muli %add3A, %mul3A_1 : i32
    %add3A_3 = arith.constant 0 : i32
    %add3A_4 = arith.addi %mul3A_2, %add3A_3 : i32
    %dma_start3A = arith.constant 0 : i32
    %dma_start3A_5 = arith.constant 0 : i32
    %dma_start3A_6 = tpu.memref_slice %arg2[%dma_start3A, %add3A_4, %dma_start3A_5] : memref<4x4096x1024xf32, #tpu.memory_space<hbm>> -> memref<4x8x1024xf32, #tpu.memory_space<hbm>>
    %dma_start3A_7 = arith.constant 0 : i32
    %dma_start3A_8 = arith.constant 0 : i32
    %dma_start3A_9 = tpu.memref_slice %arg2[%dma_start3A_7, %add3A_4, %dma_start3A_8] : memref<4x4096x1024xf32, #tpu.memory_space<hbm>> -> memref<4x8x1024xf32, #tpu.memory_space<hbm>>
    tpu.enqueue_dma source(%dma_start3A_9 : memref<4x8x1024xf32, #tpu.memory_space<hbm>>) target(%arg5 : memref<4x8x1024xf32, #tpu.memory_space<vmem>>) target_semaphore(%arg11 : memref<!tpu.dma_semaphore, #tpu.memory_space<semaphore_mem>>)
    %add3A_10 = arith.constant 0 : i32
    %add3A_11 = arith.addi %mul3A_2, %add3A_10 : i32
    %dma_start3A_12 = arith.constant 0 : i32
    %dma_start3A_13 = tpu.memref_slice %arg3[%add3A_11, %dma_start3A_12] : memref<8192x1024xf32, #tpu.memory_space<hbm>> -> memref<8x1024xf32, #tpu.memory_space<hbm>>
    %dma_start3A_14 = arith.constant 0 : i32
    %dma_start3A_15 = tpu.memref_slice %arg3[%add3A_11, %dma_start3A_14] : memref<8192x1024xf32, #tpu.memory_space<hbm>> -> memref<8x1024xf32, #tpu.memory_space<hbm>>
    tpu.enqueue_dma source(%dma_start3A_15 : memref<8x1024xf32, #tpu.memory_space<hbm>>) target(%arg8 : memref<8x1024xf32, #tpu.memory_space<vmem>>) target_semaphore(%arg17 : memref<!tpu.dma_semaphore, #tpu.memory_space<semaphore_mem>>)
    %add3A_16 = arith.constant 8 : i32
    %add3A_17 = arith.addi %mul3A_2, %add3A_16 : i32
    %dma_start3A_18 = arith.constant 0 : i32
    %dma_start3A_19 = arith.constant 0 : i32
    %dma_start3A_20 = tpu.memref_slice %arg2[%dma_start3A_18, %add3A_17, %dma_start3A_19] : memref<4x4096x1024xf32, #tpu.memory_space<hbm>> -> memref<4x8x1024xf32, #tpu.memory_space<hbm>>
    %dma_start3A_21 = arith.constant 0 : i32
    %dma_start3A_22 = arith.constant 0 : i32
    %dma_start3A_23 = tpu.memref_slice %arg2[%dma_start3A_21, %add3A_17, %dma_start3A_22] : memref<4x4096x1024xf32, #tpu.memory_space<hbm>> -> memref<4x8x1024xf32, #tpu.memory_space<hbm>>
    tpu.enqueue_dma source(%dma_start3A_23 : memref<4x8x1024xf32, #tpu.memory_space<hbm>>) target(%arg6 : memref<4x8x1024xf32, #tpu.memory_space<vmem>>) target_semaphore(%arg12 : memref<!tpu.dma_semaphore, #tpu.memory_space<semaphore_mem>>)
    %add3A_24 = arith.constant 8 : i32
    %add3A_25 = arith.addi %mul3A_2, %add3A_24 : i32
    %dma_start3A_26 = arith.constant 0 : i32
    %dma_start3A_27 = tpu.memref_slice %arg3[%add3A_25, %dma_start3A_26] : memref<8192x1024xf32, #tpu.memory_space<hbm>> -> memref<8x1024xf32, #tpu.memory_space<hbm>>
    %dma_start3A_28 = arith.constant 0 : i32
    %dma_start3A_29 = tpu.memref_slice %arg3[%add3A_25, %dma_start3A_28] : memref<8192x1024xf32, #tpu.memory_space<hbm>> -> memref<8x1024xf32, #tpu.memory_space<hbm>>
    tpu.enqueue_dma source(%dma_start3A_29 : memref<8x1024xf32, #tpu.memory_space<hbm>>) target(%arg9 : memref<8x1024xf32, #tpu.memory_space<vmem>>) target_semaphore(%arg18 : memref<!tpu.dma_semaphore, #tpu.memory_space<semaphore_mem>>)
    %add3A_30 = arith.constant 16 : i32
    %add3A_31 = arith.addi %mul3A_2, %add3A_30 : i32
    %dma_start3A_32 = arith.constant 0 : i32
    %dma_start3A_33 = arith.constant 0 : i32
    %dma_start3A_34 = tpu.memref_slice %arg2[%dma_start3A_32, %add3A_31, %dma_start3A_33] : memref<4x4096x1024xf32, #tpu.memory_space<hbm>> -> memref<4x8x1024xf32, #tpu.memory_space<hbm>>
    %dma_start3A_35 = arith.constant 0 : i32
    %dma_start3A_36 = arith.constant 0 : i32
    %dma_start3A_37 = tpu.memref_slice %arg2[%dma_start3A_35, %add3A_31, %dma_start3A_36] : memref<4x4096x1024xf32, #tpu.memory_space<hbm>> -> memref<4x8x1024xf32, #tpu.memory_space<hbm>>
    tpu.enqueue_dma source(%dma_start3A_37 : memref<4x8x1024xf32, #tpu.memory_space<hbm>>) target(%arg7 : memref<4x8x1024xf32, #tpu.memory_space<vmem>>) target_semaphore(%arg13 : memref<!tpu.dma_semaphore, #tpu.memory_space<semaphore_mem>>)
    %add3A_38 = arith.constant 16 : i32
    %add3A_39 = arith.addi %mul3A_2, %add3A_38 : i32
    %dma_start3A_40 = arith.constant 0 : i32
    %dma_start3A_41 = tpu.memref_slice %arg3[%add3A_39, %dma_start3A_40] : memref<8192x1024xf32, #tpu.memory_space<hbm>> -> memref<8x1024xf32, #tpu.memory_space<hbm>>
    %dma_start3A_42 = arith.constant 0 : i32
    %dma_start3A_43 = tpu.memref_slice %arg3[%add3A_39, %dma_start3A_42] : memref<8192x1024xf32, #tpu.memory_space<hbm>> -> memref<8x1024xf32, #tpu.memory_space<hbm>>
    tpu.enqueue_dma source(%dma_start3A_43 : memref<8x1024xf32, #tpu.memory_space<hbm>>) target(%arg10 : memref<8x1024xf32, #tpu.memory_space<vmem>>) target_semaphore(%arg19 : memref<!tpu.dma_semaphore, #tpu.memory_space<semaphore_mem>>)
    %dma_wait3A = arith.constant 0 : i32
    %dma_wait3A_44 = tpu.memref_slice %arg3[%add3A_11, %dma_wait3A] : memref<8192x1024xf32, #tpu.memory_space<hbm>> -> memref<8x1024xf32, #tpu.memory_space<hbm>>
    %dma_wait3A_45 = arith.constant 0 : i32
    %dma_wait3A_46 = tpu.memref_slice %arg3[%add3A_11, %dma_wait3A_45] : memref<8192x1024xf32, #tpu.memory_space<hbm>> -> memref<8x1024xf32, #tpu.memory_space<hbm>>
    tpu.wait_dma2 semaphore(%arg17 : memref<!tpu.dma_semaphore, #tpu.memory_space<semaphore_mem>>) src(%dma_wait3A_46 : memref<8x1024xf32, #tpu.memory_space<hbm>>) dst(%arg8 : memref<8x1024xf32, #tpu.memory_space<vmem>>)
    %dma_wait3A_47 = arith.constant 0 : i32
    %dma_wait3A_48 = arith.constant 0 : i32
    %dma_wait3A_49 = tpu.memref_slice %arg2[%dma_wait3A_47, %add3A_4, %dma_wait3A_48] : memref<4x4096x1024xf32, #tpu.memory_space<hbm>> -> memref<4x8x1024xf32, #tpu.memory_space<hbm>>
    %dma_wait3A_50 = arith.constant 0 : i32
    %dma_wait3A_51 = arith.constant 0 : i32
    %dma_wait3A_52 = tpu.memref_slice %arg2[%dma_wait3A_50, %add3A_4, %dma_wait3A_51] : memref<4x4096x1024xf32, #tpu.memory_space<hbm>> -> memref<4x8x1024xf32, #tpu.memory_space<hbm>>
    tpu.wait_dma2 semaphore(%arg11 : memref<!tpu.dma_semaphore, #tpu.memory_space<semaphore_mem>>) src(%dma_wait3A_52 : memref<4x8x1024xf32, #tpu.memory_space<hbm>>) dst(%arg5 : memref<4x8x1024xf32, #tpu.memory_space<vmem>>)
    %parallel_loop3A = arith.constant 0 : i32
    %parallel_loop3A_53 = arith.constant 8192 : i32
    %parallel_loop3A_54 = arith.constant 16 : i32
    scf.for %parallel_loop3A_656 = %parallel_loop3A to %parallel_loop3A_53 step %parallel_loop3A_54  : i32 {
      %parallel_loop3A_657 = arith.constant 10 : i32
      %parallel_loop3A_658 = arith.shrui %parallel_loop3A_656, %parallel_loop3A_657 : i32
      %parallel_loop3A_659 = arith.constant 1023 : i32
      %parallel_loop3A_660 = arith.andi %parallel_loop3A_656, %parallel_loop3A_659 : i32
      %parallel_loop3A_661 = tpu.assume_multiple %parallel_loop3A_660, 16 : i32
      %parallel_loop3A_662 = arith.index_cast %parallel_loop3A_658 : i32 to index
      %parallel_loop3A_663 = arith.index_cast %parallel_loop3A_661 : i32 to index
      %parallel_loop3A_664 = tpu.vector_load %arg8[%parallel_loop3A_662, %parallel_loop3A_663] {strides = array<i32>} : memref<8x1024xf32, #tpu.memory_space<vmem>>, vector<1x16xf32>,
      %parallel_loop3A_665 = vector.shape_cast %parallel_loop3A_664 : vector<1x16xf32> to vector<16xf32>
      %parallel_loop3A_666 = arith.constant 0 : i32
      %parallel_loop3A_667 = arith.index_cast %parallel_loop3A_666 : i32 to index
      %parallel_loop3A_668 = arith.index_cast %parallel_loop3A_658 : i32 to index
      %parallel_loop3A_669 = arith.index_cast %parallel_loop3A_661 : i32 to index
      %parallel_loop3A_670 = tpu.vector_load %arg5[%parallel_loop3A_667, %parallel_loop3A_668, %parallel_loop3A_669] {strides = array<i32>} : memref<4x8x1024xf32, #tpu.memory_space<vmem>>, vector<1x1x16xf32>,
      %parallel_loop3A_671 = vector.shape_cast %parallel_loop3A_670 : vector<1x1x16xf32> to vector<16xf32>
      %parallel_loop3A_672 = arith.addf %parallel_loop3A_671, %parallel_loop3A_665 : vector<16xf32>
      %parallel_loop3A_673 = arith.constant 0 : i32
      %parallel_loop3A_674 = arith.index_cast %parallel_loop3A_673 : i32 to index
      %parallel_loop3A_675 = arith.index_cast %parallel_loop3A_658 : i32 to index
      %parallel_loop3A_676 = arith.index_cast %parallel_loop3A_661 : i32 to index
      %parallel_loop3A_677 = tpu.vector_load %arg5[%parallel_loop3A_674, %parallel_loop3A_675, %parallel_loop3A_676] {strides = array<i32>} : memref<4x8x1024xf32, #tpu.memory_space<vmem>>, vector<1x1x16xf32>,
      %parallel_loop3A_678 = vector.shape_cast %parallel_loop3A_677 : vector<1x1x16xf32> to vector<16xf32>
      %parallel_loop3A_679 = vector.shape_cast %parallel_loop3A_672 : vector<16xf32> to vector<1x1x16xf32>
      tpu.vector_store %arg5[%parallel_loop3A_674, %parallel_loop3A_675, %parallel_loop3A_676], %parallel_loop3A_679 {strides = array<i32>} : memref<4x8x1024xf32, #tpu.memory_space<vmem>>, vector<1x1x16xf32>,
      %parallel_loop3A_680 = arith.constant 1 : i32
      %parallel_loop3A_681 = arith.index_cast %parallel_loop3A_680 : i32 to index
      %parallel_loop3A_682 = arith.index_cast %parallel_loop3A_658 : i32 to index
      %parallel_loop3A_683 = arith.index_cast %parallel_loop3A_661 : i32 to index
      %parallel_loop3A_684 = tpu.vector_load %arg5[%parallel_loop3A_681, %parallel_loop3A_682, %parallel_loop3A_683] {strides = array<i32>} : memref<4x8x1024xf32, #tpu.memory_space<vmem>>, vector<1x1x16xf32>,
      %parallel_loop3A_685 = vector.shape_cast %parallel_loop3A_684 : vector<1x1x16xf32> to vector<16xf32>
      %parallel_loop3A_686 = arith.addf %parallel_loop3A_685, %parallel_loop3A_665 : vector<16xf32>
      %parallel_loop3A_687 = arith.constant 1 : i32
      %parallel_loop3A_688 = arith.index_cast %parallel_loop3A_687 : i32 to index
      %parallel_loop3A_689 = arith.index_cast %parallel_loop3A_658 : i32 to index
      %parallel_loop3A_690 = arith.index_cast %parallel_loop3A_661 : i32 to index
      %parallel_loop3A_691 = tpu.vector_load %arg5[%parallel_loop3A_688, %parallel_loop3A_689, %parallel_loop3A_690] {strides = array<i32>} : memref<4x8x1024xf32, #tpu.memory_space<vmem>>, vector<1x1x16xf32>,
      %parallel_loop3A_692 = vector.shape_cast %parallel_loop3A_691 : vector<1x1x16xf32> to vector<16xf32>
      %parallel_loop3A_693 = vector.shape_cast %parallel_loop3A_686 : vector<16xf32> to vector<1x1x16xf32>
      tpu.vector_store %arg5[%parallel_loop3A_688, %parallel_loop3A_689, %parallel_loop3A_690], %parallel_loop3A_693 {strides = array<i32>} : memref<4x8x1024xf32, #tpu.memory_space<vmem>>, vector<1x1x16xf32>,
      %parallel_loop3A_694 = arith.constant 2 : i32
      %parallel_loop3A_695 = arith.index_cast %parallel_loop3A_694 : i32 to index
      %parallel_loop3A_696 = arith.index_cast %parallel_loop3A_658 : i32 to index
      %parallel_loop3A_697 = arith.index_cast %parallel_loop3A_661 : i32 to index
      %parallel_loop3A_698 = tpu.vector_load %arg5[%parallel_loop3A_695, %parallel_loop3A_696, %parallel_loop3A_697] {strides = array<i32>} : memref<4x8x1024xf32, #tpu.memory_space<vmem>>, vector<1x1x16xf32>,
      %parallel_loop3A_699 = vector.shape_cast %parallel_loop3A_698 : vector<1x1x16xf32> to vector<16xf32>
      %parallel_loop3A_700 = arith.addf %parallel_loop3A_699, %parallel_loop3A_665 : vector<16xf32>
      %parallel_loop3A_701 = arith.constant 2 : i32
      %parallel_loop3A_702 = arith.index_cast %parallel_loop3A_701 : i32 to index
      %parallel_loop3A_703 = arith.index_cast %parallel_loop3A_658 : i32 to index
      %parallel_loop3A_704 = arith.index_cast %parallel_loop3A_661 : i32 to index
      %parallel_loop3A_705 = tpu.vector_load %arg5[%parallel_loop3A_702, %parallel_loop3A_703, %parallel_loop3A_704] {strides = array<i32>} : memref<4x8x1024xf32, #tpu.memory_space<vmem>>, vector<1x1x16xf32>,
      %parallel_loop3A_706 = vector.shape_cast %parallel_loop3A_705 : vector<1x1x16xf32> to vector<16xf32>
      %parallel_loop3A_707 = vector.shape_cast %parallel_loop3A_700 : vector<16xf32> to vector<1x1x16xf32>
      tpu.vector_store %arg5[%parallel_loop3A_702, %parallel_loop3A_703, %parallel_loop3A_704], %parallel_loop3A_707 {strides = array<i32>} : memref<4x8x1024xf32, #tpu.memory_space<vmem>>, vector<1x1x16xf32>,
      %parallel_loop3A_708 = arith.constant 3 : i32
      %parallel_loop3A_709 = arith.index_cast %parallel_loop3A_708 : i32 to index
      %parallel_loop3A_710 = arith.index_cast %parallel_loop3A_658 : i32 to index
      %parallel_loop3A_711 = arith.index_cast %parallel_loop3A_661 : i32 to index
      %parallel_loop3A_712 = tpu.vector_load %arg5[%parallel_loop3A_709, %parallel_loop3A_710, %parallel_loop3A_711] {strides = array<i32>} : memref<4x8x1024xf32, #tpu.memory_space<vmem>>, vector<1x1x16xf32>,
      %parallel_loop3A_713 = vector.shape_cast %parallel_loop3A_712 : vector<1x1x16xf32> to vector<16xf32>
      %parallel_loop3A_714 = arith.addf %parallel_loop3A_713, %parallel_loop3A_665 : vector<16xf32>
      %parallel_loop3A_715 = arith.constant 3 : i32
      %parallel_loop3A_716 = arith.index_cast %parallel_loop3A_715 : i32 to index
      %parallel_loop3A_717 = arith.index_cast %parallel_loop3A_658 : i32 to index
      %parallel_loop3A_718 = arith.index_cast %parallel_loop3A_661 : i32 to index
      %parallel_loop3A_719 = tpu.vector_load %arg5[%parallel_loop3A_716, %parallel_loop3A_717, %parallel_loop3A_718] {strides = array<i32>} : memref<4x8x1024xf32, #tpu.memory_space<vmem>>, vector<1x1x16xf32>,
      %parallel_loop3A_720 = vector.shape_cast %parallel_loop3A_719 : vector<1x1x16xf32> to vector<16xf32>
      %parallel_loop3A_721 = vector.shape_cast %parallel_loop3A_714 : vector<16xf32> to vector<1x1x16xf32>
      tpu.vector_store %arg5[%parallel_loop3A_716, %parallel_loop3A_717, %parallel_loop3A_718], %parallel_loop3A_721 {strides = array<i32>} : memref<4x8x1024xf32, #tpu.memory_space<vmem>>, vector<1x1x16xf32>,
    } {sc.loop_unroll_factor = 4 : i64, sc.parallel_access}
    %add3A_55 = arith.constant 0 : i32
    %add3A_56 = arith.addi %mul3A_2, %add3A_55 : i32
    %dma_start3A_57 = arith.constant 0 : i32
    %dma_start3A_58 = arith.constant 0 : i32
    %dma_start3A_59 = tpu.memref_slice %arg4[%dma_start3A_57, %add3A_56, %dma_start3A_58] : memref<4x4096x1024xf32, #tpu.memory_space<hbm>> -> memref<4x8x1024xf32, #tpu.memory_space<hbm>>
    %dma_start3A_60 = arith.constant 0 : i32
    %dma_start3A_61 = arith.constant 0 : i32
    %dma_start3A_62 = tpu.memref_slice %arg4[%dma_start3A_60, %add3A_56, %dma_start3A_61] : memref<4x4096x1024xf32, #tpu.memory_space<hbm>> -> memref<4x8x1024xf32, #tpu.memory_space<hbm>>
    tpu.enqueue_dma source(%arg5 : memref<4x8x1024xf32, #tpu.memory_space<vmem>>) target(%dma_start3A_62 : memref<4x8x1024xf32, #tpu.memory_space<hbm>>) target_semaphore(%arg14 : memref<!tpu.dma_semaphore, #tpu.memory_space<semaphore_mem>>)
    %dma_wait3A_63 = arith.constant 0 : i32
    %dma_wait3A_64 = arith.constant 0 : i32
    %dma_wait3A_65 = tpu.memref_slice %arg4[%dma_wait3A_63, %add3A_56, %dma_wait3A_64] : memref<4x4096x1024xf32, #tpu.memory_space<hbm>> -> memref<4x8x1024xf32, #tpu.memory_space<hbm>>
    %dma_wait3A_66 = arith.constant 0 : i32
    %dma_wait3A_67 = arith.constant 0 : i32
    %dma_wait3A_68 = tpu.memref_slice %arg4[%dma_wait3A_66, %add3A_56, %dma_wait3A_67] : memref<4x4096x1024xf32, #tpu.memory_space<hbm>> -> memref<4x8x1024xf32, #tpu.memory_space<hbm>>
    tpu.wait_dma2 semaphore(%arg14 : memref<!tpu.dma_semaphore, #tpu.memory_space<semaphore_mem>>) src(%arg5 : memref<4x8x1024xf32, #tpu.memory_space<vmem>>) dst(%dma_wait3A_68 : memref<4x8x1024xf32, #tpu.memory_space<hbm>>)
    %add3A_69 = arith.constant 24 : i32
    %add3A_70 = arith.addi %mul3A_2, %add3A_69 : i32
    %dma_start3A_71 = arith.constant 0 : i32
    %dma_start3A_72 = arith.constant 0 : i32
    %dma_start3A_73 = tpu.memref_slice %arg2[%dma_start3A_71, %add3A_70, %dma_start3A_72] : memref<4x4096x1024xf32, #tpu.memory_space<hbm>> -> memref<4x8x1024xf32, #tpu.memory_space<hbm>>
    %dma_start3A_74 = arith.constant 0 : i32
    %dma_start3A_75 = arith.constant 0 : i32
    %dma_start3A_76 = tpu.memref_slice %arg2[%dma_start3A_74, %add3A_70, %dma_start3A_75] : memref<4x4096x1024xf32, #tpu.memory_space<hbm>> -> memref<4x8x1024xf32, #tpu.memory_space<hbm>>
    tpu.enqueue_dma source(%dma_start3A_76 : memref<4x8x1024xf32, #tpu.memory_space<hbm>>) target(%arg5 : memref<4x8x1024xf32, #tpu.memory_space<vmem>>) target_semaphore(%arg11 : memref<!tpu.dma_semaphore, #tpu.memory_space<semaphore_mem>>)
    %add3A_77 = arith.constant 24 : i32
    %add3A_78 = arith.addi %mul3A_2, %add3A_77 : i32
    %dma_start3A_79 = arith.constant 0 : i32
    %dma_start3A_80 = tpu.memref_slice %arg3[%add3A_78, %dma_start3A_79] : memref<8192x1024xf32, #tpu.memory_space<hbm>> -> memref<8x1024xf32, #tpu.memory_space<hbm>>
    %dma_start3A_81 = arith.constant 0 : i32
    %dma_start3A_82 = tpu.memref_slice %arg3[%add3A_78, %dma_start3A_81] : memref<8192x1024xf32, #tpu.memory_space<hbm>> -> memref<8x1024xf32, #tpu.memory_space<hbm>>
    tpu.enqueue_dma source(%dma_start3A_82 : memref<8x1024xf32, #tpu.memory_space<hbm>>) target(%arg8 : memref<8x1024xf32, #tpu.memory_space<vmem>>) target_semaphore(%arg17 : memref<!tpu.dma_semaphore, #tpu.memory_space<semaphore_mem>>)
    %dma_wait3A_83 = arith.constant 0 : i32
    %dma_wait3A_84 = tpu.memref_slice %arg3[%add3A_25, %dma_wait3A_83] : memref<8192x1024xf32, #tpu.memory_space<hbm>> -> memref<8x1024xf32, #tpu.memory_space<hbm>>
    %dma_wait3A_85 = arith.constant 0 : i32
    %dma_wait3A_86 = tpu.memref_slice %arg3[%add3A_25, %dma_wait3A_85] : memref<8192x1024xf32, #tpu.memory_space<hbm>> -> memref<8x1024xf32, #tpu.memory_space<hbm>>
    tpu.wait_dma2 semaphore(%arg18 : memref<!tpu.dma_semaphore, #tpu.memory_space<semaphore_mem>>) src(%dma_wait3A_86 : memref<8x1024xf32, #tpu.memory_space<hbm>>) dst(%arg9 : memref<8x1024xf32, #tpu.memory_space<vmem>>)
    %dma_wait3A_87 = arith.constant 0 : i32
    %dma_wait3A_88 = arith.constant 0 : i32
    %dma_wait3A_89 = tpu.memref_slice %arg2[%dma_wait3A_87, %add3A_17, %dma_wait3A_88] : memref<4x4096x1024xf32, #tpu.memory_space<hbm>> -> memref<4x8x1024xf32, #tpu.memory_space<hbm>>
    %dma_wait3A_90 = arith.constant 0 : i32
    %dma_wait3A_91 = arith.constant 0 : i32
    %dma_wait3A_92 = tpu.memref_slice %arg2[%dma_wait3A_90, %add3A_17, %dma_wait3A_91] : memref<4x4096x1024xf32, #tpu.memory_space<hbm>> -> memref<4x8x1024xf32, #tpu.memory_space<hbm>>
    tpu.wait_dma2 semaphore(%arg12 : memref<!tpu.dma_semaphore, #tpu.memory_space<semaphore_mem>>) src(%dma_wait3A_92 : memref<4x8x1024xf32, #tpu.memory_space<hbm>>) dst(%arg6 : memref<4x8x1024xf32, #tpu.memory_space<vmem>>)
    %parallel_loop3A_93 = arith.constant 0 : i32
    %parallel_loop3A_94 = arith.constant 8192 : i32
    %parallel_loop3A_95 = arith.constant 16 : i32
    scf.for %parallel_loop3A_656 = %parallel_loop3A_93 to %parallel_loop3A_94 step %parallel_loop3A_95  : i32 {
      %parallel_loop3A_657 = arith.constant 10 : i32
      %parallel_loop3A_658 = arith.shrui %parallel_loop3A_656, %parallel_loop3A_657 : i32
      %parallel_loop3A_659 = arith.constant 1023 : i32
      %parallel_loop3A_660 = arith.andi %parallel_loop3A_656, %parallel_loop3A_659 : i32
      %parallel_loop3A_661 = tpu.assume_multiple %parallel_loop3A_660, 16 : i32
      %parallel_loop3A_662 = arith.index_cast %parallel_loop3A_658 : i32 to index
      %parallel_loop3A_663 = arith.index_cast %parallel_loop3A_661 : i32 to index
      %parallel_loop3A_664 = tpu.vector_load %arg9[%parallel_loop3A_662, %parallel_loop3A_663] {strides = array<i32>} : memref<8x1024xf32, #tpu.memory_space<vmem>>, vector<1x16xf32>,
      %parallel_loop3A_665 = vector.shape_cast %parallel_loop3A_664 : vector<1x16xf32> to vector<16xf32>
      %parallel_loop3A_666 = arith.constant 0 : i32
      %parallel_loop3A_667 = arith.index_cast %parallel_loop3A_666 : i32 to index
      %parallel_loop3A_668 = arith.index_cast %parallel_loop3A_658 : i32 to index
      %parallel_loop3A_669 = arith.index_cast %parallel_loop3A_661 : i32 to index
      %parallel_loop3A_670 = tpu.vector_load %arg6[%parallel_loop3A_667, %parallel_loop3A_668, %parallel_loop3A_669] {strides = array<i32>} : memref<4x8x1024xf32, #tpu.memory_space<vmem>>, vector<1x1x16xf32>,
      %parallel_loop3A_671 = vector.shape_cast %parallel_loop3A_670 : vector<1x1x16xf32> to vector<16xf32>
      %parallel_loop3A_672 = arith.addf %parallel_loop3A_671, %parallel_loop3A_665 : vector<16xf32>
      %parallel_loop3A_673 = arith.constant 0 : i32
      %parallel_loop3A_674 = arith.index_cast %parallel_loop3A_673 : i32 to index
      %parallel_loop3A_675 = arith.index_cast %parallel_loop3A_658 : i32 to index
      %parallel_loop3A_676 = arith.index_cast %parallel_loop3A_661 : i32 to index
      %parallel_loop3A_677 = tpu.vector_load %arg6[%parallel_loop3A_674, %parallel_loop3A_675, %parallel_loop3A_676] {strides = array<i32>} : memref<4x8x1024xf32, #tpu.memory_space<vmem>>, vector<1x1x16xf32>,
      %parallel_loop3A_678 = vector.shape_cast %parallel_loop3A_677 : vector<1x1x16xf32> to vector<16xf32>
      %parallel_loop3A_679 = vector.shape_cast %parallel_loop3A_672 : vector<16xf32> to vector<1x1x16xf32>
      tpu.vector_store %arg6[%parallel_loop3A_674, %parallel_loop3A_675, %parallel_loop3A_676], %parallel_loop3A_679 {strides = array<i32>} : memref<4x8x1024xf32, #tpu.memory_space<vmem>>, vector<1x1x16xf32>,
      %parallel_loop3A_680 = arith.constant 1 : i32
      %parallel_loop3A_681 = arith.index_cast %parallel_loop3A_680 : i32 to index
      %parallel_loop3A_682 = arith.index_cast %parallel_loop3A_658 : i32 to index
      %parallel_loop3A_683 = arith.index_cast %parallel_loop3A_661 : i32 to index
      %parallel_loop3A_684 = tpu.vector_load %arg6[%parallel_loop3A_681, %parallel_loop3A_682, %parallel_loop3A_683] {strides = array<i32>} : memref<4x8x1024xf32, #tpu.memory_space<vmem>>, vector<1x1x16xf32>,
      %parallel_loop3A_685 = vector.shape_cast %parallel_loop3A_684 : vector<1x1x16xf32> to vector<16xf32>
      %parallel_loop3A_686 = arith.addf %parallel_loop3A_685, %parallel_loop3A_665 : vector<16xf32>
      %parallel_loop3A_687 = arith.constant 1 : i32
      %parallel_loop3A_688 = arith.index_cast %parallel_loop3A_687 : i32 to index
      %parallel_loop3A_689 = arith.index_cast %parallel_loop3A_658 : i32 to index
      %parallel_loop3A_690 = arith.index_cast %parallel_loop3A_661 : i32 to index
      %parallel_loop3A_691 = tpu.vector_load %arg6[%parallel_loop3A_688, %parallel_loop3A_689, %parallel_loop3A_690] {strides = array<i32>} : memref<4x8x1024xf32, #tpu.memory_space<vmem>>, vector<1x1x16xf32>,
      %parallel_loop3A_692 = vector.shape_cast %parallel_loop3A_691 : vector<1x1x16xf32> to vector<16xf32>
      %parallel_loop3A_693 = vector.shape_cast %parallel_loop3A_686 : vector<16xf32> to vector<1x1x16xf32>
      tpu.vector_store %arg6[%parallel_loop3A_688, %parallel_loop3A_689, %parallel_loop3A_690], %parallel_loop3A_693 {strides = array<i32>} : memref<4x8x1024xf32, #tpu.memory_space<vmem>>, vector<1x1x16xf32>,
      %parallel_loop3A_694 = arith.constant 2 : i32
      %parallel_loop3A_695 = arith.index_cast %parallel_loop3A_694 : i32 to index
      %parallel_loop3A_696 = arith.index_cast %parallel_loop3A_658 : i32 to index
      %parallel_loop3A_697 = arith.index_cast %parallel_loop3A_661 : i32 to index
      %parallel_loop3A_698 = tpu.vector_load %arg6[%parallel_loop3A_695, %parallel_loop3A_696, %parallel_loop3A_697] {strides = array<i32>} : memref<4x8x1024xf32, #tpu.memory_space<vmem>>, vector<1x1x16xf32>,
      %parallel_loop3A_699 = vector.shape_cast %parallel_loop3A_698 : vector<1x1x16xf32> to vector<16xf32>
      %parallel_loop3A_700 = arith.addf %parallel_loop3A_699, %parallel_loop3A_665 : vector<16xf32>
      %parallel_loop3A_701 = arith.constant 2 : i32
      %parallel_loop3A_702 = arith.index_cast %parallel_loop3A_701 : i32 to index
      %parallel_loop3A_703 = arith.index_cast %parallel_loop3A_658 : i32 to index
      %parallel_loop3A_704 = arith.index_cast %parallel_loop3A_661 : i32 to index
      %parallel_loop3A_705 = tpu.vector_load %arg6[%parallel_loop3A_702, %parallel_loop3A_703, %parallel_loop3A_704] {strides = array<i32>} : memref<4x8x1024xf32, #tpu.memory_space<vmem>>, vector<1x1x16xf32>,
      %parallel_loop3A_706 = vector.shape_cast %parallel_loop3A_705 : vector<1x1x16xf32> to vector<16xf32>
      %parallel_loop3A_707 = vector.shape_cast %parallel_loop3A_700 : vector<16xf32> to vector<1x1x16xf32>
      tpu.vector_store %arg6[%parallel_loop3A_702, %parallel_loop3A_703, %parallel_loop3A_704], %parallel_loop3A_707 {strides = array<i32>} : memref<4x8x1024xf32, #tpu.memory_space<vmem>>, vector<1x1x16xf32>,
      %parallel_loop3A_708 = arith.constant 3 : i32
      %parallel_loop3A_709 = arith.index_cast %parallel_loop3A_708 : i32 to index
      %parallel_loop3A_710 = arith.index_cast %parallel_loop3A_658 : i32 to index
      %parallel_loop3A_711 = arith.index_cast %parallel_loop3A_661 : i32 to index
      %parallel_loop3A_712 = tpu.vector_load %arg6[%parallel_loop3A_709, %parallel_loop3A_710, %parallel_loop3A_711] {strides = array<i32>} : memref<4x8x1024xf32, #tpu.memory_space<vmem>>, vector<1x1x16xf32>,
      %parallel_loop3A_713 = vector.shape_cast %parallel_loop3A_712 : vector<1x1x16xf32> to vector<16xf32>
      %parallel_loop3A_714 = arith.addf %parallel_loop3A_713, %parallel_loop3A_665 : vector<16xf32>
      %parallel_loop3A_715 = arith.constant 3 : i32
      %parallel_loop3A_716 = arith.index_cast %parallel_loop3A_715 : i32 to index
      %parallel_loop3A_717 = arith.index_cast %parallel_loop3A_658 : i32 to index
      %parallel_loop3A_718 = arith.index_cast %parallel_loop3A_661 : i32 to index
      %parallel_loop3A_719 = tpu.vector_load %arg6[%parallel_loop3A_716, %parallel_loop3A_717, %parallel_loop3A_718] {strides = array<i32>} : memref<4x8x1024xf32, #tpu.memory_space<vmem>>, vector<1x1x16xf32>,
      %parallel_loop3A_720 = vector.shape_cast %parallel_loop3A_719 : vector<1x1x16xf32> to vector<16xf32>
      %parallel_loop3A_721 = vector.shape_cast %parallel_loop3A_714 : vector<16xf32> to vector<1x1x16xf32>
      tpu.vector_store %arg6[%parallel_loop3A_716, %parallel_loop3A_717, %parallel_loop3A_718], %parallel_loop3A_721 {strides = array<i32>} : memref<4x8x1024xf32, #tpu.memory_space<vmem>>, vector<1x1x16xf32>,
    } {sc.loop_unroll_factor = 4 : i64, sc.parallel_access}
    %add3A_96 = arith.constant 8 : i32
    %add3A_97 = arith.addi %mul3A_2, %add3A_96 : i32
    %dma_start3A_98 = arith.constant 0 : i32
    %dma_start3A_99 = arith.constant 0 : i32
    %dma_start3A_100 = tpu.memref_slice %arg4[%dma_start3A_98, %add3A_97, %dma_start3A_99] : memref<4x4096x1024xf32, #tpu.memory_space<hbm>> -> memref<4x8x1024xf32, #tpu.memory_space<hbm>>
    %dma_start3A_101 = arith.constant 0 : i32
    %dma_start3A_102 = arith.constant 0 : i32
    %dma_start3A_103 = tpu.memref_slice %arg4[%dma_start3A_101, %add3A_97, %dma_start3A_102] : memref<4x4096x1024xf32, #tpu.memory_space<hbm>> -> memref<4x8x1024xf32, #tpu.memory_space<hbm>>
    tpu.enqueue_dma source(%arg6 : memref<4x8x1024xf32, #tpu.memory_space<vmem>>) target(%dma_start3A_103 : memref<4x8x1024xf32, #tpu.memory_space<hbm>>) target_semaphore(%arg15 : memref<!tpu.dma_semaphore, #tpu.memory_space<semaphore_mem>>)
    %dma_wait3A_104 = arith.constant 0 : i32
    %dma_wait3A_105 = arith.constant 0 : i32
    %dma_wait3A_106 = tpu.memref_slice %arg4[%dma_wait3A_104, %add3A_97, %dma_wait3A_105] : memref<4x4096x1024xf32, #tpu.memory_space<hbm>> -> memref<4x8x1024xf32, #tpu.memory_space<hbm>>
    %dma_wait3A_107 = arith.constant 0 : i32
    %dma_wait3A_108 = arith.constant 0 : i32
    %dma_wait3A_109 = tpu.memref_slice %arg4[%dma_wait3A_107, %add3A_97, %dma_wait3A_108] : memref<4x4096x1024xf32, #tpu.memory_space<hbm>> -> memref<4x8x1024xf32, #tpu.memory_space<hbm>>
    tpu.wait_dma2 semaphore(%arg15 : memref<!tpu.dma_semaphore, #tpu.memory_space<semaphore_mem>>) src(%arg6 : memref<4x8x1024xf32, #tpu.memory_space<vmem>>) dst(%dma_wait3A_109 : memref<4x8x1024xf32, #tpu.memory_space<hbm>>)
    %add3A_110 = arith.constant 32 : i32
    %add3A_111 = arith.addi %mul3A_2, %add3A_110 : i32
    %dma_start3A_112 = arith.constant 0 : i32
    %dma_start3A_113 = arith.constant 0 : i32
    %dma_start3A_114 = tpu.memref_slice %arg2[%dma_start3A_112, %add3A_111, %dma_start3A_113] : memref<4x4096x1024xf32, #tpu.memory_space<hbm>> -> memref<4x8x1024xf32, #tpu.memory_space<hbm>>
    %dma_start3A_115 = arith.constant 0 : i32
    %dma_start3A_116 = arith.constant 0 : i32
    %dma_start3A_117 = tpu.memref_slice %arg2[%dma_start3A_115, %add3A_111, %dma_start3A_116] : memref<4x4096x1024xf32, #tpu.memory_space<hbm>> -> memref<4x8x1024xf32, #tpu.memory_space<hbm>>
    tpu.enqueue_dma source(%dma_start3A_117 : memref<4x8x1024xf32, #tpu.memory_space<hbm>>) target(%arg6 : memref<4x8x1024xf32, #tpu.memory_space<vmem>>) target_semaphore(%arg12 : memref<!tpu.dma_semaphore, #tpu.memory_space<semaphore_mem>>)
    %add3A_118 = arith.constant 32 : i32
    %add3A_119 = arith.addi %mul3A_2, %add3A_118 : i32
    %dma_start3A_120 = arith.constant 0 : i32
    %dma_start3A_121 = tpu.memref_slice %arg3[%add3A_119, %dma_start3A_120] : memref<8192x1024xf32, #tpu.memory_space<hbm>> -> memref<8x1024xf32, #tpu.memory_space<hbm>>
    %dma_start3A_122 = arith.constant 0 : i32
    %dma_start3A_123 = tpu.memref_slice %arg3[%add3A_119, %dma_start3A_122] : memref<8192x1024xf32, #tpu.memory_space<hbm>> -> memref<8x1024xf32, #tpu.memory_space<hbm>>
    tpu.enqueue_dma source(%dma_start3A_123 : memref<8x1024xf32, #tpu.memory_space<hbm>>) target(%arg9 : memref<8x1024xf32, #tpu.memory_space<vmem>>) target_semaphore(%arg18 : memref<!tpu.dma_semaphore, #tpu.memory_space<semaphore_mem>>)
    %dma_wait3A_124 = arith.constant 0 : i32
    %dma_wait3A_125 = tpu.memref_slice %arg3[%add3A_39, %dma_wait3A_124] : memref<8192x1024xf32, #tpu.memory_space<hbm>> -> memref<8x1024xf32, #tpu.memory_space<hbm>>
    %dma_wait3A_126 = arith.constant 0 : i32
    %dma_wait3A_127 = tpu.memref_slice %arg3[%add3A_39, %dma_wait3A_126] : memref<8192x1024xf32, #tpu.memory_space<hbm>> -> memref<8x1024xf32, #tpu.memory_space<hbm>>
    tpu.wait_dma2 semaphore(%arg19 : memref<!tpu.dma_semaphore, #tpu.memory_space<semaphore_mem>>) src(%dma_wait3A_127 : memref<8x1024xf32, #tpu.memory_space<hbm>>) dst(%arg10 : memref<8x1024xf32, #tpu.memory_space<vmem>>)
    %dma_wait3A_128 = arith.constant 0 : i32
    %dma_wait3A_129 = arith.constant 0 : i32
    %dma_wait3A_130 = tpu.memref_slice %arg2[%dma_wait3A_128, %add3A_31, %dma_wait3A_129] : memref<4x4096x1024xf32, #tpu.memory_space<hbm>> -> memref<4x8x1024xf32, #tpu.memory_space<hbm>>
    %dma_wait3A_131 = arith.constant 0 : i32
    %dma_wait3A_132 = arith.constant 0 : i32
    %dma_wait3A_133 = tpu.memref_slice %arg2[%dma_wait3A_131, %add3A_31, %dma_wait3A_132] : memref<4x4096x1024xf32, #tpu.memory_space<hbm>> -> memref<4x8x1024xf32, #tpu.memory_space<hbm>>
    tpu.wait_dma2 semaphore(%arg13 : memref<!tpu.dma_semaphore, #tpu.memory_space<semaphore_mem>>) src(%dma_wait3A_133 : memref<4x8x1024xf32, #tpu.memory_space<hbm>>) dst(%arg7 : memref<4x8x1024xf32, #tpu.memory_space<vmem>>)
    %parallel_loop3A_134 = arith.constant 0 : i32
    %parallel_loop3A_135 = arith.constant 8192 : i32
    %parallel_loop3A_136 = arith.constant 16 : i32
    scf.for %parallel_loop3A_656 = %parallel_loop3A_134 to %parallel_loop3A_135 step %parallel_loop3A_136  : i32 {
      %parallel_loop3A_657 = arith.constant 10 : i32
      %parallel_loop3A_658 = arith.shrui %parallel_loop3A_656, %parallel_loop3A_657 : i32
      %parallel_loop3A_659 = arith.constant 1023 : i32
      %parallel_loop3A_660 = arith.andi %parallel_loop3A_656, %parallel_loop3A_659 : i32
      %parallel_loop3A_661 = tpu.assume_multiple %parallel_loop3A_660, 16 : i32
      %parallel_loop3A_662 = arith.index_cast %parallel_loop3A_658 : i32 to index
      %parallel_loop3A_663 = arith.index_cast %parallel_loop3A_661 : i32 to index
      %parallel_loop3A_664 = tpu.vector_load %arg10[%parallel_loop3A_662, %parallel_loop3A_663] {strides = array<i32>} : memref<8x1024xf32, #tpu.memory_space<vmem>>, vector<1x16xf32>,
      %parallel_loop3A_665 = vector.shape_cast %parallel_loop3A_664 : vector<1x16xf32> to vector<16xf32>
      %parallel_loop3A_666 = arith.constant 0 : i32
      %parallel_loop3A_667 = arith.index_cast %parallel_loop3A_666 : i32 to index
      %parallel_loop3A_668 = arith.index_cast %parallel_loop3A_658 : i32 to index
      %parallel_loop3A_669 = arith.index_cast %parallel_loop3A_661 : i32 to index
      %parallel_loop3A_670 = tpu.vector_load %arg7[%parallel_loop3A_667, %parallel_loop3A_668, %parallel_loop3A_669] {strides = array<i32>} : memref<4x8x1024xf32, #tpu.memory_space<vmem>>, vector<1x1x16xf32>,
      %parallel_loop3A_671 = vector.shape_cast %parallel_loop3A_670 : vector<1x1x16xf32> to vector<16xf32>
      %parallel_loop3A_672 = arith.addf %parallel_loop3A_671, %parallel_loop3A_665 : vector<16xf32>
      %parallel_loop3A_673 = arith.constant 0 : i32
      %parallel_loop3A_674 = arith.index_cast %parallel_loop3A_673 : i32 to index
      %parallel_loop3A_675 = arith.index_cast %parallel_loop3A_658 : i32 to index
      %parallel_loop3A_676 = arith.index_cast %parallel_loop3A_661 : i32 to index
      %parallel_loop3A_677 = tpu.vector_load %arg7[%parallel_loop3A_674, %parallel_loop3A_675, %parallel_loop3A_676] {strides = array<i32>} : memref<4x8x1024xf32, #tpu.memory_space<vmem>>, vector<1x1x16xf32>,
      %parallel_loop3A_678 = vector.shape_cast %parallel_loop3A_677 : vector<1x1x16xf32> to vector<16xf32>
      %parallel_loop3A_679 = vector.shape_cast %parallel_loop3A_672 : vector<16xf32> to vector<1x1x16xf32>
      tpu.vector_store %arg7[%parallel_loop3A_674, %parallel_loop3A_675, %parallel_loop3A_676], %parallel_loop3A_679 {strides = array<i32>} : memref<4x8x1024xf32, #tpu.memory_space<vmem>>, vector<1x1x16xf32>,
      %parallel_loop3A_680 = arith.constant 1 : i32
      %parallel_loop3A_681 = arith.index_cast %parallel_loop3A_680 : i32 to index
      %parallel_loop3A_682 = arith.index_cast %parallel_loop3A_658 : i32 to index
      %parallel_loop3A_683 = arith.index_cast %parallel_loop3A_661 : i32 to index
      %parallel_loop3A_684 = tpu.vector_load %arg7[%parallel_loop3A_681, %parallel_loop3A_682, %parallel_loop3A_683] {strides = array<i32>} : memref<4x8x1024xf32, #tpu.memory_space<vmem>>, vector<1x1x16xf32>,
      %parallel_loop3A_685 = vector.shape_cast %parallel_loop3A_684 : vector<1x1x16xf32> to vector<16xf32>
      %parallel_loop3A_686 = arith.addf %parallel_loop3A_685, %parallel_loop3A_665 : vector<16xf32>
      %parallel_loop3A_687 = arith.constant 1 : i32
      %parallel_loop3A_688 = arith.index_cast %parallel_loop3A_687 : i32 to index
      %parallel_loop3A_689 = arith.index_cast %parallel_loop3A_658 : i32 to index
      %parallel_loop3A_690 = arith.index_cast %parallel_loop3A_661 : i32 to index
      %parallel_loop3A_691 = tpu.vector_load %arg7[%parallel_loop3A_688, %parallel_loop3A_689, %parallel_loop3A_690] {strides = array<i32>} : memref<4x8x1024xf32, #tpu.memory_space<vmem>>, vector<1x1x16xf32>,
      %parallel_loop3A_692 = vector.shape_cast %parallel_loop3A_691 : vector<1x1x16xf32> to vector<16xf32>
      %parallel_loop3A_693 = vector.shape_cast %parallel_loop3A_686 : vector<16xf32> to vector<1x1x16xf32>
      tpu.vector_store %arg7[%parallel_loop3A_688, %parallel_loop3A_689, %parallel_loop3A_690], %parallel_loop3A_693 {strides = array<i32>} : memref<4x8x1024xf32, #tpu.memory_space<vmem>>, vector<1x1x16xf32>,
      %parallel_loop3A_694 = arith.constant 2 : i32
      %parallel_loop3A_695 = arith.index_cast %parallel_loop3A_694 : i32 to index
      %parallel_loop3A_696 = arith.index_cast %parallel_loop3A_658 : i32 to index
      %parallel_loop3A_697 = arith.index_cast %parallel_loop3A_661 : i32 to index
      %parallel_loop3A_698 = tpu.vector_load %arg7[%parallel_loop3A_695, %parallel_loop3A_696, %parallel_loop3A_697] {strides = array<i32>} : memref<4x8x1024xf32, #tpu.memory_space<vmem>>, vector<1x1x16xf32>,
      %parallel_loop3A_699 = vector.shape_cast %parallel_loop3A_698 : vector<1x1x16xf32> to vector<16xf32>
      %parallel_loop3A_700 = arith.addf %parallel_loop3A_699, %parallel_loop3A_665 : vector<16xf32>
      %parallel_loop3A_701 = arith.constant 2 : i32
      %parallel_loop3A_702 = arith.index_cast %parallel_loop3A_701 : i32 to index
      %parallel_loop3A_703 = arith.index_cast %parallel_loop3A_658 : i32 to index
      %parallel_loop3A_704 = arith.index_cast %parallel_loop3A_661 : i32 to index
      %parallel_loop3A_705 = tpu.vector_load %arg7[%parallel_loop3A_702, %parallel_loop3A_703, %parallel_loop3A_704] {strides = array<i32>} : memref<4x8x1024xf32, #tpu.memory_space<vmem>>, vector<1x1x16xf32>,
      %parallel_loop3A_706 = vector.shape_cast %parallel_loop3A_705 : vector<1x1x16xf32> to vector<16xf32>
      %parallel_loop3A_707 = vector.shape_cast %parallel_loop3A_700 : vector<16xf32> to vector<1x1x16xf32>
      tpu.vector_store %arg7[%parallel_loop3A_702, %parallel_loop3A_703, %parallel_loop3A_704], %parallel_loop3A_707 {strides = array<i32>} : memref<4x8x1024xf32, #tpu.memory_space<vmem>>, vector<1x1x16xf32>,
      %parallel_loop3A_708 = arith.constant 3 : i32
      %parallel_loop3A_709 = arith.index_cast %parallel_loop3A_708 : i32 to index
      %parallel_loop3A_710 = arith.index_cast %parallel_loop3A_658 : i32 to index
      %parallel_loop3A_711 = arith.index_cast %parallel_loop3A_661 : i32 to index
      %parallel_loop3A_712 = tpu.vector_load %arg7[%parallel_loop3A_709, %parallel_loop3A_710, %parallel_loop3A_711] {strides = array<i32>} : memref<4x8x1024xf32, #tpu.memory_space<vmem>>, vector<1x1x16xf32>,
      %parallel_loop3A_713 = vector.shape_cast %parallel_loop3A_712 : vector<1x1x16xf32> to vector<16xf32>
      %parallel_loop3A_714 = arith.addf %parallel_loop3A_713, %parallel_loop3A_665 : vector<16xf32>
      %parallel_loop3A_715 = arith.constant 3 : i32
      %parallel_loop3A_716 = arith.index_cast %parallel_loop3A_715 : i32 to index
      %parallel_loop3A_717 = arith.index_cast %parallel_loop3A_658 : i32 to index
      %parallel_loop3A_718 = arith.index_cast %parallel_loop3A_661 : i32 to index
      %parallel_loop3A_719 = tpu.vector_load %arg7[%parallel_loop3A_716, %parallel_loop3A_717, %parallel_loop3A_718] {strides = array<i32>} : memref<4x8x1024xf32, #tpu.memory_space<vmem>>, vector<1x1x16xf32>,
      %parallel_loop3A_720 = vector.shape_cast %parallel_loop3A_719 : vector<1x1x16xf32> to vector<16xf32>
      %parallel_loop3A_721 = vector.shape_cast %parallel_loop3A_714 : vector<16xf32> to vector<1x1x16xf32>
      tpu.vector_store %arg7[%parallel_loop3A_716, %parallel_loop3A_717, %parallel_loop3A_718], %parallel_loop3A_721 {strides = array<i32>} : memref<4x8x1024xf32, #tpu.memory_space<vmem>>, vector<1x1x16xf32>,
    } {sc.loop_unroll_factor = 4 : i64, sc.parallel_access}
    %add3A_137 = arith.constant 16 : i32
    %add3A_138 = arith.addi %mul3A_2, %add3A_137 : i32
    %dma_start3A_139 = arith.constant 0 : i32
    %dma_start3A_140 = arith.constant 0 : i32
    %dma_start3A_141 = tpu.memref_slice %arg4[%dma_start3A_139, %add3A_138, %dma_start3A_140] : memref<4x4096x1024xf32, #tpu.memory_space<hbm>> -> memref<4x8x1024xf32, #tpu.memory_space<hbm>>
    %dma_start3A_142 = arith.constant 0 : i32
    %dma_start3A_143 = arith.constant 0 : i32
    %dma_start3A_144 = tpu.memref_slice %arg4[%dma_start3A_142, %add3A_138, %dma_start3A_143] : memref<4x4096x1024xf32, #tpu.memory_space<hbm>> -> memref<4x8x1024xf32, #tpu.memory_space<hbm>>
    tpu.enqueue_dma source(%arg7 : memref<4x8x1024xf32, #tpu.memory_space<vmem>>) target(%dma_start3A_144 : memref<4x8x1024xf32, #tpu.memory_space<hbm>>) target_semaphore(%arg16 : memref<!tpu.dma_semaphore, #tpu.memory_space<semaphore_mem>>)
    %dma_wait3A_145 = arith.constant 0 : i32
    %dma_wait3A_146 = arith.constant 0 : i32
    %dma_wait3A_147 = tpu.memref_slice %arg4[%dma_wait3A_145, %add3A_138, %dma_wait3A_146] : memref<4x4096x1024xf32, #tpu.memory_space<hbm>> -> memref<4x8x1024xf32, #tpu.memory_space<hbm>>
    %dma_wait3A_148 = arith.constant 0 : i32
    %dma_wait3A_149 = arith.constant 0 : i32
    %dma_wait3A_150 = tpu.memref_slice %arg4[%dma_wait3A_148, %add3A_138, %dma_wait3A_149] : memref<4x4096x1024xf32, #tpu.memory_space<hbm>> -> memref<4x8x1024xf32, #tpu.memory_space<hbm>>
    tpu.wait_dma2 semaphore(%arg16 : memref<!tpu.dma_semaphore, #tpu.memory_space<semaphore_mem>>) src(%arg7 : memref<4x8x1024xf32, #tpu.memory_space<vmem>>) dst(%dma_wait3A_150 : memref<4x8x1024xf32, #tpu.memory_space<hbm>>)
    %add3A_151 = arith.constant 40 : i32
    %add3A_152 = arith.addi %mul3A_2, %add3A_151 : i32
    %dma_start3A_153 = arith.constant 0 : i32
    %dma_start3A_154 = arith.constant 0 : i32
    %dma_start3A_155 = tpu.memref_slice %arg2[%dma_start3A_153, %add3A_152, %dma_start3A_154] : memref<4x4096x1024xf32, #tpu.memory_space<hbm>> -> memref<4x8x1024xf32, #tpu.memory_space<hbm>>
    %dma_start3A_156 = arith.constant 0 : i32
    %dma_start3A_157 = arith.constant 0 : i32
    %dma_start3A_158 = tpu.memref_slice %arg2[%dma_start3A_156, %add3A_152, %dma_start3A_157] : memref<4x4096x1024xf32, #tpu.memory_space<hbm>> -> memref<4x8x1024xf32, #tpu.memory_space<hbm>>
    tpu.enqueue_dma source(%dma_start3A_158 : memref<4x8x1024xf32, #tpu.memory_space<hbm>>) target(%arg7 : memref<4x8x1024xf32, #tpu.memory_space<vmem>>) target_semaphore(%arg13 : memref<!tpu.dma_semaphore, #tpu.memory_space<semaphore_mem>>)
    %add3A_159 = arith.constant 40 : i32
    %add3A_160 = arith.addi %mul3A_2, %add3A_159 : i32
    %dma_start3A_161 = arith.constant 0 : i32
    %dma_start3A_162 = tpu.memref_slice %arg3[%add3A_160, %dma_start3A_161] : memref<8192x1024xf32, #tpu.memory_space<hbm>> -> memref<8x1024xf32, #tpu.memory_space<hbm>>
    %dma_start3A_163 = arith.constant 0 : i32
    %dma_start3A_164 = tpu.memref_slice %arg3[%add3A_160, %dma_start3A_163] : memref<8192x1024xf32, #tpu.memory_space<hbm>> -> memref<8x1024xf32, #tpu.memory_space<hbm>>
    tpu.enqueue_dma source(%dma_start3A_164 : memref<8x1024xf32, #tpu.memory_space<hbm>>) target(%arg10 : memref<8x1024xf32, #tpu.memory_space<vmem>>) target_semaphore(%arg19 : memref<!tpu.dma_semaphore, #tpu.memory_space<semaphore_mem>>)
    %dma_wait3A_165 = arith.constant 0 : i32
    %dma_wait3A_166 = tpu.memref_slice %arg3[%add3A_78, %dma_wait3A_165] : memref<8192x1024xf32, #tpu.memory_space<hbm>> -> memref<8x1024xf32, #tpu.memory_space<hbm>>
    %dma_wait3A_167 = arith.constant 0 : i32
    %dma_wait3A_168 = tpu.memref_slice %arg3[%add3A_78, %dma_wait3A_167] : memref<8192x1024xf32, #tpu.memory_space<hbm>> -> memref<8x1024xf32, #tpu.memory_space<hbm>>
    tpu.wait_dma2 semaphore(%arg17 : memref<!tpu.dma_semaphore, #tpu.memory_space<semaphore_mem>>) src(%dma_wait3A_168 : memref<8x1024xf32, #tpu.memory_space<hbm>>) dst(%arg8 : memref<8x1024xf32, #tpu.memory_space<vmem>>)
    %dma_wait3A_169 = arith.constant 0 : i32
    %dma_wait3A_170 = arith.constant 0 : i32
    %dma_wait3A_171 = tpu.memref_slice %arg2[%dma_wait3A_169, %add3A_70, %dma_wait3A_170] : memref<4x4096x1024xf32, #tpu.memory_space<hbm>> -> memref<4x8x1024xf32, #tpu.memory_space<hbm>>
    %dma_wait3A_172 = arith.constant 0 : i32
    %dma_wait3A_173 = arith.constant 0 : i32
    %dma_wait3A_174 = tpu.memref_slice %arg2[%dma_wait3A_172, %add3A_70, %dma_wait3A_173] : memref<4x4096x1024xf32, #tpu.memory_space<hbm>> -> memref<4x8x1024xf32, #tpu.memory_space<hbm>>
    tpu.wait_dma2 semaphore(%arg11 : memref<!tpu.dma_semaphore, #tpu.memory_space<semaphore_mem>>) src(%dma_wait3A_174 : memref<4x8x1024xf32, #tpu.memory_space<hbm>>) dst(%arg5 : memref<4x8x1024xf32, #tpu.memory_space<vmem>>)
    %parallel_loop3A_175 = arith.constant 0 : i32
    %parallel_loop3A_176 = arith.constant 8192 : i32
    %parallel_loop3A_177 = arith.constant 16 : i32
    scf.for %parallel_loop3A_656 = %parallel_loop3A_175 to %parallel_loop3A_176 step %parallel_loop3A_177  : i32 {
      %parallel_loop3A_657 = arith.constant 10 : i32
      %parallel_loop3A_658 = arith.shrui %parallel_loop3A_656, %parallel_loop3A_657 : i32
      %parallel_loop3A_659 = arith.constant 1023 : i32
      %parallel_loop3A_660 = arith.andi %parallel_loop3A_656, %parallel_loop3A_659 : i32
      %parallel_loop3A_661 = tpu.assume_multiple %parallel_loop3A_660, 16 : i32
      %parallel_loop3A_662 = arith.index_cast %parallel_loop3A_658 : i32 to index
      %parallel_loop3A_663 = arith.index_cast %parallel_loop3A_661 : i32 to index
      %parallel_loop3A_664 = tpu.vector_load %arg8[%parallel_loop3A_662, %parallel_loop3A_663] {strides = array<i32>} : memref<8x1024xf32, #tpu.memory_space<vmem>>, vector<1x16xf32>,
      %parallel_loop3A_665 = vector.shape_cast %parallel_loop3A_664 : vector<1x16xf32> to vector<16xf32>
      %parallel_loop3A_666 = arith.constant 0 : i32
      %parallel_loop3A_667 = arith.index_cast %parallel_loop3A_666 : i32 to index
      %parallel_loop3A_668 = arith.index_cast %parallel_loop3A_658 : i32 to index
      %parallel_loop3A_669 = arith.index_cast %parallel_loop3A_661 : i32 to index
      %parallel_loop3A_670 = tpu.vector_load %arg5[%parallel_loop3A_667, %parallel_loop3A_668, %parallel_loop3A_669] {strides = array<i32>} : memref<4x8x1024xf32, #tpu.memory_space<vmem>>, vector<1x1x16xf32>,
      %parallel_loop3A_671 = vector.shape_cast %parallel_loop3A_670 : vector<1x1x16xf32> to vector<16xf32>
      %parallel_loop3A_672 = arith.addf %parallel_loop3A_671, %parallel_loop3A_665 : vector<16xf32>
      %parallel_loop3A_673 = arith.constant 0 : i32
      %parallel_loop3A_674 = arith.index_cast %parallel_loop3A_673 : i32 to index
      %parallel_loop3A_675 = arith.index_cast %parallel_loop3A_658 : i32 to index
      %parallel_loop3A_676 = arith.index_cast %parallel_loop3A_661 : i32 to index
      %parallel_loop3A_677 = tpu.vector_load %arg5[%parallel_loop3A_674, %parallel_loop3A_675, %parallel_loop3A_676] {strides = array<i32>} : memref<4x8x1024xf32, #tpu.memory_space<vmem>>, vector<1x1x16xf32>,
      %parallel_loop3A_678 = vector.shape_cast %parallel_loop3A_677 : vector<1x1x16xf32> to vector<16xf32>
      %parallel_loop3A_679 = vector.shape_cast %parallel_loop3A_672 : vector<16xf32> to vector<1x1x16xf32>
      tpu.vector_store %arg5[%parallel_loop3A_674, %parallel_loop3A_675, %parallel_loop3A_676], %parallel_loop3A_679 {strides = array<i32>} : memref<4x8x1024xf32, #tpu.memory_space<vmem>>, vector<1x1x16xf32>,
      %parallel_loop3A_680 = arith.constant 1 : i32
      %parallel_loop3A_681 = arith.index_cast %parallel_loop3A_680 : i32 to index
      %parallel_loop3A_682 = arith.index_cast %parallel_loop3A_658 : i32 to index
      %parallel_loop3A_683 = arith.index_cast %parallel_loop3A_661 : i32 to index
      %parallel_loop3A_684 = tpu.vector_load %arg5[%parallel_loop3A_681, %parallel_loop3A_682, %parallel_loop3A_683] {strides = array<i32>} : memref<4x8x1024xf32, #tpu.memory_space<vmem>>, vector<1x1x16xf32>,
      %parallel_loop3A_685 = vector.shape_cast %parallel_loop3A_684 : vector<1x1x16xf32> to vector<16xf32>
      %parallel_loop3A_686 = arith.addf %parallel_loop3A_685, %parallel_loop3A_665 : vector<16xf32>
      %parallel_loop3A_687 = arith.constant 1 : i32
      %parallel_loop3A_688 = arith.index_cast %parallel_loop3A_687 : i32 to index
      %parallel_loop3A_689 = arith.index_cast %parallel_loop3A_658 : i32 to index
      %parallel_loop3A_690 = arith.index_cast %parallel_loop3A_661 : i32 to index
      %parallel_loop3A_691 = tpu.vector_load %arg5[%parallel_loop3A_688, %parallel_loop3A_689, %parallel_loop3A_690] {strides = array<i32>} : memref<4x8x1024xf32, #tpu.memory_space<vmem>>, vector<1x1x16xf32>,
      %parallel_loop3A_692 = vector.shape_cast %parallel_loop3A_691 : vector<1x1x16xf32> to vector<16xf32>
      %parallel_loop3A_693 = vector.shape_cast %parallel_loop3A_686 : vector<16xf32> to vector<1x1x16xf32>
      tpu.vector_store %arg5[%parallel_loop3A_688, %parallel_loop3A_689, %parallel_loop3A_690], %parallel_loop3A_693 {strides = array<i32>} : memref<4x8x1024xf32, #tpu.memory_space<vmem>>, vector<1x1x16xf32>,
      %parallel_loop3A_694 = arith.constant 2 : i32
      %parallel_loop3A_695 = arith.index_cast %parallel_loop3A_694 : i32 to index
      %parallel_loop3A_696 = arith.index_cast %parallel_loop3A_658 : i32 to index
      %parallel_loop3A_697 = arith.index_cast %parallel_loop3A_661 : i32 to index
      %parallel_loop3A_698 = tpu.vector_load %arg5[%parallel_loop3A_695, %parallel_loop3A_696, %parallel_loop3A_697] {strides = array<i32>} : memref<4x8x1024xf32, #tpu.memory_space<vmem>>, vector<1x1x16xf32>,
      %parallel_loop3A_699 = vector.shape_cast %parallel_loop3A_698 : vector<1x1x16xf32> to vector<16xf32>
      %parallel_loop3A_700 = arith.addf %parallel_loop3A_699, %parallel_loop3A_665 : vector<16xf32>
      %parallel_loop3A_701 = arith.constant 2 : i32
      %parallel_loop3A_702 = arith.index_cast %parallel_loop3A_701 : i32 to index
      %parallel_loop3A_703 = arith.index_cast %parallel_loop3A_658 : i32 to index
      %parallel_loop3A_704 = arith.index_cast %parallel_loop3A_661 : i32 to index
      %parallel_loop3A_705 = tpu.vector_load %arg5[%parallel_loop3A_702, %parallel_loop3A_703, %parallel_loop3A_704] {strides = array<i32>} : memref<4x8x1024xf32, #tpu.memory_space<vmem>>, vector<1x1x16xf32>,
      %parallel_loop3A_706 = vector.shape_cast %parallel_loop3A_705 : vector<1x1x16xf32> to vector<16xf32>
      %parallel_loop3A_707 = vector.shape_cast %parallel_loop3A_700 : vector<16xf32> to vector<1x1x16xf32>
      tpu.vector_store %arg5[%parallel_loop3A_702, %parallel_loop3A_703, %parallel_loop3A_704], %parallel_loop3A_707 {strides = array<i32>} : memref<4x8x1024xf32, #tpu.memory_space<vmem>>, vector<1x1x16xf32>,
      %parallel_loop3A_708 = arith.constant 3 : i32
      %parallel_loop3A_709 = arith.index_cast %parallel_loop3A_708 : i32 to index
      %parallel_loop3A_710 = arith.index_cast %parallel_loop3A_658 : i32 to index
      %parallel_loop3A_711 = arith.index_cast %parallel_loop3A_661 : i32 to index
      %parallel_loop3A_712 = tpu.vector_load %arg5[%parallel_loop3A_709, %parallel_loop3A_710, %parallel_loop3A_711] {strides = array<i32>} : memref<4x8x1024xf32, #tpu.memory_space<vmem>>, vector<1x1x16xf32>,
      %parallel_loop3A_713 = vector.shape_cast %parallel_loop3A_712 : vector<1x1x16xf32> to vector<16xf32>
      %parallel_loop3A_714 = arith.addf %parallel_loop3A_713, %parallel_loop3A_665 : vector<16xf32>
      %parallel_loop3A_715 = arith.constant 3 : i32
      %parallel_loop3A_716 = arith.index_cast %parallel_loop3A_715 : i32 to index
      %parallel_loop3A_717 = arith.index_cast %parallel_loop3A_658 : i32 to index
      %parallel_loop3A_718 = arith.index_cast %parallel_loop3A_661 : i32 to index
      %parallel_loop3A_719 = tpu.vector_load %arg5[%parallel_loop3A_716, %parallel_loop3A_717, %parallel_loop3A_718] {strides = array<i32>} : memref<4x8x1024xf32, #tpu.memory_space<vmem>>, vector<1x1x16xf32>,
      %parallel_loop3A_720 = vector.shape_cast %parallel_loop3A_719 : vector<1x1x16xf32> to vector<16xf32>
      %parallel_loop3A_721 = vector.shape_cast %parallel_loop3A_714 : vector<16xf32> to vector<1x1x16xf32>
      tpu.vector_store %arg5[%parallel_loop3A_716, %parallel_loop3A_717, %parallel_loop3A_718], %parallel_loop3A_721 {strides = array<i32>} : memref<4x8x1024xf32, #tpu.memory_space<vmem>>, vector<1x1x16xf32>,
    } {sc.loop_unroll_factor = 4 : i64, sc.parallel_access}
    %add3A_178 = arith.constant 24 : i32
    %add3A_179 = arith.addi %mul3A_2, %add3A_178 : i32
    %dma_start3A_180 = arith.constant 0 : i32
    %dma_start3A_181 = arith.constant 0 : i32
    %dma_start3A_182 = tpu.memref_slice %arg4[%dma_start3A_180, %add3A_179, %dma_start3A_181] : memref<4x4096x1024xf32, #tpu.memory_space<hbm>> -> memref<4x8x1024xf32, #tpu.memory_space<hbm>>
    %dma_start3A_183 = arith.constant 0 : i32
    %dma_start3A_184 = arith.constant 0 : i32
    %dma_start3A_185 = tpu.memref_slice %arg4[%dma_start3A_183, %add3A_179, %dma_start3A_184] : memref<4x4096x1024xf32, #tpu.memory_space<hbm>> -> memref<4x8x1024xf32, #tpu.memory_space<hbm>>
    tpu.enqueue_dma source(%arg5 : memref<4x8x1024xf32, #tpu.memory_space<vmem>>) target(%dma_start3A_185 : memref<4x8x1024xf32, #tpu.memory_space<hbm>>) target_semaphore(%arg14 : memref<!tpu.dma_semaphore, #tpu.memory_space<semaphore_mem>>)
    %dma_wait3A_186 = arith.constant 0 : i32
    %dma_wait3A_187 = arith.constant 0 : i32
    %dma_wait3A_188 = tpu.memref_slice %arg4[%dma_wait3A_186, %add3A_179, %dma_wait3A_187] : memref<4x4096x1024xf32, #tpu.memory_space<hbm>> -> memref<4x8x1024xf32, #tpu.memory_space<hbm>>
    %dma_wait3A_189 = arith.constant 0 : i32
    %dma_wait3A_190 = arith.constant 0 : i32
    %dma_wait3A_191 = tpu.memref_slice %arg4[%dma_wait3A_189, %add3A_179, %dma_wait3A_190] : memref<4x4096x1024xf32, #tpu.memory_space<hbm>> -> memref<4x8x1024xf32, #tpu.memory_space<hbm>>
    tpu.wait_dma2 semaphore(%arg14 : memref<!tpu.dma_semaphore, #tpu.memory_space<semaphore_mem>>) src(%arg5 : memref<4x8x1024xf32, #tpu.memory_space<vmem>>) dst(%dma_wait3A_191 : memref<4x8x1024xf32, #tpu.memory_space<hbm>>)
    %add3A_192 = arith.constant 48 : i32
    %add3A_193 = arith.addi %mul3A_2, %add3A_192 : i32
    %dma_start3A_194 = arith.constant 0 : i32
    %dma_start3A_195 = arith.constant 0 : i32
    %dma_start3A_196 = tpu.memref_slice %arg2[%dma_start3A_194, %add3A_193, %dma_start3A_195] : memref<4x4096x1024xf32, #tpu.memory_space<hbm>> -> memref<4x8x1024xf32, #tpu.memory_space<hbm>>
    %dma_start3A_197 = arith.constant 0 : i32
    %dma_start3A_198 = arith.constant 0 : i32
    %dma_start3A_199 = tpu.memref_slice %arg2[%dma_start3A_197, %add3A_193, %dma_start3A_198] : memref<4x4096x1024xf32, #tpu.memory_space<hbm>> -> memref<4x8x1024xf32, #tpu.memory_space<hbm>>
    tpu.enqueue_dma source(%dma_start3A_199 : memref<4x8x1024xf32, #tpu.memory_space<hbm>>) target(%arg5 : memref<4x8x1024xf32, #tpu.memory_space<vmem>>) target_semaphore(%arg11 : memref<!tpu.dma_semaphore, #tpu.memory_space<semaphore_mem>>)
    %add3A_200 = arith.constant 48 : i32
    %add3A_201 = arith.addi %mul3A_2, %add3A_200 : i32
    %dma_start3A_202 = arith.constant 0 : i32
    %dma_start3A_203 = tpu.memref_slice %arg3[%add3A_201, %dma_start3A_202] : memref<8192x1024xf32, #tpu.memory_space<hbm>> -> memref<8x1024xf32, #tpu.memory_space<hbm>>
    %dma_start3A_204 = arith.constant 0 : i32
    %dma_start3A_205 = tpu.memref_slice %arg3[%add3A_201, %dma_start3A_204] : memref<8192x1024xf32, #tpu.memory_space<hbm>> -> memref<8x1024xf32, #tpu.memory_space<hbm>>
    tpu.enqueue_dma source(%dma_start3A_205 : memref<8x1024xf32, #tpu.memory_space<hbm>>) target(%arg8 : memref<8x1024xf32, #tpu.memory_space<vmem>>) target_semaphore(%arg17 : memref<!tpu.dma_semaphore, #tpu.memory_space<semaphore_mem>>)
    %dma_wait3A_206 = arith.constant 0 : i32
    %dma_wait3A_207 = tpu.memref_slice %arg3[%add3A_119, %dma_wait3A_206] : memref<8192x1024xf32, #tpu.memory_space<hbm>> -> memref<8x1024xf32, #tpu.memory_space<hbm>>
    %dma_wait3A_208 = arith.constant 0 : i32
    %dma_wait3A_209 = tpu.memref_slice %arg3[%add3A_119, %dma_wait3A_208] : memref<8192x1024xf32, #tpu.memory_space<hbm>> -> memref<8x1024xf32, #tpu.memory_space<hbm>>
    tpu.wait_dma2 semaphore(%arg18 : memref<!tpu.dma_semaphore, #tpu.memory_space<semaphore_mem>>) src(%dma_wait3A_209 : memref<8x1024xf32, #tpu.memory_space<hbm>>) dst(%arg9 : memref<8x1024xf32, #tpu.memory_space<vmem>>)
    %dma_wait3A_210 = arith.constant 0 : i32
    %dma_wait3A_211 = arith.constant 0 : i32
    %dma_wait3A_212 = tpu.memref_slice %arg2[%dma_wait3A_210, %add3A_111, %dma_wait3A_211] : memref<4x4096x1024xf32, #tpu.memory_space<hbm>> -> memref<4x8x1024xf32, #tpu.memory_space<hbm>>
    %dma_wait3A_213 = arith.constant 0 : i32
    %dma_wait3A_214 = arith.constant 0 : i32
    %dma_wait3A_215 = tpu.memref_slice %arg2[%dma_wait3A_213, %add3A_111, %dma_wait3A_214] : memref<4x4096x1024xf32, #tpu.memory_space<hbm>> -> memref<4x8x1024xf32, #tpu.memory_space<hbm>>
    tpu.wait_dma2 semaphore(%arg12 : memref<!tpu.dma_semaphore, #tpu.memory_space<semaphore_mem>>) src(%dma_wait3A_215 : memref<4x8x1024xf32, #tpu.memory_space<hbm>>) dst(%arg6 : memref<4x8x1024xf32, #tpu.memory_space<vmem>>)
    %parallel_loop3A_216 = arith.constant 0 : i32
    %parallel_loop3A_217 = arith.constant 8192 : i32
    %parallel_loop3A_218 = arith.constant 16 : i32
    scf.for %parallel_loop3A_656 = %parallel_loop3A_216 to %parallel_loop3A_217 step %parallel_loop3A_218  : i32 {
      %parallel_loop3A_657 = arith.constant 10 : i32
      %parallel_loop3A_658 = arith.shrui %parallel_loop3A_656, %parallel_loop3A_657 : i32
      %parallel_loop3A_659 = arith.constant 1023 : i32
      %parallel_loop3A_660 = arith.andi %parallel_loop3A_656, %parallel_loop3A_659 : i32
      %parallel_loop3A_661 = tpu.assume_multiple %parallel_loop3A_660, 16 : i32
      %parallel_loop3A_662 = arith.index_cast %parallel_loop3A_658 : i32 to index
      %parallel_loop3A_663 = arith.index_cast %parallel_loop3A_661 : i32 to index
      %parallel_loop3A_664 = tpu.vector_load %arg9[%parallel_loop3A_662, %parallel_loop3A_663] {strides = array<i32>} : memref<8x1024xf32, #tpu.memory_space<vmem>>, vector<1x16xf32>,
      %parallel_loop3A_665 = vector.shape_cast %parallel_loop3A_664 : vector<1x16xf32> to vector<16xf32>
      %parallel_loop3A_666 = arith.constant 0 : i32
      %parallel_loop3A_667 = arith.index_cast %parallel_loop3A_666 : i32 to index
      %parallel_loop3A_668 = arith.index_cast %parallel_loop3A_658 : i32 to index
      %parallel_loop3A_669 = arith.index_cast %parallel_loop3A_661 : i32 to index
      %parallel_loop3A_670 = tpu.vector_load %arg6[%parallel_loop3A_667, %parallel_loop3A_668, %parallel_loop3A_669] {strides = array<i32>} : memref<4x8x1024xf32, #tpu.memory_space<vmem>>, vector<1x1x16xf32>,
      %parallel_loop3A_671 = vector.shape_cast %parallel_loop3A_670 : vector<1x1x16xf32> to vector<16xf32>
      %parallel_loop3A_672 = arith.addf %parallel_loop3A_671, %parallel_loop3A_665 : vector<16xf32>
      %parallel_loop3A_673 = arith.constant 0 : i32
      %parallel_loop3A_674 = arith.index_cast %parallel_loop3A_673 : i32 to index
      %parallel_loop3A_675 = arith.index_cast %parallel_loop3A_658 : i32 to index
      %parallel_loop3A_676 = arith.index_cast %parallel_loop3A_661 : i32 to index
      %parallel_loop3A_677 = tpu.vector_load %arg6[%parallel_loop3A_674, %parallel_loop3A_675, %parallel_loop3A_676] {strides = array<i32>} : memref<4x8x1024xf32, #tpu.memory_space<vmem>>, vector<1x1x16xf32>,
      %parallel_loop3A_678 = vector.shape_cast %parallel_loop3A_677 : vector<1x1x16xf32> to vector<16xf32>
      %parallel_loop3A_679 = vector.shape_cast %parallel_loop3A_672 : vector<16xf32> to vector<1x1x16xf32>
      tpu.vector_store %arg6[%parallel_loop3A_674, %parallel_loop3A_675, %parallel_loop3A_676], %parallel_loop3A_679 {strides = array<i32>} : memref<4x8x1024xf32, #tpu.memory_space<vmem>>, vector<1x1x16xf32>,
      %parallel_loop3A_680 = arith.constant 1 : i32
      %parallel_loop3A_681 = arith.index_cast %parallel_loop3A_680 : i32 to index
      %parallel_loop3A_682 = arith.index_cast %parallel_loop3A_658 : i32 to index
      %parallel_loop3A_683 = arith.index_cast %parallel_loop3A_661 : i32 to index
      %parallel_loop3A_684 = tpu.vector_load %arg6[%parallel_loop3A_681, %parallel_loop3A_682, %parallel_loop3A_683] {strides = array<i32>} : memref<4x8x1024xf32, #tpu.memory_space<vmem>>, vector<1x1x16xf32>,
      %parallel_loop3A_685 = vector.shape_cast %parallel_loop3A_684 : vector<1x1x16xf32> to vector<16xf32>
      %parallel_loop3A_686 = arith.addf %parallel_loop3A_685, %parallel_loop3A_665 : vector<16xf32>
      %parallel_loop3A_687 = arith.constant 1 : i32
      %parallel_loop3A_688 = arith.index_cast %parallel_loop3A_687 : i32 to index
      %parallel_loop3A_689 = arith.index_cast %parallel_loop3A_658 : i32 to index
      %parallel_loop3A_690 = arith.index_cast %parallel_loop3A_661 : i32 to index
      %parallel_loop3A_691 = tpu.vector_load %arg6[%parallel_loop3A_688, %parallel_loop3A_689, %parallel_loop3A_690] {strides = array<i32>} : memref<4x8x1024xf32, #tpu.memory_space<vmem>>, vector<1x1x16xf32>,
      %parallel_loop3A_692 = vector.shape_cast %parallel_loop3A_691 : vector<1x1x16xf32> to vector<16xf32>
      %parallel_loop3A_693 = vector.shape_cast %parallel_loop3A_686 : vector<16xf32> to vector<1x1x16xf32>
      tpu.vector_store %arg6[%parallel_loop3A_688, %parallel_loop3A_689, %parallel_loop3A_690], %parallel_loop3A_693 {strides = array<i32>} : memref<4x8x1024xf32, #tpu.memory_space<vmem>>, vector<1x1x16xf32>,
      %parallel_loop3A_694 = arith.constant 2 : i32
      %parallel_loop3A_695 = arith.index_cast %parallel_loop3A_694 : i32 to index
      %parallel_loop3A_696 = arith.index_cast %parallel_loop3A_658 : i32 to index
      %parallel_loop3A_697 = arith.index_cast %parallel_loop3A_661 : i32 to index
      %parallel_loop3A_698 = tpu.vector_load %arg6[%parallel_loop3A_695, %parallel_loop3A_696, %parallel_loop3A_697] {strides = array<i32>} : memref<4x8x1024xf32, #tpu.memory_space<vmem>>, vector<1x1x16xf32>,
      %parallel_loop3A_699 = vector.shape_cast %parallel_loop3A_698 : vector<1x1x16xf32> to vector<16xf32>
      %parallel_loop3A_700 = arith.addf %parallel_loop3A_699, %parallel_loop3A_665 : vector<16xf32>
      %parallel_loop3A_701 = arith.constant 2 : i32
      %parallel_loop3A_702 = arith.index_cast %parallel_loop3A_701 : i32 to index
      %parallel_loop3A_703 = arith.index_cast %parallel_loop3A_658 : i32 to index
      %parallel_loop3A_704 = arith.index_cast %parallel_loop3A_661 : i32 to index
      %parallel_loop3A_705 = tpu.vector_load %arg6[%parallel_loop3A_702, %parallel_loop3A_703, %parallel_loop3A_704] {strides = array<i32>} : memref<4x8x1024xf32, #tpu.memory_space<vmem>>, vector<1x1x16xf32>,
      %parallel_loop3A_706 = vector.shape_cast %parallel_loop3A_705 : vector<1x1x16xf32> to vector<16xf32>
      %parallel_loop3A_707 = vector.shape_cast %parallel_loop3A_700 : vector<16xf32> to vector<1x1x16xf32>
      tpu.vector_store %arg6[%parallel_loop3A_702, %parallel_loop3A_703, %parallel_loop3A_704], %parallel_loop3A_707 {strides = array<i32>} : memref<4x8x1024xf32, #tpu.memory_space<vmem>>, vector<1x1x16xf32>,
      %parallel_loop3A_708 = arith.constant 3 : i32
      %parallel_loop3A_709 = arith.index_cast %parallel_loop3A_708 : i32 to index
      %parallel_loop3A_710 = arith.index_cast %parallel_loop3A_658 : i32 to index
      %parallel_loop3A_711 = arith.index_cast %parallel_loop3A_661 : i32 to index
      %parallel_loop3A_712 = tpu.vector_load %arg6[%parallel_loop3A_709, %parallel_loop3A_710, %parallel_loop3A_711] {strides = array<i32>} : memref<4x8x1024xf32, #tpu.memory_space<vmem>>, vector<1x1x16xf32>,
      %parallel_loop3A_713 = vector.shape_cast %parallel_loop3A_712 : vector<1x1x16xf32> to vector<16xf32>
      %parallel_loop3A_714 = arith.addf %parallel_loop3A_713, %parallel_loop3A_665 : vector<16xf32>
      %parallel_loop3A_715 = arith.constant 3 : i32
      %parallel_loop3A_716 = arith.index_cast %parallel_loop3A_715 : i32 to index
      %parallel_loop3A_717 = arith.index_cast %parallel_loop3A_658 : i32 to index
      %parallel_loop3A_718 = arith.index_cast %parallel_loop3A_661 : i32 to index
      %parallel_loop3A_719 = tpu.vector_load %arg6[%parallel_loop3A_716, %parallel_loop3A_717, %parallel_loop3A_718] {strides = array<i32>} : memref<4x8x1024xf32, #tpu.memory_space<vmem>>, vector<1x1x16xf32>,
      %parallel_loop3A_720 = vector.shape_cast %parallel_loop3A_719 : vector<1x1x16xf32> to vector<16xf32>
      %parallel_loop3A_721 = vector.shape_cast %parallel_loop3A_714 : vector<16xf32> to vector<1x1x16xf32>
      tpu.vector_store %arg6[%parallel_loop3A_716, %parallel_loop3A_717, %parallel_loop3A_718], %parallel_loop3A_721 {strides = array<i32>} : memref<4x8x1024xf32, #tpu.memory_space<vmem>>, vector<1x1x16xf32>,
    } {sc.loop_unroll_factor = 4 : i64, sc.parallel_access}
    %add3A_219 = arith.constant 32 : i32
    %add3A_220 = arith.addi %mul3A_2, %add3A_219 : i32
    %dma_start3A_221 = arith.constant 0 : i32
    %dma_start3A_222 = arith.constant 0 : i32
    %dma_start3A_223 = tpu.memref_slice %arg4[%dma_start3A_221, %add3A_220, %dma_start3A_222] : memref<4x4096x1024xf32, #tpu.memory_space<hbm>> -> memref<4x8x1024xf32, #tpu.memory_space<hbm>>
    %dma_start3A_224 = arith.constant 0 : i32
    %dma_start3A_225 = arith.constant 0 : i32
    %dma_start3A_226 = tpu.memref_slice %arg4[%dma_start3A_224, %add3A_220, %dma_start3A_225] : memref<4x4096x1024xf32, #tpu.memory_space<hbm>> -> memref<4x8x1024xf32, #tpu.memory_space<hbm>>
    tpu.enqueue_dma source(%arg6 : memref<4x8x1024xf32, #tpu.memory_space<vmem>>) target(%dma_start3A_226 : memref<4x8x1024xf32, #tpu.memory_space<hbm>>) target_semaphore(%arg15 : memref<!tpu.dma_semaphore, #tpu.memory_space<semaphore_mem>>)
    %dma_wait3A_227 = arith.constant 0 : i32
    %dma_wait3A_228 = arith.constant 0 : i32
    %dma_wait3A_229 = tpu.memref_slice %arg4[%dma_wait3A_227, %add3A_220, %dma_wait3A_228] : memref<4x4096x1024xf32, #tpu.memory_space<hbm>> -> memref<4x8x1024xf32, #tpu.memory_space<hbm>>
    %dma_wait3A_230 = arith.constant 0 : i32
    %dma_wait3A_231 = arith.constant 0 : i32
    %dma_wait3A_232 = tpu.memref_slice %arg4[%dma_wait3A_230, %add3A_220, %dma_wait3A_231] : memref<4x4096x1024xf32, #tpu.memory_space<hbm>> -> memref<4x8x1024xf32, #tpu.memory_space<hbm>>
    tpu.wait_dma2 semaphore(%arg15 : memref<!tpu.dma_semaphore, #tpu.memory_space<semaphore_mem>>) src(%arg6 : memref<4x8x1024xf32, #tpu.memory_space<vmem>>) dst(%dma_wait3A_232 : memref<4x8x1024xf32, #tpu.memory_space<hbm>>)
    %add3A_233 = arith.constant 56 : i32
    %add3A_234 = arith.addi %mul3A_2, %add3A_233 : i32
    %dma_start3A_235 = arith.constant 0 : i32
    %dma_start3A_236 = arith.constant 0 : i32
    %dma_start3A_237 = tpu.memref_slice %arg2[%dma_start3A_235, %add3A_234, %dma_start3A_236] : memref<4x4096x1024xf32, #tpu.memory_space<hbm>> -> memref<4x8x1024xf32, #tpu.memory_space<hbm>>
    %dma_start3A_238 = arith.constant 0 : i32
    %dma_start3A_239 = arith.constant 0 : i32
    %dma_start3A_240 = tpu.memref_slice %arg2[%dma_start3A_238, %add3A_234, %dma_start3A_239] : memref<4x4096x1024xf32, #tpu.memory_space<hbm>> -> memref<4x8x1024xf32, #tpu.memory_space<hbm>>
    tpu.enqueue_dma source(%dma_start3A_240 : memref<4x8x1024xf32, #tpu.memory_space<hbm>>) target(%arg6 : memref<4x8x1024xf32, #tpu.memory_space<vmem>>) target_semaphore(%arg12 : memref<!tpu.dma_semaphore, #tpu.memory_space<semaphore_mem>>)
    %add3A_241 = arith.constant 56 : i32
    %add3A_242 = arith.addi %mul3A_2, %add3A_241 : i32
    %dma_start3A_243 = arith.constant 0 : i32
    %dma_start3A_244 = tpu.memref_slice %arg3[%add3A_242, %dma_start3A_243] : memref<8192x1024xf32, #tpu.memory_space<hbm>> -> memref<8x1024xf32, #tpu.memory_space<hbm>>
    %dma_start3A_245 = arith.constant 0 : i32
    %dma_start3A_246 = tpu.memref_slice %arg3[%add3A_242, %dma_start3A_245] : memref<8192x1024xf32, #tpu.memory_space<hbm>> -> memref<8x1024xf32, #tpu.memory_space<hbm>>
    tpu.enqueue_dma source(%dma_start3A_246 : memref<8x1024xf32, #tpu.memory_space<hbm>>) target(%arg9 : memref<8x1024xf32, #tpu.memory_space<vmem>>) target_semaphore(%arg18 : memref<!tpu.dma_semaphore, #tpu.memory_space<semaphore_mem>>)
    %dma_wait3A_247 = arith.constant 0 : i32
    %dma_wait3A_248 = tpu.memref_slice %arg3[%add3A_160, %dma_wait3A_247] : memref<8192x1024xf32, #tpu.memory_space<hbm>> -> memref<8x1024xf32, #tpu.memory_space<hbm>>
    %dma_wait3A_249 = arith.constant 0 : i32
    %dma_wait3A_250 = tpu.memref_slice %arg3[%add3A_160, %dma_wait3A_249] : memref<8192x1024xf32, #tpu.memory_space<hbm>> -> memref<8x1024xf32, #tpu.memory_space<hbm>>
    tpu.wait_dma2 semaphore(%arg19 : memref<!tpu.dma_semaphore, #tpu.memory_space<semaphore_mem>>) src(%dma_wait3A_250 : memref<8x1024xf32, #tpu.memory_space<hbm>>) dst(%arg10 : memref<8x1024xf32, #tpu.memory_space<vmem>>)
    %dma_wait3A_251 = arith.constant 0 : i32
    %dma_wait3A_252 = arith.constant 0 : i32
    %dma_wait3A_253 = tpu.memref_slice %arg2[%dma_wait3A_251, %add3A_152, %dma_wait3A_252] : memref<4x4096x1024xf32, #tpu.memory_space<hbm>> -> memref<4x8x1024xf32, #tpu.memory_space<hbm>>
    %dma_wait3A_254 = arith.constant 0 : i32
    %dma_wait3A_255 = arith.constant 0 : i32
    %dma_wait3A_256 = tpu.memref_slice %arg2[%dma_wait3A_254, %add3A_152, %dma_wait3A_255] : memref<4x4096x1024xf32, #tpu.memory_space<hbm>> -> memref<4x8x1024xf32, #tpu.memory_space<hbm>>
    tpu.wait_dma2 semaphore(%arg13 : memref<!tpu.dma_semaphore, #tpu.memory_space<semaphore_mem>>) src(%dma_wait3A_256 : memref<4x8x1024xf32, #tpu.memory_space<hbm>>) dst(%arg7 : memref<4x8x1024xf32, #tpu.memory_space<vmem>>)
    %parallel_loop3A_257 = arith.constant 0 : i32
    %parallel_loop3A_258 = arith.constant 8192 : i32
    %parallel_loop3A_259 = arith.constant 16 : i32
    scf.for %parallel_loop3A_656 = %parallel_loop3A_257 to %parallel_loop3A_258 step %parallel_loop3A_259  : i32 {
      %parallel_loop3A_657 = arith.constant 10 : i32
      %parallel_loop3A_658 = arith.shrui %parallel_loop3A_656, %parallel_loop3A_657 : i32
      %parallel_loop3A_659 = arith.constant 1023 : i32
      %parallel_loop3A_660 = arith.andi %parallel_loop3A_656, %parallel_loop3A_659 : i32
      %parallel_loop3A_661 = tpu.assume_multiple %parallel_loop3A_660, 16 : i32
      %parallel_loop3A_662 = arith.index_cast %parallel_loop3A_658 : i32 to index
      %parallel_loop3A_663 = arith.index_cast %parallel_loop3A_661 : i32 to index
      %parallel_loop3A_664 = tpu.vector_load %arg10[%parallel_loop3A_662, %parallel_loop3A_663] {strides = array<i32>} : memref<8x1024xf32, #tpu.memory_space<vmem>>, vector<1x16xf32>,
      %parallel_loop3A_665 = vector.shape_cast %parallel_loop3A_664 : vector<1x16xf32> to vector<16xf32>
      %parallel_loop3A_666 = arith.constant 0 : i32
      %parallel_loop3A_667 = arith.index_cast %parallel_loop3A_666 : i32 to index
      %parallel_loop3A_668 = arith.index_cast %parallel_loop3A_658 : i32 to index
      %parallel_loop3A_669 = arith.index_cast %parallel_loop3A_661 : i32 to index
      %parallel_loop3A_670 = tpu.vector_load %arg7[%parallel_loop3A_667, %parallel_loop3A_668, %parallel_loop3A_669] {strides = array<i32>} : memref<4x8x1024xf32, #tpu.memory_space<vmem>>, vector<1x1x16xf32>,
      %parallel_loop3A_671 = vector.shape_cast %parallel_loop3A_670 : vector<1x1x16xf32> to vector<16xf32>
      %parallel_loop3A_672 = arith.addf %parallel_loop3A_671, %parallel_loop3A_665 : vector<16xf32>
      %parallel_loop3A_673 = arith.constant 0 : i32
      %parallel_loop3A_674 = arith.index_cast %parallel_loop3A_673 : i32 to index
      %parallel_loop3A_675 = arith.index_cast %parallel_loop3A_658 : i32 to index
      %parallel_loop3A_676 = arith.index_cast %parallel_loop3A_661 : i32 to index
      %parallel_loop3A_677 = tpu.vector_load %arg7[%parallel_loop3A_674, %parallel_loop3A_675, %parallel_loop3A_676] {strides = array<i32>} : memref<4x8x1024xf32, #tpu.memory_space<vmem>>, vector<1x1x16xf32>,
      %parallel_loop3A_678 = vector.shape_cast %parallel_loop3A_677 : vector<1x1x16xf32> to vector<16xf32>
      %parallel_loop3A_679 = vector.shape_cast %parallel_loop3A_672 : vector<16xf32> to vector<1x1x16xf32>
      tpu.vector_store %arg7[%parallel_loop3A_674, %parallel_loop3A_675, %parallel_loop3A_676], %parallel_loop3A_679 {strides = array<i32>} : memref<4x8x1024xf32, #tpu.memory_space<vmem>>, vector<1x1x16xf32>,
      %parallel_loop3A_680 = arith.constant 1 : i32
      %parallel_loop3A_681 = arith.index_cast %parallel_loop3A_680 : i32 to index
      %parallel_loop3A_682 = arith.index_cast %parallel_loop3A_658 : i32 to index
      %parallel_loop3A_683 = arith.index_cast %parallel_loop3A_661 : i32 to index
      %parallel_loop3A_684 = tpu.vector_load %arg7[%parallel_loop3A_681, %parallel_loop3A_682, %parallel_loop3A_683] {strides = array<i32>} : memref<4x8x1024xf32, #tpu.memory_space<vmem>>, vector<1x1x16xf32>,
      %parallel_loop3A_685 = vector.shape_cast %parallel_loop3A_684 : vector<1x1x16xf32> to vector<16xf32>
      %parallel_loop3A_686 = arith.addf %parallel_loop3A_685, %parallel_loop3A_665 : vector<16xf32>
      %parallel_loop3A_687 = arith.constant 1 : i32
      %parallel_loop3A_688 = arith.index_cast %parallel_loop3A_687 : i32 to index
      %parallel_loop3A_689 = arith.index_cast %parallel_loop3A_658 : i32 to index
      %parallel_loop3A_690 = arith.index_cast %parallel_loop3A_661 : i32 to index
      %parallel_loop3A_691 = tpu.vector_load %arg7[%parallel_loop3A_688, %parallel_loop3A_689, %parallel_loop3A_690] {strides = array<i32>} : memref<4x8x1024xf32, #tpu.memory_space<vmem>>, vector<1x1x16xf32>,
      %parallel_loop3A_692 = vector.shape_cast %parallel_loop3A_691 : vector<1x1x16xf32> to vector<16xf32>
      %parallel_loop3A_693 = vector.shape_cast %parallel_loop3A_686 : vector<16xf32> to vector<1x1x16xf32>
      tpu.vector_store %arg7[%parallel_loop3A_688, %parallel_loop3A_689, %parallel_loop3A_690], %parallel_loop3A_693 {strides = array<i32>} : memref<4x8x1024xf32, #tpu.memory_space<vmem>>, vector<1x1x16xf32>,
      %parallel_loop3A_694 = arith.constant 2 : i32
      %parallel_loop3A_695 = arith.index_cast %parallel_loop3A_694 : i32 to index
      %parallel_loop3A_696 = arith.index_cast %parallel_loop3A_658 : i32 to index
      %parallel_loop3A_697 = arith.index_cast %parallel_loop3A_661 : i32 to index
      %parallel_loop3A_698 = tpu.vector_load %arg7[%parallel_loop3A_695, %parallel_loop3A_696, %parallel_loop3A_697] {strides = array<i32>} : memref<4x8x1024xf32, #tpu.memory_space<vmem>>, vector<1x1x16xf32>,
      %parallel_loop3A_699 = vector.shape_cast %parallel_loop3A_698 : vector<1x1x16xf32> to vector<16xf32>
      %parallel_loop3A_700 = arith.addf %parallel_loop3A_699, %parallel_loop3A_665 : vector<16xf32>
      %parallel_loop3A_701 = arith.constant 2 : i32
      %parallel_loop3A_702 = arith.index_cast %parallel_loop3A_701 : i32 to index
      %parallel_loop3A_703 = arith.index_cast %parallel_loop3A_658 : i32 to index
      %parallel_loop3A_704 = arith.index_cast %parallel_loop3A_661 : i32 to index
      %parallel_loop3A_705 = tpu.vector_load %arg7[%parallel_loop3A_702, %parallel_loop3A_703, %parallel_loop3A_704] {strides = array<i32>} : memref<4x8x1024xf32, #tpu.memory_space<vmem>>, vector<1x1x16xf32>,
      %parallel_loop3A_706 = vector.shape_cast %parallel_loop3A_705 : vector<1x1x16xf32> to vector<16xf32>
      %parallel_loop3A_707 = vector.shape_cast %parallel_loop3A_700 : vector<16xf32> to vector<1x1x16xf32>
      tpu.vector_store %arg7[%parallel_loop3A_702, %parallel_loop3A_703, %parallel_loop3A_704], %parallel_loop3A_707 {strides = array<i32>} : memref<4x8x1024xf32, #tpu.memory_space<vmem>>, vector<1x1x16xf32>,
      %parallel_loop3A_708 = arith.constant 3 : i32
      %parallel_loop3A_709 = arith.index_cast %parallel_loop3A_708 : i32 to index
      %parallel_loop3A_710 = arith.index_cast %parallel_loop3A_658 : i32 to index
      %parallel_loop3A_711 = arith.index_cast %parallel_loop3A_661 : i32 to index
      %parallel_loop3A_712 = tpu.vector_load %arg7[%parallel_loop3A_709, %parallel_loop3A_710, %parallel_loop3A_711] {strides = array<i32>} : memref<4x8x1024xf32, #tpu.memory_space<vmem>>, vector<1x1x16xf32>,
      %parallel_loop3A_713 = vector.shape_cast %parallel_loop3A_712 : vector<1x1x16xf32> to vector<16xf32>
      %parallel_loop3A_714 = arith.addf %parallel_loop3A_713, %parallel_loop3A_665 : vector<16xf32>
      %parallel_loop3A_715 = arith.constant 3 : i32
      %parallel_loop3A_716 = arith.index_cast %parallel_loop3A_715 : i32 to index
      %parallel_loop3A_717 = arith.index_cast %parallel_loop3A_658 : i32 to index
      %parallel_loop3A_718 = arith.index_cast %parallel_loop3A_661 : i32 to index
      %parallel_loop3A_719 = tpu.vector_load %arg7[%parallel_loop3A_716, %parallel_loop3A_717, %parallel_loop3A_718] {strides = array<i32>} : memref<4x8x1024xf32, #tpu.memory_space<vmem>>, vector<1x1x16xf32>,
      %parallel_loop3A_720 = vector.shape_cast %parallel_loop3A_719 : vector<1x1x16xf32> to vector<16xf32>
      %parallel_loop3A_721 = vector.shape_cast %parallel_loop3A_714 : vector<16xf32> to vector<1x1x16xf32>
      tpu.vector_store %arg7[%parallel_loop3A_716, %parallel_loop3A_717, %parallel_loop3A_718], %parallel_loop3A_721 {strides = array<i32>} : memref<4x8x1024xf32, #tpu.memory_space<vmem>>, vector<1x1x16xf32>,
    } {sc.loop_unroll_factor = 4 : i64, sc.parallel_access}
    %add3A_260 = arith.constant 40 : i32
    %add3A_261 = arith.addi %mul3A_2, %add3A_260 : i32
    %dma_start3A_262 = arith.constant 0 : i32
    %dma_start3A_263 = arith.constant 0 : i32
    %dma_start3A_264 = tpu.memref_slice %arg4[%dma_start3A_262, %add3A_261, %dma_start3A_263] : memref<4x4096x1024xf32, #tpu.memory_space<hbm>> -> memref<4x8x1024xf32, #tpu.memory_space<hbm>>
    %dma_start3A_265 = arith.constant 0 : i32
    %dma_start3A_266 = arith.constant 0 : i32
    %dma_start3A_267 = tpu.memref_slice %arg4[%dma_start3A_265, %add3A_261, %dma_start3A_266] : memref<4x4096x1024xf32, #tpu.memory_space<hbm>> -> memref<4x8x1024xf32, #tpu.memory_space<hbm>>
    tpu.enqueue_dma source(%arg7 : memref<4x8x1024xf32, #tpu.memory_space<vmem>>) target(%dma_start3A_267 : memref<4x8x1024xf32, #tpu.memory_space<hbm>>) target_semaphore(%arg16 : memref<!tpu.dma_semaphore, #tpu.memory_space<semaphore_mem>>)
    %dma_wait3A_268 = arith.constant 0 : i32
    %dma_wait3A_269 = arith.constant 0 : i32
    %dma_wait3A_270 = tpu.memref_slice %arg4[%dma_wait3A_268, %add3A_261, %dma_wait3A_269] : memref<4x4096x1024xf32, #tpu.memory_space<hbm>> -> memref<4x8x1024xf32, #tpu.memory_space<hbm>>
    %dma_wait3A_271 = arith.constant 0 : i32
    %dma_wait3A_272 = arith.constant 0 : i32
    %dma_wait3A_273 = tpu.memref_slice %arg4[%dma_wait3A_271, %add3A_261, %dma_wait3A_272] : memref<4x4096x1024xf32, #tpu.memory_space<hbm>> -> memref<4x8x1024xf32, #tpu.memory_space<hbm>>
    tpu.wait_dma2 semaphore(%arg16 : memref<!tpu.dma_semaphore, #tpu.memory_space<semaphore_mem>>) src(%arg7 : memref<4x8x1024xf32, #tpu.memory_space<vmem>>) dst(%dma_wait3A_273 : memref<4x8x1024xf32, #tpu.memory_space<hbm>>)
    %add3A_274 = arith.constant 64 : i32
    %add3A_275 = arith.addi %mul3A_2, %add3A_274 : i32
    %dma_start3A_276 = arith.constant 0 : i32
    %dma_start3A_277 = arith.constant 0 : i32
    %dma_start3A_278 = tpu.memref_slice %arg2[%dma_start3A_276, %add3A_275, %dma_start3A_277] : memref<4x4096x1024xf32, #tpu.memory_space<hbm>> -> memref<4x8x1024xf32, #tpu.memory_space<hbm>>
    %dma_start3A_279 = arith.constant 0 : i32
    %dma_start3A_280 = arith.constant 0 : i32
    %dma_start3A_281 = tpu.memref_slice %arg2[%dma_start3A_279, %add3A_275, %dma_start3A_280] : memref<4x4096x1024xf32, #tpu.memory_space<hbm>> -> memref<4x8x1024xf32, #tpu.memory_space<hbm>>
    tpu.enqueue_dma source(%dma_start3A_281 : memref<4x8x1024xf32, #tpu.memory_space<hbm>>) target(%arg7 : memref<4x8x1024xf32, #tpu.memory_space<vmem>>) target_semaphore(%arg13 : memref<!tpu.dma_semaphore, #tpu.memory_space<semaphore_mem>>)
    %add3A_282 = arith.constant 64 : i32
    %add3A_283 = arith.addi %mul3A_2, %add3A_282 : i32
    %dma_start3A_284 = arith.constant 0 : i32
    %dma_start3A_285 = tpu.memref_slice %arg3[%add3A_283, %dma_start3A_284] : memref<8192x1024xf32, #tpu.memory_space<hbm>> -> memref<8x1024xf32, #tpu.memory_space<hbm>>
    %dma_start3A_286 = arith.constant 0 : i32
    %dma_start3A_287 = tpu.memref_slice %arg3[%add3A_283, %dma_start3A_286] : memref<8192x1024xf32, #tpu.memory_space<hbm>> -> memref<8x1024xf32, #tpu.memory_space<hbm>>
    tpu.enqueue_dma source(%dma_start3A_287 : memref<8x1024xf32, #tpu.memory_space<hbm>>) target(%arg10 : memref<8x1024xf32, #tpu.memory_space<vmem>>) target_semaphore(%arg19 : memref<!tpu.dma_semaphore, #tpu.memory_space<semaphore_mem>>)
    %dma_wait3A_288 = arith.constant 0 : i32
    %dma_wait3A_289 = tpu.memref_slice %arg3[%add3A_201, %dma_wait3A_288] : memref<8192x1024xf32, #tpu.memory_space<hbm>> -> memref<8x1024xf32, #tpu.memory_space<hbm>>
    %dma_wait3A_290 = arith.constant 0 : i32
    %dma_wait3A_291 = tpu.memref_slice %arg3[%add3A_201, %dma_wait3A_290] : memref<8192x1024xf32, #tpu.memory_space<hbm>> -> memref<8x1024xf32, #tpu.memory_space<hbm>>
    tpu.wait_dma2 semaphore(%arg17 : memref<!tpu.dma_semaphore, #tpu.memory_space<semaphore_mem>>) src(%dma_wait3A_291 : memref<8x1024xf32, #tpu.memory_space<hbm>>) dst(%arg8 : memref<8x1024xf32, #tpu.memory_space<vmem>>)
    %dma_wait3A_292 = arith.constant 0 : i32
    %dma_wait3A_293 = arith.constant 0 : i32
    %dma_wait3A_294 = tpu.memref_slice %arg2[%dma_wait3A_292, %add3A_193, %dma_wait3A_293] : memref<4x4096x1024xf32, #tpu.memory_space<hbm>> -> memref<4x8x1024xf32, #tpu.memory_space<hbm>>
    %dma_wait3A_295 = arith.constant 0 : i32
    %dma_wait3A_296 = arith.constant 0 : i32
    %dma_wait3A_297 = tpu.memref_slice %arg2[%dma_wait3A_295, %add3A_193, %dma_wait3A_296] : memref<4x4096x1024xf32, #tpu.memory_space<hbm>> -> memref<4x8x1024xf32, #tpu.memory_space<hbm>>
    tpu.wait_dma2 semaphore(%arg11 : memref<!tpu.dma_semaphore, #tpu.memory_space<semaphore_mem>>) src(%dma_wait3A_297 : memref<4x8x1024xf32, #tpu.memory_space<hbm>>) dst(%arg5 : memref<4x8x1024xf32, #tpu.memory_space<vmem>>)
    %parallel_loop3A_298 = arith.constant 0 : i32
    %parallel_loop3A_299 = arith.constant 8192 : i32
    %parallel_loop3A_300 = arith.constant 16 : i32
    scf.for %parallel_loop3A_656 = %parallel_loop3A_298 to %parallel_loop3A_299 step %parallel_loop3A_300  : i32 {
      %parallel_loop3A_657 = arith.constant 10 : i32
      %parallel_loop3A_658 = arith.shrui %parallel_loop3A_656, %parallel_loop3A_657 : i32
      %parallel_loop3A_659 = arith.constant 1023 : i32
      %parallel_loop3A_660 = arith.andi %parallel_loop3A_656, %parallel_loop3A_659 : i32
      %parallel_loop3A_661 = tpu.assume_multiple %parallel_loop3A_660, 16 : i32
      %parallel_loop3A_662 = arith.index_cast %parallel_loop3A_658 : i32 to index
      %parallel_loop3A_663 = arith.index_cast %parallel_loop3A_661 : i32 to index
      %parallel_loop3A_664 = tpu.vector_load %arg8[%parallel_loop3A_662, %parallel_loop3A_663] {strides = array<i32>} : memref<8x1024xf32, #tpu.memory_space<vmem>>, vector<1x16xf32>,
      %parallel_loop3A_665 = vector.shape_cast %parallel_loop3A_664 : vector<1x16xf32> to vector<16xf32>
      %parallel_loop3A_666 = arith.constant 0 : i32
      %parallel_loop3A_667 = arith.index_cast %parallel_loop3A_666 : i32 to index
      %parallel_loop3A_668 = arith.index_cast %parallel_loop3A_658 : i32 to index
      %parallel_loop3A_669 = arith.index_cast %parallel_loop3A_661 : i32 to index
      %parallel_loop3A_670 = tpu.vector_load %arg5[%parallel_loop3A_667, %parallel_loop3A_668, %parallel_loop3A_669] {strides = array<i32>} : memref<4x8x1024xf32, #tpu.memory_space<vmem>>, vector<1x1x16xf32>,
      %parallel_loop3A_671 = vector.shape_cast %parallel_loop3A_670 : vector<1x1x16xf32> to vector<16xf32>
      %parallel_loop3A_672 = arith.addf %parallel_loop3A_671, %parallel_loop3A_665 : vector<16xf32>
      %parallel_loop3A_673 = arith.constant 0 : i32
      %parallel_loop3A_674 = arith.index_cast %parallel_loop3A_673 : i32 to index
      %parallel_loop3A_675 = arith.index_cast %parallel_loop3A_658 : i32 to index
      %parallel_loop3A_676 = arith.index_cast %parallel_loop3A_661 : i32 to index
      %parallel_loop3A_677 = tpu.vector_load %arg5[%parallel_loop3A_674, %parallel_loop3A_675, %parallel_loop3A_676] {strides = array<i32>} : memref<4x8x1024xf32, #tpu.memory_space<vmem>>, vector<1x1x16xf32>,
      %parallel_loop3A_678 = vector.shape_cast %parallel_loop3A_677 : vector<1x1x16xf32> to vector<16xf32>
      %parallel_loop3A_679 = vector.shape_cast %parallel_loop3A_672 : vector<16xf32> to vector<1x1x16xf32>
      tpu.vector_store %arg5[%parallel_loop3A_674, %parallel_loop3A_675, %parallel_loop3A_676], %parallel_loop3A_679 {strides = array<i32>} : memref<4x8x1024xf32, #tpu.memory_space<vmem>>, vector<1x1x16xf32>,
      %parallel_loop3A_680 = arith.constant 1 : i32
      %parallel_loop3A_681 = arith.index_cast %parallel_loop3A_680 : i32 to index
      %parallel_loop3A_682 = arith.index_cast %parallel_loop3A_658 : i32 to index
      %parallel_loop3A_683 = arith.index_cast %parallel_loop3A_661 : i32 to index
      %parallel_loop3A_684 = tpu.vector_load %arg5[%parallel_loop3A_681, %parallel_loop3A_682, %parallel_loop3A_683] {strides = array<i32>} : memref<4x8x1024xf32, #tpu.memory_space<vmem>>, vector<1x1x16xf32>,
      %parallel_loop3A_685 = vector.shape_cast %parallel_loop3A_684 : vector<1x1x16xf32> to vector<16xf32>
      %parallel_loop3A_686 = arith.addf %parallel_loop3A_685, %parallel_loop3A_665 : vector<16xf32>
      %parallel_loop3A_687 = arith.constant 1 : i32
      %parallel_loop3A_688 = arith.index_cast %parallel_loop3A_687 : i32 to index
      %parallel_loop3A_689 = arith.index_cast %parallel_loop3A_658 : i32 to index
      %parallel_loop3A_690 = arith.index_cast %parallel_loop3A_661 : i32 to index
      %parallel_loop3A_691 = tpu.vector_load %arg5[%parallel_loop3A_688, %parallel_loop3A_689, %parallel_loop3A_690] {strides = array<i32>} : memref<4x8x1024xf32, #tpu.memory_space<vmem>>, vector<1x1x16xf32>,
      %parallel_loop3A_692 = vector.shape_cast %parallel_loop3A_691 : vector<1x1x16xf32> to vector<16xf32>
      %parallel_loop3A_693 = vector.shape_cast %parallel_loop3A_686 : vector<16xf32> to vector<1x1x16xf32>
      tpu.vector_store %arg5[%parallel_loop3A_688, %parallel_loop3A_689, %parallel_loop3A_690], %parallel_loop3A_693 {strides = array<i32>} : memref<4x8x1024xf32, #tpu.memory_space<vmem>>, vector<1x1x16xf32>,
      %parallel_loop3A_694 = arith.constant 2 : i32
      %parallel_loop3A_695 = arith.index_cast %parallel_loop3A_694 : i32 to index
      %parallel_loop3A_696 = arith.index_cast %parallel_loop3A_658 : i32 to index
      %parallel_loop3A_697 = arith.index_cast %parallel_loop3A_661 : i32 to index
      %parallel_loop3A_698 = tpu.vector_load %arg5[%parallel_loop3A_695, %parallel_loop3A_696, %parallel_loop3A_697] {strides = array<i32>} : memref<4x8x1024xf32, #tpu.memory_space<vmem>>, vector<1x1x16xf32>,
      %parallel_loop3A_699 = vector.shape_cast %parallel_loop3A_698 : vector<1x1x16xf32> to vector<16xf32>
      %parallel_loop3A_700 = arith.addf %parallel_loop3A_699, %parallel_loop3A_665 : vector<16xf32>
      %parallel_loop3A_701 = arith.constant 2 : i32
      %parallel_loop3A_702 = arith.index_cast %parallel_loop3A_701 : i32 to index
      %parallel_loop3A_703 = arith.index_cast %parallel_loop3A_658 : i32 to index
      %parallel_loop3A_704 = arith.index_cast %parallel_loop3A_661 : i32 to index
      %parallel_loop3A_705 = tpu.vector_load %arg5[%parallel_loop3A_702, %parallel_loop3A_703, %parallel_loop3A_704] {strides = array<i32>} : memref<4x8x1024xf32, #tpu.memory_space<vmem>>, vector<1x1x16xf32>,
      %parallel_loop3A_706 = vector.shape_cast %parallel_loop3A_705 : vector<1x1x16xf32> to vector<16xf32>
      %parallel_loop3A_707 = vector.shape_cast %parallel_loop3A_700 : vector<16xf32> to vector<1x1x16xf32>
      tpu.vector_store %arg5[%parallel_loop3A_702, %parallel_loop3A_703, %parallel_loop3A_704], %parallel_loop3A_707 {strides = array<i32>} : memref<4x8x1024xf32, #tpu.memory_space<vmem>>, vector<1x1x16xf32>,
      %parallel_loop3A_708 = arith.constant 3 : i32
      %parallel_loop3A_709 = arith.index_cast %parallel_loop3A_708 : i32 to index
      %parallel_loop3A_710 = arith.index_cast %parallel_loop3A_658 : i32 to index
      %parallel_loop3A_711 = arith.index_cast %parallel_loop3A_661 : i32 to index
      %parallel_loop3A_712 = tpu.vector_load %arg5[%parallel_loop3A_709, %parallel_loop3A_710, %parallel_loop3A_711] {strides = array<i32>} : memref<4x8x1024xf32, #tpu.memory_space<vmem>>, vector<1x1x16xf32>,
      %parallel_loop3A_713 = vector.shape_cast %parallel_loop3A_712 : vector<1x1x16xf32> to vector<16xf32>
      %parallel_loop3A_714 = arith.addf %parallel_loop3A_713, %parallel_loop3A_665 : vector<16xf32>
      %parallel_loop3A_715 = arith.constant 3 : i32
      %parallel_loop3A_716 = arith.index_cast %parallel_loop3A_715 : i32 to index
      %parallel_loop3A_717 = arith.index_cast %parallel_loop3A_658 : i32 to index
      %parallel_loop3A_718 = arith.index_cast %parallel_loop3A_661 : i32 to index
      %parallel_loop3A_719 = tpu.vector_load %arg5[%parallel_loop3A_716, %parallel_loop3A_717, %parallel_loop3A_718] {strides = array<i32>} : memref<4x8x1024xf32, #tpu.memory_space<vmem>>, vector<1x1x16xf32>,
      %parallel_loop3A_720 = vector.shape_cast %parallel_loop3A_719 : vector<1x1x16xf32> to vector<16xf32>
      %parallel_loop3A_721 = vector.shape_cast %parallel_loop3A_714 : vector<16xf32> to vector<1x1x16xf32>
      tpu.vector_store %arg5[%parallel_loop3A_716, %parallel_loop3A_717, %parallel_loop3A_718], %parallel_loop3A_721 {strides = array<i32>} : memref<4x8x1024xf32, #tpu.memory_space<vmem>>, vector<1x1x16xf32>,
    } {sc.loop_unroll_factor = 4 : i64, sc.parallel_access}
    %add3A_301 = arith.constant 48 : i32
    %add3A_302 = arith.addi %mul3A_2, %add3A_301 : i32
    %dma_start3A_303 = arith.constant 0 : i32
    %dma_start3A_304 = arith.constant 0 : i32
    %dma_start3A_305 = tpu.memref_slice %arg4[%dma_start3A_303, %add3A_302, %dma_start3A_304] : memref<4x4096x1024xf32, #tpu.memory_space<hbm>> -> memref<4x8x1024xf32, #tpu.memory_space<hbm>>
    %dma_start3A_306 = arith.constant 0 : i32
    %dma_start3A_307 = arith.constant 0 : i32
    %dma_start3A_308 = tpu.memref_slice %arg4[%dma_start3A_306, %add3A_302, %dma_start3A_307] : memref<4x4096x1024xf32, #tpu.memory_space<hbm>> -> memref<4x8x1024xf32, #tpu.memory_space<hbm>>
    tpu.enqueue_dma source(%arg5 : memref<4x8x1024xf32, #tpu.memory_space<vmem>>) target(%dma_start3A_308 : memref<4x8x1024xf32, #tpu.memory_space<hbm>>) target_semaphore(%arg14 : memref<!tpu.dma_semaphore, #tpu.memory_space<semaphore_mem>>)
    %dma_wait3A_309 = arith.constant 0 : i32
    %dma_wait3A_310 = arith.constant 0 : i32
    %dma_wait3A_311 = tpu.memref_slice %arg4[%dma_wait3A_309, %add3A_302, %dma_wait3A_310] : memref<4x4096x1024xf32, #tpu.memory_space<hbm>> -> memref<4x8x1024xf32, #tpu.memory_space<hbm>>
    %dma_wait3A_312 = arith.constant 0 : i32
    %dma_wait3A_313 = arith.constant 0 : i32
    %dma_wait3A_314 = tpu.memref_slice %arg4[%dma_wait3A_312, %add3A_302, %dma_wait3A_313] : memref<4x4096x1024xf32, #tpu.memory_space<hbm>> -> memref<4x8x1024xf32, #tpu.memory_space<hbm>>
    tpu.wait_dma2 semaphore(%arg14 : memref<!tpu.dma_semaphore, #tpu.memory_space<semaphore_mem>>) src(%arg5 : memref<4x8x1024xf32, #tpu.memory_space<vmem>>) dst(%dma_wait3A_314 : memref<4x8x1024xf32, #tpu.memory_space<hbm>>)
    %add3A_315 = arith.constant 72 : i32
    %add3A_316 = arith.addi %mul3A_2, %add3A_315 : i32
    %dma_start3A_317 = arith.constant 0 : i32
    %dma_start3A_318 = arith.constant 0 : i32
    %dma_start3A_319 = tpu.memref_slice %arg2[%dma_start3A_317, %add3A_316, %dma_start3A_318] : memref<4x4096x1024xf32, #tpu.memory_space<hbm>> -> memref<4x8x1024xf32, #tpu.memory_space<hbm>>
    %dma_start3A_320 = arith.constant 0 : i32
    %dma_start3A_321 = arith.constant 0 : i32
    %dma_start3A_322 = tpu.memref_slice %arg2[%dma_start3A_320, %add3A_316, %dma_start3A_321] : memref<4x4096x1024xf32, #tpu.memory_space<hbm>> -> memref<4x8x1024xf32, #tpu.memory_space<hbm>>
    tpu.enqueue_dma source(%dma_start3A_322 : memref<4x8x1024xf32, #tpu.memory_space<hbm>>) target(%arg5 : memref<4x8x1024xf32, #tpu.memory_space<vmem>>) target_semaphore(%arg11 : memref<!tpu.dma_semaphore, #tpu.memory_space<semaphore_mem>>)
    %add3A_323 = arith.constant 72 : i32
    %add3A_324 = arith.addi %mul3A_2, %add3A_323 : i32
    %dma_start3A_325 = arith.constant 0 : i32
    %dma_start3A_326 = tpu.memref_slice %arg3[%add3A_324, %dma_start3A_325] : memref<8192x1024xf32, #tpu.memory_space<hbm>> -> memref<8x1024xf32, #tpu.memory_space<hbm>>
    %dma_start3A_327 = arith.constant 0 : i32
    %dma_start3A_328 = tpu.memref_slice %arg3[%add3A_324, %dma_start3A_327] : memref<8192x1024xf32, #tpu.memory_space<hbm>> -> memref<8x1024xf32, #tpu.memory_space<hbm>>
    tpu.enqueue_dma source(%dma_start3A_328 : memref<8x1024xf32, #tpu.memory_space<hbm>>) target(%arg8 : memref<8x1024xf32, #tpu.memory_space<vmem>>) target_semaphore(%arg17 : memref<!tpu.dma_semaphore, #tpu.memory_space<semaphore_mem>>)
    %dma_wait3A_329 = arith.constant 0 : i32
    %dma_wait3A_330 = tpu.memref_slice %arg3[%add3A_242, %dma_wait3A_329] : memref<8192x1024xf32, #tpu.memory_space<hbm>> -> memref<8x1024xf32, #tpu.memory_space<hbm>>
    %dma_wait3A_331 = arith.constant 0 : i32
    %dma_wait3A_332 = tpu.memref_slice %arg3[%add3A_242, %dma_wait3A_331] : memref<8192x1024xf32, #tpu.memory_space<hbm>> -> memref<8x1024xf32, #tpu.memory_space<hbm>>
    tpu.wait_dma2 semaphore(%arg18 : memref<!tpu.dma_semaphore, #tpu.memory_space<semaphore_mem>>) src(%dma_wait3A_332 : memref<8x1024xf32, #tpu.memory_space<hbm>>) dst(%arg9 : memref<8x1024xf32, #tpu.memory_space<vmem>>)
    %dma_wait3A_333 = arith.constant 0 : i32
    %dma_wait3A_334 = arith.constant 0 : i32
    %dma_wait3A_335 = tpu.memref_slice %arg2[%dma_wait3A_333, %add3A_234, %dma_wait3A_334] : memref<4x4096x1024xf32, #tpu.memory_space<hbm>> -> memref<4x8x1024xf32, #tpu.memory_space<hbm>>
    %dma_wait3A_336 = arith.constant 0 : i32
    %dma_wait3A_337 = arith.constant 0 : i32
    %dma_wait3A_338 = tpu.memref_slice %arg2[%dma_wait3A_336, %add3A_234, %dma_wait3A_337] : memref<4x4096x1024xf32, #tpu.memory_space<hbm>> -> memref<4x8x1024xf32, #tpu.memory_space<hbm>>
    tpu.wait_dma2 semaphore(%arg12 : memref<!tpu.dma_semaphore, #tpu.memory_space<semaphore_mem>>) src(%dma_wait3A_338 : memref<4x8x1024xf32, #tpu.memory_space<hbm>>) dst(%arg6 : memref<4x8x1024xf32, #tpu.memory_space<vmem>>)
    %parallel_loop3A_339 = arith.constant 0 : i32
    %parallel_loop3A_340 = arith.constant 8192 : i32
    %parallel_loop3A_341 = arith.constant 16 : i32
    scf.for %parallel_loop3A_656 = %parallel_loop3A_339 to %parallel_loop3A_340 step %parallel_loop3A_341  : i32 {
      %parallel_loop3A_657 = arith.constant 10 : i32
      %parallel_loop3A_658 = arith.shrui %parallel_loop3A_656, %parallel_loop3A_657 : i32
      %parallel_loop3A_659 = arith.constant 1023 : i32
      %parallel_loop3A_660 = arith.andi %parallel_loop3A_656, %parallel_loop3A_659 : i32
      %parallel_loop3A_661 = tpu.assume_multiple %parallel_loop3A_660, 16 : i32
      %parallel_loop3A_662 = arith.index_cast %parallel_loop3A_658 : i32 to index
      %parallel_loop3A_663 = arith.index_cast %parallel_loop3A_661 : i32 to index
      %parallel_loop3A_664 = tpu.vector_load %arg9[%parallel_loop3A_662, %parallel_loop3A_663] {strides = array<i32>} : memref<8x1024xf32, #tpu.memory_space<vmem>>, vector<1x16xf32>,
      %parallel_loop3A_665 = vector.shape_cast %parallel_loop3A_664 : vector<1x16xf32> to vector<16xf32>
      %parallel_loop3A_666 = arith.constant 0 : i32
      %parallel_loop3A_667 = arith.index_cast %parallel_loop3A_666 : i32 to index
      %parallel_loop3A_668 = arith.index_cast %parallel_loop3A_658 : i32 to index
      %parallel_loop3A_669 = arith.index_cast %parallel_loop3A_661 : i32 to index
      %parallel_loop3A_670 = tpu.vector_load %arg6[%parallel_loop3A_667, %parallel_loop3A_668, %parallel_loop3A_669] {strides = array<i32>} : memref<4x8x1024xf32, #tpu.memory_space<vmem>>, vector<1x1x16xf32>,
      %parallel_loop3A_671 = vector.shape_cast %parallel_loop3A_670 : vector<1x1x16xf32> to vector<16xf32>
      %parallel_loop3A_672 = arith.addf %parallel_loop3A_671, %parallel_loop3A_665 : vector<16xf32>
      %parallel_loop3A_673 = arith.constant 0 : i32
      %parallel_loop3A_674 = arith.index_cast %parallel_loop3A_673 : i32 to index
      %parallel_loop3A_675 = arith.index_cast %parallel_loop3A_658 : i32 to index
      %parallel_loop3A_676 = arith.index_cast %parallel_loop3A_661 : i32 to index
      %parallel_loop3A_677 = tpu.vector_load %arg6[%parallel_loop3A_674, %parallel_loop3A_675, %parallel_loop3A_676] {strides = array<i32>} : memref<4x8x1024xf32, #tpu.memory_space<vmem>>, vector<1x1x16xf32>,
      %parallel_loop3A_678 = vector.shape_cast %parallel_loop3A_677 : vector<1x1x16xf32> to vector<16xf32>
      %parallel_loop3A_679 = vector.shape_cast %parallel_loop3A_672 : vector<16xf32> to vector<1x1x16xf32>
      tpu.vector_store %arg6[%parallel_loop3A_674, %parallel_loop3A_675, %parallel_loop3A_676], %parallel_loop3A_679 {strides = array<i32>} : memref<4x8x1024xf32, #tpu.memory_space<vmem>>, vector<1x1x16xf32>,
      %parallel_loop3A_680 = arith.constant 1 : i32
      %parallel_loop3A_681 = arith.index_cast %parallel_loop3A_680 : i32 to index
      %parallel_loop3A_682 = arith.index_cast %parallel_loop3A_658 : i32 to index
      %parallel_loop3A_683 = arith.index_cast %parallel_loop3A_661 : i32 to index
      %parallel_loop3A_684 = tpu.vector_load %arg6[%parallel_loop3A_681, %parallel_loop3A_682, %parallel_loop3A_683] {strides = array<i32>} : memref<4x8x1024xf32, #tpu.memory_space<vmem>>, vector<1x1x16xf32>,
      %parallel_loop3A_685 = vector.shape_cast %parallel_loop3A_684 : vector<1x1x16xf32> to vector<16xf32>
      %parallel_loop3A_686 = arith.addf %parallel_loop3A_685, %parallel_loop3A_665 : vector<16xf32>
      %parallel_loop3A_687 = arith.constant 1 : i32
      %parallel_loop3A_688 = arith.index_cast %parallel_loop3A_687 : i32 to index
      %parallel_loop3A_689 = arith.index_cast %parallel_loop3A_658 : i32 to index
      %parallel_loop3A_690 = arith.index_cast %parallel_loop3A_661 : i32 to index
      %parallel_loop3A_691 = tpu.vector_load %arg6[%parallel_loop3A_688, %parallel_loop3A_689, %parallel_loop3A_690] {strides = array<i32>} : memref<4x8x1024xf32, #tpu.memory_space<vmem>>, vector<1x1x16xf32>,
      %parallel_loop3A_692 = vector.shape_cast %parallel_loop3A_691 : vector<1x1x16xf32> to vector<16xf32>
      %parallel_loop3A_693 = vector.shape_cast %parallel_loop3A_686 : vector<16xf32> to vector<1x1x16xf32>
      tpu.vector_store %arg6[%parallel_loop3A_688, %parallel_loop3A_689, %parallel_loop3A_690], %parallel_loop3A_693 {strides = array<i32>} : memref<4x8x1024xf32, #tpu.memory_space<vmem>>, vector<1x1x16xf32>,
      %parallel_loop3A_694 = arith.constant 2 : i32
      %parallel_loop3A_695 = arith.index_cast %parallel_loop3A_694 : i32 to index
      %parallel_loop3A_696 = arith.index_cast %parallel_loop3A_658 : i32 to index
      %parallel_loop3A_697 = arith.index_cast %parallel_loop3A_661 : i32 to index
      %parallel_loop3A_698 = tpu.vector_load %arg6[%parallel_loop3A_695, %parallel_loop3A_696, %parallel_loop3A_697] {strides = array<i32>} : memref<4x8x1024xf32, #tpu.memory_space<vmem>>, vector<1x1x16xf32>,
      %parallel_loop3A_699 = vector.shape_cast %parallel_loop3A_698 : vector<1x1x16xf32> to vector<16xf32>
      %parallel_loop3A_700 = arith.addf %parallel_loop3A_699, %parallel_loop3A_665 : vector<16xf32>
      %parallel_loop3A_701 = arith.constant 2 : i32
      %parallel_loop3A_702 = arith.index_cast %parallel_loop3A_701 : i32 to index
      %parallel_loop3A_703 = arith.index_cast %parallel_loop3A_658 : i32 to index
      %parallel_loop3A_704 = arith.index_cast %parallel_loop3A_661 : i32 to index
      %parallel_loop3A_705 = tpu.vector_load %arg6[%parallel_loop3A_702, %parallel_loop3A_703, %parallel_loop3A_704] {strides = array<i32>} : memref<4x8x1024xf32, #tpu.memory_space<vmem>>, vector<1x1x16xf32>,
      %parallel_loop3A_706 = vector.shape_cast %parallel_loop3A_705 : vector<1x1x16xf32> to vector<16xf32>
      %parallel_loop3A_707 = vector.shape_cast %parallel_loop3A_700 : vector<16xf32> to vector<1x1x16xf32>
      tpu.vector_store %arg6[%parallel_loop3A_702, %parallel_loop3A_703, %parallel_loop3A_704], %parallel_loop3A_707 {strides = array<i32>} : memref<4x8x1024xf32, #tpu.memory_space<vmem>>, vector<1x1x16xf32>,
      %parallel_loop3A_708 = arith.constant 3 : i32
      %parallel_loop3A_709 = arith.index_cast %parallel_loop3A_708 : i32 to index
      %parallel_loop3A_710 = arith.index_cast %parallel_loop3A_658 : i32 to index
      %parallel_loop3A_711 = arith.index_cast %parallel_loop3A_661 : i32 to index
      %parallel_loop3A_712 = tpu.vector_load %arg6[%parallel_loop3A_709, %parallel_loop3A_710, %parallel_loop3A_711] {strides = array<i32>} : memref<4x8x1024xf32, #tpu.memory_space<vmem>>, vector<1x1x16xf32>,
      %parallel_loop3A_713 = vector.shape_cast %parallel_loop3A_712 : vector<1x1x16xf32> to vector<16xf32>
      %parallel_loop3A_714 = arith.addf %parallel_loop3A_713, %parallel_loop3A_665 : vector<16xf32>
      %parallel_loop3A_715 = arith.constant 3 : i32
      %parallel_loop3A_716 = arith.index_cast %parallel_loop3A_715 : i32 to index
      %parallel_loop3A_717 = arith.index_cast %parallel_loop3A_658 : i32 to index
      %parallel_loop3A_718 = arith.index_cast %parallel_loop3A_661 : i32 to index
      %parallel_loop3A_719 = tpu.vector_load %arg6[%parallel_loop3A_716, %parallel_loop3A_717, %parallel_loop3A_718] {strides = array<i32>} : memref<4x8x1024xf32, #tpu.memory_space<vmem>>, vector<1x1x16xf32>,
      %parallel_loop3A_720 = vector.shape_cast %parallel_loop3A_719 : vector<1x1x16xf32> to vector<16xf32>
      %parallel_loop3A_721 = vector.shape_cast %parallel_loop3A_714 : vector<16xf32> to vector<1x1x16xf32>
      tpu.vector_store %arg6[%parallel_loop3A_716, %parallel_loop3A_717, %parallel_loop3A_718], %parallel_loop3A_721 {strides = array<i32>} : memref<4x8x1024xf32, #tpu.memory_space<vmem>>, vector<1x1x16xf32>,
    } {sc.loop_unroll_factor = 4 : i64, sc.parallel_access}
    %add3A_342 = arith.constant 56 : i32
    %add3A_343 = arith.addi %mul3A_2, %add3A_342 : i32
    %dma_start3A_344 = arith.constant 0 : i32
    %dma_start3A_345 = arith.constant 0 : i32
    %dma_start3A_346 = tpu.memref_slice %arg4[%dma_start3A_344, %add3A_343, %dma_start3A_345] : memref<4x4096x1024xf32, #tpu.memory_space<hbm>> -> memref<4x8x1024xf32, #tpu.memory_space<hbm>>
    %dma_start3A_347 = arith.constant 0 : i32
    %dma_start3A_348 = arith.constant 0 : i32
    %dma_start3A_349 = tpu.memref_slice %arg4[%dma_start3A_347, %add3A_343, %dma_start3A_348] : memref<4x4096x1024xf32, #tpu.memory_space<hbm>> -> memref<4x8x1024xf32, #tpu.memory_space<hbm>>
    tpu.enqueue_dma source(%arg6 : memref<4x8x1024xf32, #tpu.memory_space<vmem>>) target(%dma_start3A_349 : memref<4x8x1024xf32, #tpu.memory_space<hbm>>) target_semaphore(%arg15 : memref<!tpu.dma_semaphore, #tpu.memory_space<semaphore_mem>>)
    %dma_wait3A_350 = arith.constant 0 : i32
    %dma_wait3A_351 = arith.constant 0 : i32
    %dma_wait3A_352 = tpu.memref_slice %arg4[%dma_wait3A_350, %add3A_343, %dma_wait3A_351] : memref<4x4096x1024xf32, #tpu.memory_space<hbm>> -> memref<4x8x1024xf32, #tpu.memory_space<hbm>>
    %dma_wait3A_353 = arith.constant 0 : i32
    %dma_wait3A_354 = arith.constant 0 : i32
    %dma_wait3A_355 = tpu.memref_slice %arg4[%dma_wait3A_353, %add3A_343, %dma_wait3A_354] : memref<4x4096x1024xf32, #tpu.memory_space<hbm>> -> memref<4x8x1024xf32, #tpu.memory_space<hbm>>
    tpu.wait_dma2 semaphore(%arg15 : memref<!tpu.dma_semaphore, #tpu.memory_space<semaphore_mem>>) src(%arg6 : memref<4x8x1024xf32, #tpu.memory_space<vmem>>) dst(%dma_wait3A_355 : memref<4x8x1024xf32, #tpu.memory_space<hbm>>)
    %add3A_356 = arith.constant 80 : i32
    %add3A_357 = arith.addi %mul3A_2, %add3A_356 : i32
    %dma_start3A_358 = arith.constant 0 : i32
    %dma_start3A_359 = arith.constant 0 : i32
    %dma_start3A_360 = tpu.memref_slice %arg2[%dma_start3A_358, %add3A_357, %dma_start3A_359] : memref<4x4096x1024xf32, #tpu.memory_space<hbm>> -> memref<4x8x1024xf32, #tpu.memory_space<hbm>>
    %dma_start3A_361 = arith.constant 0 : i32
    %dma_start3A_362 = arith.constant 0 : i32
    %dma_start3A_363 = tpu.memref_slice %arg2[%dma_start3A_361, %add3A_357, %dma_start3A_362] : memref<4x4096x1024xf32, #tpu.memory_space<hbm>> -> memref<4x8x1024xf32, #tpu.memory_space<hbm>>
    tpu.enqueue_dma source(%dma_start3A_363 : memref<4x8x1024xf32, #tpu.memory_space<hbm>>) target(%arg6 : memref<4x8x1024xf32, #tpu.memory_space<vmem>>) target_semaphore(%arg12 : memref<!tpu.dma_semaphore, #tpu.memory_space<semaphore_mem>>)
    %add3A_364 = arith.constant 80 : i32
    %add3A_365 = arith.addi %mul3A_2, %add3A_364 : i32
    %dma_start3A_366 = arith.constant 0 : i32
    %dma_start3A_367 = tpu.memref_slice %arg3[%add3A_365, %dma_start3A_366] : memref<8192x1024xf32, #tpu.memory_space<hbm>> -> memref<8x1024xf32, #tpu.memory_space<hbm>>
    %dma_start3A_368 = arith.constant 0 : i32
    %dma_start3A_369 = tpu.memref_slice %arg3[%add3A_365, %dma_start3A_368] : memref<8192x1024xf32, #tpu.memory_space<hbm>> -> memref<8x1024xf32, #tpu.memory_space<hbm>>
    tpu.enqueue_dma source(%dma_start3A_369 : memref<8x1024xf32, #tpu.memory_space<hbm>>) target(%arg9 : memref<8x1024xf32, #tpu.memory_space<vmem>>) target_semaphore(%arg18 : memref<!tpu.dma_semaphore, #tpu.memory_space<semaphore_mem>>)
    %dma_wait3A_370 = arith.constant 0 : i32
    %dma_wait3A_371 = tpu.memref_slice %arg3[%add3A_283, %dma_wait3A_370] : memref<8192x1024xf32, #tpu.memory_space<hbm>> -> memref<8x1024xf32, #tpu.memory_space<hbm>>
    %dma_wait3A_372 = arith.constant 0 : i32
    %dma_wait3A_373 = tpu.memref_slice %arg3[%add3A_283, %dma_wait3A_372] : memref<8192x1024xf32, #tpu.memory_space<hbm>> -> memref<8x1024xf32, #tpu.memory_space<hbm>>
    tpu.wait_dma2 semaphore(%arg19 : memref<!tpu.dma_semaphore, #tpu.memory_space<semaphore_mem>>) src(%dma_wait3A_373 : memref<8x1024xf32, #tpu.memory_space<hbm>>) dst(%arg10 : memref<8x1024xf32, #tpu.memory_space<vmem>>)
    %dma_wait3A_374 = arith.constant 0 : i32
    %dma_wait3A_375 = arith.constant 0 : i32
    %dma_wait3A_376 = tpu.memref_slice %arg2[%dma_wait3A_374, %add3A_275, %dma_wait3A_375] : memref<4x4096x1024xf32, #tpu.memory_space<hbm>> -> memref<4x8x1024xf32, #tpu.memory_space<hbm>>
    %dma_wait3A_377 = arith.constant 0 : i32
    %dma_wait3A_378 = arith.constant 0 : i32
    %dma_wait3A_379 = tpu.memref_slice %arg2[%dma_wait3A_377, %add3A_275, %dma_wait3A_378] : memref<4x4096x1024xf32, #tpu.memory_space<hbm>> -> memref<4x8x1024xf32, #tpu.memory_space<hbm>>
    tpu.wait_dma2 semaphore(%arg13 : memref<!tpu.dma_semaphore, #tpu.memory_space<semaphore_mem>>) src(%dma_wait3A_379 : memref<4x8x1024xf32, #tpu.memory_space<hbm>>) dst(%arg7 : memref<4x8x1024xf32, #tpu.memory_space<vmem>>)
    %parallel_loop3A_380 = arith.constant 0 : i32
    %parallel_loop3A_381 = arith.constant 8192 : i32
    %parallel_loop3A_382 = arith.constant 16 : i32
    scf.for %parallel_loop3A_656 = %parallel_loop3A_380 to %parallel_loop3A_381 step %parallel_loop3A_382  : i32 {
      %parallel_loop3A_657 = arith.constant 10 : i32
      %parallel_loop3A_658 = arith.shrui %parallel_loop3A_656, %parallel_loop3A_657 : i32
      %parallel_loop3A_659 = arith.constant 1023 : i32
      %parallel_loop3A_660 = arith.andi %parallel_loop3A_656, %parallel_loop3A_659 : i32
      %parallel_loop3A_661 = tpu.assume_multiple %parallel_loop3A_660, 16 : i32
      %parallel_loop3A_662 = arith.index_cast %parallel_loop3A_658 : i32 to index
      %parallel_loop3A_663 = arith.index_cast %parallel_loop3A_661 : i32 to index
      %parallel_loop3A_664 = tpu.vector_load %arg10[%parallel_loop3A_662, %parallel_loop3A_663] {strides = array<i32>} : memref<8x1024xf32, #tpu.memory_space<vmem>>, vector<1x16xf32>,
      %parallel_loop3A_665 = vector.shape_cast %parallel_loop3A_664 : vector<1x16xf32> to vector<16xf32>
      %parallel_loop3A_666 = arith.constant 0 : i32
      %parallel_loop3A_667 = arith.index_cast %parallel_loop3A_666 : i32 to index
      %parallel_loop3A_668 = arith.index_cast %parallel_loop3A_658 : i32 to index
      %parallel_loop3A_669 = arith.index_cast %parallel_loop3A_661 : i32 to index
      %parallel_loop3A_670 = tpu.vector_load %arg7[%parallel_loop3A_667, %parallel_loop3A_668, %parallel_loop3A_669] {strides = array<i32>} : memref<4x8x1024xf32, #tpu.memory_space<vmem>>, vector<1x1x16xf32>,
      %parallel_loop3A_671 = vector.shape_cast %parallel_loop3A_670 : vector<1x1x16xf32> to vector<16xf32>
      %parallel_loop3A_672 = arith.addf %parallel_loop3A_671, %parallel_loop3A_665 : vector<16xf32>
      %parallel_loop3A_673 = arith.constant 0 : i32
      %parallel_loop3A_674 = arith.index_cast %parallel_loop3A_673 : i32 to index
      %parallel_loop3A_675 = arith.index_cast %parallel_loop3A_658 : i32 to index
      %parallel_loop3A_676 = arith.index_cast %parallel_loop3A_661 : i32 to index
      %parallel_loop3A_677 = tpu.vector_load %arg7[%parallel_loop3A_674, %parallel_loop3A_675, %parallel_loop3A_676] {strides = array<i32>} : memref<4x8x1024xf32, #tpu.memory_space<vmem>>, vector<1x1x16xf32>,
      %parallel_loop3A_678 = vector.shape_cast %parallel_loop3A_677 : vector<1x1x16xf32> to vector<16xf32>
      %parallel_loop3A_679 = vector.shape_cast %parallel_loop3A_672 : vector<16xf32> to vector<1x1x16xf32>
      tpu.vector_store %arg7[%parallel_loop3A_674, %parallel_loop3A_675, %parallel_loop3A_676], %parallel_loop3A_679 {strides = array<i32>} : memref<4x8x1024xf32, #tpu.memory_space<vmem>>, vector<1x1x16xf32>,
      %parallel_loop3A_680 = arith.constant 1 : i32
      %parallel_loop3A_681 = arith.index_cast %parallel_loop3A_680 : i32 to index
      %parallel_loop3A_682 = arith.index_cast %parallel_loop3A_658 : i32 to index
      %parallel_loop3A_683 = arith.index_cast %parallel_loop3A_661 : i32 to index
      %parallel_loop3A_684 = tpu.vector_load %arg7[%parallel_loop3A_681, %parallel_loop3A_682, %parallel_loop3A_683] {strides = array<i32>} : memref<4x8x1024xf32, #tpu.memory_space<vmem>>, vector<1x1x16xf32>,
      %parallel_loop3A_685 = vector.shape_cast %parallel_loop3A_684 : vector<1x1x16xf32> to vector<16xf32>
      %parallel_loop3A_686 = arith.addf %parallel_loop3A_685, %parallel_loop3A_665 : vector<16xf32>
      %parallel_loop3A_687 = arith.constant 1 : i32
      %parallel_loop3A_688 = arith.index_cast %parallel_loop3A_687 : i32 to index
      %parallel_loop3A_689 = arith.index_cast %parallel_loop3A_658 : i32 to index
      %parallel_loop3A_690 = arith.index_cast %parallel_loop3A_661 : i32 to index
      %parallel_loop3A_691 = tpu.vector_load %arg7[%parallel_loop3A_688, %parallel_loop3A_689, %parallel_loop3A_690] {strides = array<i32>} : memref<4x8x1024xf32, #tpu.memory_space<vmem>>, vector<1x1x16xf32>,
      %parallel_loop3A_692 = vector.shape_cast %parallel_loop3A_691 : vector<1x1x16xf32> to vector<16xf32>
      %parallel_loop3A_693 = vector.shape_cast %parallel_loop3A_686 : vector<16xf32> to vector<1x1x16xf32>
      tpu.vector_store %arg7[%parallel_loop3A_688, %parallel_loop3A_689, %parallel_loop3A_690], %parallel_loop3A_693 {strides = array<i32>} : memref<4x8x1024xf32, #tpu.memory_space<vmem>>, vector<1x1x16xf32>,
      %parallel_loop3A_694 = arith.constant 2 : i32
      %parallel_loop3A_695 = arith.index_cast %parallel_loop3A_694 : i32 to index
      %parallel_loop3A_696 = arith.index_cast %parallel_loop3A_658 : i32 to index
      %parallel_loop3A_697 = arith.index_cast %parallel_loop3A_661 : i32 to index
      %parallel_loop3A_698 = tpu.vector_load %arg7[%parallel_loop3A_695, %parallel_loop3A_696, %parallel_loop3A_697] {strides = array<i32>} : memref<4x8x1024xf32, #tpu.memory_space<vmem>>, vector<1x1x16xf32>,
      %parallel_loop3A_699 = vector.shape_cast %parallel_loop3A_698 : vector<1x1x16xf32> to vector<16xf32>
      %parallel_loop3A_700 = arith.addf %parallel_loop3A_699, %parallel_loop3A_665 : vector<16xf32>
      %parallel_loop3A_701 = arith.constant 2 : i32
      %parallel_loop3A_702 = arith.index_cast %parallel_loop3A_701 : i32 to index
      %parallel_loop3A_703 = arith.index_cast %parallel_loop3A_658 : i32 to index
      %parallel_loop3A_704 = arith.index_cast %parallel_loop3A_661 : i32 to index
      %parallel_loop3A_705 = tpu.vector_load %arg7[%parallel_loop3A_702, %parallel_loop3A_703, %parallel_loop3A_704] {strides = array<i32>} : memref<4x8x1024xf32, #tpu.memory_space<vmem>>, vector<1x1x16xf32>,
      %parallel_loop3A_706 = vector.shape_cast %parallel_loop3A_705 : vector<1x1x16xf32> to vector<16xf32>
      %parallel_loop3A_707 = vector.shape_cast %parallel_loop3A_700 : vector<16xf32> to vector<1x1x16xf32>
      tpu.vector_store %arg7[%parallel_loop3A_702, %parallel_loop3A_703, %parallel_loop3A_704], %parallel_loop3A_707 {strides = array<i32>} : memref<4x8x1024xf32, #tpu.memory_space<vmem>>, vector<1x1x16xf32>,
      %parallel_loop3A_708 = arith.constant 3 : i32
      %parallel_loop3A_709 = arith.index_cast %parallel_loop3A_708 : i32 to index
      %parallel_loop3A_710 = arith.index_cast %parallel_loop3A_658 : i32 to index
      %parallel_loop3A_711 = arith.index_cast %parallel_loop3A_661 : i32 to index
      %parallel_loop3A_712 = tpu.vector_load %arg7[%parallel_loop3A_709, %parallel_loop3A_710, %parallel_loop3A_711] {strides = array<i32>} : memref<4x8x1024xf32, #tpu.memory_space<vmem>>, vector<1x1x16xf32>,
      %parallel_loop3A_713 = vector.shape_cast %parallel_loop3A_712 : vector<1x1x16xf32> to vector<16xf32>
      %parallel_loop3A_714 = arith.addf %parallel_loop3A_713, %parallel_loop3A_665 : vector<16xf32>
      %parallel_loop3A_715 = arith.constant 3 : i32
      %parallel_loop3A_716 = arith.index_cast %parallel_loop3A_715 : i32 to index
      %parallel_loop3A_717 = arith.index_cast %parallel_loop3A_658 : i32 to index
      %parallel_loop3A_718 = arith.index_cast %parallel_loop3A_661 : i32 to index
      %parallel_loop3A_719 = tpu.vector_load %arg7[%parallel_loop3A_716, %parallel_loop3A_717, %parallel_loop3A_718] {strides = array<i32>} : memref<4x8x1024xf32, #tpu.memory_space<vmem>>, vector<1x1x16xf32>,
      %parallel_loop3A_720 = vector.shape_cast %parallel_loop3A_719 : vector<1x1x16xf32> to vector<16xf32>
      %parallel_loop3A_721 = vector.shape_cast %parallel_loop3A_714 : vector<16xf32> to vector<1x1x16xf32>
      tpu.vector_store %arg7[%parallel_loop3A_716, %parallel_loop3A_717, %parallel_loop3A_718], %parallel_loop3A_721 {strides = array<i32>} : memref<4x8x1024xf32, #tpu.memory_space<vmem>>, vector<1x1x16xf32>,
    } {sc.loop_unroll_factor = 4 : i64, sc.parallel_access}
    %add3A_383 = arith.constant 64 : i32
    %add3A_384 = arith.addi %mul3A_2, %add3A_383 : i32
    %dma_start3A_385 = arith.constant 0 : i32
    %dma_start3A_386 = arith.constant 0 : i32
    %dma_start3A_387 = tpu.memref_slice %arg4[%dma_start3A_385, %add3A_384, %dma_start3A_386] : memref<4x4096x1024xf32, #tpu.memory_space<hbm>> -> memref<4x8x1024xf32, #tpu.memory_space<hbm>>
    %dma_start3A_388 = arith.constant 0 : i32
    %dma_start3A_389 = arith.constant 0 : i32
    %dma_start3A_390 = tpu.memref_slice %arg4[%dma_start3A_388, %add3A_384, %dma_start3A_389] : memref<4x4096x1024xf32, #tpu.memory_space<hbm>> -> memref<4x8x1024xf32, #tpu.memory_space<hbm>>
    tpu.enqueue_dma source(%arg7 : memref<4x8x1024xf32, #tpu.memory_space<vmem>>) target(%dma_start3A_390 : memref<4x8x1024xf32, #tpu.memory_space<hbm>>) target_semaphore(%arg16 : memref<!tpu.dma_semaphore, #tpu.memory_space<semaphore_mem>>)
    %dma_wait3A_391 = arith.constant 0 : i32
    %dma_wait3A_392 = arith.constant 0 : i32
    %dma_wait3A_393 = tpu.memref_slice %arg4[%dma_wait3A_391, %add3A_384, %dma_wait3A_392] : memref<4x4096x1024xf32, #tpu.memory_space<hbm>> -> memref<4x8x1024xf32, #tpu.memory_space<hbm>>
    %dma_wait3A_394 = arith.constant 0 : i32
    %dma_wait3A_395 = arith.constant 0 : i32
    %dma_wait3A_396 = tpu.memref_slice %arg4[%dma_wait3A_394, %add3A_384, %dma_wait3A_395] : memref<4x4096x1024xf32, #tpu.memory_space<hbm>> -> memref<4x8x1024xf32, #tpu.memory_space<hbm>>
    tpu.wait_dma2 semaphore(%arg16 : memref<!tpu.dma_semaphore, #tpu.memory_space<semaphore_mem>>) src(%arg7 : memref<4x8x1024xf32, #tpu.memory_space<vmem>>) dst(%dma_wait3A_396 : memref<4x8x1024xf32, #tpu.memory_space<hbm>>)
    %add3A_397 = arith.constant 88 : i32
    %add3A_398 = arith.addi %mul3A_2, %add3A_397 : i32
    %dma_start3A_399 = arith.constant 0 : i32
    %dma_start3A_400 = arith.constant 0 : i32
    %dma_start3A_401 = tpu.memref_slice %arg2[%dma_start3A_399, %add3A_398, %dma_start3A_400] : memref<4x4096x1024xf32, #tpu.memory_space<hbm>> -> memref<4x8x1024xf32, #tpu.memory_space<hbm>>
    %dma_start3A_402 = arith.constant 0 : i32
    %dma_start3A_403 = arith.constant 0 : i32
    %dma_start3A_404 = tpu.memref_slice %arg2[%dma_start3A_402, %add3A_398, %dma_start3A_403] : memref<4x4096x1024xf32, #tpu.memory_space<hbm>> -> memref<4x8x1024xf32, #tpu.memory_space<hbm>>
    tpu.enqueue_dma source(%dma_start3A_404 : memref<4x8x1024xf32, #tpu.memory_space<hbm>>) target(%arg7 : memref<4x8x1024xf32, #tpu.memory_space<vmem>>) target_semaphore(%arg13 : memref<!tpu.dma_semaphore, #tpu.memory_space<semaphore_mem>>)
    %add3A_405 = arith.constant 88 : i32
    %add3A_406 = arith.addi %mul3A_2, %add3A_405 : i32
    %dma_start3A_407 = arith.constant 0 : i32
    %dma_start3A_408 = tpu.memref_slice %arg3[%add3A_406, %dma_start3A_407] : memref<8192x1024xf32, #tpu.memory_space<hbm>> -> memref<8x1024xf32, #tpu.memory_space<hbm>>
    %dma_start3A_409 = arith.constant 0 : i32
    %dma_start3A_410 = tpu.memref_slice %arg3[%add3A_406, %dma_start3A_409] : memref<8192x1024xf32, #tpu.memory_space<hbm>> -> memref<8x1024xf32, #tpu.memory_space<hbm>>
    tpu.enqueue_dma source(%dma_start3A_410 : memref<8x1024xf32, #tpu.memory_space<hbm>>) target(%arg10 : memref<8x1024xf32, #tpu.memory_space<vmem>>) target_semaphore(%arg19 : memref<!tpu.dma_semaphore, #tpu.memory_space<semaphore_mem>>)
    %dma_wait3A_411 = arith.constant 0 : i32
    %dma_wait3A_412 = tpu.memref_slice %arg3[%add3A_324, %dma_wait3A_411] : memref<8192x1024xf32, #tpu.memory_space<hbm>> -> memref<8x1024xf32, #tpu.memory_space<hbm>>
    %dma_wait3A_413 = arith.constant 0 : i32
    %dma_wait3A_414 = tpu.memref_slice %arg3[%add3A_324, %dma_wait3A_413] : memref<8192x1024xf32, #tpu.memory_space<hbm>> -> memref<8x1024xf32, #tpu.memory_space<hbm>>
    tpu.wait_dma2 semaphore(%arg17 : memref<!tpu.dma_semaphore, #tpu.memory_space<semaphore_mem>>) src(%dma_wait3A_414 : memref<8x1024xf32, #tpu.memory_space<hbm>>) dst(%arg8 : memref<8x1024xf32, #tpu.memory_space<vmem>>)
    %dma_wait3A_415 = arith.constant 0 : i32
    %dma_wait3A_416 = arith.constant 0 : i32
    %dma_wait3A_417 = tpu.memref_slice %arg2[%dma_wait3A_415, %add3A_316, %dma_wait3A_416] : memref<4x4096x1024xf32, #tpu.memory_space<hbm>> -> memref<4x8x1024xf32, #tpu.memory_space<hbm>>
    %dma_wait3A_418 = arith.constant 0 : i32
    %dma_wait3A_419 = arith.constant 0 : i32
    %dma_wait3A_420 = tpu.memref_slice %arg2[%dma_wait3A_418, %add3A_316, %dma_wait3A_419] : memref<4x4096x1024xf32, #tpu.memory_space<hbm>> -> memref<4x8x1024xf32, #tpu.memory_space<hbm>>
    tpu.wait_dma2 semaphore(%arg11 : memref<!tpu.dma_semaphore, #tpu.memory_space<semaphore_mem>>) src(%dma_wait3A_420 : memref<4x8x1024xf32, #tpu.memory_space<hbm>>) dst(%arg5 : memref<4x8x1024xf32, #tpu.memory_space<vmem>>)
    %parallel_loop3A_421 = arith.constant 0 : i32
    %parallel_loop3A_422 = arith.constant 8192 : i32
    %parallel_loop3A_423 = arith.constant 16 : i32
    scf.for %parallel_loop3A_656 = %parallel_loop3A_421 to %parallel_loop3A_422 step %parallel_loop3A_423  : i32 {
      %parallel_loop3A_657 = arith.constant 10 : i32
      %parallel_loop3A_658 = arith.shrui %parallel_loop3A_656, %parallel_loop3A_657 : i32
      %parallel_loop3A_659 = arith.constant 1023 : i32
      %parallel_loop3A_660 = arith.andi %parallel_loop3A_656, %parallel_loop3A_659 : i32
      %parallel_loop3A_661 = tpu.assume_multiple %parallel_loop3A_660, 16 : i32
      %parallel_loop3A_662 = arith.index_cast %parallel_loop3A_658 : i32 to index
      %parallel_loop3A_663 = arith.index_cast %parallel_loop3A_661 : i32 to index
      %parallel_loop3A_664 = tpu.vector_load %arg8[%parallel_loop3A_662, %parallel_loop3A_663] {strides = array<i32>} : memref<8x1024xf32, #tpu.memory_space<vmem>>, vector<1x16xf32>,
      %parallel_loop3A_665 = vector.shape_cast %parallel_loop3A_664 : vector<1x16xf32> to vector<16xf32>
      %parallel_loop3A_666 = arith.constant 0 : i32
      %parallel_loop3A_667 = arith.index_cast %parallel_loop3A_666 : i32 to index
      %parallel_loop3A_668 = arith.index_cast %parallel_loop3A_658 : i32 to index
      %parallel_loop3A_669 = arith.index_cast %parallel_loop3A_661 : i32 to index
      %parallel_loop3A_670 = tpu.vector_load %arg5[%parallel_loop3A_667, %parallel_loop3A_668, %parallel_loop3A_669] {strides = array<i32>} : memref<4x8x1024xf32, #tpu.memory_space<vmem>>, vector<1x1x16xf32>,
      %parallel_loop3A_671 = vector.shape_cast %parallel_loop3A_670 : vector<1x1x16xf32> to vector<16xf32>
      %parallel_loop3A_672 = arith.addf %parallel_loop3A_671, %parallel_loop3A_665 : vector<16xf32>
      %parallel_loop3A_673 = arith.constant 0 : i32
      %parallel_loop3A_674 = arith.index_cast %parallel_loop3A_673 : i32 to index
      %parallel_loop3A_675 = arith.index_cast %parallel_loop3A_658 : i32 to index
      %parallel_loop3A_676 = arith.index_cast %parallel_loop3A_661 : i32 to index
      %parallel_loop3A_677 = tpu.vector_load %arg5[%parallel_loop3A_674, %parallel_loop3A_675, %parallel_loop3A_676] {strides = array<i32>} : memref<4x8x1024xf32, #tpu.memory_space<vmem>>, vector<1x1x16xf32>,
      %parallel_loop3A_678 = vector.shape_cast %parallel_loop3A_677 : vector<1x1x16xf32> to vector<16xf32>
      %parallel_loop3A_679 = vector.shape_cast %parallel_loop3A_672 : vector<16xf32> to vector<1x1x16xf32>
      tpu.vector_store %arg5[%parallel_loop3A_674, %parallel_loop3A_675, %parallel_loop3A_676], %parallel_loop3A_679 {strides = array<i32>} : memref<4x8x1024xf32, #tpu.memory_space<vmem>>, vector<1x1x16xf32>,
      %parallel_loop3A_680 = arith.constant 1 : i32
      %parallel_loop3A_681 = arith.index_cast %parallel_loop3A_680 : i32 to index
      %parallel_loop3A_682 = arith.index_cast %parallel_loop3A_658 : i32 to index
      %parallel_loop3A_683 = arith.index_cast %parallel_loop3A_661 : i32 to index
      %parallel_loop3A_684 = tpu.vector_load %arg5[%parallel_loop3A_681, %parallel_loop3A_682, %parallel_loop3A_683] {strides = array<i32>} : memref<4x8x1024xf32, #tpu.memory_space<vmem>>, vector<1x1x16xf32>,
      %parallel_loop3A_685 = vector.shape_cast %parallel_loop3A_684 : vector<1x1x16xf32> to vector<16xf32>
      %parallel_loop3A_686 = arith.addf %parallel_loop3A_685, %parallel_loop3A_665 : vector<16xf32>
      %parallel_loop3A_687 = arith.constant 1 : i32
      %parallel_loop3A_688 = arith.index_cast %parallel_loop3A_687 : i32 to index
      %parallel_loop3A_689 = arith.index_cast %parallel_loop3A_658 : i32 to index
      %parallel_loop3A_690 = arith.index_cast %parallel_loop3A_661 : i32 to index
      %parallel_loop3A_691 = tpu.vector_load %arg5[%parallel_loop3A_688, %parallel_loop3A_689, %parallel_loop3A_690] {strides = array<i32>} : memref<4x8x1024xf32, #tpu.memory_space<vmem>>, vector<1x1x16xf32>,
      %parallel_loop3A_692 = vector.shape_cast %parallel_loop3A_691 : vector<1x1x16xf32> to vector<16xf32>
      %parallel_loop3A_693 = vector.shape_cast %parallel_loop3A_686 : vector<16xf32> to vector<1x1x16xf32>
      tpu.vector_store %arg5[%parallel_loop3A_688, %parallel_loop3A_689, %parallel_loop3A_690], %parallel_loop3A_693 {strides = array<i32>} : memref<4x8x1024xf32, #tpu.memory_space<vmem>>, vector<1x1x16xf32>,
      %parallel_loop3A_694 = arith.constant 2 : i32
      %parallel_loop3A_695 = arith.index_cast %parallel_loop3A_694 : i32 to index
      %parallel_loop3A_696 = arith.index_cast %parallel_loop3A_658 : i32 to index
      %parallel_loop3A_697 = arith.index_cast %parallel_loop3A_661 : i32 to index
      %parallel_loop3A_698 = tpu.vector_load %arg5[%parallel_loop3A_695, %parallel_loop3A_696, %parallel_loop3A_697] {strides = array<i32>} : memref<4x8x1024xf32, #tpu.memory_space<vmem>>, vector<1x1x16xf32>,
      %parallel_loop3A_699 = vector.shape_cast %parallel_loop3A_698 : vector<1x1x16xf32> to vector<16xf32>
      %parallel_loop3A_700 = arith.addf %parallel_loop3A_699, %parallel_loop3A_665 : vector<16xf32>
      %parallel_loop3A_701 = arith.constant 2 : i32
      %parallel_loop3A_702 = arith.index_cast %parallel_loop3A_701 : i32 to index
      %parallel_loop3A_703 = arith.index_cast %parallel_loop3A_658 : i32 to index
      %parallel_loop3A_704 = arith.index_cast %parallel_loop3A_661 : i32 to index
      %parallel_loop3A_705 = tpu.vector_load %arg5[%parallel_loop3A_702, %parallel_loop3A_703, %parallel_loop3A_704] {strides = array<i32>} : memref<4x8x1024xf32, #tpu.memory_space<vmem>>, vector<1x1x16xf32>,
      %parallel_loop3A_706 = vector.shape_cast %parallel_loop3A_705 : vector<1x1x16xf32> to vector<16xf32>
      %parallel_loop3A_707 = vector.shape_cast %parallel_loop3A_700 : vector<16xf32> to vector<1x1x16xf32>
      tpu.vector_store %arg5[%parallel_loop3A_702, %parallel_loop3A_703, %parallel_loop3A_704], %parallel_loop3A_707 {strides = array<i32>} : memref<4x8x1024xf32, #tpu.memory_space<vmem>>, vector<1x1x16xf32>,
      %parallel_loop3A_708 = arith.constant 3 : i32
      %parallel_loop3A_709 = arith.index_cast %parallel_loop3A_708 : i32 to index
      %parallel_loop3A_710 = arith.index_cast %parallel_loop3A_658 : i32 to index
      %parallel_loop3A_711 = arith.index_cast %parallel_loop3A_661 : i32 to index
      %parallel_loop3A_712 = tpu.vector_load %arg5[%parallel_loop3A_709, %parallel_loop3A_710, %parallel_loop3A_711] {strides = array<i32>} : memref<4x8x1024xf32, #tpu.memory_space<vmem>>, vector<1x1x16xf32>,
      %parallel_loop3A_713 = vector.shape_cast %parallel_loop3A_712 : vector<1x1x16xf32> to vector<16xf32>
      %parallel_loop3A_714 = arith.addf %parallel_loop3A_713, %parallel_loop3A_665 : vector<16xf32>
      %parallel_loop3A_715 = arith.constant 3 : i32
      %parallel_loop3A_716 = arith.index_cast %parallel_loop3A_715 : i32 to index
      %parallel_loop3A_717 = arith.index_cast %parallel_loop3A_658 : i32 to index
      %parallel_loop3A_718 = arith.index_cast %parallel_loop3A_661 : i32 to index
      %parallel_loop3A_719 = tpu.vector_load %arg5[%parallel_loop3A_716, %parallel_loop3A_717, %parallel_loop3A_718] {strides = array<i32>} : memref<4x8x1024xf32, #tpu.memory_space<vmem>>, vector<1x1x16xf32>,
      %parallel_loop3A_720 = vector.shape_cast %parallel_loop3A_719 : vector<1x1x16xf32> to vector<16xf32>
      %parallel_loop3A_721 = vector.shape_cast %parallel_loop3A_714 : vector<16xf32> to vector<1x1x16xf32>
      tpu.vector_store %arg5[%parallel_loop3A_716, %parallel_loop3A_717, %parallel_loop3A_718], %parallel_loop3A_721 {strides = array<i32>} : memref<4x8x1024xf32, #tpu.memory_space<vmem>>, vector<1x1x16xf32>,
    } {sc.loop_unroll_factor = 4 : i64, sc.parallel_access}
    %add3A_424 = arith.constant 72 : i32
    %add3A_425 = arith.addi %mul3A_2, %add3A_424 : i32
    %dma_start3A_426 = arith.constant 0 : i32
    %dma_start3A_427 = arith.constant 0 : i32
    %dma_start3A_428 = tpu.memref_slice %arg4[%dma_start3A_426, %add3A_425, %dma_start3A_427] : memref<4x4096x1024xf32, #tpu.memory_space<hbm>> -> memref<4x8x1024xf32, #tpu.memory_space<hbm>>
    %dma_start3A_429 = arith.constant 0 : i32
    %dma_start3A_430 = arith.constant 0 : i32
    %dma_start3A_431 = tpu.memref_slice %arg4[%dma_start3A_429, %add3A_425, %dma_start3A_430] : memref<4x4096x1024xf32, #tpu.memory_space<hbm>> -> memref<4x8x1024xf32, #tpu.memory_space<hbm>>
    tpu.enqueue_dma source(%arg5 : memref<4x8x1024xf32, #tpu.memory_space<vmem>>) target(%dma_start3A_431 : memref<4x8x1024xf32, #tpu.memory_space<hbm>>) target_semaphore(%arg14 : memref<!tpu.dma_semaphore, #tpu.memory_space<semaphore_mem>>)
    %dma_wait3A_432 = arith.constant 0 : i32
    %dma_wait3A_433 = arith.constant 0 : i32
    %dma_wait3A_434 = tpu.memref_slice %arg4[%dma_wait3A_432, %add3A_425, %dma_wait3A_433] : memref<4x4096x1024xf32, #tpu.memory_space<hbm>> -> memref<4x8x1024xf32, #tpu.memory_space<hbm>>
    %dma_wait3A_435 = arith.constant 0 : i32
    %dma_wait3A_436 = arith.constant 0 : i32
    %dma_wait3A_437 = tpu.memref_slice %arg4[%dma_wait3A_435, %add3A_425, %dma_wait3A_436] : memref<4x4096x1024xf32, #tpu.memory_space<hbm>> -> memref<4x8x1024xf32, #tpu.memory_space<hbm>>
    tpu.wait_dma2 semaphore(%arg14 : memref<!tpu.dma_semaphore, #tpu.memory_space<semaphore_mem>>) src(%arg5 : memref<4x8x1024xf32, #tpu.memory_space<vmem>>) dst(%dma_wait3A_437 : memref<4x8x1024xf32, #tpu.memory_space<hbm>>)
    %add3A_438 = arith.constant 96 : i32
    %add3A_439 = arith.addi %mul3A_2, %add3A_438 : i32
    %dma_start3A_440 = arith.constant 0 : i32
    %dma_start3A_441 = arith.constant 0 : i32
    %dma_start3A_442 = tpu.memref_slice %arg2[%dma_start3A_440, %add3A_439, %dma_start3A_441] : memref<4x4096x1024xf32, #tpu.memory_space<hbm>> -> memref<4x8x1024xf32, #tpu.memory_space<hbm>>
    %dma_start3A_443 = arith.constant 0 : i32
    %dma_start3A_444 = arith.constant 0 : i32
    %dma_start3A_445 = tpu.memref_slice %arg2[%dma_start3A_443, %add3A_439, %dma_start3A_444] : memref<4x4096x1024xf32, #tpu.memory_space<hbm>> -> memref<4x8x1024xf32, #tpu.memory_space<hbm>>
    tpu.enqueue_dma source(%dma_start3A_445 : memref<4x8x1024xf32, #tpu.memory_space<hbm>>) target(%arg5 : memref<4x8x1024xf32, #tpu.memory_space<vmem>>) target_semaphore(%arg11 : memref<!tpu.dma_semaphore, #tpu.memory_space<semaphore_mem>>)
    %add3A_446 = arith.constant 96 : i32
    %add3A_447 = arith.addi %mul3A_2, %add3A_446 : i32
    %dma_start3A_448 = arith.constant 0 : i32
    %dma_start3A_449 = tpu.memref_slice %arg3[%add3A_447, %dma_start3A_448] : memref<8192x1024xf32, #tpu.memory_space<hbm>> -> memref<8x1024xf32, #tpu.memory_space<hbm>>
    %dma_start3A_450 = arith.constant 0 : i32
    %dma_start3A_451 = tpu.memref_slice %arg3[%add3A_447, %dma_start3A_450] : memref<8192x1024xf32, #tpu.memory_space<hbm>> -> memref<8x1024xf32, #tpu.memory_space<hbm>>
    tpu.enqueue_dma source(%dma_start3A_451 : memref<8x1024xf32, #tpu.memory_space<hbm>>) target(%arg8 : memref<8x1024xf32, #tpu.memory_space<vmem>>) target_semaphore(%arg17 : memref<!tpu.dma_semaphore, #tpu.memory_space<semaphore_mem>>)
    %dma_wait3A_452 = arith.constant 0 : i32
    %dma_wait3A_453 = tpu.memref_slice %arg3[%add3A_365, %dma_wait3A_452] : memref<8192x1024xf32, #tpu.memory_space<hbm>> -> memref<8x1024xf32, #tpu.memory_space<hbm>>
    %dma_wait3A_454 = arith.constant 0 : i32
    %dma_wait3A_455 = tpu.memref_slice %arg3[%add3A_365, %dma_wait3A_454] : memref<8192x1024xf32, #tpu.memory_space<hbm>> -> memref<8x1024xf32, #tpu.memory_space<hbm>>
    tpu.wait_dma2 semaphore(%arg18 : memref<!tpu.dma_semaphore, #tpu.memory_space<semaphore_mem>>) src(%dma_wait3A_455 : memref<8x1024xf32, #tpu.memory_space<hbm>>) dst(%arg9 : memref<8x1024xf32, #tpu.memory_space<vmem>>)
    %dma_wait3A_456 = arith.constant 0 : i32
    %dma_wait3A_457 = arith.constant 0 : i32
    %dma_wait3A_458 = tpu.memref_slice %arg2[%dma_wait3A_456, %add3A_357, %dma_wait3A_457] : memref<4x4096x1024xf32, #tpu.memory_space<hbm>> -> memref<4x8x1024xf32, #tpu.memory_space<hbm>>
    %dma_wait3A_459 = arith.constant 0 : i32
    %dma_wait3A_460 = arith.constant 0 : i32
    %dma_wait3A_461 = tpu.memref_slice %arg2[%dma_wait3A_459, %add3A_357, %dma_wait3A_460] : memref<4x4096x1024xf32, #tpu.memory_space<hbm>> -> memref<4x8x1024xf32, #tpu.memory_space<hbm>>
    tpu.wait_dma2 semaphore(%arg12 : memref<!tpu.dma_semaphore, #tpu.memory_space<semaphore_mem>>) src(%dma_wait3A_461 : memref<4x8x1024xf32, #tpu.memory_space<hbm>>) dst(%arg6 : memref<4x8x1024xf32, #tpu.memory_space<vmem>>)
    %parallel_loop3A_462 = arith.constant 0 : i32
    %parallel_loop3A_463 = arith.constant 8192 : i32
    %parallel_loop3A_464 = arith.constant 16 : i32
    scf.for %parallel_loop3A_656 = %parallel_loop3A_462 to %parallel_loop3A_463 step %parallel_loop3A_464  : i32 {
      %parallel_loop3A_657 = arith.constant 10 : i32
      %parallel_loop3A_658 = arith.shrui %parallel_loop3A_656, %parallel_loop3A_657 : i32
      %parallel_loop3A_659 = arith.constant 1023 : i32
      %parallel_loop3A_660 = arith.andi %parallel_loop3A_656, %parallel_loop3A_659 : i32
      %parallel_loop3A_661 = tpu.assume_multiple %parallel_loop3A_660, 16 : i32
      %parallel_loop3A_662 = arith.index_cast %parallel_loop3A_658 : i32 to index
      %parallel_loop3A_663 = arith.index_cast %parallel_loop3A_661 : i32 to index
      %parallel_loop3A_664 = tpu.vector_load %arg9[%parallel_loop3A_662, %parallel_loop3A_663] {strides = array<i32>} : memref<8x1024xf32, #tpu.memory_space<vmem>>, vector<1x16xf32>,
      %parallel_loop3A_665 = vector.shape_cast %parallel_loop3A_664 : vector<1x16xf32> to vector<16xf32>
      %parallel_loop3A_666 = arith.constant 0 : i32
      %parallel_loop3A_667 = arith.index_cast %parallel_loop3A_666 : i32 to index
      %parallel_loop3A_668 = arith.index_cast %parallel_loop3A_658 : i32 to index
      %parallel_loop3A_669 = arith.index_cast %parallel_loop3A_661 : i32 to index
      %parallel_loop3A_670 = tpu.vector_load %arg6[%parallel_loop3A_667, %parallel_loop3A_668, %parallel_loop3A_669] {strides = array<i32>} : memref<4x8x1024xf32, #tpu.memory_space<vmem>>, vector<1x1x16xf32>,
      %parallel_loop3A_671 = vector.shape_cast %parallel_loop3A_670 : vector<1x1x16xf32> to vector<16xf32>
      %parallel_loop3A_672 = arith.addf %parallel_loop3A_671, %parallel_loop3A_665 : vector<16xf32>
      %parallel_loop3A_673 = arith.constant 0 : i32
      %parallel_loop3A_674 = arith.index_cast %parallel_loop3A_673 : i32 to index
      %parallel_loop3A_675 = arith.index_cast %parallel_loop3A_658 : i32 to index
      %parallel_loop3A_676 = arith.index_cast %parallel_loop3A_661 : i32 to index
      %parallel_loop3A_677 = tpu.vector_load %arg6[%parallel_loop3A_674, %parallel_loop3A_675, %parallel_loop3A_676] {strides = array<i32>} : memref<4x8x1024xf32, #tpu.memory_space<vmem>>, vector<1x1x16xf32>,
      %parallel_loop3A_678 = vector.shape_cast %parallel_loop3A_677 : vector<1x1x16xf32> to vector<16xf32>
      %parallel_loop3A_679 = vector.shape_cast %parallel_loop3A_672 : vector<16xf32> to vector<1x1x16xf32>
      tpu.vector_store %arg6[%parallel_loop3A_674, %parallel_loop3A_675, %parallel_loop3A_676], %parallel_loop3A_679 {strides = array<i32>} : memref<4x8x1024xf32, #tpu.memory_space<vmem>>, vector<1x1x16xf32>,
      %parallel_loop3A_680 = arith.constant 1 : i32
      %parallel_loop3A_681 = arith.index_cast %parallel_loop3A_680 : i32 to index
      %parallel_loop3A_682 = arith.index_cast %parallel_loop3A_658 : i32 to index
      %parallel_loop3A_683 = arith.index_cast %parallel_loop3A_661 : i32 to index
      %parallel_loop3A_684 = tpu.vector_load %arg6[%parallel_loop3A_681, %parallel_loop3A_682, %parallel_loop3A_683] {strides = array<i32>} : memref<4x8x1024xf32, #tpu.memory_space<vmem>>, vector<1x1x16xf32>,
      %parallel_loop3A_685 = vector.shape_cast %parallel_loop3A_684 : vector<1x1x16xf32> to vector<16xf32>
      %parallel_loop3A_686 = arith.addf %parallel_loop3A_685, %parallel_loop3A_665 : vector<16xf32>
      %parallel_loop3A_687 = arith.constant 1 : i32
      %parallel_loop3A_688 = arith.index_cast %parallel_loop3A_687 : i32 to index
      %parallel_loop3A_689 = arith.index_cast %parallel_loop3A_658 : i32 to index
      %parallel_loop3A_690 = arith.index_cast %parallel_loop3A_661 : i32 to index
      %parallel_loop3A_691 = tpu.vector_load %arg6[%parallel_loop3A_688, %parallel_loop3A_689, %parallel_loop3A_690] {strides = array<i32>} : memref<4x8x1024xf32, #tpu.memory_space<vmem>>, vector<1x1x16xf32>,
      %parallel_loop3A_692 = vector.shape_cast %parallel_loop3A_691 : vector<1x1x16xf32> to vector<16xf32>
      %parallel_loop3A_693 = vector.shape_cast %parallel_loop3A_686 : vector<16xf32> to vector<1x1x16xf32>
      tpu.vector_store %arg6[%parallel_loop3A_688, %parallel_loop3A_689, %parallel_loop3A_690], %parallel_loop3A_693 {strides = array<i32>} : memref<4x8x1024xf32, #tpu.memory_space<vmem>>, vector<1x1x16xf32>,
      %parallel_loop3A_694 = arith.constant 2 : i32
      %parallel_loop3A_695 = arith.index_cast %parallel_loop3A_694 : i32 to index
      %parallel_loop3A_696 = arith.index_cast %parallel_loop3A_658 : i32 to index
      %parallel_loop3A_697 = arith.index_cast %parallel_loop3A_661 : i32 to index
      %parallel_loop3A_698 = tpu.vector_load %arg6[%parallel_loop3A_695, %parallel_loop3A_696, %parallel_loop3A_697] {strides = array<i32>} : memref<4x8x1024xf32, #tpu.memory_space<vmem>>, vector<1x1x16xf32>,
      %parallel_loop3A_699 = vector.shape_cast %parallel_loop3A_698 : vector<1x1x16xf32> to vector<16xf32>
      %parallel_loop3A_700 = arith.addf %parallel_loop3A_699, %parallel_loop3A_665 : vector<16xf32>
      %parallel_loop3A_701 = arith.constant 2 : i32
      %parallel_loop3A_702 = arith.index_cast %parallel_loop3A_701 : i32 to index
      %parallel_loop3A_703 = arith.index_cast %parallel_loop3A_658 : i32 to index
      %parallel_loop3A_704 = arith.index_cast %parallel_loop3A_661 : i32 to index
      %parallel_loop3A_705 = tpu.vector_load %arg6[%parallel_loop3A_702, %parallel_loop3A_703, %parallel_loop3A_704] {strides = array<i32>} : memref<4x8x1024xf32, #tpu.memory_space<vmem>>, vector<1x1x16xf32>,
      %parallel_loop3A_706 = vector.shape_cast %parallel_loop3A_705 : vector<1x1x16xf32> to vector<16xf32>
      %parallel_loop3A_707 = vector.shape_cast %parallel_loop3A_700 : vector<16xf32> to vector<1x1x16xf32>
      tpu.vector_store %arg6[%parallel_loop3A_702, %parallel_loop3A_703, %parallel_loop3A_704], %parallel_loop3A_707 {strides = array<i32>} : memref<4x8x1024xf32, #tpu.memory_space<vmem>>, vector<1x1x16xf32>,
      %parallel_loop3A_708 = arith.constant 3 : i32
      %parallel_loop3A_709 = arith.index_cast %parallel_loop3A_708 : i32 to index
      %parallel_loop3A_710 = arith.index_cast %parallel_loop3A_658 : i32 to index
      %parallel_loop3A_711 = arith.index_cast %parallel_loop3A_661 : i32 to index
      %parallel_loop3A_712 = tpu.vector_load %arg6[%parallel_loop3A_709, %parallel_loop3A_710, %parallel_loop3A_711] {strides = array<i32>} : memref<4x8x1024xf32, #tpu.memory_space<vmem>>, vector<1x1x16xf32>,
      %parallel_loop3A_713 = vector.shape_cast %parallel_loop3A_712 : vector<1x1x16xf32> to vector<16xf32>
      %parallel_loop3A_714 = arith.addf %parallel_loop3A_713, %parallel_loop3A_665 : vector<16xf32>
      %parallel_loop3A_715 = arith.constant 3 : i32
      %parallel_loop3A_716 = arith.index_cast %parallel_loop3A_715 : i32 to index
      %parallel_loop3A_717 = arith.index_cast %parallel_loop3A_658 : i32 to index
      %parallel_loop3A_718 = arith.index_cast %parallel_loop3A_661 : i32 to index
      %parallel_loop3A_719 = tpu.vector_load %arg6[%parallel_loop3A_716, %parallel_loop3A_717, %parallel_loop3A_718] {strides = array<i32>} : memref<4x8x1024xf32, #tpu.memory_space<vmem>>, vector<1x1x16xf32>,
      %parallel_loop3A_720 = vector.shape_cast %parallel_loop3A_719 : vector<1x1x16xf32> to vector<16xf32>
      %parallel_loop3A_721 = vector.shape_cast %parallel_loop3A_714 : vector<16xf32> to vector<1x1x16xf32>
      tpu.vector_store %arg6[%parallel_loop3A_716, %parallel_loop3A_717, %parallel_loop3A_718], %parallel_loop3A_721 {strides = array<i32>} : memref<4x8x1024xf32, #tpu.memory_space<vmem>>, vector<1x1x16xf32>,
    } {sc.loop_unroll_factor = 4 : i64, sc.parallel_access}
    %add3A_465 = arith.constant 80 : i32
    %add3A_466 = arith.addi %mul3A_2, %add3A_465 : i32
    %dma_start3A_467 = arith.constant 0 : i32
    %dma_start3A_468 = arith.constant 0 : i32
    %dma_start3A_469 = tpu.memref_slice %arg4[%dma_start3A_467, %add3A_466, %dma_start3A_468] : memref<4x4096x1024xf32, #tpu.memory_space<hbm>> -> memref<4x8x1024xf32, #tpu.memory_space<hbm>>
    %dma_start3A_470 = arith.constant 0 : i32
    %dma_start3A_471 = arith.constant 0 : i32
    %dma_start3A_472 = tpu.memref_slice %arg4[%dma_start3A_470, %add3A_466, %dma_start3A_471] : memref<4x4096x1024xf32, #tpu.memory_space<hbm>> -> memref<4x8x1024xf32, #tpu.memory_space<hbm>>
    tpu.enqueue_dma source(%arg6 : memref<4x8x1024xf32, #tpu.memory_space<vmem>>) target(%dma_start3A_472 : memref<4x8x1024xf32, #tpu.memory_space<hbm>>) target_semaphore(%arg15 : memref<!tpu.dma_semaphore, #tpu.memory_space<semaphore_mem>>)
    %dma_wait3A_473 = arith.constant 0 : i32
    %dma_wait3A_474 = arith.constant 0 : i32
    %dma_wait3A_475 = tpu.memref_slice %arg4[%dma_wait3A_473, %add3A_466, %dma_wait3A_474] : memref<4x4096x1024xf32, #tpu.memory_space<hbm>> -> memref<4x8x1024xf32, #tpu.memory_space<hbm>>
    %dma_wait3A_476 = arith.constant 0 : i32
    %dma_wait3A_477 = arith.constant 0 : i32
    %dma_wait3A_478 = tpu.memref_slice %arg4[%dma_wait3A_476, %add3A_466, %dma_wait3A_477] : memref<4x4096x1024xf32, #tpu.memory_space<hbm>> -> memref<4x8x1024xf32, #tpu.memory_space<hbm>>
    tpu.wait_dma2 semaphore(%arg15 : memref<!tpu.dma_semaphore, #tpu.memory_space<semaphore_mem>>) src(%arg6 : memref<4x8x1024xf32, #tpu.memory_space<vmem>>) dst(%dma_wait3A_478 : memref<4x8x1024xf32, #tpu.memory_space<hbm>>)
    %add3A_479 = arith.constant 104 : i32
    %add3A_480 = arith.addi %mul3A_2, %add3A_479 : i32
    %dma_start3A_481 = arith.constant 0 : i32
    %dma_start3A_482 = arith.constant 0 : i32
    %dma_start3A_483 = tpu.memref_slice %arg2[%dma_start3A_481, %add3A_480, %dma_start3A_482] : memref<4x4096x1024xf32, #tpu.memory_space<hbm>> -> memref<4x8x1024xf32, #tpu.memory_space<hbm>>
    %dma_start3A_484 = arith.constant 0 : i32
    %dma_start3A_485 = arith.constant 0 : i32
    %dma_start3A_486 = tpu.memref_slice %arg2[%dma_start3A_484, %add3A_480, %dma_start3A_485] : memref<4x4096x1024xf32, #tpu.memory_space<hbm>> -> memref<4x8x1024xf32, #tpu.memory_space<hbm>>
    tpu.enqueue_dma source(%dma_start3A_486 : memref<4x8x1024xf32, #tpu.memory_space<hbm>>) target(%arg6 : memref<4x8x1024xf32, #tpu.memory_space<vmem>>) target_semaphore(%arg12 : memref<!tpu.dma_semaphore, #tpu.memory_space<semaphore_mem>>)
    %add3A_487 = arith.constant 104 : i32
    %add3A_488 = arith.addi %mul3A_2, %add3A_487 : i32
    %dma_start3A_489 = arith.constant 0 : i32
    %dma_start3A_490 = tpu.memref_slice %arg3[%add3A_488, %dma_start3A_489] : memref<8192x1024xf32, #tpu.memory_space<hbm>> -> memref<8x1024xf32, #tpu.memory_space<hbm>>
    %dma_start3A_491 = arith.constant 0 : i32
    %dma_start3A_492 = tpu.memref_slice %arg3[%add3A_488, %dma_start3A_491] : memref<8192x1024xf32, #tpu.memory_space<hbm>> -> memref<8x1024xf32, #tpu.memory_space<hbm>>
    tpu.enqueue_dma source(%dma_start3A_492 : memref<8x1024xf32, #tpu.memory_space<hbm>>) target(%arg9 : memref<8x1024xf32, #tpu.memory_space<vmem>>) target_semaphore(%arg18 : memref<!tpu.dma_semaphore, #tpu.memory_space<semaphore_mem>>)
    %dma_wait3A_493 = arith.constant 0 : i32
    %dma_wait3A_494 = tpu.memref_slice %arg3[%add3A_406, %dma_wait3A_493] : memref<8192x1024xf32, #tpu.memory_space<hbm>> -> memref<8x1024xf32, #tpu.memory_space<hbm>>
    %dma_wait3A_495 = arith.constant 0 : i32
    %dma_wait3A_496 = tpu.memref_slice %arg3[%add3A_406, %dma_wait3A_495] : memref<8192x1024xf32, #tpu.memory_space<hbm>> -> memref<8x1024xf32, #tpu.memory_space<hbm>>
    tpu.wait_dma2 semaphore(%arg19 : memref<!tpu.dma_semaphore, #tpu.memory_space<semaphore_mem>>) src(%dma_wait3A_496 : memref<8x1024xf32, #tpu.memory_space<hbm>>) dst(%arg10 : memref<8x1024xf32, #tpu.memory_space<vmem>>)
    %dma_wait3A_497 = arith.constant 0 : i32
    %dma_wait3A_498 = arith.constant 0 : i32
    %dma_wait3A_499 = tpu.memref_slice %arg2[%dma_wait3A_497, %add3A_398, %dma_wait3A_498] : memref<4x4096x1024xf32, #tpu.memory_space<hbm>> -> memref<4x8x1024xf32, #tpu.memory_space<hbm>>
    %dma_wait3A_500 = arith.constant 0 : i32
    %dma_wait3A_501 = arith.constant 0 : i32
    %dma_wait3A_502 = tpu.memref_slice %arg2[%dma_wait3A_500, %add3A_398, %dma_wait3A_501] : memref<4x4096x1024xf32, #tpu.memory_space<hbm>> -> memref<4x8x1024xf32, #tpu.memory_space<hbm>>
    tpu.wait_dma2 semaphore(%arg13 : memref<!tpu.dma_semaphore, #tpu.memory_space<semaphore_mem>>) src(%dma_wait3A_502 : memref<4x8x1024xf32, #tpu.memory_space<hbm>>) dst(%arg7 : memref<4x8x1024xf32, #tpu.memory_space<vmem>>)
    %parallel_loop3A_503 = arith.constant 0 : i32
    %parallel_loop3A_504 = arith.constant 8192 : i32
    %parallel_loop3A_505 = arith.constant 16 : i32
    scf.for %parallel_loop3A_656 = %parallel_loop3A_503 to %parallel_loop3A_504 step %parallel_loop3A_505  : i32 {
      %parallel_loop3A_657 = arith.constant 10 : i32
      %parallel_loop3A_658 = arith.shrui %parallel_loop3A_656, %parallel_loop3A_657 : i32
      %parallel_loop3A_659 = arith.constant 1023 : i32
      %parallel_loop3A_660 = arith.andi %parallel_loop3A_656, %parallel_loop3A_659 : i32
      %parallel_loop3A_661 = tpu.assume_multiple %parallel_loop3A_660, 16 : i32
      %parallel_loop3A_662 = arith.index_cast %parallel_loop3A_658 : i32 to index
      %parallel_loop3A_663 = arith.index_cast %parallel_loop3A_661 : i32 to index
      %parallel_loop3A_664 = tpu.vector_load %arg10[%parallel_loop3A_662, %parallel_loop3A_663] {strides = array<i32>} : memref<8x1024xf32, #tpu.memory_space<vmem>>, vector<1x16xf32>,
      %parallel_loop3A_665 = vector.shape_cast %parallel_loop3A_664 : vector<1x16xf32> to vector<16xf32>
      %parallel_loop3A_666 = arith.constant 0 : i32
      %parallel_loop3A_667 = arith.index_cast %parallel_loop3A_666 : i32 to index
      %parallel_loop3A_668 = arith.index_cast %parallel_loop3A_658 : i32 to index
      %parallel_loop3A_669 = arith.index_cast %parallel_loop3A_661 : i32 to index
      %parallel_loop3A_670 = tpu.vector_load %arg7[%parallel_loop3A_667, %parallel_loop3A_668, %parallel_loop3A_669] {strides = array<i32>} : memref<4x8x1024xf32, #tpu.memory_space<vmem>>, vector<1x1x16xf32>,
      %parallel_loop3A_671 = vector.shape_cast %parallel_loop3A_670 : vector<1x1x16xf32> to vector<16xf32>
      %parallel_loop3A_672 = arith.addf %parallel_loop3A_671, %parallel_loop3A_665 : vector<16xf32>
      %parallel_loop3A_673 = arith.constant 0 : i32
      %parallel_loop3A_674 = arith.index_cast %parallel_loop3A_673 : i32 to index
      %parallel_loop3A_675 = arith.index_cast %parallel_loop3A_658 : i32 to index
      %parallel_loop3A_676 = arith.index_cast %parallel_loop3A_661 : i32 to index
      %parallel_loop3A_677 = tpu.vector_load %arg7[%parallel_loop3A_674, %parallel_loop3A_675, %parallel_loop3A_676] {strides = array<i32>} : memref<4x8x1024xf32, #tpu.memory_space<vmem>>, vector<1x1x16xf32>,
      %parallel_loop3A_678 = vector.shape_cast %parallel_loop3A_677 : vector<1x1x16xf32> to vector<16xf32>
      %parallel_loop3A_679 = vector.shape_cast %parallel_loop3A_672 : vector<16xf32> to vector<1x1x16xf32>
      tpu.vector_store %arg7[%parallel_loop3A_674, %parallel_loop3A_675, %parallel_loop3A_676], %parallel_loop3A_679 {strides = array<i32>} : memref<4x8x1024xf32, #tpu.memory_space<vmem>>, vector<1x1x16xf32>,
      %parallel_loop3A_680 = arith.constant 1 : i32
      %parallel_loop3A_681 = arith.index_cast %parallel_loop3A_680 : i32 to index
      %parallel_loop3A_682 = arith.index_cast %parallel_loop3A_658 : i32 to index
      %parallel_loop3A_683 = arith.index_cast %parallel_loop3A_661 : i32 to index
      %parallel_loop3A_684 = tpu.vector_load %arg7[%parallel_loop3A_681, %parallel_loop3A_682, %parallel_loop3A_683] {strides = array<i32>} : memref<4x8x1024xf32, #tpu.memory_space<vmem>>, vector<1x1x16xf32>,
      %parallel_loop3A_685 = vector.shape_cast %parallel_loop3A_684 : vector<1x1x16xf32> to vector<16xf32>
      %parallel_loop3A_686 = arith.addf %parallel_loop3A_685, %parallel_loop3A_665 : vector<16xf32>
      %parallel_loop3A_687 = arith.constant 1 : i32
      %parallel_loop3A_688 = arith.index_cast %parallel_loop3A_687 : i32 to index
      %parallel_loop3A_689 = arith.index_cast %parallel_loop3A_658 : i32 to index
      %parallel_loop3A_690 = arith.index_cast %parallel_loop3A_661 : i32 to index
      %parallel_loop3A_691 = tpu.vector_load %arg7[%parallel_loop3A_688, %parallel_loop3A_689, %parallel_loop3A_690] {strides = array<i32>} : memref<4x8x1024xf32, #tpu.memory_space<vmem>>, vector<1x1x16xf32>,
      %parallel_loop3A_692 = vector.shape_cast %parallel_loop3A_691 : vector<1x1x16xf32> to vector<16xf32>
      %parallel_loop3A_693 = vector.shape_cast %parallel_loop3A_686 : vector<16xf32> to vector<1x1x16xf32>
      tpu.vector_store %arg7[%parallel_loop3A_688, %parallel_loop3A_689, %parallel_loop3A_690], %parallel_loop3A_693 {strides = array<i32>} : memref<4x8x1024xf32, #tpu.memory_space<vmem>>, vector<1x1x16xf32>,
      %parallel_loop3A_694 = arith.constant 2 : i32
      %parallel_loop3A_695 = arith.index_cast %parallel_loop3A_694 : i32 to index
      %parallel_loop3A_696 = arith.index_cast %parallel_loop3A_658 : i32 to index
      %parallel_loop3A_697 = arith.index_cast %parallel_loop3A_661 : i32 to index
      %parallel_loop3A_698 = tpu.vector_load %arg7[%parallel_loop3A_695, %parallel_loop3A_696, %parallel_loop3A_697] {strides = array<i32>} : memref<4x8x1024xf32, #tpu.memory_space<vmem>>, vector<1x1x16xf32>,
      %parallel_loop3A_699 = vector.shape_cast %parallel_loop3A_698 : vector<1x1x16xf32> to vector<16xf32>
      %parallel_loop3A_700 = arith.addf %parallel_loop3A_699, %parallel_loop3A_665 : vector<16xf32>
      %parallel_loop3A_701 = arith.constant 2 : i32
      %parallel_loop3A_702 = arith.index_cast %parallel_loop3A_701 : i32 to index
      %parallel_loop3A_703 = arith.index_cast %parallel_loop3A_658 : i32 to index
      %parallel_loop3A_704 = arith.index_cast %parallel_loop3A_661 : i32 to index
      %parallel_loop3A_705 = tpu.vector_load %arg7[%parallel_loop3A_702, %parallel_loop3A_703, %parallel_loop3A_704] {strides = array<i32>} : memref<4x8x1024xf32, #tpu.memory_space<vmem>>, vector<1x1x16xf32>,
      %parallel_loop3A_706 = vector.shape_cast %parallel_loop3A_705 : vector<1x1x16xf32> to vector<16xf32>
      %parallel_loop3A_707 = vector.shape_cast %parallel_loop3A_700 : vector<16xf32> to vector<1x1x16xf32>
      tpu.vector_store %arg7[%parallel_loop3A_702, %parallel_loop3A_703, %parallel_loop3A_704], %parallel_loop3A_707 {strides = array<i32>} : memref<4x8x1024xf32, #tpu.memory_space<vmem>>, vector<1x1x16xf32>,
      %parallel_loop3A_708 = arith.constant 3 : i32
      %parallel_loop3A_709 = arith.index_cast %parallel_loop3A_708 : i32 to index
      %parallel_loop3A_710 = arith.index_cast %parallel_loop3A_658 : i32 to index
      %parallel_loop3A_711 = arith.index_cast %parallel_loop3A_661 : i32 to index
      %parallel_loop3A_712 = tpu.vector_load %arg7[%parallel_loop3A_709, %parallel_loop3A_710, %parallel_loop3A_711] {strides = array<i32>} : memref<4x8x1024xf32, #tpu.memory_space<vmem>>, vector<1x1x16xf32>,
      %parallel_loop3A_713 = vector.shape_cast %parallel_loop3A_712 : vector<1x1x16xf32> to vector<16xf32>
      %parallel_loop3A_714 = arith.addf %parallel_loop3A_713, %parallel_loop3A_665 : vector<16xf32>
      %parallel_loop3A_715 = arith.constant 3 : i32
      %parallel_loop3A_716 = arith.index_cast %parallel_loop3A_715 : i32 to index
      %parallel_loop3A_717 = arith.index_cast %parallel_loop3A_658 : i32 to index
      %parallel_loop3A_718 = arith.index_cast %parallel_loop3A_661 : i32 to index
      %parallel_loop3A_719 = tpu.vector_load %arg7[%parallel_loop3A_716, %parallel_loop3A_717, %parallel_loop3A_718] {strides = array<i32>} : memref<4x8x1024xf32, #tpu.memory_space<vmem>>, vector<1x1x16xf32>,
      %parallel_loop3A_720 = vector.shape_cast %parallel_loop3A_719 : vector<1x1x16xf32> to vector<16xf32>
      %parallel_loop3A_721 = vector.shape_cast %parallel_loop3A_714 : vector<16xf32> to vector<1x1x16xf32>
      tpu.vector_store %arg7[%parallel_loop3A_716, %parallel_loop3A_717, %parallel_loop3A_718], %parallel_loop3A_721 {strides = array<i32>} : memref<4x8x1024xf32, #tpu.memory_space<vmem>>, vector<1x1x16xf32>,
    } {sc.loop_unroll_factor = 4 : i64, sc.parallel_access}
    %add3A_506 = arith.constant 88 : i32
    %add3A_507 = arith.addi %mul3A_2, %add3A_506 : i32
    %dma_start3A_508 = arith.constant 0 : i32
    %dma_start3A_509 = arith.constant 0 : i32
    %dma_start3A_510 = tpu.memref_slice %arg4[%dma_start3A_508, %add3A_507, %dma_start3A_509] : memref<4x4096x1024xf32, #tpu.memory_space<hbm>> -> memref<4x8x1024xf32, #tpu.memory_space<hbm>>
    %dma_start3A_511 = arith.constant 0 : i32
    %dma_start3A_512 = arith.constant 0 : i32
    %dma_start3A_513 = tpu.memref_slice %arg4[%dma_start3A_511, %add3A_507, %dma_start3A_512] : memref<4x4096x1024xf32, #tpu.memory_space<hbm>> -> memref<4x8x1024xf32, #tpu.memory_space<hbm>>
    tpu.enqueue_dma source(%arg7 : memref<4x8x1024xf32, #tpu.memory_space<vmem>>) target(%dma_start3A_513 : memref<4x8x1024xf32, #tpu.memory_space<hbm>>) target_semaphore(%arg16 : memref<!tpu.dma_semaphore, #tpu.memory_space<semaphore_mem>>)
    %dma_wait3A_514 = arith.constant 0 : i32
    %dma_wait3A_515 = arith.constant 0 : i32
    %dma_wait3A_516 = tpu.memref_slice %arg4[%dma_wait3A_514, %add3A_507, %dma_wait3A_515] : memref<4x4096x1024xf32, #tpu.memory_space<hbm>> -> memref<4x8x1024xf32, #tpu.memory_space<hbm>>
    %dma_wait3A_517 = arith.constant 0 : i32
    %dma_wait3A_518 = arith.constant 0 : i32
    %dma_wait3A_519 = tpu.memref_slice %arg4[%dma_wait3A_517, %add3A_507, %dma_wait3A_518] : memref<4x4096x1024xf32, #tpu.memory_space<hbm>> -> memref<4x8x1024xf32, #tpu.memory_space<hbm>>
    tpu.wait_dma2 semaphore(%arg16 : memref<!tpu.dma_semaphore, #tpu.memory_space<semaphore_mem>>) src(%arg7 : memref<4x8x1024xf32, #tpu.memory_space<vmem>>) dst(%dma_wait3A_519 : memref<4x8x1024xf32, #tpu.memory_space<hbm>>)
    %add3A_520 = arith.constant 112 : i32
    %add3A_521 = arith.addi %mul3A_2, %add3A_520 : i32
    %dma_start3A_522 = arith.constant 0 : i32
    %dma_start3A_523 = arith.constant 0 : i32
    %dma_start3A_524 = tpu.memref_slice %arg2[%dma_start3A_522, %add3A_521, %dma_start3A_523] : memref<4x4096x1024xf32, #tpu.memory_space<hbm>> -> memref<4x8x1024xf32, #tpu.memory_space<hbm>>
    %dma_start3A_525 = arith.constant 0 : i32
    %dma_start3A_526 = arith.constant 0 : i32
    %dma_start3A_527 = tpu.memref_slice %arg2[%dma_start3A_525, %add3A_521, %dma_start3A_526] : memref<4x4096x1024xf32, #tpu.memory_space<hbm>> -> memref<4x8x1024xf32, #tpu.memory_space<hbm>>
    tpu.enqueue_dma source(%dma_start3A_527 : memref<4x8x1024xf32, #tpu.memory_space<hbm>>) target(%arg7 : memref<4x8x1024xf32, #tpu.memory_space<vmem>>) target_semaphore(%arg13 : memref<!tpu.dma_semaphore, #tpu.memory_space<semaphore_mem>>)
    %add3A_528 = arith.constant 112 : i32
    %add3A_529 = arith.addi %mul3A_2, %add3A_528 : i32
    %dma_start3A_530 = arith.constant 0 : i32
    %dma_start3A_531 = tpu.memref_slice %arg3[%add3A_529, %dma_start3A_530] : memref<8192x1024xf32, #tpu.memory_space<hbm>> -> memref<8x1024xf32, #tpu.memory_space<hbm>>
    %dma_start3A_532 = arith.constant 0 : i32
    %dma_start3A_533 = tpu.memref_slice %arg3[%add3A_529, %dma_start3A_532] : memref<8192x1024xf32, #tpu.memory_space<hbm>> -> memref<8x1024xf32, #tpu.memory_space<hbm>>
    tpu.enqueue_dma source(%dma_start3A_533 : memref<8x1024xf32, #tpu.memory_space<hbm>>) target(%arg10 : memref<8x1024xf32, #tpu.memory_space<vmem>>) target_semaphore(%arg19 : memref<!tpu.dma_semaphore, #tpu.memory_space<semaphore_mem>>)
    %dma_wait3A_534 = arith.constant 0 : i32
    %dma_wait3A_535 = tpu.memref_slice %arg3[%add3A_447, %dma_wait3A_534] : memref<8192x1024xf32, #tpu.memory_space<hbm>> -> memref<8x1024xf32, #tpu.memory_space<hbm>>
    %dma_wait3A_536 = arith.constant 0 : i32
    %dma_wait3A_537 = tpu.memref_slice %arg3[%add3A_447, %dma_wait3A_536] : memref<8192x1024xf32, #tpu.memory_space<hbm>> -> memref<8x1024xf32, #tpu.memory_space<hbm>>
    tpu.wait_dma2 semaphore(%arg17 : memref<!tpu.dma_semaphore, #tpu.memory_space<semaphore_mem>>) src(%dma_wait3A_537 : memref<8x1024xf32, #tpu.memory_space<hbm>>) dst(%arg8 : memref<8x1024xf32, #tpu.memory_space<vmem>>)
    %dma_wait3A_538 = arith.constant 0 : i32
    %dma_wait3A_539 = arith.constant 0 : i32
    %dma_wait3A_540 = tpu.memref_slice %arg2[%dma_wait3A_538, %add3A_439, %dma_wait3A_539] : memref<4x4096x1024xf32, #tpu.memory_space<hbm>> -> memref<4x8x1024xf32, #tpu.memory_space<hbm>>
    %dma_wait3A_541 = arith.constant 0 : i32
    %dma_wait3A_542 = arith.constant 0 : i32
    %dma_wait3A_543 = tpu.memref_slice %arg2[%dma_wait3A_541, %add3A_439, %dma_wait3A_542] : memref<4x4096x1024xf32, #tpu.memory_space<hbm>> -> memref<4x8x1024xf32, #tpu.memory_space<hbm>>
    tpu.wait_dma2 semaphore(%arg11 : memref<!tpu.dma_semaphore, #tpu.memory_space<semaphore_mem>>) src(%dma_wait3A_543 : memref<4x8x1024xf32, #tpu.memory_space<hbm>>) dst(%arg5 : memref<4x8x1024xf32, #tpu.memory_space<vmem>>)
    %parallel_loop3A_544 = arith.constant 0 : i32
    %parallel_loop3A_545 = arith.constant 8192 : i32
    %parallel_loop3A_546 = arith.constant 16 : i32
    scf.for %parallel_loop3A_656 = %parallel_loop3A_544 to %parallel_loop3A_545 step %parallel_loop3A_546  : i32 {
      %parallel_loop3A_657 = arith.constant 10 : i32
      %parallel_loop3A_658 = arith.shrui %parallel_loop3A_656, %parallel_loop3A_657 : i32
      %parallel_loop3A_659 = arith.constant 1023 : i32
      %parallel_loop3A_660 = arith.andi %parallel_loop3A_656, %parallel_loop3A_659 : i32
      %parallel_loop3A_661 = tpu.assume_multiple %parallel_loop3A_660, 16 : i32
      %parallel_loop3A_662 = arith.index_cast %parallel_loop3A_658 : i32 to index
      %parallel_loop3A_663 = arith.index_cast %parallel_loop3A_661 : i32 to index
      %parallel_loop3A_664 = tpu.vector_load %arg8[%parallel_loop3A_662, %parallel_loop3A_663] {strides = array<i32>} : memref<8x1024xf32, #tpu.memory_space<vmem>>, vector<1x16xf32>,
      %parallel_loop3A_665 = vector.shape_cast %parallel_loop3A_664 : vector<1x16xf32> to vector<16xf32>
      %parallel_loop3A_666 = arith.constant 0 : i32
      %parallel_loop3A_667 = arith.index_cast %parallel_loop3A_666 : i32 to index
      %parallel_loop3A_668 = arith.index_cast %parallel_loop3A_658 : i32 to index
      %parallel_loop3A_669 = arith.index_cast %parallel_loop3A_661 : i32 to index
      %parallel_loop3A_670 = tpu.vector_load %arg5[%parallel_loop3A_667, %parallel_loop3A_668, %parallel_loop3A_669] {strides = array<i32>} : memref<4x8x1024xf32, #tpu.memory_space<vmem>>, vector<1x1x16xf32>,
      %parallel_loop3A_671 = vector.shape_cast %parallel_loop3A_670 : vector<1x1x16xf32> to vector<16xf32>
      %parallel_loop3A_672 = arith.addf %parallel_loop3A_671, %parallel_loop3A_665 : vector<16xf32>
      %parallel_loop3A_673 = arith.constant 0 : i32
      %parallel_loop3A_674 = arith.index_cast %parallel_loop3A_673 : i32 to index
      %parallel_loop3A_675 = arith.index_cast %parallel_loop3A_658 : i32 to index
      %parallel_loop3A_676 = arith.index_cast %parallel_loop3A_661 : i32 to index
      %parallel_loop3A_677 = tpu.vector_load %arg5[%parallel_loop3A_674, %parallel_loop3A_675, %parallel_loop3A_676] {strides = array<i32>} : memref<4x8x1024xf32, #tpu.memory_space<vmem>>, vector<1x1x16xf32>,
      %parallel_loop3A_678 = vector.shape_cast %parallel_loop3A_677 : vector<1x1x16xf32> to vector<16xf32>
      %parallel_loop3A_679 = vector.shape_cast %parallel_loop3A_672 : vector<16xf32> to vector<1x1x16xf32>
      tpu.vector_store %arg5[%parallel_loop3A_674, %parallel_loop3A_675, %parallel_loop3A_676], %parallel_loop3A_679 {strides = array<i32>} : memref<4x8x1024xf32, #tpu.memory_space<vmem>>, vector<1x1x16xf32>,
      %parallel_loop3A_680 = arith.constant 1 : i32
      %parallel_loop3A_681 = arith.index_cast %parallel_loop3A_680 : i32 to index
      %parallel_loop3A_682 = arith.index_cast %parallel_loop3A_658 : i32 to index
      %parallel_loop3A_683 = arith.index_cast %parallel_loop3A_661 : i32 to index
      %parallel_loop3A_684 = tpu.vector_load %arg5[%parallel_loop3A_681, %parallel_loop3A_682, %parallel_loop3A_683] {strides = array<i32>} : memref<4x8x1024xf32, #tpu.memory_space<vmem>>, vector<1x1x16xf32>,
      %parallel_loop3A_685 = vector.shape_cast %parallel_loop3A_684 : vector<1x1x16xf32> to vector<16xf32>
      %parallel_loop3A_686 = arith.addf %parallel_loop3A_685, %parallel_loop3A_665 : vector<16xf32>
      %parallel_loop3A_687 = arith.constant 1 : i32
      %parallel_loop3A_688 = arith.index_cast %parallel_loop3A_687 : i32 to index
      %parallel_loop3A_689 = arith.index_cast %parallel_loop3A_658 : i32 to index
      %parallel_loop3A_690 = arith.index_cast %parallel_loop3A_661 : i32 to index
      %parallel_loop3A_691 = tpu.vector_load %arg5[%parallel_loop3A_688, %parallel_loop3A_689, %parallel_loop3A_690] {strides = array<i32>} : memref<4x8x1024xf32, #tpu.memory_space<vmem>>, vector<1x1x16xf32>,
      %parallel_loop3A_692 = vector.shape_cast %parallel_loop3A_691 : vector<1x1x16xf32> to vector<16xf32>
      %parallel_loop3A_693 = vector.shape_cast %parallel_loop3A_686 : vector<16xf32> to vector<1x1x16xf32>
      tpu.vector_store %arg5[%parallel_loop3A_688, %parallel_loop3A_689, %parallel_loop3A_690], %parallel_loop3A_693 {strides = array<i32>} : memref<4x8x1024xf32, #tpu.memory_space<vmem>>, vector<1x1x16xf32>,
      %parallel_loop3A_694 = arith.constant 2 : i32
      %parallel_loop3A_695 = arith.index_cast %parallel_loop3A_694 : i32 to index
      %parallel_loop3A_696 = arith.index_cast %parallel_loop3A_658 : i32 to index
      %parallel_loop3A_697 = arith.index_cast %parallel_loop3A_661 : i32 to index
      %parallel_loop3A_698 = tpu.vector_load %arg5[%parallel_loop3A_695, %parallel_loop3A_696, %parallel_loop3A_697] {strides = array<i32>} : memref<4x8x1024xf32, #tpu.memory_space<vmem>>, vector<1x1x16xf32>,
      %parallel_loop3A_699 = vector.shape_cast %parallel_loop3A_698 : vector<1x1x16xf32> to vector<16xf32>
      %parallel_loop3A_700 = arith.addf %parallel_loop3A_699, %parallel_loop3A_665 : vector<16xf32>
      %parallel_loop3A_701 = arith.constant 2 : i32
      %parallel_loop3A_702 = arith.index_cast %parallel_loop3A_701 : i32 to index
      %parallel_loop3A_703 = arith.index_cast %parallel_loop3A_658 : i32 to index
      %parallel_loop3A_704 = arith.index_cast %parallel_loop3A_661 : i32 to index
      %parallel_loop3A_705 = tpu.vector_load %arg5[%parallel_loop3A_702, %parallel_loop3A_703, %parallel_loop3A_704] {strides = array<i32>} : memref<4x8x1024xf32, #tpu.memory_space<vmem>>, vector<1x1x16xf32>,
      %parallel_loop3A_706 = vector.shape_cast %parallel_loop3A_705 : vector<1x1x16xf32> to vector<16xf32>
      %parallel_loop3A_707 = vector.shape_cast %parallel_loop3A_700 : vector<16xf32> to vector<1x1x16xf32>
      tpu.vector_store %arg5[%parallel_loop3A_702, %parallel_loop3A_703, %parallel_loop3A_704], %parallel_loop3A_707 {strides = array<i32>} : memref<4x8x1024xf32, #tpu.memory_space<vmem>>, vector<1x1x16xf32>,
      %parallel_loop3A_708 = arith.constant 3 : i32
      %parallel_loop3A_709 = arith.index_cast %parallel_loop3A_708 : i32 to index
      %parallel_loop3A_710 = arith.index_cast %parallel_loop3A_658 : i32 to index
      %parallel_loop3A_711 = arith.index_cast %parallel_loop3A_661 : i32 to index
      %parallel_loop3A_712 = tpu.vector_load %arg5[%parallel_loop3A_709, %parallel_loop3A_710, %parallel_loop3A_711] {strides = array<i32>} : memref<4x8x1024xf32, #tpu.memory_space<vmem>>, vector<1x1x16xf32>,
      %parallel_loop3A_713 = vector.shape_cast %parallel_loop3A_712 : vector<1x1x16xf32> to vector<16xf32>
      %parallel_loop3A_714 = arith.addf %parallel_loop3A_713, %parallel_loop3A_665 : vector<16xf32>
      %parallel_loop3A_715 = arith.constant 3 : i32
      %parallel_loop3A_716 = arith.index_cast %parallel_loop3A_715 : i32 to index
      %parallel_loop3A_717 = arith.index_cast %parallel_loop3A_658 : i32 to index
      %parallel_loop3A_718 = arith.index_cast %parallel_loop3A_661 : i32 to index
      %parallel_loop3A_719 = tpu.vector_load %arg5[%parallel_loop3A_716, %parallel_loop3A_717, %parallel_loop3A_718] {strides = array<i32>} : memref<4x8x1024xf32, #tpu.memory_space<vmem>>, vector<1x1x16xf32>,
      %parallel_loop3A_720 = vector.shape_cast %parallel_loop3A_719 : vector<1x1x16xf32> to vector<16xf32>
      %parallel_loop3A_721 = vector.shape_cast %parallel_loop3A_714 : vector<16xf32> to vector<1x1x16xf32>
      tpu.vector_store %arg5[%parallel_loop3A_716, %parallel_loop3A_717, %parallel_loop3A_718], %parallel_loop3A_721 {strides = array<i32>} : memref<4x8x1024xf32, #tpu.memory_space<vmem>>, vector<1x1x16xf32>,
    } {sc.loop_unroll_factor = 4 : i64, sc.parallel_access}
    %add3A_547 = arith.constant 96 : i32
    %add3A_548 = arith.addi %mul3A_2, %add3A_547 : i32
    %dma_start3A_549 = arith.constant 0 : i32
    %dma_start3A_550 = arith.constant 0 : i32
    %dma_start3A_551 = tpu.memref_slice %arg4[%dma_start3A_549, %add3A_548, %dma_start3A_550] : memref<4x4096x1024xf32, #tpu.memory_space<hbm>> -> memref<4x8x1024xf32, #tpu.memory_space<hbm>>
    %dma_start3A_552 = arith.constant 0 : i32
    %dma_start3A_553 = arith.constant 0 : i32
    %dma_start3A_554 = tpu.memref_slice %arg4[%dma_start3A_552, %add3A_548, %dma_start3A_553] : memref<4x4096x1024xf32, #tpu.memory_space<hbm>> -> memref<4x8x1024xf32, #tpu.memory_space<hbm>>
    tpu.enqueue_dma source(%arg5 : memref<4x8x1024xf32, #tpu.memory_space<vmem>>) target(%dma_start3A_554 : memref<4x8x1024xf32, #tpu.memory_space<hbm>>) target_semaphore(%arg14 : memref<!tpu.dma_semaphore, #tpu.memory_space<semaphore_mem>>)
    %dma_wait3A_555 = arith.constant 0 : i32
    %dma_wait3A_556 = arith.constant 0 : i32
    %dma_wait3A_557 = tpu.memref_slice %arg4[%dma_wait3A_555, %add3A_548, %dma_wait3A_556] : memref<4x4096x1024xf32, #tpu.memory_space<hbm>> -> memref<4x8x1024xf32, #tpu.memory_space<hbm>>
    %dma_wait3A_558 = arith.constant 0 : i32
    %dma_wait3A_559 = arith.constant 0 : i32
    %dma_wait3A_560 = tpu.memref_slice %arg4[%dma_wait3A_558, %add3A_548, %dma_wait3A_559] : memref<4x4096x1024xf32, #tpu.memory_space<hbm>> -> memref<4x8x1024xf32, #tpu.memory_space<hbm>>
    tpu.wait_dma2 semaphore(%arg14 : memref<!tpu.dma_semaphore, #tpu.memory_space<semaphore_mem>>) src(%arg5 : memref<4x8x1024xf32, #tpu.memory_space<vmem>>) dst(%dma_wait3A_560 : memref<4x8x1024xf32, #tpu.memory_space<hbm>>)
    %add3A_561 = arith.constant 120 : i32
    %add3A_562 = arith.addi %mul3A_2, %add3A_561 : i32
    %dma_start3A_563 = arith.constant 0 : i32
    %dma_start3A_564 = arith.constant 0 : i32
    %dma_start3A_565 = tpu.memref_slice %arg2[%dma_start3A_563, %add3A_562, %dma_start3A_564] : memref<4x4096x1024xf32, #tpu.memory_space<hbm>> -> memref<4x8x1024xf32, #tpu.memory_space<hbm>>
    %dma_start3A_566 = arith.constant 0 : i32
    %dma_start3A_567 = arith.constant 0 : i32
    %dma_start3A_568 = tpu.memref_slice %arg2[%dma_start3A_566, %add3A_562, %dma_start3A_567] : memref<4x4096x1024xf32, #tpu.memory_space<hbm>> -> memref<4x8x1024xf32, #tpu.memory_space<hbm>>
    tpu.enqueue_dma source(%dma_start3A_568 : memref<4x8x1024xf32, #tpu.memory_space<hbm>>) target(%arg5 : memref<4x8x1024xf32, #tpu.memory_space<vmem>>) target_semaphore(%arg11 : memref<!tpu.dma_semaphore, #tpu.memory_space<semaphore_mem>>)
    %add3A_569 = arith.constant 120 : i32
    %add3A_570 = arith.addi %mul3A_2, %add3A_569 : i32
    %dma_start3A_571 = arith.constant 0 : i32
    %dma_start3A_572 = tpu.memref_slice %arg3[%add3A_570, %dma_start3A_571] : memref<8192x1024xf32, #tpu.memory_space<hbm>> -> memref<8x1024xf32, #tpu.memory_space<hbm>>
    %dma_start3A_573 = arith.constant 0 : i32
    %dma_start3A_574 = tpu.memref_slice %arg3[%add3A_570, %dma_start3A_573] : memref<8192x1024xf32, #tpu.memory_space<hbm>> -> memref<8x1024xf32, #tpu.memory_space<hbm>>
    tpu.enqueue_dma source(%dma_start3A_574 : memref<8x1024xf32, #tpu.memory_space<hbm>>) target(%arg8 : memref<8x1024xf32, #tpu.memory_space<vmem>>) target_semaphore(%arg17 : memref<!tpu.dma_semaphore, #tpu.memory_space<semaphore_mem>>)
    %dma_wait3A_575 = arith.constant 0 : i32
    %dma_wait3A_576 = tpu.memref_slice %arg3[%add3A_488, %dma_wait3A_575] : memref<8192x1024xf32, #tpu.memory_space<hbm>> -> memref<8x1024xf32, #tpu.memory_space<hbm>>
    %dma_wait3A_577 = arith.constant 0 : i32
    %dma_wait3A_578 = tpu.memref_slice %arg3[%add3A_488, %dma_wait3A_577] : memref<8192x1024xf32, #tpu.memory_space<hbm>> -> memref<8x1024xf32, #tpu.memory_space<hbm>>
    tpu.wait_dma2 semaphore(%arg18 : memref<!tpu.dma_semaphore, #tpu.memory_space<semaphore_mem>>) src(%dma_wait3A_578 : memref<8x1024xf32, #tpu.memory_space<hbm>>) dst(%arg9 : memref<8x1024xf32, #tpu.memory_space<vmem>>)
    %dma_wait3A_579 = arith.constant 0 : i32
    %dma_wait3A_580 = arith.constant 0 : i32
    %dma_wait3A_581 = tpu.memref_slice %arg2[%dma_wait3A_579, %add3A_480, %dma_wait3A_580] : memref<4x4096x1024xf32, #tpu.memory_space<hbm>> -> memref<4x8x1024xf32, #tpu.memory_space<hbm>>
    %dma_wait3A_582 = arith.constant 0 : i32
    %dma_wait3A_583 = arith.constant 0 : i32
    %dma_wait3A_584 = tpu.memref_slice %arg2[%dma_wait3A_582, %add3A_480, %dma_wait3A_583] : memref<4x4096x1024xf32, #tpu.memory_space<hbm>> -> memref<4x8x1024xf32, #tpu.memory_space<hbm>>
    tpu.wait_dma2 semaphore(%arg12 : memref<!tpu.dma_semaphore, #tpu.memory_space<semaphore_mem>>) src(%dma_wait3A_584 : memref<4x8x1024xf32, #tpu.memory_space<hbm>>) dst(%arg6 : memref<4x8x1024xf32, #tpu.memory_space<vmem>>)
    %parallel_loop3A_585 = arith.constant 0 : i32
    %parallel_loop3A_586 = arith.constant 8192 : i32
    %parallel_loop3A_587 = arith.constant 16 : i32
    scf.for %parallel_loop3A_656 = %parallel_loop3A_585 to %parallel_loop3A_586 step %parallel_loop3A_587  : i32 {
      %parallel_loop3A_657 = arith.constant 10 : i32
      %parallel_loop3A_658 = arith.shrui %parallel_loop3A_656, %parallel_loop3A_657 : i32
      %parallel_loop3A_659 = arith.constant 1023 : i32
      %parallel_loop3A_660 = arith.andi %parallel_loop3A_656, %parallel_loop3A_659 : i32
      %parallel_loop3A_661 = tpu.assume_multiple %parallel_loop3A_660, 16 : i32
      %parallel_loop3A_662 = arith.index_cast %parallel_loop3A_658 : i32 to index
      %parallel_loop3A_663 = arith.index_cast %parallel_loop3A_661 : i32 to index
      %parallel_loop3A_664 = tpu.vector_load %arg9[%parallel_loop3A_662, %parallel_loop3A_663] {strides = array<i32>} : memref<8x1024xf32, #tpu.memory_space<vmem>>, vector<1x16xf32>,
      %parallel_loop3A_665 = vector.shape_cast %parallel_loop3A_664 : vector<1x16xf32> to vector<16xf32>
      %parallel_loop3A_666 = arith.constant 0 : i32
      %parallel_loop3A_667 = arith.index_cast %parallel_loop3A_666 : i32 to index
      %parallel_loop3A_668 = arith.index_cast %parallel_loop3A_658 : i32 to index
      %parallel_loop3A_669 = arith.index_cast %parallel_loop3A_661 : i32 to index
      %parallel_loop3A_670 = tpu.vector_load %arg6[%parallel_loop3A_667, %parallel_loop3A_668, %parallel_loop3A_669] {strides = array<i32>} : memref<4x8x1024xf32, #tpu.memory_space<vmem>>, vector<1x1x16xf32>,
      %parallel_loop3A_671 = vector.shape_cast %parallel_loop3A_670 : vector<1x1x16xf32> to vector<16xf32>
      %parallel_loop3A_672 = arith.addf %parallel_loop3A_671, %parallel_loop3A_665 : vector<16xf32>
      %parallel_loop3A_673 = arith.constant 0 : i32
      %parallel_loop3A_674 = arith.index_cast %parallel_loop3A_673 : i32 to index
      %parallel_loop3A_675 = arith.index_cast %parallel_loop3A_658 : i32 to index
      %parallel_loop3A_676 = arith.index_cast %parallel_loop3A_661 : i32 to index
      %parallel_loop3A_677 = tpu.vector_load %arg6[%parallel_loop3A_674, %parallel_loop3A_675, %parallel_loop3A_676] {strides = array<i32>} : memref<4x8x1024xf32, #tpu.memory_space<vmem>>, vector<1x1x16xf32>,
      %parallel_loop3A_678 = vector.shape_cast %parallel_loop3A_677 : vector<1x1x16xf32> to vector<16xf32>
      %parallel_loop3A_679 = vector.shape_cast %parallel_loop3A_672 : vector<16xf32> to vector<1x1x16xf32>
      tpu.vector_store %arg6[%parallel_loop3A_674, %parallel_loop3A_675, %parallel_loop3A_676], %parallel_loop3A_679 {strides = array<i32>} : memref<4x8x1024xf32, #tpu.memory_space<vmem>>, vector<1x1x16xf32>,
      %parallel_loop3A_680 = arith.constant 1 : i32
      %parallel_loop3A_681 = arith.index_cast %parallel_loop3A_680 : i32 to index
      %parallel_loop3A_682 = arith.index_cast %parallel_loop3A_658 : i32 to index
      %parallel_loop3A_683 = arith.index_cast %parallel_loop3A_661 : i32 to index
      %parallel_loop3A_684 = tpu.vector_load %arg6[%parallel_loop3A_681, %parallel_loop3A_682, %parallel_loop3A_683] {strides = array<i32>} : memref<4x8x1024xf32, #tpu.memory_space<vmem>>, vector<1x1x16xf32>,
      %parallel_loop3A_685 = vector.shape_cast %parallel_loop3A_684 : vector<1x1x16xf32> to vector<16xf32>
      %parallel_loop3A_686 = arith.addf %parallel_loop3A_685, %parallel_loop3A_665 : vector<16xf32>
      %parallel_loop3A_687 = arith.constant 1 : i32
      %parallel_loop3A_688 = arith.index_cast %parallel_loop3A_687 : i32 to index
      %parallel_loop3A_689 = arith.index_cast %parallel_loop3A_658 : i32 to index
      %parallel_loop3A_690 = arith.index_cast %parallel_loop3A_661 : i32 to index
      %parallel_loop3A_691 = tpu.vector_load %arg6[%parallel_loop3A_688, %parallel_loop3A_689, %parallel_loop3A_690] {strides = array<i32>} : memref<4x8x1024xf32, #tpu.memory_space<vmem>>, vector<1x1x16xf32>,
      %parallel_loop3A_692 = vector.shape_cast %parallel_loop3A_691 : vector<1x1x16xf32> to vector<16xf32>
      %parallel_loop3A_693 = vector.shape_cast %parallel_loop3A_686 : vector<16xf32> to vector<1x1x16xf32>
      tpu.vector_store %arg6[%parallel_loop3A_688, %parallel_loop3A_689, %parallel_loop3A_690], %parallel_loop3A_693 {strides = array<i32>} : memref<4x8x1024xf32, #tpu.memory_space<vmem>>, vector<1x1x16xf32>,
      %parallel_loop3A_694 = arith.constant 2 : i32
      %parallel_loop3A_695 = arith.index_cast %parallel_loop3A_694 : i32 to index
      %parallel_loop3A_696 = arith.index_cast %parallel_loop3A_658 : i32 to index
      %parallel_loop3A_697 = arith.index_cast %parallel_loop3A_661 : i32 to index
      %parallel_loop3A_698 = tpu.vector_load %arg6[%parallel_loop3A_695, %parallel_loop3A_696, %parallel_loop3A_697] {strides = array<i32>} : memref<4x8x1024xf32, #tpu.memory_space<vmem>>, vector<1x1x16xf32>,
      %parallel_loop3A_699 = vector.shape_cast %parallel_loop3A_698 : vector<1x1x16xf32> to vector<16xf32>
      %parallel_loop3A_700 = arith.addf %parallel_loop3A_699, %parallel_loop3A_665 : vector<16xf32>
      %parallel_loop3A_701 = arith.constant 2 : i32
      %parallel_loop3A_702 = arith.index_cast %parallel_loop3A_701 : i32 to index
      %parallel_loop3A_703 = arith.index_cast %parallel_loop3A_658 : i32 to index
      %parallel_loop3A_704 = arith.index_cast %parallel_loop3A_661 : i32 to index
      %parallel_loop3A_705 = tpu.vector_load %arg6[%parallel_loop3A_702, %parallel_loop3A_703, %parallel_loop3A_704] {strides = array<i32>} : memref<4x8x1024xf32, #tpu.memory_space<vmem>>, vector<1x1x16xf32>,
      %parallel_loop3A_706 = vector.shape_cast %parallel_loop3A_705 : vector<1x1x16xf32> to vector<16xf32>
      %parallel_loop3A_707 = vector.shape_cast %parallel_loop3A_700 : vector<16xf32> to vector<1x1x16xf32>
      tpu.vector_store %arg6[%parallel_loop3A_702, %parallel_loop3A_703, %parallel_loop3A_704], %parallel_loop3A_707 {strides = array<i32>} : memref<4x8x1024xf32, #tpu.memory_space<vmem>>, vector<1x1x16xf32>,
      %parallel_loop3A_708 = arith.constant 3 : i32
      %parallel_loop3A_709 = arith.index_cast %parallel_loop3A_708 : i32 to index
      %parallel_loop3A_710 = arith.index_cast %parallel_loop3A_658 : i32 to index
      %parallel_loop3A_711 = arith.index_cast %parallel_loop3A_661 : i32 to index
      %parallel_loop3A_712 = tpu.vector_load %arg6[%parallel_loop3A_709, %parallel_loop3A_710, %parallel_loop3A_711] {strides = array<i32>} : memref<4x8x1024xf32, #tpu.memory_space<vmem>>, vector<1x1x16xf32>,
      %parallel_loop3A_713 = vector.shape_cast %parallel_loop3A_712 : vector<1x1x16xf32> to vector<16xf32>
      %parallel_loop3A_714 = arith.addf %parallel_loop3A_713, %parallel_loop3A_665 : vector<16xf32>
      %parallel_loop3A_715 = arith.constant 3 : i32
      %parallel_loop3A_716 = arith.index_cast %parallel_loop3A_715 : i32 to index
      %parallel_loop3A_717 = arith.index_cast %parallel_loop3A_658 : i32 to index
      %parallel_loop3A_718 = arith.index_cast %parallel_loop3A_661 : i32 to index
      %parallel_loop3A_719 = tpu.vector_load %arg6[%parallel_loop3A_716, %parallel_loop3A_717, %parallel_loop3A_718] {strides = array<i32>} : memref<4x8x1024xf32, #tpu.memory_space<vmem>>, vector<1x1x16xf32>,
      %parallel_loop3A_720 = vector.shape_cast %parallel_loop3A_719 : vector<1x1x16xf32> to vector<16xf32>
      %parallel_loop3A_721 = vector.shape_cast %parallel_loop3A_714 : vector<16xf32> to vector<1x1x16xf32>
      tpu.vector_store %arg6[%parallel_loop3A_716, %parallel_loop3A_717, %parallel_loop3A_718], %parallel_loop3A_721 {strides = array<i32>} : memref<4x8x1024xf32, #tpu.memory_space<vmem>>, vector<1x1x16xf32>,
    } {sc.loop_unroll_factor = 4 : i64, sc.parallel_access}
    %add3A_588 = arith.constant 104 : i32
    %add3A_589 = arith.addi %mul3A_2, %add3A_588 : i32
    %dma_start3A_590 = arith.constant 0 : i32
    %dma_start3A_591 = arith.constant 0 : i32
    %dma_start3A_592 = tpu.memref_slice %arg4[%dma_start3A_590, %add3A_589, %dma_start3A_591] : memref<4x4096x1024xf32, #tpu.memory_space<hbm>> -> memref<4x8x1024xf32, #tpu.memory_space<hbm>>
    %dma_start3A_593 = arith.constant 0 : i32
    %dma_start3A_594 = arith.constant 0 : i32
    %dma_start3A_595 = tpu.memref_slice %arg4[%dma_start3A_593, %add3A_589, %dma_start3A_594] : memref<4x4096x1024xf32, #tpu.memory_space<hbm>> -> memref<4x8x1024xf32, #tpu.memory_space<hbm>>
    tpu.enqueue_dma source(%arg6 : memref<4x8x1024xf32, #tpu.memory_space<vmem>>) target(%dma_start3A_595 : memref<4x8x1024xf32, #tpu.memory_space<hbm>>) target_semaphore(%arg15 : memref<!tpu.dma_semaphore, #tpu.memory_space<semaphore_mem>>)
    %dma_wait3A_596 = arith.constant 0 : i32
    %dma_wait3A_597 = tpu.memref_slice %arg3[%add3A_529, %dma_wait3A_596] : memref<8192x1024xf32, #tpu.memory_space<hbm>> -> memref<8x1024xf32, #tpu.memory_space<hbm>>
    %dma_wait3A_598 = arith.constant 0 : i32
    %dma_wait3A_599 = tpu.memref_slice %arg3[%add3A_529, %dma_wait3A_598] : memref<8192x1024xf32, #tpu.memory_space<hbm>> -> memref<8x1024xf32, #tpu.memory_space<hbm>>
    tpu.wait_dma2 semaphore(%arg19 : memref<!tpu.dma_semaphore, #tpu.memory_space<semaphore_mem>>) src(%dma_wait3A_599 : memref<8x1024xf32, #tpu.memory_space<hbm>>) dst(%arg10 : memref<8x1024xf32, #tpu.memory_space<vmem>>)
    %dma_wait3A_600 = arith.constant 0 : i32
    %dma_wait3A_601 = arith.constant 0 : i32
    %dma_wait3A_602 = tpu.memref_slice %arg2[%dma_wait3A_600, %add3A_521, %dma_wait3A_601] : memref<4x4096x1024xf32, #tpu.memory_space<hbm>> -> memref<4x8x1024xf32, #tpu.memory_space<hbm>>
    %dma_wait3A_603 = arith.constant 0 : i32
    %dma_wait3A_604 = arith.constant 0 : i32
    %dma_wait3A_605 = tpu.memref_slice %arg2[%dma_wait3A_603, %add3A_521, %dma_wait3A_604] : memref<4x4096x1024xf32, #tpu.memory_space<hbm>> -> memref<4x8x1024xf32, #tpu.memory_space<hbm>>
    tpu.wait_dma2 semaphore(%arg13 : memref<!tpu.dma_semaphore, #tpu.memory_space<semaphore_mem>>) src(%dma_wait3A_605 : memref<4x8x1024xf32, #tpu.memory_space<hbm>>) dst(%arg7 : memref<4x8x1024xf32, #tpu.memory_space<vmem>>)
    %parallel_loop3A_606 = arith.constant 0 : i32
    %parallel_loop3A_607 = arith.constant 8192 : i32
    %parallel_loop3A_608 = arith.constant 16 : i32
    scf.for %parallel_loop3A_656 = %parallel_loop3A_606 to %parallel_loop3A_607 step %parallel_loop3A_608  : i32 {
      %parallel_loop3A_657 = arith.constant 10 : i32
      %parallel_loop3A_658 = arith.shrui %parallel_loop3A_656, %parallel_loop3A_657 : i32
      %parallel_loop3A_659 = arith.constant 1023 : i32
      %parallel_loop3A_660 = arith.andi %parallel_loop3A_656, %parallel_loop3A_659 : i32
      %parallel_loop3A_661 = tpu.assume_multiple %parallel_loop3A_660, 16 : i32
      %parallel_loop3A_662 = arith.index_cast %parallel_loop3A_658 : i32 to index
      %parallel_loop3A_663 = arith.index_cast %parallel_loop3A_661 : i32 to index
      %parallel_loop3A_664 = tpu.vector_load %arg10[%parallel_loop3A_662, %parallel_loop3A_663] {strides = array<i32>} : memref<8x1024xf32, #tpu.memory_space<vmem>>, vector<1x16xf32>,
      %parallel_loop3A_665 = vector.shape_cast %parallel_loop3A_664 : vector<1x16xf32> to vector<16xf32>
      %parallel_loop3A_666 = arith.constant 0 : i32
      %parallel_loop3A_667 = arith.index_cast %parallel_loop3A_666 : i32 to index
      %parallel_loop3A_668 = arith.index_cast %parallel_loop3A_658 : i32 to index
      %parallel_loop3A_669 = arith.index_cast %parallel_loop3A_661 : i32 to index
      %parallel_loop3A_670 = tpu.vector_load %arg7[%parallel_loop3A_667, %parallel_loop3A_668, %parallel_loop3A_669] {strides = array<i32>} : memref<4x8x1024xf32, #tpu.memory_space<vmem>>, vector<1x1x16xf32>,
      %parallel_loop3A_671 = vector.shape_cast %parallel_loop3A_670 : vector<1x1x16xf32> to vector<16xf32>
      %parallel_loop3A_672 = arith.addf %parallel_loop3A_671, %parallel_loop3A_665 : vector<16xf32>
      %parallel_loop3A_673 = arith.constant 0 : i32
      %parallel_loop3A_674 = arith.index_cast %parallel_loop3A_673 : i32 to index
      %parallel_loop3A_675 = arith.index_cast %parallel_loop3A_658 : i32 to index
      %parallel_loop3A_676 = arith.index_cast %parallel_loop3A_661 : i32 to index
      %parallel_loop3A_677 = tpu.vector_load %arg7[%parallel_loop3A_674, %parallel_loop3A_675, %parallel_loop3A_676] {strides = array<i32>} : memref<4x8x1024xf32, #tpu.memory_space<vmem>>, vector<1x1x16xf32>,
      %parallel_loop3A_678 = vector.shape_cast %parallel_loop3A_677 : vector<1x1x16xf32> to vector<16xf32>
      %parallel_loop3A_679 = vector.shape_cast %parallel_loop3A_672 : vector<16xf32> to vector<1x1x16xf32>
      tpu.vector_store %arg7[%parallel_loop3A_674, %parallel_loop3A_675, %parallel_loop3A_676], %parallel_loop3A_679 {strides = array<i32>} : memref<4x8x1024xf32, #tpu.memory_space<vmem>>, vector<1x1x16xf32>,
      %parallel_loop3A_680 = arith.constant 1 : i32
      %parallel_loop3A_681 = arith.index_cast %parallel_loop3A_680 : i32 to index
      %parallel_loop3A_682 = arith.index_cast %parallel_loop3A_658 : i32 to index
      %parallel_loop3A_683 = arith.index_cast %parallel_loop3A_661 : i32 to index
      %parallel_loop3A_684 = tpu.vector_load %arg7[%parallel_loop3A_681, %parallel_loop3A_682, %parallel_loop3A_683] {strides = array<i32>} : memref<4x8x1024xf32, #tpu.memory_space<vmem>>, vector<1x1x16xf32>,
      %parallel_loop3A_685 = vector.shape_cast %parallel_loop3A_684 : vector<1x1x16xf32> to vector<16xf32>
      %parallel_loop3A_686 = arith.addf %parallel_loop3A_685, %parallel_loop3A_665 : vector<16xf32>
      %parallel_loop3A_687 = arith.constant 1 : i32
      %parallel_loop3A_688 = arith.index_cast %parallel_loop3A_687 : i32 to index
      %parallel_loop3A_689 = arith.index_cast %parallel_loop3A_658 : i32 to index
      %parallel_loop3A_690 = arith.index_cast %parallel_loop3A_661 : i32 to index
      %parallel_loop3A_691 = tpu.vector_load %arg7[%parallel_loop3A_688, %parallel_loop3A_689, %parallel_loop3A_690] {strides = array<i32>} : memref<4x8x1024xf32, #tpu.memory_space<vmem>>, vector<1x1x16xf32>,
      %parallel_loop3A_692 = vector.shape_cast %parallel_loop3A_691 : vector<1x1x16xf32> to vector<16xf32>
      %parallel_loop3A_693 = vector.shape_cast %parallel_loop3A_686 : vector<16xf32> to vector<1x1x16xf32>
      tpu.vector_store %arg7[%parallel_loop3A_688, %parallel_loop3A_689, %parallel_loop3A_690], %parallel_loop3A_693 {strides = array<i32>} : memref<4x8x1024xf32, #tpu.memory_space<vmem>>, vector<1x1x16xf32>,
      %parallel_loop3A_694 = arith.constant 2 : i32
      %parallel_loop3A_695 = arith.index_cast %parallel_loop3A_694 : i32 to index
      %parallel_loop3A_696 = arith.index_cast %parallel_loop3A_658 : i32 to index
      %parallel_loop3A_697 = arith.index_cast %parallel_loop3A_661 : i32 to index
      %parallel_loop3A_698 = tpu.vector_load %arg7[%parallel_loop3A_695, %parallel_loop3A_696, %parallel_loop3A_697] {strides = array<i32>} : memref<4x8x1024xf32, #tpu.memory_space<vmem>>, vector<1x1x16xf32>,
      %parallel_loop3A_699 = vector.shape_cast %parallel_loop3A_698 : vector<1x1x16xf32> to vector<16xf32>
      %parallel_loop3A_700 = arith.addf %parallel_loop3A_699, %parallel_loop3A_665 : vector<16xf32>
      %parallel_loop3A_701 = arith.constant 2 : i32
      %parallel_loop3A_702 = arith.index_cast %parallel_loop3A_701 : i32 to index
      %parallel_loop3A_703 = arith.index_cast %parallel_loop3A_658 : i32 to index
      %parallel_loop3A_704 = arith.index_cast %parallel_loop3A_661 : i32 to index
      %parallel_loop3A_705 = tpu.vector_load %arg7[%parallel_loop3A_702, %parallel_loop3A_703, %parallel_loop3A_704] {strides = array<i32>} : memref<4x8x1024xf32, #tpu.memory_space<vmem>>, vector<1x1x16xf32>,
      %parallel_loop3A_706 = vector.shape_cast %parallel_loop3A_705 : vector<1x1x16xf32> to vector<16xf32>
      %parallel_loop3A_707 = vector.shape_cast %parallel_loop3A_700 : vector<16xf32> to vector<1x1x16xf32>
      tpu.vector_store %arg7[%parallel_loop3A_702, %parallel_loop3A_703, %parallel_loop3A_704], %parallel_loop3A_707 {strides = array<i32>} : memref<4x8x1024xf32, #tpu.memory_space<vmem>>, vector<1x1x16xf32>,
      %parallel_loop3A_708 = arith.constant 3 : i32
      %parallel_loop3A_709 = arith.index_cast %parallel_loop3A_708 : i32 to index
      %parallel_loop3A_710 = arith.index_cast %parallel_loop3A_658 : i32 to index
      %parallel_loop3A_711 = arith.index_cast %parallel_loop3A_661 : i32 to index
      %parallel_loop3A_712 = tpu.vector_load %arg7[%parallel_loop3A_709, %parallel_loop3A_710, %parallel_loop3A_711] {strides = array<i32>} : memref<4x8x1024xf32, #tpu.memory_space<vmem>>, vector<1x1x16xf32>,
      %parallel_loop3A_713 = vector.shape_cast %parallel_loop3A_712 : vector<1x1x16xf32> to vector<16xf32>
      %parallel_loop3A_714 = arith.addf %parallel_loop3A_713, %parallel_loop3A_665 : vector<16xf32>
      %parallel_loop3A_715 = arith.constant 3 : i32
      %parallel_loop3A_716 = arith.index_cast %parallel_loop3A_715 : i32 to index
      %parallel_loop3A_717 = arith.index_cast %parallel_loop3A_658 : i32 to index
      %parallel_loop3A_718 = arith.index_cast %parallel_loop3A_661 : i32 to index
      %parallel_loop3A_719 = tpu.vector_load %arg7[%parallel_loop3A_716, %parallel_loop3A_717, %parallel_loop3A_718] {strides = array<i32>} : memref<4x8x1024xf32, #tpu.memory_space<vmem>>, vector<1x1x16xf32>,
      %parallel_loop3A_720 = vector.shape_cast %parallel_loop3A_719 : vector<1x1x16xf32> to vector<16xf32>
      %parallel_loop3A_721 = vector.shape_cast %parallel_loop3A_714 : vector<16xf32> to vector<1x1x16xf32>
      tpu.vector_store %arg7[%parallel_loop3A_716, %parallel_loop3A_717, %parallel_loop3A_718], %parallel_loop3A_721 {strides = array<i32>} : memref<4x8x1024xf32, #tpu.memory_space<vmem>>, vector<1x1x16xf32>,
    } {sc.loop_unroll_factor = 4 : i64, sc.parallel_access}
    %add3A_609 = arith.constant 112 : i32
    %add3A_610 = arith.addi %mul3A_2, %add3A_609 : i32
    %dma_start3A_611 = arith.constant 0 : i32
    %dma_start3A_612 = arith.constant 0 : i32
    %dma_start3A_613 = tpu.memref_slice %arg4[%dma_start3A_611, %add3A_610, %dma_start3A_612] : memref<4x4096x1024xf32, #tpu.memory_space<hbm>> -> memref<4x8x1024xf32, #tpu.memory_space<hbm>>
    %dma_start3A_614 = arith.constant 0 : i32
    %dma_start3A_615 = arith.constant 0 : i32
    %dma_start3A_616 = tpu.memref_slice %arg4[%dma_start3A_614, %add3A_610, %dma_start3A_615] : memref<4x4096x1024xf32, #tpu.memory_space<hbm>> -> memref<4x8x1024xf32, #tpu.memory_space<hbm>>
    tpu.enqueue_dma source(%arg7 : memref<4x8x1024xf32, #tpu.memory_space<vmem>>) target(%dma_start3A_616 : memref<4x8x1024xf32, #tpu.memory_space<hbm>>) target_semaphore(%arg16 : memref<!tpu.dma_semaphore, #tpu.memory_space<semaphore_mem>>)
    %dma_wait3A_617 = arith.constant 0 : i32
    %dma_wait3A_618 = tpu.memref_slice %arg3[%add3A_570, %dma_wait3A_617] : memref<8192x1024xf32, #tpu.memory_space<hbm>> -> memref<8x1024xf32, #tpu.memory_space<hbm>>
    %dma_wait3A_619 = arith.constant 0 : i32
    %dma_wait3A_620 = tpu.memref_slice %arg3[%add3A_570, %dma_wait3A_619] : memref<8192x1024xf32, #tpu.memory_space<hbm>> -> memref<8x1024xf32, #tpu.memory_space<hbm>>
    tpu.wait_dma2 semaphore(%arg17 : memref<!tpu.dma_semaphore, #tpu.memory_space<semaphore_mem>>) src(%dma_wait3A_620 : memref<8x1024xf32, #tpu.memory_space<hbm>>) dst(%arg8 : memref<8x1024xf32, #tpu.memory_space<vmem>>)
    %dma_wait3A_621 = arith.constant 0 : i32
    %dma_wait3A_622 = arith.constant 0 : i32
    %dma_wait3A_623 = tpu.memref_slice %arg2[%dma_wait3A_621, %add3A_562, %dma_wait3A_622] : memref<4x4096x1024xf32, #tpu.memory_space<hbm>> -> memref<4x8x1024xf32, #tpu.memory_space<hbm>>
    %dma_wait3A_624 = arith.constant 0 : i32
    %dma_wait3A_625 = arith.constant 0 : i32
    %dma_wait3A_626 = tpu.memref_slice %arg2[%dma_wait3A_624, %add3A_562, %dma_wait3A_625] : memref<4x4096x1024xf32, #tpu.memory_space<hbm>> -> memref<4x8x1024xf32, #tpu.memory_space<hbm>>
    tpu.wait_dma2 semaphore(%arg11 : memref<!tpu.dma_semaphore, #tpu.memory_space<semaphore_mem>>) src(%dma_wait3A_626 : memref<4x8x1024xf32, #tpu.memory_space<hbm>>) dst(%arg5 : memref<4x8x1024xf32, #tpu.memory_space<vmem>>)
    %parallel_loop3A_627 = arith.constant 0 : i32
    %parallel_loop3A_628 = arith.constant 8192 : i32
    %parallel_loop3A_629 = arith.constant 16 : i32
    scf.for %parallel_loop3A_656 = %parallel_loop3A_627 to %parallel_loop3A_628 step %parallel_loop3A_629  : i32 {
      %parallel_loop3A_657 = arith.constant 10 : i32
      %parallel_loop3A_658 = arith.shrui %parallel_loop3A_656, %parallel_loop3A_657 : i32
      %parallel_loop3A_659 = arith.constant 1023 : i32
      %parallel_loop3A_660 = arith.andi %parallel_loop3A_656, %parallel_loop3A_659 : i32
      %parallel_loop3A_661 = tpu.assume_multiple %parallel_loop3A_660, 16 : i32
      %parallel_loop3A_662 = arith.index_cast %parallel_loop3A_658 : i32 to index
      %parallel_loop3A_663 = arith.index_cast %parallel_loop3A_661 : i32 to index
      %parallel_loop3A_664 = tpu.vector_load %arg8[%parallel_loop3A_662, %parallel_loop3A_663] {strides = array<i32>} : memref<8x1024xf32, #tpu.memory_space<vmem>>, vector<1x16xf32>,
      %parallel_loop3A_665 = vector.shape_cast %parallel_loop3A_664 : vector<1x16xf32> to vector<16xf32>
      %parallel_loop3A_666 = arith.constant 0 : i32
      %parallel_loop3A_667 = arith.index_cast %parallel_loop3A_666 : i32 to index
      %parallel_loop3A_668 = arith.index_cast %parallel_loop3A_658 : i32 to index
      %parallel_loop3A_669 = arith.index_cast %parallel_loop3A_661 : i32 to index
      %parallel_loop3A_670 = tpu.vector_load %arg5[%parallel_loop3A_667, %parallel_loop3A_668, %parallel_loop3A_669] {strides = array<i32>} : memref<4x8x1024xf32, #tpu.memory_space<vmem>>, vector<1x1x16xf32>,
      %parallel_loop3A_671 = vector.shape_cast %parallel_loop3A_670 : vector<1x1x16xf32> to vector<16xf32>
      %parallel_loop3A_672 = arith.addf %parallel_loop3A_671, %parallel_loop3A_665 : vector<16xf32>
      %parallel_loop3A_673 = arith.constant 0 : i32
      %parallel_loop3A_674 = arith.index_cast %parallel_loop3A_673 : i32 to index
      %parallel_loop3A_675 = arith.index_cast %parallel_loop3A_658 : i32 to index
      %parallel_loop3A_676 = arith.index_cast %parallel_loop3A_661 : i32 to index
      %parallel_loop3A_677 = tpu.vector_load %arg5[%parallel_loop3A_674, %parallel_loop3A_675, %parallel_loop3A_676] {strides = array<i32>} : memref<4x8x1024xf32, #tpu.memory_space<vmem>>, vector<1x1x16xf32>,
      %parallel_loop3A_678 = vector.shape_cast %parallel_loop3A_677 : vector<1x1x16xf32> to vector<16xf32>
      %parallel_loop3A_679 = vector.shape_cast %parallel_loop3A_672 : vector<16xf32> to vector<1x1x16xf32>
      tpu.vector_store %arg5[%parallel_loop3A_674, %parallel_loop3A_675, %parallel_loop3A_676], %parallel_loop3A_679 {strides = array<i32>} : memref<4x8x1024xf32, #tpu.memory_space<vmem>>, vector<1x1x16xf32>,
      %parallel_loop3A_680 = arith.constant 1 : i32
      %parallel_loop3A_681 = arith.index_cast %parallel_loop3A_680 : i32 to index
      %parallel_loop3A_682 = arith.index_cast %parallel_loop3A_658 : i32 to index
      %parallel_loop3A_683 = arith.index_cast %parallel_loop3A_661 : i32 to index
      %parallel_loop3A_684 = tpu.vector_load %arg5[%parallel_loop3A_681, %parallel_loop3A_682, %parallel_loop3A_683] {strides = array<i32>} : memref<4x8x1024xf32, #tpu.memory_space<vmem>>, vector<1x1x16xf32>,
      %parallel_loop3A_685 = vector.shape_cast %parallel_loop3A_684 : vector<1x1x16xf32> to vector<16xf32>
      %parallel_loop3A_686 = arith.addf %parallel_loop3A_685, %parallel_loop3A_665 : vector<16xf32>
      %parallel_loop3A_687 = arith.constant 1 : i32
      %parallel_loop3A_688 = arith.index_cast %parallel_loop3A_687 : i32 to index
      %parallel_loop3A_689 = arith.index_cast %parallel_loop3A_658 : i32 to index
      %parallel_loop3A_690 = arith.index_cast %parallel_loop3A_661 : i32 to index
      %parallel_loop3A_691 = tpu.vector_load %arg5[%parallel_loop3A_688, %parallel_loop3A_689, %parallel_loop3A_690] {strides = array<i32>} : memref<4x8x1024xf32, #tpu.memory_space<vmem>>, vector<1x1x16xf32>,
      %parallel_loop3A_692 = vector.shape_cast %parallel_loop3A_691 : vector<1x1x16xf32> to vector<16xf32>
      %parallel_loop3A_693 = vector.shape_cast %parallel_loop3A_686 : vector<16xf32> to vector<1x1x16xf32>
      tpu.vector_store %arg5[%parallel_loop3A_688, %parallel_loop3A_689, %parallel_loop3A_690], %parallel_loop3A_693 {strides = array<i32>} : memref<4x8x1024xf32, #tpu.memory_space<vmem>>, vector<1x1x16xf32>,
      %parallel_loop3A_694 = arith.constant 2 : i32
      %parallel_loop3A_695 = arith.index_cast %parallel_loop3A_694 : i32 to index
      %parallel_loop3A_696 = arith.index_cast %parallel_loop3A_658 : i32 to index
      %parallel_loop3A_697 = arith.index_cast %parallel_loop3A_661 : i32 to index
      %parallel_loop3A_698 = tpu.vector_load %arg5[%parallel_loop3A_695, %parallel_loop3A_696, %parallel_loop3A_697] {strides = array<i32>} : memref<4x8x1024xf32, #tpu.memory_space<vmem>>, vector<1x1x16xf32>,
      %parallel_loop3A_699 = vector.shape_cast %parallel_loop3A_698 : vector<1x1x16xf32> to vector<16xf32>
      %parallel_loop3A_700 = arith.addf %parallel_loop3A_699, %parallel_loop3A_665 : vector<16xf32>
      %parallel_loop3A_701 = arith.constant 2 : i32
      %parallel_loop3A_702 = arith.index_cast %parallel_loop3A_701 : i32 to index
      %parallel_loop3A_703 = arith.index_cast %parallel_loop3A_658 : i32 to index
      %parallel_loop3A_704 = arith.index_cast %parallel_loop3A_661 : i32 to index
      %parallel_loop3A_705 = tpu.vector_load %arg5[%parallel_loop3A_702, %parallel_loop3A_703, %parallel_loop3A_704] {strides = array<i32>} : memref<4x8x1024xf32, #tpu.memory_space<vmem>>, vector<1x1x16xf32>,
      %parallel_loop3A_706 = vector.shape_cast %parallel_loop3A_705 : vector<1x1x16xf32> to vector<16xf32>
      %parallel_loop3A_707 = vector.shape_cast %parallel_loop3A_700 : vector<16xf32> to vector<1x1x16xf32>
      tpu.vector_store %arg5[%parallel_loop3A_702, %parallel_loop3A_703, %parallel_loop3A_704], %parallel_loop3A_707 {strides = array<i32>} : memref<4x8x1024xf32, #tpu.memory_space<vmem>>, vector<1x1x16xf32>,
      %parallel_loop3A_708 = arith.constant 3 : i32
      %parallel_loop3A_709 = arith.index_cast %parallel_loop3A_708 : i32 to index
      %parallel_loop3A_710 = arith.index_cast %parallel_loop3A_658 : i32 to index
      %parallel_loop3A_711 = arith.index_cast %parallel_loop3A_661 : i32 to index
      %parallel_loop3A_712 = tpu.vector_load %arg5[%parallel_loop3A_709, %parallel_loop3A_710, %parallel_loop3A_711] {strides = array<i32>} : memref<4x8x1024xf32, #tpu.memory_space<vmem>>, vector<1x1x16xf32>,
      %parallel_loop3A_713 = vector.shape_cast %parallel_loop3A_712 : vector<1x1x16xf32> to vector<16xf32>
      %parallel_loop3A_714 = arith.addf %parallel_loop3A_713, %parallel_loop3A_665 : vector<16xf32>
      %parallel_loop3A_715 = arith.constant 3 : i32
      %parallel_loop3A_716 = arith.index_cast %parallel_loop3A_715 : i32 to index
      %parallel_loop3A_717 = arith.index_cast %parallel_loop3A_658 : i32 to index
      %parallel_loop3A_718 = arith.index_cast %parallel_loop3A_661 : i32 to index
      %parallel_loop3A_719 = tpu.vector_load %arg5[%parallel_loop3A_716, %parallel_loop3A_717, %parallel_loop3A_718] {strides = array<i32>} : memref<4x8x1024xf32, #tpu.memory_space<vmem>>, vector<1x1x16xf32>,
      %parallel_loop3A_720 = vector.shape_cast %parallel_loop3A_719 : vector<1x1x16xf32> to vector<16xf32>
      %parallel_loop3A_721 = vector.shape_cast %parallel_loop3A_714 : vector<16xf32> to vector<1x1x16xf32>
      tpu.vector_store %arg5[%parallel_loop3A_716, %parallel_loop3A_717, %parallel_loop3A_718], %parallel_loop3A_721 {strides = array<i32>} : memref<4x8x1024xf32, #tpu.memory_space<vmem>>, vector<1x1x16xf32>,
    } {sc.loop_unroll_factor = 4 : i64, sc.parallel_access}
    %add3A_630 = arith.constant 120 : i32
    %add3A_631 = arith.addi %mul3A_2, %add3A_630 : i32
    %dma_start3A_632 = arith.constant 0 : i32
    %dma_start3A_633 = arith.constant 0 : i32
    %dma_start3A_634 = tpu.memref_slice %arg4[%dma_start3A_632, %add3A_631, %dma_start3A_633] : memref<4x4096x1024xf32, #tpu.memory_space<hbm>> -> memref<4x8x1024xf32, #tpu.memory_space<hbm>>
    %dma_start3A_635 = arith.constant 0 : i32
    %dma_start3A_636 = arith.constant 0 : i32
    %dma_start3A_637 = tpu.memref_slice %arg4[%dma_start3A_635, %add3A_631, %dma_start3A_636] : memref<4x4096x1024xf32, #tpu.memory_space<hbm>> -> memref<4x8x1024xf32, #tpu.memory_space<hbm>>
    tpu.enqueue_dma source(%arg5 : memref<4x8x1024xf32, #tpu.memory_space<vmem>>) target(%dma_start3A_637 : memref<4x8x1024xf32, #tpu.memory_space<hbm>>) target_semaphore(%arg14 : memref<!tpu.dma_semaphore, #tpu.memory_space<semaphore_mem>>)
    %dma_wait3A_638 = arith.constant 0 : i32
    %dma_wait3A_639 = arith.constant 0 : i32
    %dma_wait3A_640 = tpu.memref_slice %arg4[%dma_wait3A_638, %add3A_589, %dma_wait3A_639] : memref<4x4096x1024xf32, #tpu.memory_space<hbm>> -> memref<4x8x1024xf32, #tpu.memory_space<hbm>>
    %dma_wait3A_641 = arith.constant 0 : i32
    %dma_wait3A_642 = arith.constant 0 : i32
    %dma_wait3A_643 = tpu.memref_slice %arg4[%dma_wait3A_641, %add3A_589, %dma_wait3A_642] : memref<4x4096x1024xf32, #tpu.memory_space<hbm>> -> memref<4x8x1024xf32, #tpu.memory_space<hbm>>
    tpu.wait_dma2 semaphore(%arg15 : memref<!tpu.dma_semaphore, #tpu.memory_space<semaphore_mem>>) src(%arg6 : memref<4x8x1024xf32, #tpu.memory_space<vmem>>) dst(%dma_wait3A_643 : memref<4x8x1024xf32, #tpu.memory_space<hbm>>)
    %dma_wait3A_644 = arith.constant 0 : i32
    %dma_wait3A_645 = arith.constant 0 : i32
    %dma_wait3A_646 = tpu.memref_slice %arg4[%dma_wait3A_644, %add3A_610, %dma_wait3A_645] : memref<4x4096x1024xf32, #tpu.memory_space<hbm>> -> memref<4x8x1024xf32, #tpu.memory_space<hbm>>
    %dma_wait3A_647 = arith.constant 0 : i32
    %dma_wait3A_648 = arith.constant 0 : i32
    %dma_wait3A_649 = tpu.memref_slice %arg4[%dma_wait3A_647, %add3A_610, %dma_wait3A_648] : memref<4x4096x1024xf32, #tpu.memory_space<hbm>> -> memref<4x8x1024xf32, #tpu.memory_space<hbm>>
    tpu.wait_dma2 semaphore(%arg16 : memref<!tpu.dma_semaphore, #tpu.memory_space<semaphore_mem>>) src(%arg7 : memref<4x8x1024xf32, #tpu.memory_space<vmem>>) dst(%dma_wait3A_649 : memref<4x8x1024xf32, #tpu.memory_space<hbm>>)
    %dma_wait3A_650 = arith.constant 0 : i32
    %dma_wait3A_651 = arith.constant 0 : i32
    %dma_wait3A_652 = tpu.memref_slice %arg4[%dma_wait3A_650, %add3A_631, %dma_wait3A_651] : memref<4x4096x1024xf32, #tpu.memory_space<hbm>> -> memref<4x8x1024xf32, #tpu.memory_space<hbm>>
    %dma_wait3A_653 = arith.constant 0 : i32
    %dma_wait3A_654 = arith.constant 0 : i32
    %dma_wait3A_655 = tpu.memref_slice %arg4[%dma_wait3A_653, %add3A_631, %dma_wait3A_654] : memref<4x4096x1024xf32, #tpu.memory_space<hbm>> -> memref<4x8x1024xf32, #tpu.memory_space<hbm>>
    tpu.wait_dma2 semaphore(%arg14 : memref<!tpu.dma_semaphore, #tpu.memory_space<semaphore_mem>>) src(%arg5 : memref<4x8x1024xf32, #tpu.memory_space<vmem>>) dst(%dma_wait3A_655 : memref<4x8x1024xf32, #tpu.memory_space<hbm>>)
    return
  }
}

</mosaic_0001>

<sc_bundles>
// kernel: kernel.3.cloned.1.call-start
scs
__scs_entry_jumppad:
0x0: {  	(pc) =	sbr.rel $0x88, $3  }
0x1: {  	(tag) =	ssettag $0x0;
	lr =	simm.s32 $0x1  }
0x2: {  	[smem:$0x3F9F] =	sst lr;
	_ =	strace $0xD0000000  }
0x3: {  	_ = 	snop  }
0x4: {  	_ = 	snop  }
0x5: {  	_ = 	snop  }
0x6: {  	_ = 	snop  }
0x7: {  	_ = 	snop  }
__scs_overlays_trampoline_lowered:
0x8: {  	[smem:$0x3FAE] =	sst s0  }
0x9: {  	[smem:$0x3FAF] =	sst s1  }
0xa: {  	[smem:$0x3FB0] =	sst s2  }
0xb: {  	[smem:$0x3FB1] =	sst s3  }
0xc: {  	[smem:$0x3FB2] =	sst s4  }
0xd: {  	[smem:$0x3FB3] =	sst s5  }
0xe: {  	[smem:$0x3FB4] =	sst s6  }
0xf: {  	[smem:$0x3FB5] =	sst s7  }
0x10: {  	[smem:$0x3FB6] =	sst s8  }
0x11: {  	[smem:$0x3FB7] =	sst s9;
	s0 =	simm.s32 @!p0 $0x0  }
0x12: {  	s1 =	sld [smem:$0x3F9D];
	s0 =	simm.s32 @p0 $0x1  }
0x13: {  	[smem:$0x3FB8] =	sst s0;
	s0 =	simm.s32 @!p1 $0x0  }
0x14: {  	s2 =	sld [smem:$0x3F9C];
	s0 =	simm.s32 @p1 $0x1  }
0x15: {  	[smem:$0x3FB9] =	sst s0;
	s0 =	simm.s32 @!p2 $0x0  }
0x16: {  	s3 =	sld [smem:$0x3FDB];
	s0 =	simm.s32 @p2 $0x1  }
0x17: {  	s4 =	simm.s32 $0x1BF5;
	[smem:$0x3FBB] =	sst s0  }
0x18: {  	s0 =	sld [smem:$0x3F9E];
	_ =	swait.ge [sflag:s4], $0x0  }
0x19: {  	s7 =	sld [smem:$0x3F9F]  }
0x1a: {  	s8 =	sadd.s32 $0xFFFFE003, lr  }
0x1b: {  	s9 =	sadd.s32 $0xFFFFFEF7, lr;
	s5 =	simm.s32 $0xFFFFFFFF;
	p2 =	slt.u32 s8, $0xFFFFF086  }
0x1c: {  	p1 =	slt.u32 s9, $0xF7A;
	s5 =	simm.s32 @!p2 $0x0  }
0x1d: {  	s5 =	simm.s32 @p1 $0x1;
	p0 =	seq.s32 s7, s2  }
0x1e: {  	s7 =	smul.u32 @!p0 $0xF7A, s2;
	p2 =	seq.s32 @!p0 s5, $0x0  }
0x1f: {  	s9 =	smul.u32 $0xF7A, s1;
	s8 =	simm.s32 @!p0 $0x1BF5;
	p2 =	por !p2, p0  }
0x20: {  	[sflag:s8] =	ssyncset.s32 @!p0 $0xFFFFF086;
	s6 =	sadd.s32 @!p0 s3, s7;
	s7 =	simm.s32 @!p0 $0x108  }
0x21: {  	s3 =	sadd.s32 s3, s9;
	s6 =	sadd.s32 @!p0 $0x88, s6;
	s7 =	simm.s32 @p2 $0x1082  }
0x22: {  	[simem:s7], [sflag:s8] =	dma.local @!p0 [hbm:s6], $0xF7A  }
0x23: {  	s9 =	sor.u32 $0xD0000000, s2;
	s6 =	simm.s32 $0x108;
	_ =	swait.ge @!p0 [sflag:s8], $0x0  }
0x24: {  	s3 =	sadd.s32 $0x88, s3;
	s6 =	simm.s32 @!p1 $0x1082;
	[sflag:s4] =	ssyncset.s32 $0xFFFFF086  }
0x25: {  	[simem:s6], [sflag:s4] =	dma.local [hbm:s3], $0xF7A  }
0x26: {  	[smem:$0x3F9F] =	sst s1;
	(tag) =	ssettag s2;
	_ =	strace s9  }
0x27: {  	s1 =	sld [smem:$0x3FAF]  }
0x28: {  	s2 =	sld [smem:$0x3FB0]  }
0x29: {  	s4 =	sld [smem:$0x3FB2]  }
0x2a: {  	p0 =	seq.s32 s5, $0x0;
	s5 =	sld [smem:$0x3FB3]  }
0x2b: {  	s6 =	sld [smem:$0x3FB4]  }
0x2c: {  	s7 =	sld [smem:$0x3FB5]  }
0x2d: {  	s3 =	simm.s32 $0x108;
	s8 =	sld [smem:$0x3FB6]  }
0x2e: {  	s3 =	simm.s32 @!p0 $0x1082;
	s9 =	sld [smem:$0x3FB7]  }
0x2f: {  	lr =	sadd.s32 s0, s3;
	s0 =	sld [smem:$0x3FAE]  }
0x30: {  	s3 =	sld [smem:$0x3FB1]  }
0x31: {  	[smem:$0x3FBA] =	sst s10  }
0x32: {  	s10 =	sld [smem:$0x3FB8];
	_ =	sdelay $0x3  }
0x33: {  	p0 =	seq.s32 s10, $0x1;
	s10 =	sld [smem:$0x3FBA];
	_ =	sdelay $0x3  }
0x34: {  	[smem:$0x3FBA] =	sst s10  }
0x35: {  	s10 =	sld [smem:$0x3FB9];
	_ =	sdelay $0x3  }
0x36: {  	p1 =	seq.s32 s10, $0x1;
	s10 =	sld [smem:$0x3FBA];
	_ =	sdelay $0x3  }
0x37: {  	[smem:$0x3FBA] =	sst s10  }
0x38: {  	s10 =	sld [smem:$0x3FBB]  }
0x39: {  	_ = 	snop;
	(pc) =	sbr.ind lr, $3  }
0x3a: {  	_ = 	snop  }
0x3b: {  	_ = 	snop  }
0x3c: {  	p2 =	seq.s32 s10, $0x1;
	s10 =	sld [smem:$0x3FBA]  }
0x3d: {  	_ =	shalt  }
0x3e: {  	_ =	shalt  }
0x3f: {  	_ =	shalt  }
0x40: {  	_ =	shalt  }
0x41: {  	_ =	shalt  }
0x42: {  	_ =	shalt  }
0x43: {  	_ =	shalt  }
0x44: {  	_ =	shalt  }
0x45: {  	_ =	shalt  }
0x46: {  	_ =	shalt  }
0x47: {  	_ =	shalt  }
0x48: {  	_ =	shalt  }
0x49: {  	_ =	shalt  }
0x4a: {  	_ =	shalt  }
0x4b: {  	_ =	shalt  }
0x4c: {  	_ =	shalt  }
0x4d: {  	_ =	shalt  }
0x4e: {  	_ =	shalt  }
0x4f: {  	_ =	shalt  }
0x50: {  	_ =	shalt  }
0x51: {  	_ =	shalt  }
0x52: {  	_ =	shalt  }
0x53: {  	_ =	shalt  }
0x54: {  	_ =	shalt  }
0x55: {  	_ =	shalt  }
0x56: {  	_ =	shalt  }
0x57: {  	_ =	shalt  }
0x58: {  	_ =	shalt  }
0x59: {  	_ =	shalt  }
0x5a: {  	_ =	shalt  }
0x5b: {  	_ =	shalt  }
0x5c: {  	_ =	shalt  }
0x5d: {  	_ =	shalt  }
0x5e: {  	_ =	shalt  }
0x5f: {  	_ =	shalt  }
0x60: {  	_ =	shalt  }
0x61: {  	_ =	shalt  }
0x62: {  	_ =	shalt  }
0x63: {  	_ =	shalt  }
0x64: {  	_ =	shalt  }
0x65: {  	_ =	shalt  }
0x66: {  	_ =	shalt  }
0x67: {  	_ =	shalt  }
0x68: {  	_ =	shalt  }
0x69: {  	_ =	shalt  }
0x6a: {  	_ =	shalt  }
0x6b: {  	_ =	shalt  }
0x6c: {  	_ =	shalt  }
0x6d: {  	_ =	shalt  }
0x6e: {  	_ =	shalt  }
0x6f: {  	_ =	shalt  }
0x70: {  	_ =	shalt  }
0x71: {  	_ =	shalt  }
0x72: {  	_ =	shalt  }
0x73: {  	_ =	shalt  }
0x74: {  	_ =	shalt  }
0x75: {  	_ =	shalt  }
0x76: {  	_ =	shalt  }
0x77: {  	_ =	shalt  }
0x78: {  	_ =	shalt  }
0x79: {  	_ =	shalt  }
0x7a: {  	_ =	shalt  }
0x7b: {  	_ =	shalt  }
0x7c: {  	_ =	shalt  }
0x7d: {  	_ =	shalt  }
0x7e: {  	_ =	shalt  }
0x7f: {  	_ =	shalt  }
0x80: {  	_ =	shalt  }
0x81: {  	_ =	shalt  }
0x82: {  	_ =	shalt  }
0x83: {  	_ =	shalt  }
0x84: {  	_ =	shalt  }
0x85: {  	_ =	shalt  }
0x86: {  	_ =	shalt  }
0x87: {  	_ =	shalt  }
.Lfunc_end0:
.L_simem_size_0:
called_computation_lowered:
.L_overlay_start_0:
0x88: {  	s2 =	sld [smem:$0x3FD9]  }
0x89: {  	s3 =	sld [smem:$0x3FFE];
	_ =	sdelay $0x1  }
0x8a: {  	s1 =	srdreg.scid  }
0x8b: {  	s0 =	sand.u32 $0x1, s1  }
0x8c: {  	s18 =	sshll.u32 s0, $0xA;
	s2 =	sadd.s32 s3, s2  }
0x8d: {  	s2 =	sadd.s32 s2, s18  }
0x8e: {  	[smem:$0x3FC6] =	sst s2  }
0x8f: {  	_ = 	snop  }
0x90: {  	s2 =	sld [smem:$0x3FC9]  }
0x91: {  	s19 =	sld [smem:$0x3FC8]  }
0x92: {  	s4 =	sld [smem:$0x3FD0];
	(tm) =	ssettm $0x1  }
0x93: {  	s5 =	sld [smem:$0x3FFB];
	_ =	sdelay $0x3  }
0x94: {  	_ =	strace s5  }
0x95: {  	s5 =	sld [smem:$0x3FFC];
	_ =	sdelay $0x3  }
0x96: {  	_ =	strace s5  }
0x97: {  	s5 =	sld [smem:$0x3FFD];
	_ =	sdelay $0x3  }
0x98: {  	_ =	strace s5  }
0x99: {  	_ =	strace $0x8FFFFFFF  }
0x9a: {  	s20 =	sld [smem:$0x3FDB];
	_ =	sdelay $0x1  }
0x9b: {  	s6 =	simm.s32 $_scs_section_size  }
0x9c: {  	s7 =	simm.s32 $_size__tile_overlayer_lowered;
	s8 =	simm.s32 $_tile_overlayer_lowered  }
0x9d: {  	s23 =	simm.s32 $0x1BFF;
	s22 =	sshll.u32 s8, $0x1;
	s5 =	sadd.s32 s6, s20  }
0x9e: {  	s9 =	simm.s32 $0x0;
	s21 =	sshll.u32 s7, $0x1;
	s7 =	sadd.s32 s22, s5  }
0x9f: {  	[timem:s9], [sflag:s23] =	dma.local [hbm:s7], s21  }
0xa0: {  	_ =	swait.ge [sflag:s23], s21  }
0xa1: {  	s6 =	ssub.s32 $0x0, s21;
	[sflag:s23] =	ssyncset.done $0x0  }
0xa2: {  	[sflag:s23] =	ssyncadd.s32 s6;
	_ =	sdelay $0x1  }
0xa3: {  	s24 =	simm.s32 $0x1B8B  }
0xa4: {  	_ =	swait.ge [sflag:s24], $0x1  }
0xa5: {  	[sflag:s24] =	ssyncset.done $0x0  }
0xa6: {  	s25 =	simm.s32 $0x1B8E;
	[sflag:s24] =	ssyncadd.s32 $0xFFFFFFFF  }
0xa7: {  	s26 =	simm.s32 $execute0_lowered;
	[smem:$0x3FD2] =	sst s25  }
0xa8: {  	s6 =	sshll.u32 s26, $0x1;
	_ =	strace $0x80000046;
	[dreg:$0x1] =	wrdreg $0xFFFFFFFF  }
0xa9: {  	s28 =	simm.s32 $_size_execute0_lowered;
	s5 =	sadd.s32 s5, s6;
	[dreg:$0x0] =	wrdreg $0x0  }
0xaa: {  	s6 =	sshll.u32 s28, $0x1;
	[dreg:$0x2] =	wrdreg s5  }
0xab: {  	[dreg:$0x3] =	wrdreg s6  }
0xac: {  	[dreg:$0x4] =	wrdreg $0xC0  }
0xad: {  	_ =	task [dreg:s9], $0x5FFFF  }
0xae: {  	[dreg:$0x1] =	wrdreg $0xFFFFFFFF  }
0xaf: {  	[dreg:$0x0] =	wrdreg $0x60  }
0xb0: {  	[dreg:$0x2] =	wrdreg s2  }
0xb1: {  	[dreg:$0x3] =	wrdreg s19  }
0xb2: {  	[dreg:$0x4] =	wrdreg s4  }
0xb3: {  	[dreg:$0x5] =	wrdreg $0x9  }
0xb4: {  	_ =	task.clear_ibuf [dreg:s9], $0x6FFFF;
	_ =	strace $0x90000046  }
0xb5: {  	s29 =	simm.s32 $0x9;
	_ =	strace $0x80000048  }
0xb6: {  	_ =	swait.ge [sflag:s29], $0x1  }
0xb7: {  	[sflag:s29] =	ssyncadd.s32 $0xFFFFFFFF  }
0xb8: {  	_ =	strace $0x90000048  }
0xb9: {  	_ =	sfence  }
0xba: {  	s30 =	sld [smem:$0x0];
	_ =	sdelay $0x2  }
0xbb: {  	s31 =	sshll.u32 s1, $0xD;
	s1 =	sshrl.u32 s1, $0x2  }
0xbc: {  	s3 =	sand.u32 $0x4000, s31;
	s1 =	sadd.s32 s1, s30  }
0xbd: {  	s0 =	sor.u32 s3, s0;
	s1 =	sshll.u32 s1, $0x11  }
0xbe: {  	s0 =	sor.u32 s1, s0  }
0xbf: {  	s0 =	sadd.s32 $0x8F2B, s0  }
0xc0: {  	[sflag:s0] =	ssyncadd.remote.s32 $0x1  }
0xc1: {  	_ =	sfence.sel $0xFFFF  }
0xc2: {  	[dreg:$0x0] =	wrdreg $0xFFFFFFFF;
	(pc) =	sbr.abs _section_cstart, $3  }
0xc3: {  	[dreg:$0x1] =	wrdreg $0xFFFFFFFF  }
0xc4: {  	_ =	task.clear_ibuf [dreg:s9], $0x2FFFF;
	_ =	strace $0x9FFFFFFF  }
0xc5: {  	(tm) =	ssettm $0x7FFFFFFF  }
tec
execute0_lowered:
.L_overlay_start_1:
0x0: {  	(tag) =	ssettag $0x1  }
0x1: {  	s0 =	srdreg.scid  }
0x2: {  	s2 =	rddreg [dreg:$0x0];
	s4 =	stileid.u32;
	s1 =	sand.u32 $0x1, s0  }
0x3: {  	s3 =	rddreg [dreg:$0x1];
	s4 =	sshll.u32 s4, $0xF;
	s5 =	sshll.u32 s1, $0xE  }
0x4: {  	s0 =	rddreg [dreg:$0x2];
	s5 =	sor.u32 s5, s4  }
0x5: {  	s6 =	ssub.s32 $0x2, s1;
	s1 =	simm.s32 $0x0;
	s7 =	sor.u32 $0x400, s5  }
0x6: {  	[smem:$0x7FF] =	sst s1;
	s26 =	sadd.s32 s2, s7  }
0x7: {  	s29 =	sor.u32 $0x800, s5;
	s28 =	sadd.s32 s3, s7;
	[dreg:$0x4] =	wrdreg s26  }
0x8: {  	s9 =	sadd.s32 s2, s29;
	[dreg:$0x5] =	wrdreg s28  }
0x9: {  	s8 =	sor.u32 $0xC00, s5;
	s30 =	sadd.s32 s3, s29;
	[dreg:$0x6] =	wrdreg s9  }
0xa: {  	s31 =	sadd.s32 s2, s8;
	[dreg:$0x7] =	wrdreg s30  }
0xb: {  	s10 =	sadd.s32 s3, s8;
	[dreg:$0x8] =	wrdreg s31  }
0xc: {  	s11 =	sor.u32 $0x1000, s5;
	s7 =	sadd.s32 s0, s7;
	[dreg:$0x9] =	wrdreg s10  }
0xd: {  	s25 =	sshrl.u32 s6, $0x1;
	s12 =	sadd.s32 s2, s11;
	[dreg:$0xa] =	wrdreg s7  }
0xe: {  	s4 =	ssub.s32 s6, s25;
	s13 =	sadd.s32 s3, s11;
	[dreg:$0xb] =	wrdreg s12  }
0xf: {  	s14 =	sor.u32 $0x1400, s5;
	s6 =	sadd.s32 s0, s29;
	[dreg:$0xc] =	wrdreg s13  }
0x10: {  	s15 =	sadd.s32 s2, s14;
	[dreg:$0xd] =	wrdreg s6  }
0x11: {  	s16 =	sor.u32 $0x1800, s5;
	s8 =	sadd.s32 s0, s8;
	[dreg:$0xe] =	wrdreg s15  }
0x12: {  	s17 =	sadd.s32 s2, s16;
	[dreg:$0x10] =	wrdreg s8  }
0x13: {  	s18 =	sadd.s32 s3, s16;
	[dreg:$0x11] =	wrdreg s17  }
0x14: {  	s19 =	sor.u32 $0x1C00, s5;
	s20 =	sadd.s32 s0, s14;
	[dreg:$0x12] =	wrdreg s18  }
0x15: {  	s21 =	sadd.s32 s2, s19;
	[dreg:$0x14] =	wrdreg s20  }
0x16: {  	s22 =	sadd.s32 s3, s19;
	[dreg:$0x16] =	wrdreg s21  }
0x17: {  	s24 =	sor.u32 $0x2000, s5;
	s23 =	sadd.s32 s0, s19;
	[dreg:$0x17] =	wrdreg s22  }
0x18: {  	s25 =	sadd.s32 s2, s24;
	[dreg:$0x18] =	wrdreg s23  }
0x19: {  	s19 =	sadd.s32 s3, s5;
	[dreg:$0x19] =	wrdreg s25  }
0x1a: {  	s10 =	sadd.s32 s3, s14;
	[smem:$0x7F2] =	sst s19  }
0x1b: {  	s7 =	sadd.s32 s0, s11;
	[dreg:$0xf] =	wrdreg s10  }
0x1c: {  	s6 =	sadd.s32 s0, s16;
	[dreg:$0x13] =	wrdreg s7  }
0x1d: {  	s26 =	sadd.s32 s3, s24;
	[dreg:$0x15] =	wrdreg s6  }
0x1e: {  	s18 =	sadd.s32 s2, s5;
	[dreg:$0x1a] =	wrdreg s26  }
0x1f: {  	s20 =	sadd.s32 s0, s5;
	[smem:$0x7F1] =	sst s18  }
0x20: {  	s28 =	sor.u32 $0x2400, s5;
	s6 =	sadd.s32 s0, s24;
	[smem:$0x7F3] =	sst s20  }
0x21: {  	s29 =	sadd.s32 s2, s28;
	[dreg:$0x1b] =	wrdreg s6  }
0x22: {  	s31 =	sadd.s32 s3, s28;
	[dreg:$0x1c] =	wrdreg s29  }
0x23: {  	s30 =	sor.u32 $0x2800, s5;
	s7 =	sadd.s32 s0, s28;
	[dreg:$0x1d] =	wrdreg s31  }
0x24: {  	s9 =	sadd.s32 s2, s30;
	[dreg:$0x1e] =	wrdreg s7  }
0x25: {  	s11 =	sor.u32 $0x2C00, s5;
	s10 =	sadd.s32 s3, s30;
	[dreg:$0x1f] =	wrdreg s9  }
0x26: {  	s12 =	sadd.s32 s2, s11;
	[smem:$0x7E9] =	sst s10  }
0x27: {  	s14 =	sor.u32 $0x3000, s5;
	s13 =	sadd.s32 s3, s11;
	[smem:$0x7EB] =	sst s12  }
0x28: {  	s15 =	sadd.s32 s2, s14;
	[smem:$0x7EC] =	sst s13  }
0x29: {  	s16 =	sadd.s32 s3, s14;
	[smem:$0x7EE] =	sst s15  }
0x2a: {  	s21 =	sor.u32 $0x3400, s5;
	s17 =	sadd.s32 s0, s14;
	[smem:$0x7EF] =	sst s16  }
0x2b: {  	s22 =	sor.u32 $0x3800, s5;
	s23 =	sadd.s32 s2, s21;
	[smem:$0x7F0] =	sst s17  }
0x2c: {  	s5 =	sor.u32 $0x3C00, s5;
	s24 =	sadd.s32 s2, s22;
	[smem:$0x7F4] =	sst s23  }
0x2d: {  	s2 =	sadd.s32 s2, s5;
	[smem:$0x7F5] =	sst s24  }
0x2e: {  	s25 =	sadd.s32 s3, s21;
	[smem:$0x7F6] =	sst s2  }
0x2f: {  	s26 =	sadd.s32 s3, s22;
	[smem:$0x7F7] =	sst s25  }
0x30: {  	s28 =	sadd.s32 s3, s5;
	[smem:$0x7F8] =	sst s26  }
0x31: {  	s6 =	sadd.s32 s0, s30;
	[smem:$0x7F9] =	sst s28  }
0x32: {  	s29 =	sadd.s32 s0, s21;
	[smem:$0x7EA] =	sst s6  }
0x33: {  	s30 =	sadd.s32 s0, s22;
	[smem:$0x7FA] =	sst s29  }
0x34: {  	s6 =	sadd.s32 s0, s11;
	[smem:$0x7FB] =	sst s30  }
0x35: {  	s3 =	simm.s32 $0x400000;
	s0 =	sadd.s32 s0, s5;
	[smem:$0x7ED] =	sst s6  }
0x36: {  	s31 =	smax.u32 s4, $0x1;
	s2 =	simm.s32 $0x2000;
	[smem:$0x7FC] =	sst s0  }
0x37: {  	s5 =	simm.s32 $0x0;
	_ =	strace $0x80000047;
	[smem:$0x7FD] =	sst s31  }
.LBB2_1:
0x38: {  	s0 =	sld [smem:$0x7F1];
	_ =	sdelay $0x1  }
0x39: {  	s18 =	sld [smem:$0x7F2]  }
0x3a: {  	[tilespmem:s1], [sflag:$0x1] =	stream.strided.gather [hbm4b:s0+s2], $0x8000, s3, s2, $0x38;
	[tilespmem:$0x1E000] =	vst v63  }
0x3b: {  	[smem:$0x7E8] =	sst s5;
	s4 =	simm.s32 $0x18000  }
0x3c: {  	[tilespmem:s4], [sflag:$0x7] =	stream.linear.gather [hbm4b:s18+s1], $0x2000, $0x38;
	[tilespmem:$0x1E000] =	vst v63  }
0x3d: {  	s19 =	rddreg [dreg:$0x4];
	s20 =	simm.s32 $0x8000  }
0x3e: {  	[tilespmem:s20], [sflag:$0x2] =	stream.strided.gather [hbm4b:s19+s2], $0x8000, s3, s2, $0x38;
	[tilespmem:$0x1E000] =	vst v63  }
0x3f: {  	s21 =	rddreg [dreg:$0x5];
	s22 =	simm.s32 $0x1A000  }
0x40: {  	[tilespmem:s22], [sflag:$0x8] =	stream.linear.gather [hbm4b:s21+s1], $0x2000, $0x38;
	[tilespmem:$0x1E000] =	vst v63  }
0x41: {  	s23 =	rddreg [dreg:$0x6];
	s24 =	simm.s32 $0x10000  }
0x42: {  	[tilespmem:s24], [sflag:$0x3] =	stream.strided.gather [hbm4b:s23+s2], $0x8000, s3, s2, $0x38;
	[tilespmem:$0x1E000] =	vst v63  }
0x43: {  	s25 =	rddreg [dreg:$0x7];
	s26 =	simm.s32 $0x1C000;
	s29 =	simm.s32 $0x7  }
0x44: {  	[tilespmem:s26], [sflag:$0x9] =	stream.linear.gather [hbm4b:s25+s1], $0x2000, $0x38;
	[tilespmem:$0x1E000] =	vst v63  }
0x45: {  	_ =	swait.ge [sflag:s29], $0x2000  }
0x46: {  	s30 =	simm.s32 $0x1;
	[sflag:s29] =	ssyncset.done $0x0  }
0x47: {  	s11 =	simm.s32 $0x0;
	s8 =	sand.u32 $0x1C00, s1;
	[sflag:s29] =	ssyncadd.s32 $0xFFFFE000  }
0x48: {  	s9 =	sand.u32 $0x380, s1;
	s12 =	sand.u32 $0x40, s11;
	_ =	swait.ge [sflag:s30], $0x8000  }
0x49: {  	s14 =	sor.u32 s9, s8;
	s15 =	sor.u32 $0x30, s12;
	[sflag:s30] =	ssyncset.done $0x0  }
0x4a: {  	s16 =	sor.u32 $0x6000, s14;
	s13 =	sor.u32 s15, s14;
	[sflag:s30] =	ssyncadd.s32 $0xFFFF8000  }
0x4b: {  	s18 =	sor.u32 s15, s16;
	s19 =	sor.u32 $0x2000, s14;
	v2 =	vld [tilespmem:s13+$0x18000]  }
0x4c: {  	s20 =	sor.u32 $0x4000, s14;
	s10 =	sor.u32 s12, s19;
	v4 =	vld [tilespmem:s18+$0x0]  }
0x4d: {  	s8 =	sor.u32 s12, s20;
	v3 =	vld [tilespmem:s10+$0x0]  }
0x4e: {  	s17 =	sor.u32 $0x10, s12;
	s9 =	sor.u32 s12, s16;
	v0 =	vld [tilespmem:s8+$0x0]  }
0x4f: {  	s23 =	sor.u32 s17, s14;
	v1 =	vld [tilespmem:s9+$0x0]  }
0x50: {  	v5 =	vld [tilespmem:s23+$0x18000]  }
0x51: {  	s31 =	sor.u32 s17, s19;
	v6 =	vld [tilespmem:s23+$0x0]  }
0x52: {  	s24 =	sor.u32 s17, s20;
	v7 =	vld [tilespmem:s31+$0x0]  }
0x53: {  	s28 =	sor.u32 s17, s16;
	s26 =	sor.u32 $0x20, s12;
	v10 =	vld [tilespmem:s24+$0x0]  }
0x54: {  	s25 =	sor.u32 s26, s14;
	v11 =	vld [tilespmem:s28+$0x0]  }
0x55: {  	v9 =	vld [tilespmem:s25+$0x0];
	v8 =	vadd.f32 v4, v2  }
0x56: {  	s17 =	sor.u32 s26, s19;
	v4 =	vld [tilespmem:s25+$0x18000];
	v6 =	vadd.f32 v6, v5  }
0x57: {  	v12 =	vadd.f32 v7, v5;
	[tilespmem:s18+$0x0] =	vst v8;
	s18 =	sor.u32 s26, s20;
	v8 =	vld [tilespmem:s17+$0x0]  }
0x58: {  	s16 =	sor.u32 s26, s16;
	v13 =	vadd.f32 v10, v5;
	[tilespmem:s23+$0x0] =	vst v6;
	v7 =	vld [tilespmem:s18+$0x0]  }
0x59: {  	s12 =	sor.u32 s12, s14;
	s14 =	sor.u32 s15, s19;
	v10 =	vadd.f32 v11, v5;
	v6 =	vld [tilespmem:s16+$0x0];
	[tilespmem:s31+$0x0] =	vst v12  }
0x5a: {  	s15 =	sor.u32 s15, s20;
	s19 =	simm.s32 $0x0;
	s20 =	simm.s32 $0x0;
	v5 =	vld [tilespmem:s13+$0x0];
	[tilespmem:s24+$0x0] =	vst v13  }
.LBB2_2:
0x5b: {  	s11 =	sadd.s32 $0x40, s11;
	[tilespmem:s28+$0x0] =	vst v10;
	v9 =	vadd.f32 v9, v4;
	v10 =	vld [tilespmem:s14+$0x0];
	s19 =	sadd.s32 $0x8, s19;
	s20 =	sadd.s32 $0x200, s20  }
0x5c: {  	s1 =	sand.u32 $0x40, s11;
	s23 =	sand.u32 $0x1C00, s20;
	s24 =	sand.u32 $0x380, s19;
	v8 =	vadd.f32 v8, v4;
	v11 =	vld [tilespmem:s15+$0x0]  }
0x5d: {  	s23 =	sor.u32 s24, s23;
	s24 =	sor.u32 $0x10, s1;
	s26 =	sor.u32 $0x30, s1;
	v12 =	vld [tilespmem:s12+$0x18000];
	[tilespmem:s25+$0x0] =	vst v9;
	v7 =	vadd.f32 v7, v4  }
0x5e: {  	s7 =	sor.u32 $0x2000, s23;
	s0 =	sor.u32 $0x6000, s23;
	s2 =	sor.u32 s26, s23;
	v9 =	vld [tilespmem:s12+$0x0];
	[tilespmem:s17+$0x0] =	vst v8;
	v4 =	vadd.f32 v6, v4  }
0x5f: {  	s4 =	sor.u32 $0x20, s1;
	s3 =	sor.u32 $0x4000, s23;
	v6 =	vld [tilespmem:s2+$0x18000];
	s5 =	sor.u32 s26, s0;
	[tilespmem:s18+$0x0] =	vst v7;
	v5 =	vadd.f32 v5, v2  }
0x60: {  	s6 =	sor.u32 s1, s7;
	s29 =	sor.u32 s1, s3;
	s30 =	sor.u32 s1, s0;
	v7 =	vld [tilespmem:s5+$0x0];
	[tilespmem:s16+$0x0] =	vst v4;
	v4 =	vadd.f32 v10, v2  }
0x61: {  	s31 =	sor.u32 s24, s23;
	s21 =	sor.u32 s24, s7;
	s22 =	sor.u32 s24, s3;
	v8 =	vld [tilespmem:s6+$0x0];
	[tilespmem:s13+$0x0] =	vst v5;
	v11 =	vadd.f32 v11, v2  }
0x62: {  	s25 =	sor.u32 s4, s23;
	s28 =	sor.u32 s24, s0;
	s17 =	sor.u32 s4, s7;
	v3 =	vadd.f32 v3, v12;
	v5 =	vadd.f32 v0, v12;
	v0 =	vld [tilespmem:s29+$0x0];
	[tilespmem:s14+$0x0] =	vst v4  }
0x63: {  	s18 =	sor.u32 s4, s3;
	s16 =	sor.u32 s4, s0;
	s14 =	sor.u32 s26, s7;
	v4 =	vadd.f32 v9, v12;
	v9 =	vadd.f32 v1, v12;
	v1 =	vld [tilespmem:s30+$0x0];
	[tilespmem:s15+$0x0] =	vst v11  }
0x64: {  	p0 =	slt.u32 s11, $0x1FC0;
	s0 =	sor.u32 s1, s23;
	s15 =	sor.u32 s26, s3;
	v10 =	vld [tilespmem:s31+$0x18000];
	[tilespmem:s10+$0x0] =	vst v3;
	v2 =	vmov v6  }
0x65: {  	s13 =	smov.u32 s2;
	s10 =	smov.u32 s6;
	v6 =	vld [tilespmem:s31+$0x0];
	v7 =	vadd.f32 v7, v2;
	[tilespmem:s8+$0x0] =	vst v5;
	s8 =	smov.u32 s29  }
0x66: {  	v5 =	vld [tilespmem:s21+$0x0];
	[tilespmem:s9+$0x0] =	vst v9;
	v3 =	vmov v8;
	s9 =	smov.u32 s30  }
0x67: {  	v11 =	vld [tilespmem:s22+$0x0];
	[tilespmem:s5+$0x0] =	vst v7  }
0x68: {  	v12 =	vld [tilespmem:s28+$0x0];
	[tilespmem:s12+$0x0] =	vst v4;
	s12 =	smov.u32 s0  }
0x69: {  	v4 =	vld [tilespmem:s25+$0x18000]  }
.Ltmp0:
0x6a: {  	v6 =	vadd.f32 v6, v10;
	v9 =	vld [tilespmem:s25+$0x0];
	(pc) =	sbr.rel @p0 .LBB2_2-.Ltmp0, $4  }
0x6b: {  	v5 =	vadd.f32 v5, v10;
	v8 =	vld [tilespmem:s17+$0x0]  }
0x6c: {  	[tilespmem:s31+$0x0] =	vst v6;
	v11 =	vadd.f32 v11, v10;
	v7 =	vld [tilespmem:s18+$0x0]  }
0x6d: {  	[tilespmem:s21+$0x0] =	vst v5;
	v10 =	vadd.f32 v12, v10;
	v6 =	vld [tilespmem:s16+$0x0]  }
0x6e: {  	[tilespmem:s22+$0x0] =	vst v11;
	v5 =	vld [tilespmem:s13+$0x0]  }
0x6f: {  	v9 =	vadd.f32 v9, v4;
	v11 =	vld [tilespmem:s14+$0x0]  }
0x70: {  	[tilespmem:s28+$0x0] =	vst v10;
	v12 =	vld [tilespmem:s12+$0x18000];
	v8 =	vadd.f32 v8, v4  }
0x71: {  	v10 =	vld [tilespmem:s15+$0x0];
	[tilespmem:s25+$0x0] =	vst v9;
	v7 =	vadd.f32 v7, v4  }
0x72: {  	[tilespmem:s17+$0x0] =	vst v8;
	v4 =	vadd.f32 v6, v4  }
0x73: {  	[tilespmem:s18+$0x0] =	vst v7;
	v5 =	vadd.f32 v5, v2  }
0x74: {  	v6 =	vld [tilespmem:s12+$0x0];
	[tilespmem:s16+$0x0] =	vst v4;
	v4 =	vadd.f32 v11, v2  }
0x75: {  	v3 =	vadd.f32 v3, v12;
	[tilespmem:s13+$0x0] =	vst v5  }
0x76: {  	v2 =	vadd.f32 v10, v2;
	[tilespmem:s14+$0x0] =	vst v4  }
0x77: {  	v0 =	vadd.f32 v0, v12;
	[tilespmem:s10+$0x0] =	vst v3  }
0x78: {  	v1 =	vadd.f32 v1, v12;
	[tilespmem:s15+$0x0] =	vst v2  }
0x79: {  	v2 =	vadd.f32 v6, v12;
	[tilespmem:s8+$0x0] =	vst v0  }
0x7a: {  	[tilespmem:s9+$0x0] =	vst v1  }
0x7b: {  	[tilespmem:s12+$0x0] =	vst v2  }
0x7c: {  	s0 =	sld [smem:$0x7F3]  }
0x7d: {  	s1 =	simm.s32 $0x2000  }
0x7e: {  	s2 =	simm.s32 $0x400000;
	s16 =	simm.s32 $0x4;
	s8 =	simm.s32 $0x0  }
0x7f: {  	[hbm4b:s0+s1] =	stream.strided.scatter [tilespmem:s8], [sflag:$0x4], $0x8000, s2, s1, $0x38;
	[tilespmem:$0x1E000] =	vst v63  }
0x80: {  	_ =	swait.ge [sflag:s16], $0x8000  }
0x81: {  	[sflag:s16] =	ssyncset.done $0x0  }
0x82: {  	s17 =	rddreg [dreg:$0x8];
	[sflag:s16] =	ssyncadd.s32 $0xFFFF8000  }
0x83: {  	[tilespmem:s8], [sflag:$0x1] =	stream.strided.gather [hbm4b:s17+s1], $0x8000, s2, s1, $0x38;
	[tilespmem:$0x1E000] =	vst v63  }
0x84: {  	s19 =	simm.s32 $0x18000;
	s20 =	simm.s32 $0x8;
	s18 =	rddreg [dreg:$0x9]  }
0x85: {  	[tilespmem:s19], [sflag:$0x7] =	stream.linear.gather [hbm4b:s18+s8], $0x2000, $0x38;
	[tilespmem:$0x1E000] =	vst v63  }
0x86: {  	_ =	swait.ge [sflag:s20], $0x2000  }
0x87: {  	s3 =	simm.s32 $0x2;
	[sflag:s20] =	ssyncset.done $0x0  }
0x88: {  	s22 =	sand.u32 $0x1C00, s8;
	s12 =	simm.s32 $0x0;
	[sflag:s20] =	ssyncadd.s32 $0xFFFFE000  }
0x89: {  	s23 =	sand.u32 $0x380, s8;
	s21 =	sand.u32 $0x40, s12;
	_ =	swait.ge [sflag:s3], $0x8000  }
0x8a: {  	s24 =	sor.u32 $0x30, s21;
	s1 =	sor.u32 s23, s22;
	[sflag:s3] =	ssyncset.done $0x0  }
0x8b: {  	s26 =	sor.u32 $0xE000, s1;
	s14 =	sor.u32 s24, s1;
	[sflag:s3] =	ssyncadd.s32 $0xFFFF8000  }
0x8c: {  	s4 =	sor.u32 $0xA000, s1;
	s5 =	sor.u32 s24, s26;
	v2 =	vld [tilespmem:s14+$0x1A000]  }
0x8d: {  	s6 =	sor.u32 $0xC000, s1;
	s11 =	sor.u32 s21, s4;
	v4 =	vld [tilespmem:s5+$0x0]  }
0x8e: {  	s9 =	sor.u32 s21, s6;
	v3 =	vld [tilespmem:s11+$0x0]  }
0x8f: {  	s7 =	sor.u32 $0x10, s21;
	s10 =	sor.u32 s21, s26;
	v0 =	vld [tilespmem:s9+$0x0]  }
0x90: {  	s29 =	sor.u32 s7, s1;
	v1 =	vld [tilespmem:s10+$0x0]  }
0x91: {  	v5 =	vld [tilespmem:s29+$0x1A000]  }
0x92: {  	s30 =	sor.u32 s7, s4;
	v6 =	vld [tilespmem:s29+$0x8000]  }
0x93: {  	s20 =	sor.u32 s7, s6;
	v7 =	vld [tilespmem:s30+$0x0]  }
0x94: {  	s31 =	sor.u32 $0x20, s21;
	s28 =	sor.u32 s7, s26;
	v10 =	vld [tilespmem:s20+$0x0]  }
0x95: {  	s25 =	sor.u32 s31, s1;
	v11 =	vld [tilespmem:s28+$0x0]  }
0x96: {  	v9 =	vld [tilespmem:s25+$0x8000];
	v8 =	vadd.f32 v4, v2  }
0x97: {  	s18 =	sor.u32 s31, s4;
	v4 =	vld [tilespmem:s25+$0x1A000];
	v6 =	vadd.f32 v6, v5  }
0x98: {  	s19 =	sor.u32 s31, s6;
	v63 =	vadd.f32 v7, v5;
	[tilespmem:s5+$0x0] =	vst v8;
	v8 =	vld [tilespmem:s18+$0x0]  }
0x99: {  	s17 =	sor.u32 s31, s26;
	v13 =	vadd.f32 v10, v5;
	v7 =	vld [tilespmem:s19+$0x0];
	[tilespmem:s29+$0x8000] =	vst v6  }
0x9a: {  	s13 =	sor.u32 s21, s1;
	v10 =	vadd.f32 v11, v5;
	v6 =	vld [tilespmem:s17+$0x0];
	[tilespmem:s30+$0x0] =	vst v63  }
0x9b: {  	s16 =	sor.u32 s24, s4;
	s15 =	sor.u32 s24, s6;
	v5 =	vld [tilespmem:s14+$0x8000];
	[tilespmem:s20+$0x0] =	vst v13;
	s20 =	simm.s32 $0x0  }
.LBB2_4:
0x9c: {  	s12 =	sadd.s32 $0x40, s12;
	[tilespmem:s28+$0x0] =	vst v10;
	v9 =	vadd.f32 v9, v4;
	v10 =	vld [tilespmem:s16+$0x0];
	s8 =	sadd.s32 $0x8, s8;
	s20 =	sadd.s32 $0x200, s20  }
0x9d: {  	s0 =	sand.u32 $0x40, s12;
	s1 =	sand.u32 $0x1C00, s20;
	s2 =	sand.u32 $0x380, s8;
	v8 =	vadd.f32 v8, v4;
	v11 =	vld [tilespmem:s15+$0x0]  }
0x9e: {  	s1 =	sor.u32 s2, s1;
	s2 =	sor.u32 $0x10, s0;
	s3 =	sor.u32 $0x30, s0;
	v12 =	vld [tilespmem:s13+$0x1A000];
	[tilespmem:s25+$0x8000] =	vst v9;
	v7 =	vadd.f32 v7, v4  }
0x9f: {  	s4 =	sor.u32 $0xA000, s1;
	s5 =	sor.u32 $0xE000, s1;
	s6 =	sor.u32 s3, s1;
	v9 =	vld [tilespmem:s13+$0x8000];
	[tilespmem:s18+$0x0] =	vst v8;
	v4 =	vadd.f32 v6, v4  }
0xa0: {  	s21 =	sor.u32 $0x20, s0;
	s7 =	sor.u32 $0xC000, s1;
	v6 =	vld [tilespmem:s6+$0x1A000];
	s22 =	sor.u32 s3, s5;
	[tilespmem:s19+$0x0] =	vst v7;
	v5 =	vadd.f32 v5, v2  }
0xa1: {  	s23 =	sor.u32 s0, s4;
	s24 =	sor.u32 s0, s7;
	s26 =	sor.u32 s0, s5;
	v7 =	vld [tilespmem:s22+$0x0];
	[tilespmem:s17+$0x0] =	vst v4;
	v4 =	vadd.f32 v10, v2  }
0xa2: {  	s29 =	sor.u32 s2, s1;
	s30 =	sor.u32 s2, s4;
	s31 =	sor.u32 s2, s7;
	v8 =	vld [tilespmem:s23+$0x0];
	[tilespmem:s14+$0x8000] =	vst v5;
	v11 =	vadd.f32 v11, v2  }
0xa3: {  	s25 =	sor.u32 s21, s1;
	s28 =	sor.u32 s2, s5;
	s18 =	sor.u32 s21, s4;
	v3 =	vadd.f32 v3, v12;
	v5 =	vadd.f32 v0, v12;
	v0 =	vld [tilespmem:s24+$0x0];
	[tilespmem:s16+$0x0] =	vst v4  }
0xa4: {  	s19 =	sor.u32 s21, s7;
	s17 =	sor.u32 s21, s5;
	s16 =	sor.u32 s3, s4;
	v4 =	vadd.f32 v9, v12;
	v9 =	vadd.f32 v1, v12;
	v1 =	vld [tilespmem:s26+$0x0];
	[tilespmem:s15+$0x0] =	vst v11  }
0xa5: {  	p0 =	slt.u32 s12, $0x1FC0;
	s0 =	sor.u32 s0, s1;
	s15 =	sor.u32 s3, s7;
	v10 =	vld [tilespmem:s29+$0x1A000];
	[tilespmem:s11+$0x0] =	vst v3;
	v2 =	vmov v6  }
0xa6: {  	s14 =	smov.u32 s6;
	s11 =	smov.u32 s23;
	v6 =	vld [tilespmem:s29+$0x8000];
	v7 =	vadd.f32 v7, v2;
	[tilespmem:s9+$0x0] =	vst v5;
	s9 =	smov.u32 s24  }
0xa7: {  	v5 =	vld [tilespmem:s30+$0x0];
	[tilespmem:s10+$0x0] =	vst v9;
	v3 =	vmov v8;
	s10 =	smov.u32 s26  }
0xa8: {  	v11 =	vld [tilespmem:s31+$0x0];
	[tilespmem:s22+$0x0] =	vst v7  }
0xa9: {  	v12 =	vld [tilespmem:s28+$0x0];
	[tilespmem:s13+$0x8000] =	vst v4;
	s13 =	smov.u32 s0  }
0xaa: {  	v4 =	vld [tilespmem:s25+$0x1A000]  }
.Ltmp1:
0xab: {  	v6 =	vadd.f32 v6, v10;
	v9 =	vld [tilespmem:s25+$0x8000];
	(pc) =	sbr.rel @p0 .LBB2_4-.Ltmp1, $4  }
0xac: {  	v5 =	vadd.f32 v5, v10;
	v8 =	vld [tilespmem:s18+$0x0]  }
0xad: {  	[tilespmem:s29+$0x8000] =	vst v6;
	v11 =	vadd.f32 v11, v10;
	v7 =	vld [tilespmem:s19+$0x0]  }
0xae: {  	[tilespmem:s30+$0x0] =	vst v5;
	v10 =	vadd.f32 v12, v10;
	v6 =	vld [tilespmem:s17+$0x0]  }
0xaf: {  	[tilespmem:s31+$0x0] =	vst v11;
	v5 =	vld [tilespmem:s14+$0x8000]  }
0xb0: {  	v9 =	vadd.f32 v9, v4;
	v11 =	vld [tilespmem:s16+$0x0]  }
0xb1: {  	[tilespmem:s28+$0x0] =	vst v10;
	v12 =	vld [tilespmem:s13+$0x1A000];
	v8 =	vadd.f32 v8, v4  }
0xb2: {  	v10 =	vld [tilespmem:s15+$0x0];
	[tilespmem:s25+$0x8000] =	vst v9;
	v7 =	vadd.f32 v7, v4  }
0xb3: {  	[tilespmem:s18+$0x0] =	vst v8;
	v4 =	vadd.f32 v6, v4  }
0xb4: {  	[tilespmem:s19+$0x0] =	vst v7;
	v5 =	vadd.f32 v5, v2  }
0xb5: {  	v6 =	vld [tilespmem:s13+$0x8000];
	[tilespmem:s17+$0x0] =	vst v4;
	v4 =	vadd.f32 v11, v2  }
0xb6: {  	v3 =	vadd.f32 v3, v12;
	[tilespmem:s14+$0x8000] =	vst v5  }
0xb7: {  	v2 =	vadd.f32 v10, v2;
	[tilespmem:s16+$0x0] =	vst v4  }
0xb8: {  	v0 =	vadd.f32 v0, v12;
	[tilespmem:s11+$0x0] =	vst v3  }
0xb9: {  	v1 =	vadd.f32 v1, v12;
	[tilespmem:s15+$0x0] =	vst v2  }
0xba: {  	v2 =	vadd.f32 v6, v12;
	[tilespmem:s9+$0x0] =	vst v0  }
0xbb: {  	[tilespmem:s10+$0x0] =	vst v1  }
0xbc: {  	s1 =	simm.s32 $0x2000;
	s2 =	simm.s32 $0x400000;
	[tilespmem:s13+$0x8000] =	vst v2  }
0xbd: {  	s3 =	simm.s32 $0x8000;
	s15 =	simm.s32 $0x5;
	s0 =	rddreg [dreg:$0xa]  }
0xbe: {  	[hbm4b:s0+s1] =	stream.strided.scatter [tilespmem:s3], [sflag:$0x5], $0x8000, s2, s1, $0x38;
	[tilespmem:$0x1E000] =	vst v63  }
0xbf: {  	_ =	swait.ge [sflag:s15], $0x8000  }
0xc0: {  	[sflag:s15] =	ssyncset.done $0x0  }
0xc1: {  	s18 =	simm.s32 $0x1A000;
	s16 =	rddreg [dreg:$0xb];
	[sflag:s15] =	ssyncadd.s32 $0xFFFF8000  }
0xc2: {  	[tilespmem:s3], [sflag:$0x2] =	stream.strided.gather [hbm4b:s16+s1], $0x8000, s2, s1, $0x38;
	[tilespmem:$0x1E000] =	vst v63  }
0xc3: {  	s19 =	simm.s32 $0x9;
	s9 =	simm.s32 $0x0;
	s17 =	rddreg [dreg:$0xc]  }
0xc4: {  	[tilespmem:s18], [sflag:$0x8] =	stream.linear.gather [hbm4b:s17+s9], $0x2000, $0x38;
	[tilespmem:$0x1E000] =	vst v63  }
0xc5: {  	_ =	swait.ge [sflag:s19], $0x2000  }
0xc6: {  	s12 =	simm.s32 $0x0;
	[sflag:s19] =	ssyncset.done $0x0  }
0xc7: {  	s20 =	simm.s32 $0x3;
	s21 =	sand.u32 $0x40, s12;
	[sflag:s19] =	ssyncadd.s32 $0xFFFFE000  }
0xc8: {  	s22 =	sand.u32 $0x1C00, s9;
	s23 =	sand.u32 $0x380, s9;
	_ =	swait.ge [sflag:s20], $0x8000  }
0xc9: {  	s24 =	sor.u32 $0x30, s21;
	s1 =	sor.u32 s23, s22;
	[sflag:s20] =	ssyncset.done $0x0  }
0xca: {  	s26 =	sor.u32 $0x16000, s1;
	s14 =	sor.u32 s24, s1;
	[sflag:s20] =	ssyncadd.s32 $0xFFFF8000  }
0xcb: {  	s4 =	sor.u32 $0x12000, s1;
	s5 =	sor.u32 s24, s26;
	v2 =	vld [tilespmem:s14+$0x1C000]  }
0xcc: {  	s6 =	sor.u32 $0x14000, s1;
	s11 =	sor.u32 s21, s4;
	v4 =	vld [tilespmem:s5+$0x0]  }
0xcd: {  	s8 =	sor.u32 s21, s6;
	v3 =	vld [tilespmem:s11+$0x0]  }
0xce: {  	s7 =	sor.u32 $0x10, s21;
	s10 =	sor.u32 s21, s26;
	v0 =	vld [tilespmem:s8+$0x0]  }
0xcf: {  	s29 =	sor.u32 s7, s1;
	v1 =	vld [tilespmem:s10+$0x0]  }
0xd0: {  	v5 =	vld [tilespmem:s29+$0x1C000]  }
0xd1: {  	s30 =	sor.u32 s7, s4;
	v6 =	vld [tilespmem:s29+$0x10000]  }
0xd2: {  	s20 =	sor.u32 s7, s6;
	v7 =	vld [tilespmem:s30+$0x0]  }
0xd3: {  	s31 =	sor.u32 $0x20, s21;
	s28 =	sor.u32 s7, s26;
	v10 =	vld [tilespmem:s20+$0x0]  }
0xd4: {  	s25 =	sor.u32 s31, s1;
	v11 =	vld [tilespmem:s28+$0x0]  }
0xd5: {  	v9 =	vld [tilespmem:s25+$0x10000];
	v8 =	vadd.f32 v4, v2  }
0xd6: {  	s18 =	sor.u32 s31, s4;
	v4 =	vld [tilespmem:s25+$0x1C000];
	v6 =	vadd.f32 v6, v5  }
0xd7: {  	s19 =	sor.u32 s31, s6;
	v63 =	vadd.f32 v7, v5;
	[tilespmem:s5+$0x0] =	vst v8;
	v8 =	vld [tilespmem:s18+$0x0]  }
0xd8: {  	s17 =	sor.u32 s31, s26;
	v13 =	vadd.f32 v10, v5;
	v7 =	vld [tilespmem:s19+$0x0];
	[tilespmem:s29+$0x10000] =	vst v6  }
0xd9: {  	s13 =	sor.u32 s21, s1;
	v10 =	vadd.f32 v11, v5;
	v6 =	vld [tilespmem:s17+$0x0];
	[tilespmem:s30+$0x0] =	vst v63  }
0xda: {  	s16 =	sor.u32 s24, s4;
	s15 =	sor.u32 s24, s6;
	v5 =	vld [tilespmem:s14+$0x10000];
	[tilespmem:s20+$0x0] =	vst v13;
	s20 =	simm.s32 $0x0  }
.LBB2_6:
0xdb: {  	s12 =	sadd.s32 $0x40, s12;
	[tilespmem:s28+$0x0] =	vst v10;
	v9 =	vadd.f32 v9, v4;
	v10 =	vld [tilespmem:s16+$0x0];
	s9 =	sadd.s32 $0x8, s9;
	s20 =	sadd.s32 $0x200, s20  }
0xdc: {  	s0 =	sand.u32 $0x40, s12;
	s1 =	sand.u32 $0x1C00, s20;
	s2 =	sand.u32 $0x380, s9;
	v8 =	vadd.f32 v8, v4;
	v11 =	vld [tilespmem:s15+$0x0]  }
0xdd: {  	s1 =	sor.u32 s2, s1;
	s2 =	sor.u32 $0x10, s0;
	s3 =	sor.u32 $0x30, s0;
	v12 =	vld [tilespmem:s13+$0x1C000];
	[tilespmem:s25+$0x10000] =	vst v9;
	v7 =	vadd.f32 v7, v4  }
0xde: {  	s4 =	sor.u32 $0x12000, s1;
	s5 =	sor.u32 $0x16000, s1;
	s6 =	sor.u32 s3, s1;
	v9 =	vld [tilespmem:s13+$0x10000];
	[tilespmem:s18+$0x0] =	vst v8;
	v4 =	vadd.f32 v6, v4  }
0xdf: {  	s21 =	sor.u32 $0x20, s0;
	s7 =	sor.u32 $0x14000, s1;
	v6 =	vld [tilespmem:s6+$0x1C000];
	s22 =	sor.u32 s3, s5;
	[tilespmem:s19+$0x0] =	vst v7;
	v5 =	vadd.f32 v5, v2  }
0xe0: {  	s23 =	sor.u32 s0, s4;
	s24 =	sor.u32 s0, s7;
	s26 =	sor.u32 s0, s5;
	v7 =	vld [tilespmem:s22+$0x0];
	[tilespmem:s17+$0x0] =	vst v4;
	v4 =	vadd.f32 v10, v2  }
0xe1: {  	s29 =	sor.u32 s2, s1;
	s30 =	sor.u32 s2, s4;
	s31 =	sor.u32 s2, s7;
	v8 =	vld [tilespmem:s23+$0x0];
	[tilespmem:s14+$0x10000] =	vst v5;
	v11 =	vadd.f32 v11, v2  }
0xe2: {  	s25 =	sor.u32 s21, s1;
	s28 =	sor.u32 s2, s5;
	s18 =	sor.u32 s21, s4;
	v3 =	vadd.f32 v3, v12;
	v5 =	vadd.f32 v0, v12;
	v0 =	vld [tilespmem:s24+$0x0];
	[tilespmem:s16+$0x0] =	vst v4  }
0xe3: {  	s19 =	sor.u32 s21, s7;
	s17 =	sor.u32 s21, s5;
	s16 =	sor.u32 s3, s4;
	v4 =	vadd.f32 v9, v12;
	v9 =	vadd.f32 v1, v12;
	v1 =	vld [tilespmem:s26+$0x0];
	[tilespmem:s15+$0x0] =	vst v11  }
0xe4: {  	p0 =	slt.u32 s12, $0x1FC0;
	s0 =	sor.u32 s0, s1;
	s15 =	sor.u32 s3, s7;
	v10 =	vld [tilespmem:s29+$0x1C000];
	[tilespmem:s11+$0x0] =	vst v3;
	v2 =	vmov v6  }
0xe5: {  	s14 =	smov.u32 s6;
	s11 =	smov.u32 s23;
	v6 =	vld [tilespmem:s29+$0x10000];
	v7 =	vadd.f32 v7, v2;
	[tilespmem:s8+$0x0] =	vst v5;
	s8 =	smov.u32 s24  }
0xe6: {  	v5 =	vld [tilespmem:s30+$0x0];
	[tilespmem:s10+$0x0] =	vst v9;
	v3 =	vmov v8;
	s10 =	smov.u32 s26  }
0xe7: {  	v11 =	vld [tilespmem:s31+$0x0];
	[tilespmem:s22+$0x0] =	vst v7  }
0xe8: {  	v12 =	vld [tilespmem:s28+$0x0];
	[tilespmem:s13+$0x10000] =	vst v4;
	s13 =	smov.u32 s0  }
0xe9: {  	v4 =	vld [tilespmem:s25+$0x1C000]  }
.Ltmp2:
0xea: {  	v6 =	vadd.f32 v6, v10;
	v9 =	vld [tilespmem:s25+$0x10000];
	(pc) =	sbr.rel @p0 .LBB2_6-.Ltmp2, $4  }
0xeb: {  	v5 =	vadd.f32 v5, v10;
	v8 =	vld [tilespmem:s18+$0x0]  }
0xec: {  	[tilespmem:s29+$0x10000] =	vst v6;
	v11 =	vadd.f32 v11, v10;
	v7 =	vld [tilespmem:s19+$0x0]  }
0xed: {  	[tilespmem:s30+$0x0] =	vst v5;
	v10 =	vadd.f32 v12, v10;
	v6 =	vld [tilespmem:s17+$0x0]  }
0xee: {  	[tilespmem:s31+$0x0] =	vst v11;
	v5 =	vld [tilespmem:s14+$0x10000]  }
0xef: {  	v9 =	vadd.f32 v9, v4;
	v11 =	vld [tilespmem:s16+$0x0]  }
0xf0: {  	[tilespmem:s28+$0x0] =	vst v10;
	v12 =	vld [tilespmem:s13+$0x1C000];
	v8 =	vadd.f32 v8, v4  }
0xf1: {  	v10 =	vld [tilespmem:s15+$0x0];
	[tilespmem:s25+$0x10000] =	vst v9;
	v7 =	vadd.f32 v7, v4  }
0xf2: {  	[tilespmem:s18+$0x0] =	vst v8;
	v4 =	vadd.f32 v6, v4  }
0xf3: {  	[tilespmem:s19+$0x0] =	vst v7;
	v5 =	vadd.f32 v5, v2  }
0xf4: {  	v6 =	vld [tilespmem:s13+$0x10000];
	[tilespmem:s17+$0x0] =	vst v4;
	v4 =	vadd.f32 v11, v2  }
0xf5: {  	v3 =	vadd.f32 v3, v12;
	[tilespmem:s14+$0x10000] =	vst v5  }
0xf6: {  	v2 =	vadd.f32 v10, v2;
	[tilespmem:s16+$0x0] =	vst v4  }
0xf7: {  	v0 =	vadd.f32 v0, v12;
	[tilespmem:s11+$0x0] =	vst v3  }
0xf8: {  	v1 =	vadd.f32 v1, v12;
	[tilespmem:s15+$0x0] =	vst v2  }
0xf9: {  	v2 =	vadd.f32 v6, v12;
	[tilespmem:s8+$0x0] =	vst v0  }
0xfa: {  	[tilespmem:s10+$0x0] =	vst v1  }
0xfb: {  	s1 =	simm.s32 $0x2000;
	s2 =	simm.s32 $0x400000;
	[tilespmem:s13+$0x10000] =	vst v2  }
0xfc: {  	s3 =	simm.s32 $0x10000;
	s15 =	simm.s32 $0x6;
	s0 =	rddreg [dreg:$0xd]  }
0xfd: {  	[hbm4b:s0+s1] =	stream.strided.scatter [tilespmem:s3], [sflag:$0x6], $0x8000, s2, s1, $0x38;
	[tilespmem:$0x1E000] =	vst v63  }
0xfe: {  	_ =	swait.ge [sflag:s15], $0x8000  }
0xff: {  	[sflag:s15] =	ssyncset.done $0x0  }
0x100: {  	s9 =	simm.s32 $0x0;
	s16 =	rddreg [dreg:$0xe];
	[sflag:s15] =	ssyncadd.s32 $0xFFFF8000  }
0x101: {  	[tilespmem:s3], [sflag:$0x3] =	stream.strided.gather [hbm4b:s16+s1], $0x8000, s2, s1, $0x38;
	[tilespmem:$0x1E000] =	vst v63  }
0x102: {  	s18 =	simm.s32 $0x1C000;
	s19 =	simm.s32 $0x7;
	s17 =	rddreg [dreg:$0xf]  }
0x103: {  	[tilespmem:s18], [sflag:$0x9] =	stream.linear.gather [hbm4b:s17+s9], $0x2000, $0x38;
	[tilespmem:$0x1E000] =	vst v63  }
0x104: {  	_ =	swait.ge [sflag:s19], $0x2000  }
0x105: {  	s12 =	simm.s32 $0x0;
	[sflag:s19] =	ssyncset.done $0x0  }
0x106: {  	s20 =	simm.s32 $0x1;
	s21 =	sand.u32 $0x40, s12;
	[sflag:s19] =	ssyncadd.s32 $0xFFFFE000  }
0x107: {  	s22 =	sand.u32 $0x1C00, s9;
	s23 =	sand.u32 $0x380, s9;
	_ =	swait.ge [sflag:s20], $0x8000  }
0x108: {  	s24 =	sor.u32 $0x30, s21;
	s1 =	sor.u32 s23, s22;
	[sflag:s20] =	ssyncset.done $0x0  }
0x109: {  	s26 =	sor.u32 $0x6000, s1;
	s14 =	sor.u32 s24, s1;
	[sflag:s20] =	ssyncadd.s32 $0xFFFF8000  }
0x10a: {  	s4 =	sor.u32 $0x2000, s1;
	s5 =	sor.u32 s24, s26;
	v2 =	vld [tilespmem:s14+$0x18000]  }
0x10b: {  	s6 =	sor.u32 $0x4000, s1;
	s11 =	sor.u32 s21, s4;
	v4 =	vld [tilespmem:s5+$0x0]  }
0x10c: {  	s8 =	sor.u32 s21, s6;
	v3 =	vld [tilespmem:s11+$0x0]  }
0x10d: {  	s7 =	sor.u32 $0x10, s21;
	s10 =	sor.u32 s21, s26;
	v0 =	vld [tilespmem:s8+$0x0]  }
0x10e: {  	s29 =	sor.u32 s7, s1;
	v1 =	vld [tilespmem:s10+$0x0]  }
0x10f: {  	v5 =	vld [tilespmem:s29+$0x18000]  }
0x110: {  	s30 =	sor.u32 s7, s4;
	v6 =	vld [tilespmem:s29+$0x0]  }
0x111: {  	s20 =	sor.u32 s7, s6;
	v7 =	vld [tilespmem:s30+$0x0]  }
0x112: {  	s31 =	sor.u32 $0x20, s21;
	s28 =	sor.u32 s7, s26;
	v10 =	vld [tilespmem:s20+$0x0]  }
0x113: {  	s25 =	sor.u32 s31, s1;
	v11 =	vld [tilespmem:s28+$0x0]  }
0x114: {  	v9 =	vld [tilespmem:s25+$0x0];
	v8 =	vadd.f32 v4, v2  }
0x115: {  	s18 =	sor.u32 s31, s4;
	v4 =	vld [tilespmem:s25+$0x18000];
	v6 =	vadd.f32 v6, v5  }
0x116: {  	s19 =	sor.u32 s31, s6;
	v63 =	vadd.f32 v7, v5;
	[tilespmem:s5+$0x0] =	vst v8;
	v8 =	vld [tilespmem:s18+$0x0]  }
0x117: {  	s17 =	sor.u32 s31, s26;
	v13 =	vadd.f32 v10, v5;
	v7 =	vld [tilespmem:s19+$0x0];
	[tilespmem:s29+$0x0] =	vst v6  }
0x118: {  	s13 =	sor.u32 s21, s1;
	v10 =	vadd.f32 v11, v5;
	v6 =	vld [tilespmem:s17+$0x0];
	[tilespmem:s30+$0x0] =	vst v63  }
0x119: {  	s16 =	sor.u32 s24, s4;
	s15 =	sor.u32 s24, s6;
	v5 =	vld [tilespmem:s14+$0x0];
	[tilespmem:s20+$0x0] =	vst v13;
	s20 =	simm.s32 $0x0  }
.LBB2_8:
0x11a: {  	s12 =	sadd.s32 $0x40, s12;
	[tilespmem:s28+$0x0] =	vst v10;
	v9 =	vadd.f32 v9, v4;
	v10 =	vld [tilespmem:s16+$0x0];
	s9 =	sadd.s32 $0x8, s9;
	s20 =	sadd.s32 $0x200, s20  }
0x11b: {  	s0 =	sand.u32 $0x40, s12;
	s1 =	sand.u32 $0x1C00, s20;
	s2 =	sand.u32 $0x380, s9;
	v8 =	vadd.f32 v8, v4;
	v11 =	vld [tilespmem:s15+$0x0]  }
0x11c: {  	s1 =	sor.u32 s2, s1;
	s2 =	sor.u32 $0x10, s0;
	s3 =	sor.u32 $0x30, s0;
	v12 =	vld [tilespmem:s13+$0x18000];
	[tilespmem:s25+$0x0] =	vst v9;
	v7 =	vadd.f32 v7, v4  }
0x11d: {  	s4 =	sor.u32 $0x2000, s1;
	s5 =	sor.u32 $0x6000, s1;
	s6 =	sor.u32 s3, s1;
	v9 =	vld [tilespmem:s13+$0x0];
	[tilespmem:s18+$0x0] =	vst v8;
	v4 =	vadd.f32 v6, v4  }
0x11e: {  	s21 =	sor.u32 $0x20, s0;
	s7 =	sor.u32 $0x4000, s1;
	v6 =	vld [tilespmem:s6+$0x18000];
	s22 =	sor.u32 s3, s5;
	[tilespmem:s19+$0x0] =	vst v7;
	v5 =	vadd.f32 v5, v2  }
0x11f: {  	s23 =	sor.u32 s0, s4;
	s24 =	sor.u32 s0, s7;
	s26 =	sor.u32 s0, s5;
	v7 =	vld [tilespmem:s22+$0x0];
	[tilespmem:s17+$0x0] =	vst v4;
	v4 =	vadd.f32 v10, v2  }
0x120: {  	s29 =	sor.u32 s2, s1;
	s30 =	sor.u32 s2, s4;
	s31 =	sor.u32 s2, s7;
	v8 =	vld [tilespmem:s23+$0x0];
	[tilespmem:s14+$0x0] =	vst v5;
	v11 =	vadd.f32 v11, v2  }
0x121: {  	s25 =	sor.u32 s21, s1;
	s28 =	sor.u32 s2, s5;
	s18 =	sor.u32 s21, s4;
	v3 =	vadd.f32 v3, v12;
	v5 =	vadd.f32 v0, v12;
	v0 =	vld [tilespmem:s24+$0x0];
	[tilespmem:s16+$0x0] =	vst v4  }
0x122: {  	s19 =	sor.u32 s21, s7;
	s17 =	sor.u32 s21, s5;
	s16 =	sor.u32 s3, s4;
	v4 =	vadd.f32 v9, v12;
	v9 =	vadd.f32 v1, v12;
	v1 =	vld [tilespmem:s26+$0x0];
	[tilespmem:s15+$0x0] =	vst v11  }
0x123: {  	p0 =	slt.u32 s12, $0x1FC0;
	s0 =	sor.u32 s0, s1;
	s15 =	sor.u32 s3, s7;
	v10 =	vld [tilespmem:s29+$0x18000];
	[tilespmem:s11+$0x0] =	vst v3;
	v2 =	vmov v6  }
0x124: {  	s14 =	smov.u32 s6;
	s11 =	smov.u32 s23;
	v6 =	vld [tilespmem:s29+$0x0];
	v7 =	vadd.f32 v7, v2;
	[tilespmem:s8+$0x0] =	vst v5;
	s8 =	smov.u32 s24  }
0x125: {  	v5 =	vld [tilespmem:s30+$0x0];
	[tilespmem:s10+$0x0] =	vst v9;
	v3 =	vmov v8;
	s10 =	smov.u32 s26  }
0x126: {  	v11 =	vld [tilespmem:s31+$0x0];
	[tilespmem:s22+$0x0] =	vst v7  }
0x127: {  	v12 =	vld [tilespmem:s28+$0x0];
	[tilespmem:s13+$0x0] =	vst v4;
	s13 =	smov.u32 s0  }
0x128: {  	v4 =	vld [tilespmem:s25+$0x18000]  }
.Ltmp3:
0x129: {  	v6 =	vadd.f32 v6, v10;
	v9 =	vld [tilespmem:s25+$0x0];
	(pc) =	sbr.rel @p0 .LBB2_8-.Ltmp3, $4  }
0x12a: {  	v5 =	vadd.f32 v5, v10;
	v8 =	vld [tilespmem:s18+$0x0]  }
0x12b: {  	[tilespmem:s29+$0x0] =	vst v6;
	v11 =	vadd.f32 v11, v10;
	v7 =	vld [tilespmem:s19+$0x0]  }
0x12c: {  	[tilespmem:s30+$0x0] =	vst v5;
	v10 =	vadd.f32 v12, v10;
	v6 =	vld [tilespmem:s17+$0x0]  }
0x12d: {  	[tilespmem:s31+$0x0] =	vst v11;
	v5 =	vld [tilespmem:s14+$0x0]  }
0x12e: {  	v9 =	vadd.f32 v9, v4;
	v11 =	vld [tilespmem:s16+$0x0]  }
0x12f: {  	[tilespmem:s28+$0x0] =	vst v10;
	v12 =	vld [tilespmem:s13+$0x18000];
	v8 =	vadd.f32 v8, v4  }
0x130: {  	v10 =	vld [tilespmem:s15+$0x0];
	[tilespmem:s25+$0x0] =	vst v9;
	v7 =	vadd.f32 v7, v4  }
0x131: {  	[tilespmem:s18+$0x0] =	vst v8;
	v4 =	vadd.f32 v6, v4  }
0x132: {  	[tilespmem:s19+$0x0] =	vst v7;
	v5 =	vadd.f32 v5, v2  }
0x133: {  	v6 =	vld [tilespmem:s13+$0x0];
	[tilespmem:s17+$0x0] =	vst v4;
	v4 =	vadd.f32 v11, v2  }
0x134: {  	v3 =	vadd.f32 v3, v12;
	[tilespmem:s14+$0x0] =	vst v5  }
0x135: {  	v2 =	vadd.f32 v10, v2;
	[tilespmem:s16+$0x0] =	vst v4  }
0x136: {  	v0 =	vadd.f32 v0, v12;
	[tilespmem:s11+$0x0] =	vst v3  }
0x137: {  	v1 =	vadd.f32 v1, v12;
	[tilespmem:s15+$0x0] =	vst v2  }
0x138: {  	v2 =	vadd.f32 v6, v12;
	[tilespmem:s8+$0x0] =	vst v0  }
0x139: {  	[tilespmem:s10+$0x0] =	vst v1  }
0x13a: {  	s1 =	simm.s32 $0x2000;
	s2 =	simm.s32 $0x400000;
	[tilespmem:s13+$0x0] =	vst v2  }
0x13b: {  	s16 =	simm.s32 $0x4;
	s8 =	simm.s32 $0x0;
	s0 =	rddreg [dreg:$0x10]  }
0x13c: {  	[hbm4b:s0+s1] =	stream.strided.scatter [tilespmem:s8], [sflag:$0x4], $0x8000, s2, s1, $0x38;
	[tilespmem:$0x1E000] =	vst v63  }
0x13d: {  	_ =	swait.ge [sflag:s16], $0x8000  }
0x13e: {  	[sflag:s16] =	ssyncset.done $0x0  }
0x13f: {  	s17 =	rddreg [dreg:$0x11];
	[sflag:s16] =	ssyncadd.s32 $0xFFFF8000  }
0x140: {  	[tilespmem:s8], [sflag:$0x1] =	stream.strided.gather [hbm4b:s17+s1], $0x8000, s2, s1, $0x38;
	[tilespmem:$0x1E000] =	vst v63  }
0x141: {  	s20 =	simm.s32 $0x8;
	s19 =	simm.s32 $0x18000;
	s18 =	rddreg [dreg:$0x12]  }
0x142: {  	[tilespmem:s19], [sflag:$0x7] =	stream.linear.gather [hbm4b:s18+s8], $0x2000, $0x38;
	[tilespmem:$0x1E000] =	vst v63  }
0x143: {  	_ =	swait.ge [sflag:s20], $0x2000  }
0x144: {  	s12 =	simm.s32 $0x0;
	[sflag:s20] =	ssyncset.done $0x0  }
0x145: {  	s3 =	simm.s32 $0x2;
	s21 =	sand.u32 $0x40, s12;
	[sflag:s20] =	ssyncadd.s32 $0xFFFFE000  }
0x146: {  	s22 =	sand.u32 $0x1C00, s8;
	s23 =	sand.u32 $0x380, s8;
	_ =	swait.ge [sflag:s3], $0x8000  }
0x147: {  	s24 =	sor.u32 $0x30, s21;
	s1 =	sor.u32 s23, s22;
	[sflag:s3] =	ssyncset.done $0x0  }
0x148: {  	s26 =	sor.u32 $0xE000, s1;
	s14 =	sor.u32 s24, s1;
	[sflag:s3] =	ssyncadd.s32 $0xFFFF8000  }
0x149: {  	s4 =	sor.u32 $0xA000, s1;
	s5 =	sor.u32 s24, s26;
	v2 =	vld [tilespmem:s14+$0x1A000]  }
0x14a: {  	s6 =	sor.u32 $0xC000, s1;
	s11 =	sor.u32 s21, s4;
	v4 =	vld [tilespmem:s5+$0x0]  }
0x14b: {  	s9 =	sor.u32 s21, s6;
	v3 =	vld [tilespmem:s11+$0x0]  }
0x14c: {  	s7 =	sor.u32 $0x10, s21;
	s10 =	sor.u32 s21, s26;
	v0 =	vld [tilespmem:s9+$0x0]  }
0x14d: {  	s29 =	sor.u32 s7, s1;
	v1 =	vld [tilespmem:s10+$0x0]  }
0x14e: {  	v5 =	vld [tilespmem:s29+$0x1A000]  }
0x14f: {  	s30 =	sor.u32 s7, s4;
	v6 =	vld [tilespmem:s29+$0x8000]  }
0x150: {  	s20 =	sor.u32 s7, s6;
	v7 =	vld [tilespmem:s30+$0x0]  }
0x151: {  	s31 =	sor.u32 $0x20, s21;
	s28 =	sor.u32 s7, s26;
	v10 =	vld [tilespmem:s20+$0x0]  }
0x152: {  	s25 =	sor.u32 s31, s1;
	v11 =	vld [tilespmem:s28+$0x0]  }
0x153: {  	v9 =	vld [tilespmem:s25+$0x8000];
	v8 =	vadd.f32 v4, v2  }
0x154: {  	s18 =	sor.u32 s31, s4;
	v4 =	vld [tilespmem:s25+$0x1A000];
	v6 =	vadd.f32 v6, v5  }
0x155: {  	s19 =	sor.u32 s31, s6;
	v63 =	vadd.f32 v7, v5;
	[tilespmem:s5+$0x0] =	vst v8;
	v8 =	vld [tilespmem:s18+$0x0]  }
0x156: {  	s17 =	sor.u32 s31, s26;
	v13 =	vadd.f32 v10, v5;
	v7 =	vld [tilespmem:s19+$0x0];
	[tilespmem:s29+$0x8000] =	vst v6  }
0x157: {  	s13 =	sor.u32 s21, s1;
	v10 =	vadd.f32 v11, v5;
	v6 =	vld [tilespmem:s17+$0x0];
	[tilespmem:s30+$0x0] =	vst v63  }
0x158: {  	s16 =	sor.u32 s24, s4;
	s15 =	sor.u32 s24, s6;
	v5 =	vld [tilespmem:s14+$0x8000];
	[tilespmem:s20+$0x0] =	vst v13;
	s20 =	simm.s32 $0x0  }
.LBB2_10:
0x159: {  	s12 =	sadd.s32 $0x40, s12;
	[tilespmem:s28+$0x0] =	vst v10;
	v9 =	vadd.f32 v9, v4;
	v10 =	vld [tilespmem:s16+$0x0];
	s8 =	sadd.s32 $0x8, s8;
	s20 =	sadd.s32 $0x200, s20  }
0x15a: {  	s0 =	sand.u32 $0x40, s12;
	s1 =	sand.u32 $0x1C00, s20;
	s2 =	sand.u32 $0x380, s8;
	v8 =	vadd.f32 v8, v4;
	v11 =	vld [tilespmem:s15+$0x0]  }
0x15b: {  	s1 =	sor.u32 s2, s1;
	s2 =	sor.u32 $0x10, s0;
	s3 =	sor.u32 $0x30, s0;
	v12 =	vld [tilespmem:s13+$0x1A000];
	[tilespmem:s25+$0x8000] =	vst v9;
	v7 =	vadd.f32 v7, v4  }
0x15c: {  	s4 =	sor.u32 $0xA000, s1;
	s5 =	sor.u32 $0xE000, s1;
	s6 =	sor.u32 s3, s1;
	v9 =	vld [tilespmem:s13+$0x8000];
	[tilespmem:s18+$0x0] =	vst v8;
	v4 =	vadd.f32 v6, v4  }
0x15d: {  	s21 =	sor.u32 $0x20, s0;
	s7 =	sor.u32 $0xC000, s1;
	v6 =	vld [tilespmem:s6+$0x1A000];
	s22 =	sor.u32 s3, s5;
	[tilespmem:s19+$0x0] =	vst v7;
	v5 =	vadd.f32 v5, v2  }
0x15e: {  	s23 =	sor.u32 s0, s4;
	s24 =	sor.u32 s0, s7;
	s26 =	sor.u32 s0, s5;
	v7 =	vld [tilespmem:s22+$0x0];
	[tilespmem:s17+$0x0] =	vst v4;
	v4 =	vadd.f32 v10, v2  }
0x15f: {  	s29 =	sor.u32 s2, s1;
	s30 =	sor.u32 s2, s4;
	s31 =	sor.u32 s2, s7;
	v8 =	vld [tilespmem:s23+$0x0];
	[tilespmem:s14+$0x8000] =	vst v5;
	v11 =	vadd.f32 v11, v2  }
0x160: {  	s25 =	sor.u32 s21, s1;
	s28 =	sor.u32 s2, s5;
	s18 =	sor.u32 s21, s4;
	v3 =	vadd.f32 v3, v12;
	v5 =	vadd.f32 v0, v12;
	v0 =	vld [tilespmem:s24+$0x0];
	[tilespmem:s16+$0x0] =	vst v4  }
0x161: {  	s19 =	sor.u32 s21, s7;
	s17 =	sor.u32 s21, s5;
	s16 =	sor.u32 s3, s4;
	v4 =	vadd.f32 v9, v12;
	v9 =	vadd.f32 v1, v12;
	v1 =	vld [tilespmem:s26+$0x0];
	[tilespmem:s15+$0x0] =	vst v11  }
0x162: {  	p0 =	slt.u32 s12, $0x1FC0;
	s0 =	sor.u32 s0, s1;
	s15 =	sor.u32 s3, s7;
	v10 =	vld [tilespmem:s29+$0x1A000];
	[tilespmem:s11+$0x0] =	vst v3;
	v2 =	vmov v6  }
0x163: {  	s14 =	smov.u32 s6;
	s11 =	smov.u32 s23;
	v6 =	vld [tilespmem:s29+$0x8000];
	v7 =	vadd.f32 v7, v2;
	[tilespmem:s9+$0x0] =	vst v5;
	s9 =	smov.u32 s24  }
0x164: {  	v5 =	vld [tilespmem:s30+$0x0];
	[tilespmem:s10+$0x0] =	vst v9;
	v3 =	vmov v8;
	s10 =	smov.u32 s26  }
0x165: {  	v11 =	vld [tilespmem:s31+$0x0];
	[tilespmem:s22+$0x0] =	vst v7  }
0x166: {  	v12 =	vld [tilespmem:s28+$0x0];
	[tilespmem:s13+$0x8000] =	vst v4;
	s13 =	smov.u32 s0  }
0x167: {  	v4 =	vld [tilespmem:s25+$0x1A000]  }
.Ltmp4:
0x168: {  	v6 =	vadd.f32 v6, v10;
	v9 =	vld [tilespmem:s25+$0x8000];
	(pc) =	sbr.rel @p0 .LBB2_10-.Ltmp4, $4  }
0x169: {  	v5 =	vadd.f32 v5, v10;
	v8 =	vld [tilespmem:s18+$0x0]  }
0x16a: {  	[tilespmem:s29+$0x8000] =	vst v6;
	v11 =	vadd.f32 v11, v10;
	v7 =	vld [tilespmem:s19+$0x0]  }
0x16b: {  	[tilespmem:s30+$0x0] =	vst v5;
	v10 =	vadd.f32 v12, v10;
	v6 =	vld [tilespmem:s17+$0x0]  }
0x16c: {  	[tilespmem:s31+$0x0] =	vst v11;
	v5 =	vld [tilespmem:s14+$0x8000]  }
0x16d: {  	v9 =	vadd.f32 v9, v4;
	v11 =	vld [tilespmem:s16+$0x0]  }
0x16e: {  	[tilespmem:s28+$0x0] =	vst v10;
	v12 =	vld [tilespmem:s13+$0x1A000];
	v8 =	vadd.f32 v8, v4  }
0x16f: {  	v10 =	vld [tilespmem:s15+$0x0];
	[tilespmem:s25+$0x8000] =	vst v9;
	v7 =	vadd.f32 v7, v4  }
0x170: {  	[tilespmem:s18+$0x0] =	vst v8;
	v4 =	vadd.f32 v6, v4  }
0x171: {  	[tilespmem:s19+$0x0] =	vst v7;
	v5 =	vadd.f32 v5, v2  }
0x172: {  	v6 =	vld [tilespmem:s13+$0x8000];
	[tilespmem:s17+$0x0] =	vst v4;
	v4 =	vadd.f32 v11, v2  }
0x173: {  	v3 =	vadd.f32 v3, v12;
	[tilespmem:s14+$0x8000] =	vst v5  }
0x174: {  	v2 =	vadd.f32 v10, v2;
	[tilespmem:s16+$0x0] =	vst v4  }
0x175: {  	v0 =	vadd.f32 v0, v12;
	[tilespmem:s11+$0x0] =	vst v3  }
0x176: {  	v1 =	vadd.f32 v1, v12;
	[tilespmem:s15+$0x0] =	vst v2  }
0x177: {  	v2 =	vadd.f32 v6, v12;
	[tilespmem:s9+$0x0] =	vst v0  }
0x178: {  	[tilespmem:s10+$0x0] =	vst v1  }
0x179: {  	s1 =	simm.s32 $0x2000;
	s2 =	simm.s32 $0x400000;
	[tilespmem:s13+$0x8000] =	vst v2  }
0x17a: {  	s3 =	simm.s32 $0x8000;
	s15 =	simm.s32 $0x5;
	s0 =	rddreg [dreg:$0x13]  }
0x17b: {  	[hbm4b:s0+s1] =	stream.strided.scatter [tilespmem:s3], [sflag:$0x5], $0x8000, s2, s1, $0x38;
	[tilespmem:$0x1E000] =	vst v63  }
0x17c: {  	_ =	swait.ge [sflag:s15], $0x8000  }
0x17d: {  	[sflag:s15] =	ssyncset.done $0x0  }
0x17e: {  	s18 =	simm.s32 $0x1A000;
	s16 =	rddreg [dreg:$0x16];
	[sflag:s15] =	ssyncadd.s32 $0xFFFF8000  }
0x17f: {  	[tilespmem:s3], [sflag:$0x2] =	stream.strided.gather [hbm4b:s16+s1], $0x8000, s2, s1, $0x38;
	[tilespmem:$0x1E000] =	vst v63  }
0x180: {  	s19 =	simm.s32 $0x9;
	s9 =	simm.s32 $0x0;
	s17 =	rddreg [dreg:$0x17]  }
0x181: {  	[tilespmem:s18], [sflag:$0x8] =	stream.linear.gather [hbm4b:s17+s9], $0x2000, $0x38;
	[tilespmem:$0x1E000] =	vst v63  }
0x182: {  	_ =	swait.ge [sflag:s19], $0x2000  }
0x183: {  	s12 =	simm.s32 $0x0;
	[sflag:s19] =	ssyncset.done $0x0  }
0x184: {  	s20 =	simm.s32 $0x3;
	s21 =	sand.u32 $0x40, s12;
	[sflag:s19] =	ssyncadd.s32 $0xFFFFE000  }
0x185: {  	s22 =	sand.u32 $0x1C00, s9;
	s23 =	sand.u32 $0x380, s9;
	_ =	swait.ge [sflag:s20], $0x8000  }
0x186: {  	s24 =	sor.u32 $0x30, s21;
	s1 =	sor.u32 s23, s22;
	[sflag:s20] =	ssyncset.done $0x0  }
0x187: {  	s26 =	sor.u32 $0x16000, s1;
	s14 =	sor.u32 s24, s1;
	[sflag:s20] =	ssyncadd.s32 $0xFFFF8000  }
0x188: {  	s4 =	sor.u32 $0x12000, s1;
	s5 =	sor.u32 s24, s26;
	v2 =	vld [tilespmem:s14+$0x1C000]  }
0x189: {  	s6 =	sor.u32 $0x14000, s1;
	s11 =	sor.u32 s21, s4;
	v4 =	vld [tilespmem:s5+$0x0]  }
0x18a: {  	s8 =	sor.u32 s21, s6;
	v3 =	vld [tilespmem:s11+$0x0]  }
0x18b: {  	s7 =	sor.u32 $0x10, s21;
	s10 =	sor.u32 s21, s26;
	v0 =	vld [tilespmem:s8+$0x0]  }
0x18c: {  	s29 =	sor.u32 s7, s1;
	v1 =	vld [tilespmem:s10+$0x0]  }
0x18d: {  	v5 =	vld [tilespmem:s29+$0x1C000]  }
0x18e: {  	s30 =	sor.u32 s7, s4;
	v6 =	vld [tilespmem:s29+$0x10000]  }
0x18f: {  	s20 =	sor.u32 s7, s6;
	v7 =	vld [tilespmem:s30+$0x0]  }
0x190: {  	s31 =	sor.u32 $0x20, s21;
	s28 =	sor.u32 s7, s26;
	v10 =	vld [tilespmem:s20+$0x0]  }
0x191: {  	s25 =	sor.u32 s31, s1;
	v11 =	vld [tilespmem:s28+$0x0]  }
0x192: {  	v9 =	vld [tilespmem:s25+$0x10000];
	v8 =	vadd.f32 v4, v2  }
0x193: {  	s18 =	sor.u32 s31, s4;
	v4 =	vld [tilespmem:s25+$0x1C000];
	v6 =	vadd.f32 v6, v5  }
0x194: {  	s19 =	sor.u32 s31, s6;
	v63 =	vadd.f32 v7, v5;
	[tilespmem:s5+$0x0] =	vst v8;
	v8 =	vld [tilespmem:s18+$0x0]  }
0x195: {  	s17 =	sor.u32 s31, s26;
	v13 =	vadd.f32 v10, v5;
	v7 =	vld [tilespmem:s19+$0x0];
	[tilespmem:s29+$0x10000] =	vst v6  }
0x196: {  	s13 =	sor.u32 s21, s1;
	v10 =	vadd.f32 v11, v5;
	v6 =	vld [tilespmem:s17+$0x0];
	[tilespmem:s30+$0x0] =	vst v63  }
0x197: {  	s16 =	sor.u32 s24, s4;
	s15 =	sor.u32 s24, s6;
	v5 =	vld [tilespmem:s14+$0x10000];
	[tilespmem:s20+$0x0] =	vst v13;
	s20 =	simm.s32 $0x0  }
.LBB2_12:
0x198: {  	s12 =	sadd.s32 $0x40, s12;
	[tilespmem:s28+$0x0] =	vst v10;
	v9 =	vadd.f32 v9, v4;
	v10 =	vld [tilespmem:s16+$0x0];
	s9 =	sadd.s32 $0x8, s9;
	s20 =	sadd.s32 $0x200, s20  }
0x199: {  	s0 =	sand.u32 $0x40, s12;
	s1 =	sand.u32 $0x1C00, s20;
	s2 =	sand.u32 $0x380, s9;
	v8 =	vadd.f32 v8, v4;
	v11 =	vld [tilespmem:s15+$0x0]  }
0x19a: {  	s1 =	sor.u32 s2, s1;
	s2 =	sor.u32 $0x10, s0;
	s3 =	sor.u32 $0x30, s0;
	v12 =	vld [tilespmem:s13+$0x1C000];
	[tilespmem:s25+$0x10000] =	vst v9;
	v7 =	vadd.f32 v7, v4  }
0x19b: {  	s4 =	sor.u32 $0x12000, s1;
	s5 =	sor.u32 $0x16000, s1;
	s6 =	sor.u32 s3, s1;
	v9 =	vld [tilespmem:s13+$0x10000];
	[tilespmem:s18+$0x0] =	vst v8;
	v4 =	vadd.f32 v6, v4  }
0x19c: {  	s21 =	sor.u32 $0x20, s0;
	s7 =	sor.u32 $0x14000, s1;
	v6 =	vld [tilespmem:s6+$0x1C000];
	s22 =	sor.u32 s3, s5;
	[tilespmem:s19+$0x0] =	vst v7;
	v5 =	vadd.f32 v5, v2  }
0x19d: {  	s23 =	sor.u32 s0, s4;
	s24 =	sor.u32 s0, s7;
	s26 =	sor.u32 s0, s5;
	v7 =	vld [tilespmem:s22+$0x0];
	[tilespmem:s17+$0x0] =	vst v4;
	v4 =	vadd.f32 v10, v2  }
0x19e: {  	s29 =	sor.u32 s2, s1;
	s30 =	sor.u32 s2, s4;
	s31 =	sor.u32 s2, s7;
	v8 =	vld [tilespmem:s23+$0x0];
	[tilespmem:s14+$0x10000] =	vst v5;
	v11 =	vadd.f32 v11, v2  }
0x19f: {  	s25 =	sor.u32 s21, s1;
	s28 =	sor.u32 s2, s5;
	s18 =	sor.u32 s21, s4;
	v3 =	vadd.f32 v3, v12;
	v5 =	vadd.f32 v0, v12;
	v0 =	vld [tilespmem:s24+$0x0];
	[tilespmem:s16+$0x0] =	vst v4  }
0x1a0: {  	s19 =	sor.u32 s21, s7;
	s17 =	sor.u32 s21, s5;
	s16 =	sor.u32 s3, s4;
	v4 =	vadd.f32 v9, v12;
	v9 =	vadd.f32 v1, v12;
	v1 =	vld [tilespmem:s26+$0x0];
	[tilespmem:s15+$0x0] =	vst v11  }
0x1a1: {  	p0 =	slt.u32 s12, $0x1FC0;
	s0 =	sor.u32 s0, s1;
	s15 =	sor.u32 s3, s7;
	v10 =	vld [tilespmem:s29+$0x1C000];
	[tilespmem:s11+$0x0] =	vst v3;
	v2 =	vmov v6  }
0x1a2: {  	s14 =	smov.u32 s6;
	s11 =	smov.u32 s23;
	v6 =	vld [tilespmem:s29+$0x10000];
	v7 =	vadd.f32 v7, v2;
	[tilespmem:s8+$0x0] =	vst v5;
	s8 =	smov.u32 s24  }
0x1a3: {  	v5 =	vld [tilespmem:s30+$0x0];
	[tilespmem:s10+$0x0] =	vst v9;
	v3 =	vmov v8;
	s10 =	smov.u32 s26  }
0x1a4: {  	v11 =	vld [tilespmem:s31+$0x0];
	[tilespmem:s22+$0x0] =	vst v7  }
0x1a5: {  	v12 =	vld [tilespmem:s28+$0x0];
	[tilespmem:s13+$0x10000] =	vst v4;
	s13 =	smov.u32 s0  }
0x1a6: {  	v4 =	vld [tilespmem:s25+$0x1C000]  }
.Ltmp5:
0x1a7: {  	v6 =	vadd.f32 v6, v10;
	v9 =	vld [tilespmem:s25+$0x10000];
	(pc) =	sbr.rel @p0 .LBB2_12-.Ltmp5, $4  }
0x1a8: {  	v5 =	vadd.f32 v5, v10;
	v8 =	vld [tilespmem:s18+$0x0]  }
0x1a9: {  	[tilespmem:s29+$0x10000] =	vst v6;
	v11 =	vadd.f32 v11, v10;
	v7 =	vld [tilespmem:s19+$0x0]  }
0x1aa: {  	[tilespmem:s30+$0x0] =	vst v5;
	v10 =	vadd.f32 v12, v10;
	v6 =	vld [tilespmem:s17+$0x0]  }
0x1ab: {  	[tilespmem:s31+$0x0] =	vst v11;
	v5 =	vld [tilespmem:s14+$0x10000]  }
0x1ac: {  	v9 =	vadd.f32 v9, v4;
	v11 =	vld [tilespmem:s16+$0x0]  }
0x1ad: {  	[tilespmem:s28+$0x0] =	vst v10;
	v12 =	vld [tilespmem:s13+$0x1C000];
	v8 =	vadd.f32 v8, v4  }
0x1ae: {  	v10 =	vld [tilespmem:s15+$0x0];
	[tilespmem:s25+$0x10000] =	vst v9;
	v7 =	vadd.f32 v7, v4  }
0x1af: {  	[tilespmem:s18+$0x0] =	vst v8;
	v4 =	vadd.f32 v6, v4  }
0x1b0: {  	[tilespmem:s19+$0x0] =	vst v7;
	v5 =	vadd.f32 v5, v2  }
0x1b1: {  	v6 =	vld [tilespmem:s13+$0x10000];
	[tilespmem:s17+$0x0] =	vst v4;
	v4 =	vadd.f32 v11, v2  }
0x1b2: {  	v3 =	vadd.f32 v3, v12;
	[tilespmem:s14+$0x10000] =	vst v5  }
0x1b3: {  	v2 =	vadd.f32 v10, v2;
	[tilespmem:s16+$0x0] =	vst v4  }
0x1b4: {  	v0 =	vadd.f32 v0, v12;
	[tilespmem:s11+$0x0] =	vst v3  }
0x1b5: {  	v1 =	vadd.f32 v1, v12;
	[tilespmem:s15+$0x0] =	vst v2  }
0x1b6: {  	v2 =	vadd.f32 v6, v12;
	[tilespmem:s8+$0x0] =	vst v0  }
0x1b7: {  	[tilespmem:s10+$0x0] =	vst v1  }
0x1b8: {  	s1 =	simm.s32 $0x2000;
	s2 =	simm.s32 $0x400000;
	[tilespmem:s13+$0x10000] =	vst v2  }
0x1b9: {  	s3 =	simm.s32 $0x10000;
	s15 =	simm.s32 $0x6;
	s0 =	rddreg [dreg:$0x14]  }
0x1ba: {  	[hbm4b:s0+s1] =	stream.strided.scatter [tilespmem:s3], [sflag:$0x6], $0x8000, s2, s1, $0x38;
	[tilespmem:$0x1E000] =	vst v63  }
0x1bb: {  	_ =	swait.ge [sflag:s15], $0x8000  }
0x1bc: {  	[sflag:s15] =	ssyncset.done $0x0  }
0x1bd: {  	s9 =	simm.s32 $0x0;
	s16 =	rddreg [dreg:$0x19];
	[sflag:s15] =	ssyncadd.s32 $0xFFFF8000  }
0x1be: {  	[tilespmem:s3], [sflag:$0x3] =	stream.strided.gather [hbm4b:s16+s1], $0x8000, s2, s1, $0x38;
	[tilespmem:$0x1E000] =	vst v63  }
0x1bf: {  	s18 =	simm.s32 $0x1C000;
	s19 =	simm.s32 $0x7;
	s17 =	rddreg [dreg:$0x1a]  }
0x1c0: {  	[tilespmem:s18], [sflag:$0x9] =	stream.linear.gather [hbm4b:s17+s9], $0x2000, $0x38;
	[tilespmem:$0x1E000] =	vst v63  }
0x1c1: {  	_ =	swait.ge [sflag:s19], $0x2000  }
0x1c2: {  	s12 =	simm.s32 $0x0;
	[sflag:s19] =	ssyncset.done $0x0  }
0x1c3: {  	s20 =	simm.s32 $0x1;
	s21 =	sand.u32 $0x40, s12;
	[sflag:s19] =	ssyncadd.s32 $0xFFFFE000  }
0x1c4: {  	s22 =	sand.u32 $0x1C00, s9;
	s23 =	sand.u32 $0x380, s9;
	_ =	swait.ge [sflag:s20], $0x8000  }
0x1c5: {  	s24 =	sor.u32 $0x30, s21;
	s1 =	sor.u32 s23, s22;
	[sflag:s20] =	ssyncset.done $0x0  }
0x1c6: {  	s26 =	sor.u32 $0x6000, s1;
	s14 =	sor.u32 s24, s1;
	[sflag:s20] =	ssyncadd.s32 $0xFFFF8000  }
0x1c7: {  	s4 =	sor.u32 $0x2000, s1;
	s5 =	sor.u32 s24, s26;
	v2 =	vld [tilespmem:s14+$0x18000]  }
0x1c8: {  	s6 =	sor.u32 $0x4000, s1;
	s11 =	sor.u32 s21, s4;
	v4 =	vld [tilespmem:s5+$0x0]  }
0x1c9: {  	s8 =	sor.u32 s21, s6;
	v3 =	vld [tilespmem:s11+$0x0]  }
0x1ca: {  	s7 =	sor.u32 $0x10, s21;
	s10 =	sor.u32 s21, s26;
	v0 =	vld [tilespmem:s8+$0x0]  }
0x1cb: {  	s29 =	sor.u32 s7, s1;
	v1 =	vld [tilespmem:s10+$0x0]  }
0x1cc: {  	v5 =	vld [tilespmem:s29+$0x18000]  }
0x1cd: {  	s30 =	sor.u32 s7, s4;
	v6 =	vld [tilespmem:s29+$0x0]  }
0x1ce: {  	s20 =	sor.u32 s7, s6;
	v7 =	vld [tilespmem:s30+$0x0]  }
0x1cf: {  	s31 =	sor.u32 $0x20, s21;
	s28 =	sor.u32 s7, s26;
	v10 =	vld [tilespmem:s20+$0x0]  }
0x1d0: {  	s25 =	sor.u32 s31, s1;
	v11 =	vld [tilespmem:s28+$0x0]  }
0x1d1: {  	v9 =	vld [tilespmem:s25+$0x0];
	v8 =	vadd.f32 v4, v2  }
0x1d2: {  	s18 =	sor.u32 s31, s4;
	v4 =	vld [tilespmem:s25+$0x18000];
	v6 =	vadd.f32 v6, v5  }
0x1d3: {  	s19 =	sor.u32 s31, s6;
	v63 =	vadd.f32 v7, v5;
	[tilespmem:s5+$0x0] =	vst v8;
	v8 =	vld [tilespmem:s18+$0x0]  }
0x1d4: {  	s17 =	sor.u32 s31, s26;
	v13 =	vadd.f32 v10, v5;
	v7 =	vld [tilespmem:s19+$0x0];
	[tilespmem:s29+$0x0] =	vst v6  }
0x1d5: {  	s13 =	sor.u32 s21, s1;
	v10 =	vadd.f32 v11, v5;
	v6 =	vld [tilespmem:s17+$0x0];
	[tilespmem:s30+$0x0] =	vst v63  }
0x1d6: {  	s16 =	sor.u32 s24, s4;
	s15 =	sor.u32 s24, s6;
	v5 =	vld [tilespmem:s14+$0x0];
	[tilespmem:s20+$0x0] =	vst v13;
	s20 =	simm.s32 $0x0  }
.LBB2_14:
0x1d7: {  	s12 =	sadd.s32 $0x40, s12;
	[tilespmem:s28+$0x0] =	vst v10;
	v9 =	vadd.f32 v9, v4;
	v10 =	vld [tilespmem:s16+$0x0];
	s9 =	sadd.s32 $0x8, s9;
	s20 =	sadd.s32 $0x200, s20  }
0x1d8: {  	s0 =	sand.u32 $0x40, s12;
	s1 =	sand.u32 $0x1C00, s20;
	s2 =	sand.u32 $0x380, s9;
	v8 =	vadd.f32 v8, v4;
	v11 =	vld [tilespmem:s15+$0x0]  }
0x1d9: {  	s1 =	sor.u32 s2, s1;
	s2 =	sor.u32 $0x10, s0;
	s3 =	sor.u32 $0x30, s0;
	v12 =	vld [tilespmem:s13+$0x18000];
	[tilespmem:s25+$0x0] =	vst v9;
	v7 =	vadd.f32 v7, v4  }
0x1da: {  	s4 =	sor.u32 $0x2000, s1;
	s5 =	sor.u32 $0x6000, s1;
	s6 =	sor.u32 s3, s1;
	v9 =	vld [tilespmem:s13+$0x0];
	[tilespmem:s18+$0x0] =	vst v8;
	v4 =	vadd.f32 v6, v4  }
0x1db: {  	s21 =	sor.u32 $0x20, s0;
	s7 =	sor.u32 $0x4000, s1;
	v6 =	vld [tilespmem:s6+$0x18000];
	s22 =	sor.u32 s3, s5;
	[tilespmem:s19+$0x0] =	vst v7;
	v5 =	vadd.f32 v5, v2  }
0x1dc: {  	s23 =	sor.u32 s0, s4;
	s24 =	sor.u32 s0, s7;
	s26 =	sor.u32 s0, s5;
	v7 =	vld [tilespmem:s22+$0x0];
	[tilespmem:s17+$0x0] =	vst v4;
	v4 =	vadd.f32 v10, v2  }
0x1dd: {  	s29 =	sor.u32 s2, s1;
	s30 =	sor.u32 s2, s4;
	s31 =	sor.u32 s2, s7;
	v8 =	vld [tilespmem:s23+$0x0];
	[tilespmem:s14+$0x0] =	vst v5;
	v11 =	vadd.f32 v11, v2  }
0x1de: {  	s25 =	sor.u32 s21, s1;
	s28 =	sor.u32 s2, s5;
	s18 =	sor.u32 s21, s4;
	v3 =	vadd.f32 v3, v12;
	v5 =	vadd.f32 v0, v12;
	v0 =	vld [tilespmem:s24+$0x0];
	[tilespmem:s16+$0x0] =	vst v4  }
0x1df: {  	s19 =	sor.u32 s21, s7;
	s17 =	sor.u32 s21, s5;
	s16 =	sor.u32 s3, s4;
	v4 =	vadd.f32 v9, v12;
	v9 =	vadd.f32 v1, v12;
	v1 =	vld [tilespmem:s26+$0x0];
	[tilespmem:s15+$0x0] =	vst v11  }
0x1e0: {  	p0 =	slt.u32 s12, $0x1FC0;
	s0 =	sor.u32 s0, s1;
	s15 =	sor.u32 s3, s7;
	v10 =	vld [tilespmem:s29+$0x18000];
	[tilespmem:s11+$0x0] =	vst v3;
	v2 =	vmov v6  }
0x1e1: {  	s14 =	smov.u32 s6;
	s11 =	smov.u32 s23;
	v6 =	vld [tilespmem:s29+$0x0];
	v7 =	vadd.f32 v7, v2;
	[tilespmem:s8+$0x0] =	vst v5;
	s8 =	smov.u32 s24  }
0x1e2: {  	v5 =	vld [tilespmem:s30+$0x0];
	[tilespmem:s10+$0x0] =	vst v9;
	v3 =	vmov v8;
	s10 =	smov.u32 s26  }
0x1e3: {  	v11 =	vld [tilespmem:s31+$0x0];
	[tilespmem:s22+$0x0] =	vst v7  }
0x1e4: {  	v12 =	vld [tilespmem:s28+$0x0];
	[tilespmem:s13+$0x0] =	vst v4;
	s13 =	smov.u32 s0  }
0x1e5: {  	v4 =	vld [tilespmem:s25+$0x18000]  }
.Ltmp6:
0x1e6: {  	v6 =	vadd.f32 v6, v10;
	v9 =	vld [tilespmem:s25+$0x0];
	(pc) =	sbr.rel @p0 .LBB2_14-.Ltmp6, $4  }
0x1e7: {  	v5 =	vadd.f32 v5, v10;
	v8 =	vld [tilespmem:s18+$0x0]  }
0x1e8: {  	[tilespmem:s29+$0x0] =	vst v6;
	v11 =	vadd.f32 v11, v10;
	v7 =	vld [tilespmem:s19+$0x0]  }
0x1e9: {  	[tilespmem:s30+$0x0] =	vst v5;
	v10 =	vadd.f32 v12, v10;
	v6 =	vld [tilespmem:s17+$0x0]  }
0x1ea: {  	[tilespmem:s31+$0x0] =	vst v11;
	v5 =	vld [tilespmem:s14+$0x0]  }
0x1eb: {  	v9 =	vadd.f32 v9, v4;
	v11 =	vld [tilespmem:s16+$0x0]  }
0x1ec: {  	[tilespmem:s28+$0x0] =	vst v10;
	v12 =	vld [tilespmem:s13+$0x18000];
	v8 =	vadd.f32 v8, v4  }
0x1ed: {  	v10 =	vld [tilespmem:s15+$0x0];
	[tilespmem:s25+$0x0] =	vst v9;
	v7 =	vadd.f32 v7, v4  }
0x1ee: {  	[tilespmem:s18+$0x0] =	vst v8;
	v4 =	vadd.f32 v6, v4  }
0x1ef: {  	[tilespmem:s19+$0x0] =	vst v7;
	v5 =	vadd.f32 v5, v2  }
0x1f0: {  	v6 =	vld [tilespmem:s13+$0x0];
	[tilespmem:s17+$0x0] =	vst v4;
	v4 =	vadd.f32 v11, v2  }
0x1f1: {  	v3 =	vadd.f32 v3, v12;
	[tilespmem:s14+$0x0] =	vst v5  }
0x1f2: {  	v2 =	vadd.f32 v10, v2;
	[tilespmem:s16+$0x0] =	vst v4  }
0x1f3: {  	v0 =	vadd.f32 v0, v12;
	[tilespmem:s11+$0x0] =	vst v3  }
0x1f4: {  	v1 =	vadd.f32 v1, v12;
	[tilespmem:s15+$0x0] =	vst v2  }
0x1f5: {  	v2 =	vadd.f32 v6, v12;
	[tilespmem:s8+$0x0] =	vst v0  }
0x1f6: {  	[tilespmem:s10+$0x0] =	vst v1  }
0x1f7: {  	s1 =	simm.s32 $0x2000;
	s2 =	simm.s32 $0x400000;
	[tilespmem:s13+$0x0] =	vst v2  }
0x1f8: {  	s16 =	simm.s32 $0x4;
	s8 =	simm.s32 $0x0;
	s0 =	rddreg [dreg:$0x15]  }
0x1f9: {  	[hbm4b:s0+s1] =	stream.strided.scatter [tilespmem:s8], [sflag:$0x4], $0x8000, s2, s1, $0x38;
	[tilespmem:$0x1E000] =	vst v63  }
0x1fa: {  	_ =	swait.ge [sflag:s16], $0x8000  }
0x1fb: {  	[sflag:s16] =	ssyncset.done $0x0  }
0x1fc: {  	s17 =	rddreg [dreg:$0x1c];
	[sflag:s16] =	ssyncadd.s32 $0xFFFF8000  }
0x1fd: {  	[tilespmem:s8], [sflag:$0x1] =	stream.strided.gather [hbm4b:s17+s1], $0x8000, s2, s1, $0x38;
	[tilespmem:$0x1E000] =	vst v63  }
0x1fe: {  	s20 =	simm.s32 $0x8;
	s19 =	simm.s32 $0x18000;
	s18 =	rddreg [dreg:$0x1d]  }
0x1ff: {  	[tilespmem:s19], [sflag:$0x7] =	stream.linear.gather [hbm4b:s18+s8], $0x2000, $0x38;
	[tilespmem:$0x1E000] =	vst v63  }
0x200: {  	_ =	swait.ge [sflag:s20], $0x2000  }
0x201: {  	s12 =	simm.s32 $0x0;
	[sflag:s20] =	ssyncset.done $0x0  }
0x202: {  	s3 =	simm.s32 $0x2;
	s21 =	sand.u32 $0x40, s12;
	[sflag:s20] =	ssyncadd.s32 $0xFFFFE000  }
0x203: {  	s22 =	sand.u32 $0x1C00, s8;
	s23 =	sand.u32 $0x380, s8;
	_ =	swait.ge [sflag:s3], $0x8000  }
0x204: {  	s24 =	sor.u32 $0x30, s21;
	s1 =	sor.u32 s23, s22;
	[sflag:s3] =	ssyncset.done $0x0  }
0x205: {  	s26 =	sor.u32 $0xE000, s1;
	s14 =	sor.u32 s24, s1;
	[sflag:s3] =	ssyncadd.s32 $0xFFFF8000  }
0x206: {  	s4 =	sor.u32 $0xA000, s1;
	s5 =	sor.u32 s24, s26;
	v2 =	vld [tilespmem:s14+$0x1A000]  }
0x207: {  	s6 =	sor.u32 $0xC000, s1;
	s11 =	sor.u32 s21, s4;
	v4 =	vld [tilespmem:s5+$0x0]  }
0x208: {  	s9 =	sor.u32 s21, s6;
	v3 =	vld [tilespmem:s11+$0x0]  }
0x209: {  	s7 =	sor.u32 $0x10, s21;
	s10 =	sor.u32 s21, s26;
	v0 =	vld [tilespmem:s9+$0x0]  }
0x20a: {  	s29 =	sor.u32 s7, s1;
	v1 =	vld [tilespmem:s10+$0x0]  }
0x20b: {  	v5 =	vld [tilespmem:s29+$0x1A000]  }
0x20c: {  	s30 =	sor.u32 s7, s4;
	v6 =	vld [tilespmem:s29+$0x8000]  }
0x20d: {  	s20 =	sor.u32 s7, s6;
	v7 =	vld [tilespmem:s30+$0x0]  }
0x20e: {  	s31 =	sor.u32 $0x20, s21;
	s28 =	sor.u32 s7, s26;
	v10 =	vld [tilespmem:s20+$0x0]  }
0x20f: {  	s25 =	sor.u32 s31, s1;
	v11 =	vld [tilespmem:s28+$0x0]  }
0x210: {  	v9 =	vld [tilespmem:s25+$0x8000];
	v8 =	vadd.f32 v4, v2  }
0x211: {  	s18 =	sor.u32 s31, s4;
	v4 =	vld [tilespmem:s25+$0x1A000];
	v6 =	vadd.f32 v6, v5  }
0x212: {  	s19 =	sor.u32 s31, s6;
	v63 =	vadd.f32 v7, v5;
	[tilespmem:s5+$0x0] =	vst v8;
	v8 =	vld [tilespmem:s18+$0x0]  }
0x213: {  	s17 =	sor.u32 s31, s26;
	v13 =	vadd.f32 v10, v5;
	v7 =	vld [tilespmem:s19+$0x0];
	[tilespmem:s29+$0x8000] =	vst v6  }
0x214: {  	s13 =	sor.u32 s21, s1;
	v10 =	vadd.f32 v11, v5;
	v6 =	vld [tilespmem:s17+$0x0];
	[tilespmem:s30+$0x0] =	vst v63  }
0x215: {  	s16 =	sor.u32 s24, s4;
	s15 =	sor.u32 s24, s6;
	v5 =	vld [tilespmem:s14+$0x8000];
	[tilespmem:s20+$0x0] =	vst v13;
	s20 =	simm.s32 $0x0  }
.LBB2_16:
0x216: {  	s12 =	sadd.s32 $0x40, s12;
	[tilespmem:s28+$0x0] =	vst v10;
	v9 =	vadd.f32 v9, v4;
	v10 =	vld [tilespmem:s16+$0x0];
	s8 =	sadd.s32 $0x8, s8;
	s20 =	sadd.s32 $0x200, s20  }
0x217: {  	s0 =	sand.u32 $0x40, s12;
	s1 =	sand.u32 $0x1C00, s20;
	s2 =	sand.u32 $0x380, s8;
	v8 =	vadd.f32 v8, v4;
	v11 =	vld [tilespmem:s15+$0x0]  }
0x218: {  	s1 =	sor.u32 s2, s1;
	s2 =	sor.u32 $0x10, s0;
	s3 =	sor.u32 $0x30, s0;
	v12 =	vld [tilespmem:s13+$0x1A000];
	[tilespmem:s25+$0x8000] =	vst v9;
	v7 =	vadd.f32 v7, v4  }
0x219: {  	s4 =	sor.u32 $0xA000, s1;
	s5 =	sor.u32 $0xE000, s1;
	s6 =	sor.u32 s3, s1;
	v9 =	vld [tilespmem:s13+$0x8000];
	[tilespmem:s18+$0x0] =	vst v8;
	v4 =	vadd.f32 v6, v4  }
0x21a: {  	s21 =	sor.u32 $0x20, s0;
	s7 =	sor.u32 $0xC000, s1;
	v6 =	vld [tilespmem:s6+$0x1A000];
	s22 =	sor.u32 s3, s5;
	[tilespmem:s19+$0x0] =	vst v7;
	v5 =	vadd.f32 v5, v2  }
0x21b: {  	s23 =	sor.u32 s0, s4;
	s24 =	sor.u32 s0, s7;
	s26 =	sor.u32 s0, s5;
	v7 =	vld [tilespmem:s22+$0x0];
	[tilespmem:s17+$0x0] =	vst v4;
	v4 =	vadd.f32 v10, v2  }
0x21c: {  	s29 =	sor.u32 s2, s1;
	s30 =	sor.u32 s2, s4;
	s31 =	sor.u32 s2, s7;
	v8 =	vld [tilespmem:s23+$0x0];
	[tilespmem:s14+$0x8000] =	vst v5;
	v11 =	vadd.f32 v11, v2  }
0x21d: {  	s25 =	sor.u32 s21, s1;
	s28 =	sor.u32 s2, s5;
	s18 =	sor.u32 s21, s4;
	v3 =	vadd.f32 v3, v12;
	v5 =	vadd.f32 v0, v12;
	v0 =	vld [tilespmem:s24+$0x0];
	[tilespmem:s16+$0x0] =	vst v4  }
0x21e: {  	s19 =	sor.u32 s21, s7;
	s17 =	sor.u32 s21, s5;
	s16 =	sor.u32 s3, s4;
	v4 =	vadd.f32 v9, v12;
	v9 =	vadd.f32 v1, v12;
	v1 =	vld [tilespmem:s26+$0x0];
	[tilespmem:s15+$0x0] =	vst v11  }
0x21f: {  	p0 =	slt.u32 s12, $0x1FC0;
	s0 =	sor.u32 s0, s1;
	s15 =	sor.u32 s3, s7;
	v10 =	vld [tilespmem:s29+$0x1A000];
	[tilespmem:s11+$0x0] =	vst v3;
	v2 =	vmov v6  }
0x220: {  	s14 =	smov.u32 s6;
	s11 =	smov.u32 s23;
	v6 =	vld [tilespmem:s29+$0x8000];
	v7 =	vadd.f32 v7, v2;
	[tilespmem:s9+$0x0] =	vst v5;
	s9 =	smov.u32 s24  }
0x221: {  	v5 =	vld [tilespmem:s30+$0x0];
	[tilespmem:s10+$0x0] =	vst v9;
	v3 =	vmov v8;
	s10 =	smov.u32 s26  }
0x222: {  	v11 =	vld [tilespmem:s31+$0x0];
	[tilespmem:s22+$0x0] =	vst v7  }
0x223: {  	v12 =	vld [tilespmem:s28+$0x0];
	[tilespmem:s13+$0x8000] =	vst v4;
	s13 =	smov.u32 s0  }
0x224: {  	v4 =	vld [tilespmem:s25+$0x1A000]  }
.Ltmp7:
0x225: {  	v6 =	vadd.f32 v6, v10;
	v9 =	vld [tilespmem:s25+$0x8000];
	(pc) =	sbr.rel @p0 .LBB2_16-.Ltmp7, $4  }
0x226: {  	v5 =	vadd.f32 v5, v10;
	v8 =	vld [tilespmem:s18+$0x0]  }
0x227: {  	[tilespmem:s29+$0x8000] =	vst v6;
	v11 =	vadd.f32 v11, v10;
	v7 =	vld [tilespmem:s19+$0x0]  }
0x228: {  	[tilespmem:s30+$0x0] =	vst v5;
	v10 =	vadd.f32 v12, v10;
	v6 =	vld [tilespmem:s17+$0x0]  }
0x229: {  	[tilespmem:s31+$0x0] =	vst v11;
	v5 =	vld [tilespmem:s14+$0x8000]  }
0x22a: {  	v9 =	vadd.f32 v9, v4;
	v11 =	vld [tilespmem:s16+$0x0]  }
0x22b: {  	[tilespmem:s28+$0x0] =	vst v10;
	v12 =	vld [tilespmem:s13+$0x1A000];
	v8 =	vadd.f32 v8, v4  }
0x22c: {  	v10 =	vld [tilespmem:s15+$0x0];
	[tilespmem:s25+$0x8000] =	vst v9;
	v7 =	vadd.f32 v7, v4  }
0x22d: {  	[tilespmem:s18+$0x0] =	vst v8;
	v4 =	vadd.f32 v6, v4  }
0x22e: {  	[tilespmem:s19+$0x0] =	vst v7;
	v5 =	vadd.f32 v5, v2  }
0x22f: {  	v6 =	vld [tilespmem:s13+$0x8000];
	[tilespmem:s17+$0x0] =	vst v4;
	v4 =	vadd.f32 v11, v2  }
0x230: {  	v3 =	vadd.f32 v3, v12;
	[tilespmem:s14+$0x8000] =	vst v5  }
0x231: {  	v2 =	vadd.f32 v10, v2;
	[tilespmem:s16+$0x0] =	vst v4  }
0x232: {  	v0 =	vadd.f32 v0, v12;
	[tilespmem:s11+$0x0] =	vst v3  }
0x233: {  	v1 =	vadd.f32 v1, v12;
	[tilespmem:s15+$0x0] =	vst v2  }
0x234: {  	v2 =	vadd.f32 v6, v12;
	[tilespmem:s9+$0x0] =	vst v0  }
0x235: {  	[tilespmem:s10+$0x0] =	vst v1  }
0x236: {  	s1 =	simm.s32 $0x2000;
	s2 =	simm.s32 $0x400000;
	[tilespmem:s13+$0x8000] =	vst v2  }
0x237: {  	s3 =	simm.s32 $0x8000;
	s15 =	simm.s32 $0x5;
	s0 =	rddreg [dreg:$0x18]  }
0x238: {  	[hbm4b:s0+s1] =	stream.strided.scatter [tilespmem:s3], [sflag:$0x5], $0x8000, s2, s1, $0x38;
	[tilespmem:$0x1E000] =	vst v63  }
0x239: {  	_ =	swait.ge [sflag:s15], $0x8000  }
0x23a: {  	[sflag:s15] =	ssyncset.done $0x0;
	s16 =	rddreg [dreg:$0x1f]  }
0x23b: {  	s17 =	sld [smem:$0x7E9];
	[sflag:s15] =	ssyncadd.s32 $0xFFFF8000  }
0x23c: {  	[tilespmem:s3], [sflag:$0x2] =	stream.strided.gather [hbm4b:s16+s1], $0x8000, s2, s1, $0x38;
	[tilespmem:$0x1E000] =	vst v63  }
0x23d: {  	s18 =	simm.s32 $0x1A000;
	s19 =	simm.s32 $0x9;
	s9 =	simm.s32 $0x0  }
0x23e: {  	[tilespmem:s18], [sflag:$0x8] =	stream.linear.gather [hbm4b:s17+s9], $0x2000, $0x38;
	[tilespmem:$0x1E000] =	vst v63  }
0x23f: {  	_ =	swait.ge [sflag:s19], $0x2000  }
0x240: {  	s12 =	simm.s32 $0x0;
	[sflag:s19] =	ssyncset.done $0x0  }
0x241: {  	s20 =	simm.s32 $0x3;
	s21 =	sand.u32 $0x40, s12;
	[sflag:s19] =	ssyncadd.s32 $0xFFFFE000  }
0x242: {  	s22 =	sand.u32 $0x1C00, s9;
	s23 =	sand.u32 $0x380, s9;
	_ =	swait.ge [sflag:s20], $0x8000  }
0x243: {  	s24 =	sor.u32 $0x30, s21;
	s1 =	sor.u32 s23, s22;
	[sflag:s20] =	ssyncset.done $0x0  }
0x244: {  	s26 =	sor.u32 $0x16000, s1;
	s14 =	sor.u32 s24, s1;
	[sflag:s20] =	ssyncadd.s32 $0xFFFF8000  }
0x245: {  	s4 =	sor.u32 $0x12000, s1;
	s5 =	sor.u32 s24, s26;
	v2 =	vld [tilespmem:s14+$0x1C000]  }
0x246: {  	s6 =	sor.u32 $0x14000, s1;
	s11 =	sor.u32 s21, s4;
	v4 =	vld [tilespmem:s5+$0x0]  }
0x247: {  	s8 =	sor.u32 s21, s6;
	v3 =	vld [tilespmem:s11+$0x0]  }
0x248: {  	s7 =	sor.u32 $0x10, s21;
	s10 =	sor.u32 s21, s26;
	v0 =	vld [tilespmem:s8+$0x0]  }
0x249: {  	s29 =	sor.u32 s7, s1;
	v1 =	vld [tilespmem:s10+$0x0]  }
0x24a: {  	v5 =	vld [tilespmem:s29+$0x1C000]  }
0x24b: {  	s30 =	sor.u32 s7, s4;
	v6 =	vld [tilespmem:s29+$0x10000]  }
0x24c: {  	s20 =	sor.u32 s7, s6;
	v7 =	vld [tilespmem:s30+$0x0]  }
0x24d: {  	s31 =	sor.u32 $0x20, s21;
	s28 =	sor.u32 s7, s26;
	v10 =	vld [tilespmem:s20+$0x0]  }
0x24e: {  	s25 =	sor.u32 s31, s1;
	v11 =	vld [tilespmem:s28+$0x0]  }
0x24f: {  	v9 =	vld [tilespmem:s25+$0x10000];
	v8 =	vadd.f32 v4, v2  }
0x250: {  	s18 =	sor.u32 s31, s4;
	v4 =	vld [tilespmem:s25+$0x1C000];
	v6 =	vadd.f32 v6, v5  }
0x251: {  	s19 =	sor.u32 s31, s6;
	v63 =	vadd.f32 v7, v5;
	[tilespmem:s5+$0x0] =	vst v8;
	v8 =	vld [tilespmem:s18+$0x0]  }
0x252: {  	s17 =	sor.u32 s31, s26;
	v13 =	vadd.f32 v10, v5;
	v7 =	vld [tilespmem:s19+$0x0];
	[tilespmem:s29+$0x10000] =	vst v6  }
0x253: {  	s13 =	sor.u32 s21, s1;
	v10 =	vadd.f32 v11, v5;
	v6 =	vld [tilespmem:s17+$0x0];
	[tilespmem:s30+$0x0] =	vst v63  }
0x254: {  	s16 =	sor.u32 s24, s4;
	s15 =	sor.u32 s24, s6;
	v5 =	vld [tilespmem:s14+$0x10000];
	[tilespmem:s20+$0x0] =	vst v13;
	s20 =	simm.s32 $0x0  }
.LBB2_18:
0x255: {  	s12 =	sadd.s32 $0x40, s12;
	[tilespmem:s28+$0x0] =	vst v10;
	v9 =	vadd.f32 v9, v4;
	v10 =	vld [tilespmem:s16+$0x0];
	s9 =	sadd.s32 $0x8, s9;
	s20 =	sadd.s32 $0x200, s20  }
0x256: {  	s0 =	sand.u32 $0x40, s12;
	s1 =	sand.u32 $0x1C00, s20;
	s2 =	sand.u32 $0x380, s9;
	v8 =	vadd.f32 v8, v4;
	v11 =	vld [tilespmem:s15+$0x0]  }
0x257: {  	s1 =	sor.u32 s2, s1;
	s2 =	sor.u32 $0x10, s0;
	s3 =	sor.u32 $0x30, s0;
	v12 =	vld [tilespmem:s13+$0x1C000];
	[tilespmem:s25+$0x10000] =	vst v9;
	v7 =	vadd.f32 v7, v4  }
0x258: {  	s4 =	sor.u32 $0x12000, s1;
	s5 =	sor.u32 $0x16000, s1;
	s6 =	sor.u32 s3, s1;
	v9 =	vld [tilespmem:s13+$0x10000];
	[tilespmem:s18+$0x0] =	vst v8;
	v4 =	vadd.f32 v6, v4  }
0x259: {  	s21 =	sor.u32 $0x20, s0;
	s7 =	sor.u32 $0x14000, s1;
	v6 =	vld [tilespmem:s6+$0x1C000];
	s22 =	sor.u32 s3, s5;
	[tilespmem:s19+$0x0] =	vst v7;
	v5 =	vadd.f32 v5, v2  }
0x25a: {  	s23 =	sor.u32 s0, s4;
	s24 =	sor.u32 s0, s7;
	s26 =	sor.u32 s0, s5;
	v7 =	vld [tilespmem:s22+$0x0];
	[tilespmem:s17+$0x0] =	vst v4;
	v4 =	vadd.f32 v10, v2  }
0x25b: {  	s29 =	sor.u32 s2, s1;
	s30 =	sor.u32 s2, s4;
	s31 =	sor.u32 s2, s7;
	v8 =	vld [tilespmem:s23+$0x0];
	[tilespmem:s14+$0x10000] =	vst v5;
	v11 =	vadd.f32 v11, v2  }
0x25c: {  	s25 =	sor.u32 s21, s1;
	s28 =	sor.u32 s2, s5;
	s18 =	sor.u32 s21, s4;
	v3 =	vadd.f32 v3, v12;
	v5 =	vadd.f32 v0, v12;
	v0 =	vld [tilespmem:s24+$0x0];
	[tilespmem:s16+$0x0] =	vst v4  }
0x25d: {  	s19 =	sor.u32 s21, s7;
	s17 =	sor.u32 s21, s5;
	s16 =	sor.u32 s3, s4;
	v4 =	vadd.f32 v9, v12;
	v9 =	vadd.f32 v1, v12;
	v1 =	vld [tilespmem:s26+$0x0];
	[tilespmem:s15+$0x0] =	vst v11  }
0x25e: {  	p0 =	slt.u32 s12, $0x1FC0;
	s0 =	sor.u32 s0, s1;
	s15 =	sor.u32 s3, s7;
	v10 =	vld [tilespmem:s29+$0x1C000];
	[tilespmem:s11+$0x0] =	vst v3;
	v2 =	vmov v6  }
0x25f: {  	s14 =	smov.u32 s6;
	s11 =	smov.u32 s23;
	v6 =	vld [tilespmem:s29+$0x10000];
	v7 =	vadd.f32 v7, v2;
	[tilespmem:s8+$0x0] =	vst v5;
	s8 =	smov.u32 s24  }
0x260: {  	v5 =	vld [tilespmem:s30+$0x0];
	[tilespmem:s10+$0x0] =	vst v9;
	v3 =	vmov v8;
	s10 =	smov.u32 s26  }
0x261: {  	v11 =	vld [tilespmem:s31+$0x0];
	[tilespmem:s22+$0x0] =	vst v7  }
0x262: {  	v12 =	vld [tilespmem:s28+$0x0];
	[tilespmem:s13+$0x10000] =	vst v4;
	s13 =	smov.u32 s0  }
0x263: {  	v4 =	vld [tilespmem:s25+$0x1C000]  }
.Ltmp8:
0x264: {  	v6 =	vadd.f32 v6, v10;
	v9 =	vld [tilespmem:s25+$0x10000];
	(pc) =	sbr.rel @p0 .LBB2_18-.Ltmp8, $4  }
0x265: {  	v5 =	vadd.f32 v5, v10;
	v8 =	vld [tilespmem:s18+$0x0]  }
0x266: {  	[tilespmem:s29+$0x10000] =	vst v6;
	v11 =	vadd.f32 v11, v10;
	v7 =	vld [tilespmem:s19+$0x0]  }
0x267: {  	[tilespmem:s30+$0x0] =	vst v5;
	v10 =	vadd.f32 v12, v10;
	v6 =	vld [tilespmem:s17+$0x0]  }
0x268: {  	[tilespmem:s31+$0x0] =	vst v11;
	v5 =	vld [tilespmem:s14+$0x10000]  }
0x269: {  	v9 =	vadd.f32 v9, v4;
	v11 =	vld [tilespmem:s16+$0x0]  }
0x26a: {  	[tilespmem:s28+$0x0] =	vst v10;
	v12 =	vld [tilespmem:s13+$0x1C000];
	v8 =	vadd.f32 v8, v4  }
0x26b: {  	v10 =	vld [tilespmem:s15+$0x0];
	[tilespmem:s25+$0x10000] =	vst v9;
	v7 =	vadd.f32 v7, v4  }
0x26c: {  	[tilespmem:s18+$0x0] =	vst v8;
	v4 =	vadd.f32 v6, v4  }
0x26d: {  	[tilespmem:s19+$0x0] =	vst v7;
	v5 =	vadd.f32 v5, v2  }
0x26e: {  	v6 =	vld [tilespmem:s13+$0x10000];
	[tilespmem:s17+$0x0] =	vst v4;
	v4 =	vadd.f32 v11, v2  }
0x26f: {  	v3 =	vadd.f32 v3, v12;
	[tilespmem:s14+$0x10000] =	vst v5  }
0x270: {  	v2 =	vadd.f32 v10, v2;
	[tilespmem:s16+$0x0] =	vst v4  }
0x271: {  	v0 =	vadd.f32 v0, v12;
	[tilespmem:s11+$0x0] =	vst v3  }
0x272: {  	v1 =	vadd.f32 v1, v12;
	[tilespmem:s15+$0x0] =	vst v2  }
0x273: {  	v2 =	vadd.f32 v6, v12;
	[tilespmem:s8+$0x0] =	vst v0  }
0x274: {  	[tilespmem:s10+$0x0] =	vst v1  }
0x275: {  	s1 =	simm.s32 $0x2000;
	s2 =	simm.s32 $0x400000;
	[tilespmem:s13+$0x10000] =	vst v2  }
0x276: {  	s3 =	simm.s32 $0x10000;
	s15 =	simm.s32 $0x6;
	s0 =	rddreg [dreg:$0x1b]  }
0x277: {  	[hbm4b:s0+s1] =	stream.strided.scatter [tilespmem:s3], [sflag:$0x6], $0x8000, s2, s1, $0x38;
	[tilespmem:$0x1E000] =	vst v63  }
0x278: {  	_ =	swait.ge [sflag:s15], $0x8000  }
0x279: {  	s16 =	sld [smem:$0x7EB]  }
0x27a: {  	[sflag:s15] =	ssyncset.done $0x0  }
0x27b: {  	s17 =	sld [smem:$0x7EC];
	[sflag:s15] =	ssyncadd.s32 $0xFFFF8000  }
0x27c: {  	[tilespmem:s3], [sflag:$0x3] =	stream.strided.gather [hbm4b:s16+s1], $0x8000, s2, s1, $0x38;
	[tilespmem:$0x1E000] =	vst v63  }
0x27d: {  	s9 =	simm.s32 $0x0;
	s18 =	simm.s32 $0x1C000;
	s19 =	simm.s32 $0x7  }
0x27e: {  	[tilespmem:s18], [sflag:$0x9] =	stream.linear.gather [hbm4b:s17+s9], $0x2000, $0x38;
	[tilespmem:$0x1E000] =	vst v63  }
0x27f: {  	_ =	swait.ge [sflag:s19], $0x2000  }
0x280: {  	s12 =	simm.s32 $0x0;
	[sflag:s19] =	ssyncset.done $0x0  }
0x281: {  	s20 =	simm.s32 $0x1;
	s21 =	sand.u32 $0x40, s12;
	[sflag:s19] =	ssyncadd.s32 $0xFFFFE000  }
0x282: {  	s22 =	sand.u32 $0x1C00, s9;
	s23 =	sand.u32 $0x380, s9;
	_ =	swait.ge [sflag:s20], $0x8000  }
0x283: {  	s24 =	sor.u32 $0x30, s21;
	s1 =	sor.u32 s23, s22;
	[sflag:s20] =	ssyncset.done $0x0  }
0x284: {  	s26 =	sor.u32 $0x6000, s1;
	s14 =	sor.u32 s24, s1;
	[sflag:s20] =	ssyncadd.s32 $0xFFFF8000  }
0x285: {  	s4 =	sor.u32 $0x2000, s1;
	s5 =	sor.u32 s24, s26;
	v2 =	vld [tilespmem:s14+$0x18000]  }
0x286: {  	s6 =	sor.u32 $0x4000, s1;
	s11 =	sor.u32 s21, s4;
	v4 =	vld [tilespmem:s5+$0x0]  }
0x287: {  	s8 =	sor.u32 s21, s6;
	v3 =	vld [tilespmem:s11+$0x0]  }
0x288: {  	s7 =	sor.u32 $0x10, s21;
	s10 =	sor.u32 s21, s26;
	v0 =	vld [tilespmem:s8+$0x0]  }
0x289: {  	s29 =	sor.u32 s7, s1;
	v1 =	vld [tilespmem:s10+$0x0]  }
0x28a: {  	v5 =	vld [tilespmem:s29+$0x18000]  }
0x28b: {  	s30 =	sor.u32 s7, s4;
	v6 =	vld [tilespmem:s29+$0x0]  }
0x28c: {  	s20 =	sor.u32 s7, s6;
	v7 =	vld [tilespmem:s30+$0x0]  }
0x28d: {  	s31 =	sor.u32 $0x20, s21;
	s28 =	sor.u32 s7, s26;
	v10 =	vld [tilespmem:s20+$0x0]  }
0x28e: {  	s25 =	sor.u32 s31, s1;
	v11 =	vld [tilespmem:s28+$0x0]  }
0x28f: {  	v9 =	vld [tilespmem:s25+$0x0];
	v8 =	vadd.f32 v4, v2  }
0x290: {  	s18 =	sor.u32 s31, s4;
	v4 =	vld [tilespmem:s25+$0x18000];
	v6 =	vadd.f32 v6, v5  }
0x291: {  	s19 =	sor.u32 s31, s6;
	v63 =	vadd.f32 v7, v5;
	[tilespmem:s5+$0x0] =	vst v8;
	v8 =	vld [tilespmem:s18+$0x0]  }
0x292: {  	s17 =	sor.u32 s31, s26;
	v13 =	vadd.f32 v10, v5;
	v7 =	vld [tilespmem:s19+$0x0];
	[tilespmem:s29+$0x0] =	vst v6  }
0x293: {  	s13 =	sor.u32 s21, s1;
	v10 =	vadd.f32 v11, v5;
	v6 =	vld [tilespmem:s17+$0x0];
	[tilespmem:s30+$0x0] =	vst v63  }
0x294: {  	s16 =	sor.u32 s24, s4;
	s15 =	sor.u32 s24, s6;
	v5 =	vld [tilespmem:s14+$0x0];
	[tilespmem:s20+$0x0] =	vst v13;
	s20 =	simm.s32 $0x0  }
.LBB2_20:
0x295: {  	s12 =	sadd.s32 $0x40, s12;
	[tilespmem:s28+$0x0] =	vst v10;
	v9 =	vadd.f32 v9, v4;
	v10 =	vld [tilespmem:s16+$0x0];
	s9 =	sadd.s32 $0x8, s9;
	s20 =	sadd.s32 $0x200, s20  }
0x296: {  	s0 =	sand.u32 $0x40, s12;
	s1 =	sand.u32 $0x1C00, s20;
	s2 =	sand.u32 $0x380, s9;
	v8 =	vadd.f32 v8, v4;
	v11 =	vld [tilespmem:s15+$0x0]  }
0x297: {  	s1 =	sor.u32 s2, s1;
	s2 =	sor.u32 $0x10, s0;
	s3 =	sor.u32 $0x30, s0;
	v12 =	vld [tilespmem:s13+$0x18000];
	[tilespmem:s25+$0x0] =	vst v9;
	v7 =	vadd.f32 v7, v4  }
0x298: {  	s4 =	sor.u32 $0x2000, s1;
	s5 =	sor.u32 $0x6000, s1;
	s6 =	sor.u32 s3, s1;
	v9 =	vld [tilespmem:s13+$0x0];
	[tilespmem:s18+$0x0] =	vst v8;
	v4 =	vadd.f32 v6, v4  }
0x299: {  	s21 =	sor.u32 $0x20, s0;
	s7 =	sor.u32 $0x4000, s1;
	v6 =	vld [tilespmem:s6+$0x18000];
	s22 =	sor.u32 s3, s5;
	[tilespmem:s19+$0x0] =	vst v7;
	v5 =	vadd.f32 v5, v2  }
0x29a: {  	s23 =	sor.u32 s0, s4;
	s24 =	sor.u32 s0, s7;
	s26 =	sor.u32 s0, s5;
	v7 =	vld [tilespmem:s22+$0x0];
	[tilespmem:s17+$0x0] =	vst v4;
	v4 =	vadd.f32 v10, v2  }
0x29b: {  	s29 =	sor.u32 s2, s1;
	s30 =	sor.u32 s2, s4;
	s31 =	sor.u32 s2, s7;
	v8 =	vld [tilespmem:s23+$0x0];
	[tilespmem:s14+$0x0] =	vst v5;
	v11 =	vadd.f32 v11, v2  }
0x29c: {  	s25 =	sor.u32 s21, s1;
	s28 =	sor.u32 s2, s5;
	s18 =	sor.u32 s21, s4;
	v3 =	vadd.f32 v3, v12;
	v5 =	vadd.f32 v0, v12;
	v0 =	vld [tilespmem:s24+$0x0];
	[tilespmem:s16+$0x0] =	vst v4  }
0x29d: {  	s19 =	sor.u32 s21, s7;
	s17 =	sor.u32 s21, s5;
	s16 =	sor.u32 s3, s4;
	v4 =	vadd.f32 v9, v12;
	v9 =	vadd.f32 v1, v12;
	v1 =	vld [tilespmem:s26+$0x0];
	[tilespmem:s15+$0x0] =	vst v11  }
0x29e: {  	p0 =	slt.u32 s12, $0x1FC0;
	s0 =	sor.u32 s0, s1;
	s15 =	sor.u32 s3, s7;
	v10 =	vld [tilespmem:s29+$0x18000];
	[tilespmem:s11+$0x0] =	vst v3;
	v2 =	vmov v6  }
0x29f: {  	s14 =	smov.u32 s6;
	s11 =	smov.u32 s23;
	v6 =	vld [tilespmem:s29+$0x0];
	v7 =	vadd.f32 v7, v2;
	[tilespmem:s8+$0x0] =	vst v5;
	s8 =	smov.u32 s24  }
0x2a0: {  	v5 =	vld [tilespmem:s30+$0x0];
	[tilespmem:s10+$0x0] =	vst v9;
	v3 =	vmov v8;
	s10 =	smov.u32 s26  }
0x2a1: {  	v11 =	vld [tilespmem:s31+$0x0];
	[tilespmem:s22+$0x0] =	vst v7  }
0x2a2: {  	v12 =	vld [tilespmem:s28+$0x0];
	[tilespmem:s13+$0x0] =	vst v4;
	s13 =	smov.u32 s0  }
0x2a3: {  	v4 =	vld [tilespmem:s25+$0x18000]  }
.Ltmp9:
0x2a4: {  	v6 =	vadd.f32 v6, v10;
	v9 =	vld [tilespmem:s25+$0x0];
	(pc) =	sbr.rel @p0 .LBB2_20-.Ltmp9, $4  }
0x2a5: {  	v5 =	vadd.f32 v5, v10;
	v8 =	vld [tilespmem:s18+$0x0]  }
0x2a6: {  	[tilespmem:s29+$0x0] =	vst v6;
	v11 =	vadd.f32 v11, v10;
	v7 =	vld [tilespmem:s19+$0x0]  }
0x2a7: {  	[tilespmem:s30+$0x0] =	vst v5;
	v10 =	vadd.f32 v12, v10;
	v6 =	vld [tilespmem:s17+$0x0]  }
0x2a8: {  	[tilespmem:s31+$0x0] =	vst v11;
	v5 =	vld [tilespmem:s14+$0x0]  }
0x2a9: {  	v9 =	vadd.f32 v9, v4;
	v11 =	vld [tilespmem:s16+$0x0]  }
0x2aa: {  	[tilespmem:s28+$0x0] =	vst v10;
	v12 =	vld [tilespmem:s13+$0x18000];
	v8 =	vadd.f32 v8, v4  }
0x2ab: {  	v10 =	vld [tilespmem:s15+$0x0];
	[tilespmem:s25+$0x0] =	vst v9;
	v7 =	vadd.f32 v7, v4  }
0x2ac: {  	[tilespmem:s18+$0x0] =	vst v8;
	v4 =	vadd.f32 v6, v4  }
0x2ad: {  	[tilespmem:s19+$0x0] =	vst v7;
	v5 =	vadd.f32 v5, v2  }
0x2ae: {  	v6 =	vld [tilespmem:s13+$0x0];
	[tilespmem:s17+$0x0] =	vst v4;
	v4 =	vadd.f32 v11, v2  }
0x2af: {  	v3 =	vadd.f32 v3, v12;
	[tilespmem:s14+$0x0] =	vst v5  }
0x2b0: {  	v2 =	vadd.f32 v10, v2;
	[tilespmem:s16+$0x0] =	vst v4  }
0x2b1: {  	v0 =	vadd.f32 v0, v12;
	[tilespmem:s11+$0x0] =	vst v3  }
0x2b2: {  	v1 =	vadd.f32 v1, v12;
	[tilespmem:s15+$0x0] =	vst v2  }
0x2b3: {  	v2 =	vadd.f32 v6, v12;
	[tilespmem:s8+$0x0] =	vst v0  }
0x2b4: {  	[tilespmem:s10+$0x0] =	vst v1  }
0x2b5: {  	s1 =	simm.s32 $0x2000;
	s2 =	simm.s32 $0x400000;
	[tilespmem:s13+$0x0] =	vst v2  }
0x2b6: {  	s16 =	simm.s32 $0x4;
	s8 =	simm.s32 $0x0;
	s0 =	rddreg [dreg:$0x1e]  }
0x2b7: {  	[hbm4b:s0+s1] =	stream.strided.scatter [tilespmem:s8], [sflag:$0x4], $0x8000, s2, s1, $0x38;
	[tilespmem:$0x1E000] =	vst v63  }
0x2b8: {  	_ =	swait.ge [sflag:s16], $0x8000  }
0x2b9: {  	s17 =	sld [smem:$0x7EE]  }
0x2ba: {  	[sflag:s16] =	ssyncset.done $0x0  }
0x2bb: {  	s18 =	sld [smem:$0x7EF];
	[sflag:s16] =	ssyncadd.s32 $0xFFFF8000  }
0x2bc: {  	[tilespmem:s8], [sflag:$0x1] =	stream.strided.gather [hbm4b:s17+s1], $0x8000, s2, s1, $0x38;
	[tilespmem:$0x1E000] =	vst v63  }
0x2bd: {  	s20 =	simm.s32 $0x8;
	s19 =	simm.s32 $0x18000  }
0x2be: {  	[tilespmem:s19], [sflag:$0x7] =	stream.linear.gather [hbm4b:s18+s8], $0x2000, $0x38;
	[tilespmem:$0x1E000] =	vst v63  }
0x2bf: {  	_ =	swait.ge [sflag:s20], $0x2000  }
0x2c0: {  	s12 =	simm.s32 $0x0;
	[sflag:s20] =	ssyncset.done $0x0  }
0x2c1: {  	s3 =	simm.s32 $0x2;
	s21 =	sand.u32 $0x40, s12;
	[sflag:s20] =	ssyncadd.s32 $0xFFFFE000  }
0x2c2: {  	s22 =	sand.u32 $0x1C00, s8;
	s23 =	sand.u32 $0x380, s8;
	_ =	swait.ge [sflag:s3], $0x8000  }
0x2c3: {  	s24 =	sor.u32 $0x30, s21;
	s1 =	sor.u32 s23, s22;
	[sflag:s3] =	ssyncset.done $0x0  }
0x2c4: {  	s26 =	sor.u32 $0xE000, s1;
	s14 =	sor.u32 s24, s1;
	[sflag:s3] =	ssyncadd.s32 $0xFFFF8000  }
0x2c5: {  	s4 =	sor.u32 $0xA000, s1;
	s5 =	sor.u32 s24, s26;
	v2 =	vld [tilespmem:s14+$0x1A000]  }
0x2c6: {  	s6 =	sor.u32 $0xC000, s1;
	s11 =	sor.u32 s21, s4;
	v4 =	vld [tilespmem:s5+$0x0]  }
0x2c7: {  	s9 =	sor.u32 s21, s6;
	v3 =	vld [tilespmem:s11+$0x0]  }
0x2c8: {  	s7 =	sor.u32 $0x10, s21;
	s10 =	sor.u32 s21, s26;
	v0 =	vld [tilespmem:s9+$0x0]  }
0x2c9: {  	s29 =	sor.u32 s7, s1;
	v1 =	vld [tilespmem:s10+$0x0]  }
0x2ca: {  	v5 =	vld [tilespmem:s29+$0x1A000]  }
0x2cb: {  	s30 =	sor.u32 s7, s4;
	v6 =	vld [tilespmem:s29+$0x8000]  }
0x2cc: {  	s20 =	sor.u32 s7, s6;
	v7 =	vld [tilespmem:s30+$0x0]  }
0x2cd: {  	s31 =	sor.u32 $0x20, s21;
	s28 =	sor.u32 s7, s26;
	v10 =	vld [tilespmem:s20+$0x0]  }
0x2ce: {  	s25 =	sor.u32 s31, s1;
	v11 =	vld [tilespmem:s28+$0x0]  }
0x2cf: {  	v9 =	vld [tilespmem:s25+$0x8000];
	v8 =	vadd.f32 v4, v2  }
0x2d0: {  	s18 =	sor.u32 s31, s4;
	v4 =	vld [tilespmem:s25+$0x1A000];
	v6 =	vadd.f32 v6, v5  }
0x2d1: {  	s19 =	sor.u32 s31, s6;
	v63 =	vadd.f32 v7, v5;
	[tilespmem:s5+$0x0] =	vst v8;
	v8 =	vld [tilespmem:s18+$0x0]  }
0x2d2: {  	s17 =	sor.u32 s31, s26;
	v13 =	vadd.f32 v10, v5;
	v7 =	vld [tilespmem:s19+$0x0];
	[tilespmem:s29+$0x8000] =	vst v6  }
0x2d3: {  	s13 =	sor.u32 s21, s1;
	v10 =	vadd.f32 v11, v5;
	v6 =	vld [tilespmem:s17+$0x0];
	[tilespmem:s30+$0x0] =	vst v63  }
0x2d4: {  	s16 =	sor.u32 s24, s4;
	s15 =	sor.u32 s24, s6;
	v5 =	vld [tilespmem:s14+$0x8000];
	[tilespmem:s20+$0x0] =	vst v13;
	s20 =	simm.s32 $0x0  }
.LBB2_22:
0x2d5: {  	s12 =	sadd.s32 $0x40, s12;
	[tilespmem:s28+$0x0] =	vst v10;
	v9 =	vadd.f32 v9, v4;
	v10 =	vld [tilespmem:s16+$0x0];
	s8 =	sadd.s32 $0x8, s8;
	s20 =	sadd.s32 $0x200, s20  }
0x2d6: {  	s0 =	sand.u32 $0x40, s12;
	s1 =	sand.u32 $0x1C00, s20;
	s2 =	sand.u32 $0x380, s8;
	v8 =	vadd.f32 v8, v4;
	v11 =	vld [tilespmem:s15+$0x0]  }
0x2d7: {  	s1 =	sor.u32 s2, s1;
	s2 =	sor.u32 $0x10, s0;
	s3 =	sor.u32 $0x30, s0;
	v12 =	vld [tilespmem:s13+$0x1A000];
	[tilespmem:s25+$0x8000] =	vst v9;
	v7 =	vadd.f32 v7, v4  }
0x2d8: {  	s4 =	sor.u32 $0xA000, s1;
	s5 =	sor.u32 $0xE000, s1;
	s6 =	sor.u32 s3, s1;
	v9 =	vld [tilespmem:s13+$0x8000];
	[tilespmem:s18+$0x0] =	vst v8;
	v4 =	vadd.f32 v6, v4  }
0x2d9: {  	s21 =	sor.u32 $0x20, s0;
	s7 =	sor.u32 $0xC000, s1;
	v6 =	vld [tilespmem:s6+$0x1A000];
	s22 =	sor.u32 s3, s5;
	[tilespmem:s19+$0x0] =	vst v7;
	v5 =	vadd.f32 v5, v2  }
0x2da: {  	s23 =	sor.u32 s0, s4;
	s24 =	sor.u32 s0, s7;
	s26 =	sor.u32 s0, s5;
	v7 =	vld [tilespmem:s22+$0x0];
	[tilespmem:s17+$0x0] =	vst v4;
	v4 =	vadd.f32 v10, v2  }
0x2db: {  	s29 =	sor.u32 s2, s1;
	s30 =	sor.u32 s2, s4;
	s31 =	sor.u32 s2, s7;
	v8 =	vld [tilespmem:s23+$0x0];
	[tilespmem:s14+$0x8000] =	vst v5;
	v11 =	vadd.f32 v11, v2  }
0x2dc: {  	s25 =	sor.u32 s21, s1;
	s28 =	sor.u32 s2, s5;
	s18 =	sor.u32 s21, s4;
	v3 =	vadd.f32 v3, v12;
	v5 =	vadd.f32 v0, v12;
	v0 =	vld [tilespmem:s24+$0x0];
	[tilespmem:s16+$0x0] =	vst v4  }
0x2dd: {  	s19 =	sor.u32 s21, s7;
	s17 =	sor.u32 s21, s5;
	s16 =	sor.u32 s3, s4;
	v4 =	vadd.f32 v9, v12;
	v9 =	vadd.f32 v1, v12;
	v1 =	vld [tilespmem:s26+$0x0];
	[tilespmem:s15+$0x0] =	vst v11  }
0x2de: {  	p0 =	slt.u32 s12, $0x1FC0;
	s0 =	sor.u32 s0, s1;
	s15 =	sor.u32 s3, s7;
	v10 =	vld [tilespmem:s29+$0x1A000];
	[tilespmem:s11+$0x0] =	vst v3;
	v2 =	vmov v6  }
0x2df: {  	s14 =	smov.u32 s6;
	s11 =	smov.u32 s23;
	v6 =	vld [tilespmem:s29+$0x8000];
	v7 =	vadd.f32 v7, v2;
	[tilespmem:s9+$0x0] =	vst v5;
	s9 =	smov.u32 s24  }
0x2e0: {  	v5 =	vld [tilespmem:s30+$0x0];
	[tilespmem:s10+$0x0] =	vst v9;
	v3 =	vmov v8;
	s10 =	smov.u32 s26  }
0x2e1: {  	v11 =	vld [tilespmem:s31+$0x0];
	[tilespmem:s22+$0x0] =	vst v7  }
0x2e2: {  	v12 =	vld [tilespmem:s28+$0x0];
	[tilespmem:s13+$0x8000] =	vst v4;
	s13 =	smov.u32 s0  }
0x2e3: {  	v4 =	vld [tilespmem:s25+$0x1A000]  }
.Ltmp10:
0x2e4: {  	v6 =	vadd.f32 v6, v10;
	v9 =	vld [tilespmem:s25+$0x8000];
	(pc) =	sbr.rel @p0 .LBB2_22-.Ltmp10, $4  }
0x2e5: {  	v5 =	vadd.f32 v5, v10;
	v8 =	vld [tilespmem:s18+$0x0]  }
0x2e6: {  	[tilespmem:s29+$0x8000] =	vst v6;
	v11 =	vadd.f32 v11, v10;
	v7 =	vld [tilespmem:s19+$0x0]  }
0x2e7: {  	[tilespmem:s30+$0x0] =	vst v5;
	v10 =	vadd.f32 v12, v10;
	v6 =	vld [tilespmem:s17+$0x0]  }
0x2e8: {  	[tilespmem:s31+$0x0] =	vst v11;
	v5 =	vld [tilespmem:s14+$0x8000]  }
0x2e9: {  	v9 =	vadd.f32 v9, v4;
	v11 =	vld [tilespmem:s16+$0x0]  }
0x2ea: {  	[tilespmem:s28+$0x0] =	vst v10;
	v12 =	vld [tilespmem:s13+$0x1A000];
	v8 =	vadd.f32 v8, v4  }
0x2eb: {  	v10 =	vld [tilespmem:s15+$0x0];
	[tilespmem:s25+$0x8000] =	vst v9;
	v7 =	vadd.f32 v7, v4  }
0x2ec: {  	[tilespmem:s18+$0x0] =	vst v8;
	v4 =	vadd.f32 v6, v4  }
0x2ed: {  	[tilespmem:s19+$0x0] =	vst v7;
	v5 =	vadd.f32 v5, v2  }
0x2ee: {  	v6 =	vld [tilespmem:s13+$0x8000];
	[tilespmem:s17+$0x0] =	vst v4;
	v4 =	vadd.f32 v11, v2  }
0x2ef: {  	v3 =	vadd.f32 v3, v12;
	[tilespmem:s14+$0x8000] =	vst v5  }
0x2f0: {  	v2 =	vadd.f32 v10, v2;
	[tilespmem:s16+$0x0] =	vst v4  }
0x2f1: {  	v0 =	vadd.f32 v0, v12;
	[tilespmem:s11+$0x0] =	vst v3  }
0x2f2: {  	v1 =	vadd.f32 v1, v12;
	[tilespmem:s15+$0x0] =	vst v2  }
0x2f3: {  	v2 =	vadd.f32 v6, v12;
	[tilespmem:s9+$0x0] =	vst v0  }
0x2f4: {  	[tilespmem:s10+$0x0] =	vst v1  }
0x2f5: {  	[tilespmem:s13+$0x8000] =	vst v2  }
0x2f6: {  	s0 =	sld [smem:$0x7EA]  }
0x2f7: {  	s1 =	simm.s32 $0x2000  }
0x2f8: {  	s2 =	simm.s32 $0x400000;
	s3 =	simm.s32 $0x8000;
	s15 =	simm.s32 $0x5  }
0x2f9: {  	[hbm4b:s0+s1] =	stream.strided.scatter [tilespmem:s3], [sflag:$0x5], $0x8000, s2, s1, $0x38;
	[tilespmem:$0x1E000] =	vst v63  }
0x2fa: {  	_ =	swait.ge [sflag:s15], $0x8000  }
0x2fb: {  	s16 =	sld [smem:$0x7F4]  }
0x2fc: {  	[sflag:s15] =	ssyncset.done $0x0  }
0x2fd: {  	s17 =	sld [smem:$0x7F7];
	[sflag:s15] =	ssyncadd.s32 $0xFFFF8000  }
0x2fe: {  	[tilespmem:s3], [sflag:$0x2] =	stream.strided.gather [hbm4b:s16+s1], $0x8000, s2, s1, $0x38;
	[tilespmem:$0x1E000] =	vst v63  }
0x2ff: {  	s18 =	simm.s32 $0x1A000;
	s19 =	simm.s32 $0x9;
	s9 =	simm.s32 $0x0  }
0x300: {  	[tilespmem:s18], [sflag:$0x8] =	stream.linear.gather [hbm4b:s17+s9], $0x2000, $0x38;
	[tilespmem:$0x1E000] =	vst v63  }
0x301: {  	_ =	swait.ge [sflag:s19], $0x2000  }
0x302: {  	s12 =	simm.s32 $0x0;
	[sflag:s19] =	ssyncset.done $0x0  }
0x303: {  	s20 =	simm.s32 $0x3;
	s21 =	sand.u32 $0x40, s12;
	[sflag:s19] =	ssyncadd.s32 $0xFFFFE000  }
0x304: {  	s22 =	sand.u32 $0x1C00, s9;
	s23 =	sand.u32 $0x380, s9;
	_ =	swait.ge [sflag:s20], $0x8000  }
0x305: {  	s24 =	sor.u32 $0x30, s21;
	s1 =	sor.u32 s23, s22;
	[sflag:s20] =	ssyncset.done $0x0  }
0x306: {  	s26 =	sor.u32 $0x16000, s1;
	s14 =	sor.u32 s24, s1;
	[sflag:s20] =	ssyncadd.s32 $0xFFFF8000  }
0x307: {  	s4 =	sor.u32 $0x12000, s1;
	s5 =	sor.u32 s24, s26;
	v2 =	vld [tilespmem:s14+$0x1C000]  }
0x308: {  	s6 =	sor.u32 $0x14000, s1;
	s11 =	sor.u32 s21, s4;
	v4 =	vld [tilespmem:s5+$0x0]  }
0x309: {  	s8 =	sor.u32 s21, s6;
	v3 =	vld [tilespmem:s11+$0x0]  }
0x30a: {  	s7 =	sor.u32 $0x10, s21;
	s10 =	sor.u32 s21, s26;
	v0 =	vld [tilespmem:s8+$0x0]  }
0x30b: {  	s29 =	sor.u32 s7, s1;
	v1 =	vld [tilespmem:s10+$0x0]  }
0x30c: {  	v5 =	vld [tilespmem:s29+$0x1C000]  }
0x30d: {  	s30 =	sor.u32 s7, s4;
	v6 =	vld [tilespmem:s29+$0x10000]  }
0x30e: {  	s20 =	sor.u32 s7, s6;
	v7 =	vld [tilespmem:s30+$0x0]  }
0x30f: {  	s31 =	sor.u32 $0x20, s21;
	s28 =	sor.u32 s7, s26;
	v10 =	vld [tilespmem:s20+$0x0]  }
0x310: {  	s25 =	sor.u32 s31, s1;
	v11 =	vld [tilespmem:s28+$0x0]  }
0x311: {  	v9 =	vld [tilespmem:s25+$0x10000];
	v8 =	vadd.f32 v4, v2  }
0x312: {  	s18 =	sor.u32 s31, s4;
	v4 =	vld [tilespmem:s25+$0x1C000];
	v6 =	vadd.f32 v6, v5  }
0x313: {  	s19 =	sor.u32 s31, s6;
	v63 =	vadd.f32 v7, v5;
	[tilespmem:s5+$0x0] =	vst v8;
	v8 =	vld [tilespmem:s18+$0x0]  }
0x314: {  	s17 =	sor.u32 s31, s26;
	v13 =	vadd.f32 v10, v5;
	v7 =	vld [tilespmem:s19+$0x0];
	[tilespmem:s29+$0x10000] =	vst v6  }
0x315: {  	s13 =	sor.u32 s21, s1;
	v10 =	vadd.f32 v11, v5;
	v6 =	vld [tilespmem:s17+$0x0];
	[tilespmem:s30+$0x0] =	vst v63  }
0x316: {  	s16 =	sor.u32 s24, s4;
	s15 =	sor.u32 s24, s6;
	v5 =	vld [tilespmem:s14+$0x10000];
	[tilespmem:s20+$0x0] =	vst v13;
	s20 =	simm.s32 $0x0  }
.LBB2_24:
0x317: {  	s12 =	sadd.s32 $0x40, s12;
	[tilespmem:s28+$0x0] =	vst v10;
	v9 =	vadd.f32 v9, v4;
	v10 =	vld [tilespmem:s16+$0x0];
	s9 =	sadd.s32 $0x8, s9;
	s20 =	sadd.s32 $0x200, s20  }
0x318: {  	s0 =	sand.u32 $0x40, s12;
	s1 =	sand.u32 $0x1C00, s20;
	s2 =	sand.u32 $0x380, s9;
	v8 =	vadd.f32 v8, v4;
	v11 =	vld [tilespmem:s15+$0x0]  }
0x319: {  	s1 =	sor.u32 s2, s1;
	s2 =	sor.u32 $0x10, s0;
	s3 =	sor.u32 $0x30, s0;
	v12 =	vld [tilespmem:s13+$0x1C000];
	[tilespmem:s25+$0x10000] =	vst v9;
	v7 =	vadd.f32 v7, v4  }
0x31a: {  	s4 =	sor.u32 $0x12000, s1;
	s5 =	sor.u32 $0x16000, s1;
	s6 =	sor.u32 s3, s1;
	v9 =	vld [tilespmem:s13+$0x10000];
	[tilespmem:s18+$0x0] =	vst v8;
	v4 =	vadd.f32 v6, v4  }
0x31b: {  	s21 =	sor.u32 $0x20, s0;
	s7 =	sor.u32 $0x14000, s1;
	v6 =	vld [tilespmem:s6+$0x1C000];
	s22 =	sor.u32 s3, s5;
	[tilespmem:s19+$0x0] =	vst v7;
	v5 =	vadd.f32 v5, v2  }
0x31c: {  	s23 =	sor.u32 s0, s4;
	s24 =	sor.u32 s0, s7;
	s26 =	sor.u32 s0, s5;
	v7 =	vld [tilespmem:s22+$0x0];
	[tilespmem:s17+$0x0] =	vst v4;
	v4 =	vadd.f32 v10, v2  }
0x31d: {  	s29 =	sor.u32 s2, s1;
	s30 =	sor.u32 s2, s4;
	s31 =	sor.u32 s2, s7;
	v8 =	vld [tilespmem:s23+$0x0];
	[tilespmem:s14+$0x10000] =	vst v5;
	v11 =	vadd.f32 v11, v2  }
0x31e: {  	s25 =	sor.u32 s21, s1;
	s28 =	sor.u32 s2, s5;
	s18 =	sor.u32 s21, s4;
	v3 =	vadd.f32 v3, v12;
	v5 =	vadd.f32 v0, v12;
	v0 =	vld [tilespmem:s24+$0x0];
	[tilespmem:s16+$0x0] =	vst v4  }
0x31f: {  	s19 =	sor.u32 s21, s7;
	s17 =	sor.u32 s21, s5;
	s16 =	sor.u32 s3, s4;
	v4 =	vadd.f32 v9, v12;
	v9 =	vadd.f32 v1, v12;
	v1 =	vld [tilespmem:s26+$0x0];
	[tilespmem:s15+$0x0] =	vst v11  }
0x320: {  	p0 =	slt.u32 s12, $0x1FC0;
	s0 =	sor.u32 s0, s1;
	s15 =	sor.u32 s3, s7;
	v10 =	vld [tilespmem:s29+$0x1C000];
	[tilespmem:s11+$0x0] =	vst v3;
	v2 =	vmov v6  }
0x321: {  	s14 =	smov.u32 s6;
	s11 =	smov.u32 s23;
	v6 =	vld [tilespmem:s29+$0x10000];
	v7 =	vadd.f32 v7, v2;
	[tilespmem:s8+$0x0] =	vst v5;
	s8 =	smov.u32 s24  }
0x322: {  	v5 =	vld [tilespmem:s30+$0x0];
	[tilespmem:s10+$0x0] =	vst v9;
	v3 =	vmov v8;
	s10 =	smov.u32 s26  }
0x323: {  	v11 =	vld [tilespmem:s31+$0x0];
	[tilespmem:s22+$0x0] =	vst v7  }
0x324: {  	v12 =	vld [tilespmem:s28+$0x0];
	[tilespmem:s13+$0x10000] =	vst v4;
	s13 =	smov.u32 s0  }
0x325: {  	v4 =	vld [tilespmem:s25+$0x1C000]  }
.Ltmp11:
0x326: {  	v6 =	vadd.f32 v6, v10;
	v9 =	vld [tilespmem:s25+$0x10000];
	(pc) =	sbr.rel @p0 .LBB2_24-.Ltmp11, $4  }
0x327: {  	v5 =	vadd.f32 v5, v10;
	v8 =	vld [tilespmem:s18+$0x0]  }
0x328: {  	[tilespmem:s29+$0x10000] =	vst v6;
	v11 =	vadd.f32 v11, v10;
	v7 =	vld [tilespmem:s19+$0x0]  }
0x329: {  	[tilespmem:s30+$0x0] =	vst v5;
	v10 =	vadd.f32 v12, v10;
	v6 =	vld [tilespmem:s17+$0x0]  }
0x32a: {  	[tilespmem:s31+$0x0] =	vst v11;
	v5 =	vld [tilespmem:s14+$0x10000]  }
0x32b: {  	v9 =	vadd.f32 v9, v4;
	v11 =	vld [tilespmem:s16+$0x0]  }
0x32c: {  	[tilespmem:s28+$0x0] =	vst v10;
	v12 =	vld [tilespmem:s13+$0x1C000];
	v8 =	vadd.f32 v8, v4  }
0x32d: {  	v10 =	vld [tilespmem:s15+$0x0];
	[tilespmem:s25+$0x10000] =	vst v9;
	v7 =	vadd.f32 v7, v4  }
0x32e: {  	[tilespmem:s18+$0x0] =	vst v8;
	v4 =	vadd.f32 v6, v4  }
0x32f: {  	[tilespmem:s19+$0x0] =	vst v7;
	v5 =	vadd.f32 v5, v2  }
0x330: {  	v6 =	vld [tilespmem:s13+$0x10000];
	[tilespmem:s17+$0x0] =	vst v4;
	v4 =	vadd.f32 v11, v2  }
0x331: {  	v3 =	vadd.f32 v3, v12;
	[tilespmem:s14+$0x10000] =	vst v5  }
0x332: {  	v2 =	vadd.f32 v10, v2;
	[tilespmem:s16+$0x0] =	vst v4  }
0x333: {  	v0 =	vadd.f32 v0, v12;
	[tilespmem:s11+$0x0] =	vst v3  }
0x334: {  	v1 =	vadd.f32 v1, v12;
	[tilespmem:s15+$0x0] =	vst v2  }
0x335: {  	v2 =	vadd.f32 v6, v12;
	[tilespmem:s8+$0x0] =	vst v0  }
0x336: {  	[tilespmem:s10+$0x0] =	vst v1  }
0x337: {  	[tilespmem:s13+$0x10000] =	vst v2  }
0x338: {  	s0 =	sld [smem:$0x7ED]  }
0x339: {  	s1 =	simm.s32 $0x2000  }
0x33a: {  	s2 =	simm.s32 $0x400000;
	s3 =	simm.s32 $0x10000;
	s15 =	simm.s32 $0x6  }
0x33b: {  	[hbm4b:s0+s1] =	stream.strided.scatter [tilespmem:s3], [sflag:$0x6], $0x8000, s2, s1, $0x38;
	[tilespmem:$0x1E000] =	vst v63  }
0x33c: {  	_ =	swait.ge [sflag:s15], $0x8000  }
0x33d: {  	s16 =	sld [smem:$0x7F5]  }
0x33e: {  	[sflag:s15] =	ssyncset.done $0x0  }
0x33f: {  	s17 =	sld [smem:$0x7F8];
	[sflag:s15] =	ssyncadd.s32 $0xFFFF8000  }
0x340: {  	[tilespmem:s3], [sflag:$0x3] =	stream.strided.gather [hbm4b:s16+s1], $0x8000, s2, s1, $0x38;
	[tilespmem:$0x1E000] =	vst v63  }
0x341: {  	s9 =	simm.s32 $0x0;
	s18 =	simm.s32 $0x1C000;
	s19 =	simm.s32 $0x7  }
0x342: {  	[tilespmem:s18], [sflag:$0x9] =	stream.linear.gather [hbm4b:s17+s9], $0x2000, $0x38;
	[tilespmem:$0x1E000] =	vst v63  }
0x343: {  	_ =	swait.ge [sflag:s19], $0x2000  }
0x344: {  	s12 =	simm.s32 $0x0;
	[sflag:s19] =	ssyncset.done $0x0  }
0x345: {  	s20 =	simm.s32 $0x1;
	s21 =	sand.u32 $0x40, s12;
	[sflag:s19] =	ssyncadd.s32 $0xFFFFE000  }
0x346: {  	s22 =	sand.u32 $0x1C00, s9;
	s23 =	sand.u32 $0x380, s9;
	_ =	swait.ge [sflag:s20], $0x8000  }
0x347: {  	s24 =	sor.u32 $0x30, s21;
	s1 =	sor.u32 s23, s22;
	[sflag:s20] =	ssyncset.done $0x0  }
0x348: {  	s26 =	sor.u32 $0x6000, s1;
	s14 =	sor.u32 s24, s1;
	[sflag:s20] =	ssyncadd.s32 $0xFFFF8000  }
0x349: {  	s4 =	sor.u32 $0x2000, s1;
	s5 =	sor.u32 s24, s26;
	v2 =	vld [tilespmem:s14+$0x18000]  }
0x34a: {  	s6 =	sor.u32 $0x4000, s1;
	s11 =	sor.u32 s21, s4;
	v4 =	vld [tilespmem:s5+$0x0]  }
0x34b: {  	s8 =	sor.u32 s21, s6;
	v3 =	vld [tilespmem:s11+$0x0]  }
0x34c: {  	s7 =	sor.u32 $0x10, s21;
	s10 =	sor.u32 s21, s26;
	v0 =	vld [tilespmem:s8+$0x0]  }
0x34d: {  	s29 =	sor.u32 s7, s1;
	v1 =	vld [tilespmem:s10+$0x0]  }
0x34e: {  	v5 =	vld [tilespmem:s29+$0x18000]  }
0x34f: {  	s30 =	sor.u32 s7, s4;
	v6 =	vld [tilespmem:s29+$0x0]  }
0x350: {  	s20 =	sor.u32 s7, s6;
	v7 =	vld [tilespmem:s30+$0x0]  }
0x351: {  	s31 =	sor.u32 $0x20, s21;
	s28 =	sor.u32 s7, s26;
	v10 =	vld [tilespmem:s20+$0x0]  }
0x352: {  	s25 =	sor.u32 s31, s1;
	v11 =	vld [tilespmem:s28+$0x0]  }
0x353: {  	v9 =	vld [tilespmem:s25+$0x0];
	v8 =	vadd.f32 v4, v2  }
0x354: {  	s18 =	sor.u32 s31, s4;
	v4 =	vld [tilespmem:s25+$0x18000];
	v6 =	vadd.f32 v6, v5  }
0x355: {  	s19 =	sor.u32 s31, s6;
	v63 =	vadd.f32 v7, v5;
	[tilespmem:s5+$0x0] =	vst v8;
	v8 =	vld [tilespmem:s18+$0x0]  }
0x356: {  	s17 =	sor.u32 s31, s26;
	v13 =	vadd.f32 v10, v5;
	v7 =	vld [tilespmem:s19+$0x0];
	[tilespmem:s29+$0x0] =	vst v6  }
0x357: {  	s13 =	sor.u32 s21, s1;
	v10 =	vadd.f32 v11, v5;
	v6 =	vld [tilespmem:s17+$0x0];
	[tilespmem:s30+$0x0] =	vst v63  }
0x358: {  	s16 =	sor.u32 s24, s4;
	s15 =	sor.u32 s24, s6;
	v5 =	vld [tilespmem:s14+$0x0];
	[tilespmem:s20+$0x0] =	vst v13;
	s20 =	simm.s32 $0x0  }
.LBB2_26:
0x359: {  	s12 =	sadd.s32 $0x40, s12;
	[tilespmem:s28+$0x0] =	vst v10;
	v9 =	vadd.f32 v9, v4;
	v10 =	vld [tilespmem:s16+$0x0];
	s9 =	sadd.s32 $0x8, s9;
	s20 =	sadd.s32 $0x200, s20  }
0x35a: {  	s0 =	sand.u32 $0x40, s12;
	s1 =	sand.u32 $0x1C00, s20;
	s2 =	sand.u32 $0x380, s9;
	v8 =	vadd.f32 v8, v4;
	v11 =	vld [tilespmem:s15+$0x0]  }
0x35b: {  	s1 =	sor.u32 s2, s1;
	s2 =	sor.u32 $0x10, s0;
	s3 =	sor.u32 $0x30, s0;
	v12 =	vld [tilespmem:s13+$0x18000];
	[tilespmem:s25+$0x0] =	vst v9;
	v7 =	vadd.f32 v7, v4  }
0x35c: {  	s4 =	sor.u32 $0x2000, s1;
	s5 =	sor.u32 $0x6000, s1;
	s6 =	sor.u32 s3, s1;
	v9 =	vld [tilespmem:s13+$0x0];
	[tilespmem:s18+$0x0] =	vst v8;
	v4 =	vadd.f32 v6, v4  }
0x35d: {  	s21 =	sor.u32 $0x20, s0;
	s7 =	sor.u32 $0x4000, s1;
	v6 =	vld [tilespmem:s6+$0x18000];
	s22 =	sor.u32 s3, s5;
	[tilespmem:s19+$0x0] =	vst v7;
	v5 =	vadd.f32 v5, v2  }
0x35e: {  	s23 =	sor.u32 s0, s4;
	s24 =	sor.u32 s0, s7;
	s26 =	sor.u32 s0, s5;
	v7 =	vld [tilespmem:s22+$0x0];
	[tilespmem:s17+$0x0] =	vst v4;
	v4 =	vadd.f32 v10, v2  }
0x35f: {  	s29 =	sor.u32 s2, s1;
	s30 =	sor.u32 s2, s4;
	s31 =	sor.u32 s2, s7;
	v8 =	vld [tilespmem:s23+$0x0];
	[tilespmem:s14+$0x0] =	vst v5;
	v11 =	vadd.f32 v11, v2  }
0x360: {  	s25 =	sor.u32 s21, s1;
	s28 =	sor.u32 s2, s5;
	s18 =	sor.u32 s21, s4;
	v3 =	vadd.f32 v3, v12;
	v5 =	vadd.f32 v0, v12;
	v0 =	vld [tilespmem:s24+$0x0];
	[tilespmem:s16+$0x0] =	vst v4  }
0x361: {  	s19 =	sor.u32 s21, s7;
	s17 =	sor.u32 s21, s5;
	s16 =	sor.u32 s3, s4;
	v4 =	vadd.f32 v9, v12;
	v9 =	vadd.f32 v1, v12;
	v1 =	vld [tilespmem:s26+$0x0];
	[tilespmem:s15+$0x0] =	vst v11  }
0x362: {  	p0 =	slt.u32 s12, $0x1FC0;
	s0 =	sor.u32 s0, s1;
	s15 =	sor.u32 s3, s7;
	v10 =	vld [tilespmem:s29+$0x18000];
	[tilespmem:s11+$0x0] =	vst v3;
	v2 =	vmov v6  }
0x363: {  	s14 =	smov.u32 s6;
	s11 =	smov.u32 s23;
	v6 =	vld [tilespmem:s29+$0x0];
	v7 =	vadd.f32 v7, v2;
	[tilespmem:s8+$0x0] =	vst v5;
	s8 =	smov.u32 s24  }
0x364: {  	v5 =	vld [tilespmem:s30+$0x0];
	[tilespmem:s10+$0x0] =	vst v9;
	v3 =	vmov v8;
	s10 =	smov.u32 s26  }
0x365: {  	v11 =	vld [tilespmem:s31+$0x0];
	[tilespmem:s22+$0x0] =	vst v7  }
0x366: {  	v12 =	vld [tilespmem:s28+$0x0];
	[tilespmem:s13+$0x0] =	vst v4;
	s13 =	smov.u32 s0  }
0x367: {  	v4 =	vld [tilespmem:s25+$0x18000]  }
.Ltmp12:
0x368: {  	v6 =	vadd.f32 v6, v10;
	v9 =	vld [tilespmem:s25+$0x0];
	(pc) =	sbr.rel @p0 .LBB2_26-.Ltmp12, $4  }
0x369: {  	v5 =	vadd.f32 v5, v10;
	v8 =	vld [tilespmem:s18+$0x0]  }
0x36a: {  	[tilespmem:s29+$0x0] =	vst v6;
	v11 =	vadd.f32 v11, v10;
	v7 =	vld [tilespmem:s19+$0x0]  }
0x36b: {  	[tilespmem:s30+$0x0] =	vst v5;
	v10 =	vadd.f32 v12, v10;
	v6 =	vld [tilespmem:s17+$0x0]  }
0x36c: {  	[tilespmem:s31+$0x0] =	vst v11;
	v5 =	vld [tilespmem:s14+$0x0]  }
0x36d: {  	v9 =	vadd.f32 v9, v4;
	v11 =	vld [tilespmem:s16+$0x0]  }
0x36e: {  	[tilespmem:s28+$0x0] =	vst v10;
	v12 =	vld [tilespmem:s13+$0x18000];
	v8 =	vadd.f32 v8, v4  }
0x36f: {  	v10 =	vld [tilespmem:s15+$0x0];
	[tilespmem:s25+$0x0] =	vst v9;
	v7 =	vadd.f32 v7, v4  }
0x370: {  	[tilespmem:s18+$0x0] =	vst v8;
	v4 =	vadd.f32 v6, v4  }
0x371: {  	[tilespmem:s19+$0x0] =	vst v7;
	v5 =	vadd.f32 v5, v2  }
0x372: {  	v6 =	vld [tilespmem:s13+$0x0];
	[tilespmem:s17+$0x0] =	vst v4;
	v4 =	vadd.f32 v11, v2  }
0x373: {  	v3 =	vadd.f32 v3, v12;
	[tilespmem:s14+$0x0] =	vst v5  }
0x374: {  	v2 =	vadd.f32 v10, v2;
	[tilespmem:s16+$0x0] =	vst v4  }
0x375: {  	v0 =	vadd.f32 v0, v12;
	[tilespmem:s11+$0x0] =	vst v3  }
0x376: {  	v1 =	vadd.f32 v1, v12;
	[tilespmem:s15+$0x0] =	vst v2  }
0x377: {  	v2 =	vadd.f32 v6, v12;
	[tilespmem:s8+$0x0] =	vst v0  }
0x378: {  	[tilespmem:s10+$0x0] =	vst v1  }
0x379: {  	[tilespmem:s13+$0x0] =	vst v2  }
0x37a: {  	s0 =	sld [smem:$0x7F0]  }
0x37b: {  	s1 =	simm.s32 $0x2000  }
0x37c: {  	s2 =	simm.s32 $0x400000;
	s16 =	simm.s32 $0x4;
	s8 =	simm.s32 $0x0  }
0x37d: {  	[hbm4b:s0+s1] =	stream.strided.scatter [tilespmem:s8], [sflag:$0x4], $0x8000, s2, s1, $0x38;
	[tilespmem:$0x1E000] =	vst v63  }
0x37e: {  	_ =	swait.ge [sflag:s16], $0x8000  }
0x37f: {  	s17 =	sld [smem:$0x7F6]  }
0x380: {  	[sflag:s16] =	ssyncset.done $0x0  }
0x381: {  	s18 =	sld [smem:$0x7F9];
	[sflag:s16] =	ssyncadd.s32 $0xFFFF8000  }
0x382: {  	[tilespmem:s8], [sflag:$0x1] =	stream.strided.gather [hbm4b:s17+s1], $0x8000, s2, s1, $0x38;
	[tilespmem:$0x1E000] =	vst v63  }
0x383: {  	s20 =	simm.s32 $0x8;
	s19 =	simm.s32 $0x18000  }
0x384: {  	[tilespmem:s19], [sflag:$0x7] =	stream.linear.gather [hbm4b:s18+s8], $0x2000, $0x38;
	[tilespmem:$0x1E000] =	vst v63  }
0x385: {  	_ =	swait.ge [sflag:s20], $0x2000  }
0x386: {  	s12 =	simm.s32 $0x0;
	[sflag:s20] =	ssyncset.done $0x0  }
0x387: {  	s3 =	simm.s32 $0x2;
	s21 =	sand.u32 $0x40, s12;
	[sflag:s20] =	ssyncadd.s32 $0xFFFFE000  }
0x388: {  	s22 =	sand.u32 $0x1C00, s8;
	s23 =	sand.u32 $0x380, s8;
	_ =	swait.ge [sflag:s3], $0x8000  }
0x389: {  	s24 =	sor.u32 $0x30, s21;
	s1 =	sor.u32 s23, s22;
	[sflag:s3] =	ssyncset.done $0x0  }
0x38a: {  	s26 =	sor.u32 $0xE000, s1;
	s14 =	sor.u32 s24, s1;
	[sflag:s3] =	ssyncadd.s32 $0xFFFF8000  }
0x38b: {  	s4 =	sor.u32 $0xA000, s1;
	s5 =	sor.u32 s24, s26;
	v2 =	vld [tilespmem:s14+$0x1A000]  }
0x38c: {  	s6 =	sor.u32 $0xC000, s1;
	s11 =	sor.u32 s21, s4;
	v4 =	vld [tilespmem:s5+$0x0]  }
0x38d: {  	s9 =	sor.u32 s21, s6;
	v3 =	vld [tilespmem:s11+$0x0]  }
0x38e: {  	s7 =	sor.u32 $0x10, s21;
	s10 =	sor.u32 s21, s26;
	v0 =	vld [tilespmem:s9+$0x0]  }
0x38f: {  	s29 =	sor.u32 s7, s1;
	v1 =	vld [tilespmem:s10+$0x0]  }
0x390: {  	v5 =	vld [tilespmem:s29+$0x1A000]  }
0x391: {  	s30 =	sor.u32 s7, s4;
	v6 =	vld [tilespmem:s29+$0x8000]  }
0x392: {  	s20 =	sor.u32 s7, s6;
	v7 =	vld [tilespmem:s30+$0x0]  }
0x393: {  	s31 =	sor.u32 $0x20, s21;
	s28 =	sor.u32 s7, s26;
	v10 =	vld [tilespmem:s20+$0x0]  }
0x394: {  	s25 =	sor.u32 s31, s1;
	v11 =	vld [tilespmem:s28+$0x0]  }
0x395: {  	v9 =	vld [tilespmem:s25+$0x8000];
	v8 =	vadd.f32 v4, v2  }
0x396: {  	s18 =	sor.u32 s31, s4;
	v4 =	vld [tilespmem:s25+$0x1A000];
	v6 =	vadd.f32 v6, v5  }
0x397: {  	s19 =	sor.u32 s31, s6;
	v63 =	vadd.f32 v7, v5;
	[tilespmem:s5+$0x0] =	vst v8;
	v8 =	vld [tilespmem:s18+$0x0]  }
0x398: {  	s17 =	sor.u32 s31, s26;
	v13 =	vadd.f32 v10, v5;
	v7 =	vld [tilespmem:s19+$0x0];
	[tilespmem:s29+$0x8000] =	vst v6  }
0x399: {  	s13 =	sor.u32 s21, s1;
	v10 =	vadd.f32 v11, v5;
	v6 =	vld [tilespmem:s17+$0x0];
	[tilespmem:s30+$0x0] =	vst v63  }
0x39a: {  	s16 =	sor.u32 s24, s4;
	s15 =	sor.u32 s24, s6;
	v5 =	vld [tilespmem:s14+$0x8000];
	[tilespmem:s20+$0x0] =	vst v13;
	s20 =	simm.s32 $0x0  }
.LBB2_28:
0x39b: {  	s12 =	sadd.s32 $0x40, s12;
	[tilespmem:s28+$0x0] =	vst v10;
	v9 =	vadd.f32 v9, v4;
	v10 =	vld [tilespmem:s16+$0x0];
	s8 =	sadd.s32 $0x8, s8;
	s20 =	sadd.s32 $0x200, s20  }
0x39c: {  	s0 =	sand.u32 $0x40, s12;
	s1 =	sand.u32 $0x1C00, s20;
	s2 =	sand.u32 $0x380, s8;
	v8 =	vadd.f32 v8, v4;
	v11 =	vld [tilespmem:s15+$0x0]  }
0x39d: {  	s1 =	sor.u32 s2, s1;
	s2 =	sor.u32 $0x10, s0;
	s3 =	sor.u32 $0x30, s0;
	v12 =	vld [tilespmem:s13+$0x1A000];
	[tilespmem:s25+$0x8000] =	vst v9;
	v7 =	vadd.f32 v7, v4  }
0x39e: {  	s4 =	sor.u32 $0xA000, s1;
	s5 =	sor.u32 $0xE000, s1;
	s6 =	sor.u32 s3, s1;
	v9 =	vld [tilespmem:s13+$0x8000];
	[tilespmem:s18+$0x0] =	vst v8;
	v4 =	vadd.f32 v6, v4  }
0x39f: {  	s21 =	sor.u32 $0x20, s0;
	s7 =	sor.u32 $0xC000, s1;
	v6 =	vld [tilespmem:s6+$0x1A000];
	s22 =	sor.u32 s3, s5;
	[tilespmem:s19+$0x0] =	vst v7;
	v5 =	vadd.f32 v5, v2  }
0x3a0: {  	s23 =	sor.u32 s0, s4;
	s24 =	sor.u32 s0, s7;
	s26 =	sor.u32 s0, s5;
	v7 =	vld [tilespmem:s22+$0x0];
	[tilespmem:s17+$0x0] =	vst v4;
	v4 =	vadd.f32 v10, v2  }
0x3a1: {  	s29 =	sor.u32 s2, s1;
	s30 =	sor.u32 s2, s4;
	s31 =	sor.u32 s2, s7;
	v8 =	vld [tilespmem:s23+$0x0];
	[tilespmem:s14+$0x8000] =	vst v5;
	v11 =	vadd.f32 v11, v2  }
0x3a2: {  	s25 =	sor.u32 s21, s1;
	s28 =	sor.u32 s2, s5;
	s18 =	sor.u32 s21, s4;
	v3 =	vadd.f32 v3, v12;
	v5 =	vadd.f32 v0, v12;
	v0 =	vld [tilespmem:s24+$0x0];
	[tilespmem:s16+$0x0] =	vst v4  }
0x3a3: {  	s19 =	sor.u32 s21, s7;
	s17 =	sor.u32 s21, s5;
	s16 =	sor.u32 s3, s4;
	v4 =	vadd.f32 v9, v12;
	v9 =	vadd.f32 v1, v12;
	v1 =	vld [tilespmem:s26+$0x0];
	[tilespmem:s15+$0x0] =	vst v11  }
0x3a4: {  	p0 =	slt.u32 s12, $0x1FC0;
	s0 =	sor.u32 s0, s1;
	s15 =	sor.u32 s3, s7;
	v10 =	vld [tilespmem:s29+$0x1A000];
	[tilespmem:s11+$0x0] =	vst v3;
	v2 =	vmov v6  }
0x3a5: {  	s14 =	smov.u32 s6;
	s11 =	smov.u32 s23;
	v6 =	vld [tilespmem:s29+$0x8000];
	v7 =	vadd.f32 v7, v2;
	[tilespmem:s9+$0x0] =	vst v5;
	s9 =	smov.u32 s24  }
0x3a6: {  	v5 =	vld [tilespmem:s30+$0x0];
	[tilespmem:s10+$0x0] =	vst v9;
	v3 =	vmov v8;
	s10 =	smov.u32 s26  }
0x3a7: {  	v11 =	vld [tilespmem:s31+$0x0];
	[tilespmem:s22+$0x0] =	vst v7  }
0x3a8: {  	v12 =	vld [tilespmem:s28+$0x0];
	[tilespmem:s13+$0x8000] =	vst v4;
	s13 =	smov.u32 s0  }
0x3a9: {  	v4 =	vld [tilespmem:s25+$0x1A000]  }
.Ltmp13:
0x3aa: {  	v6 =	vadd.f32 v6, v10;
	v9 =	vld [tilespmem:s25+$0x8000];
	(pc) =	sbr.rel @p0 .LBB2_28-.Ltmp13, $4  }
0x3ab: {  	v5 =	vadd.f32 v5, v10;
	v8 =	vld [tilespmem:s18+$0x0]  }
0x3ac: {  	[tilespmem:s29+$0x8000] =	vst v6;
	v11 =	vadd.f32 v11, v10;
	v7 =	vld [tilespmem:s19+$0x0]  }
0x3ad: {  	[tilespmem:s30+$0x0] =	vst v5;
	v10 =	vadd.f32 v12, v10;
	v6 =	vld [tilespmem:s17+$0x0]  }
0x3ae: {  	[tilespmem:s31+$0x0] =	vst v11;
	v5 =	vld [tilespmem:s14+$0x8000]  }
0x3af: {  	v9 =	vadd.f32 v9, v4;
	v11 =	vld [tilespmem:s16+$0x0]  }
0x3b0: {  	[tilespmem:s28+$0x0] =	vst v10;
	v12 =	vld [tilespmem:s13+$0x1A000];
	v8 =	vadd.f32 v8, v4  }
0x3b1: {  	v10 =	vld [tilespmem:s15+$0x0];
	[tilespmem:s25+$0x8000] =	vst v9;
	v7 =	vadd.f32 v7, v4  }
0x3b2: {  	[tilespmem:s18+$0x0] =	vst v8;
	v4 =	vadd.f32 v6, v4  }
0x3b3: {  	[tilespmem:s19+$0x0] =	vst v7;
	v5 =	vadd.f32 v5, v2  }
0x3b4: {  	v6 =	vld [tilespmem:s13+$0x8000];
	[tilespmem:s17+$0x0] =	vst v4;
	v4 =	vadd.f32 v11, v2  }
0x3b5: {  	v3 =	vadd.f32 v3, v12;
	[tilespmem:s14+$0x8000] =	vst v5  }
0x3b6: {  	v2 =	vadd.f32 v10, v2;
	[tilespmem:s16+$0x0] =	vst v4  }
0x3b7: {  	v0 =	vadd.f32 v0, v12;
	[tilespmem:s11+$0x0] =	vst v3  }
0x3b8: {  	v1 =	vadd.f32 v1, v12;
	[tilespmem:s15+$0x0] =	vst v2  }
0x3b9: {  	v2 =	vadd.f32 v6, v12;
	[tilespmem:s9+$0x0] =	vst v0  }
0x3ba: {  	[tilespmem:s10+$0x0] =	vst v1  }
0x3bb: {  	[tilespmem:s13+$0x8000] =	vst v2  }
0x3bc: {  	s0 =	sld [smem:$0x7FA]  }
0x3bd: {  	s1 =	simm.s32 $0x2000  }
0x3be: {  	s2 =	simm.s32 $0x400000;
	s3 =	simm.s32 $0x8000;
	s19 =	simm.s32 $0x9  }
0x3bf: {  	[hbm4b:s0+s1] =	stream.strided.scatter [tilespmem:s3], [sflag:$0x5], $0x8000, s2, s1, $0x38;
	[tilespmem:$0x1E000] =	vst v63  }
0x3c0: {  	_ =	swait.ge [sflag:s19], $0x2000  }
0x3c1: {  	s20 =	simm.s32 $0x3;
	s12 =	simm.s32 $0x0;
	[sflag:s19] =	ssyncset.done $0x0  }
0x3c2: {  	s21 =	sand.u32 $0x40, s12;
	s11 =	simm.s32 $0x0;
	[sflag:s19] =	ssyncadd.s32 $0xFFFFE000  }
0x3c3: {  	s22 =	sand.u32 $0x1C00, s11;
	s23 =	sand.u32 $0x380, s11;
	_ =	swait.ge [sflag:s20], $0x8000  }
0x3c4: {  	s24 =	sor.u32 $0x30, s21;
	s1 =	sor.u32 s23, s22;
	[sflag:s20] =	ssyncset.done $0x0  }
0x3c5: {  	s26 =	sor.u32 $0x16000, s1;
	s14 =	sor.u32 s24, s1;
	[sflag:s20] =	ssyncadd.s32 $0xFFFF8000  }
0x3c6: {  	s4 =	sor.u32 $0x12000, s1;
	s5 =	sor.u32 s24, s26;
	v2 =	vld [tilespmem:s14+$0x1C000]  }
0x3c7: {  	s6 =	sor.u32 $0x14000, s1;
	s10 =	sor.u32 s21, s4;
	v4 =	vld [tilespmem:s5+$0x0]  }
0x3c8: {  	s8 =	sor.u32 s21, s6;
	v3 =	vld [tilespmem:s10+$0x0]  }
0x3c9: {  	s7 =	sor.u32 $0x10, s21;
	s9 =	sor.u32 s21, s26;
	v0 =	vld [tilespmem:s8+$0x0]  }
0x3ca: {  	s29 =	sor.u32 s7, s1;
	v1 =	vld [tilespmem:s9+$0x0]  }
0x3cb: {  	v5 =	vld [tilespmem:s29+$0x1C000]  }
0x3cc: {  	s30 =	sor.u32 s7, s4;
	v6 =	vld [tilespmem:s29+$0x10000]  }
0x3cd: {  	s20 =	sor.u32 s7, s6;
	v7 =	vld [tilespmem:s30+$0x0]  }
0x3ce: {  	s31 =	sor.u32 $0x20, s21;
	s28 =	sor.u32 s7, s26;
	v10 =	vld [tilespmem:s20+$0x0]  }
0x3cf: {  	s25 =	sor.u32 s31, s1;
	v11 =	vld [tilespmem:s28+$0x0]  }
0x3d0: {  	v9 =	vld [tilespmem:s25+$0x10000];
	v8 =	vadd.f32 v4, v2  }
0x3d1: {  	s18 =	sor.u32 s31, s4;
	v4 =	vld [tilespmem:s25+$0x1C000];
	v6 =	vadd.f32 v6, v5  }
0x3d2: {  	s19 =	sor.u32 s31, s6;
	v63 =	vadd.f32 v7, v5;
	[tilespmem:s5+$0x0] =	vst v8;
	v8 =	vld [tilespmem:s18+$0x0]  }
0x3d3: {  	s17 =	sor.u32 s31, s26;
	v13 =	vadd.f32 v10, v5;
	v7 =	vld [tilespmem:s19+$0x0];
	[tilespmem:s29+$0x10000] =	vst v6  }
0x3d4: {  	s13 =	sor.u32 s21, s1;
	v10 =	vadd.f32 v11, v5;
	v6 =	vld [tilespmem:s17+$0x0];
	[tilespmem:s30+$0x0] =	vst v63  }
0x3d5: {  	s16 =	sor.u32 s24, s4;
	s15 =	sor.u32 s24, s6;
	v5 =	vld [tilespmem:s14+$0x10000];
	[tilespmem:s20+$0x0] =	vst v13;
	s20 =	simm.s32 $0x0  }
.LBB2_30:
0x3d6: {  	s12 =	sadd.s32 $0x40, s12;
	[tilespmem:s28+$0x0] =	vst v10;
	v9 =	vadd.f32 v9, v4;
	v10 =	vld [tilespmem:s16+$0x0];
	s11 =	sadd.s32 $0x8, s11;
	s20 =	sadd.s32 $0x200, s20  }
0x3d7: {  	s0 =	sand.u32 $0x40, s12;
	s1 =	sand.u32 $0x1C00, s20;
	s2 =	sand.u32 $0x380, s11;
	v8 =	vadd.f32 v8, v4;
	v11 =	vld [tilespmem:s15+$0x0]  }
0x3d8: {  	s1 =	sor.u32 s2, s1;
	s2 =	sor.u32 $0x10, s0;
	s3 =	sor.u32 $0x30, s0;
	v12 =	vld [tilespmem:s13+$0x1C000];
	[tilespmem:s25+$0x10000] =	vst v9;
	v7 =	vadd.f32 v7, v4  }
0x3d9: {  	s4 =	sor.u32 $0x12000, s1;
	s5 =	sor.u32 $0x16000, s1;
	s6 =	sor.u32 s3, s1;
	v9 =	vld [tilespmem:s13+$0x10000];
	[tilespmem:s18+$0x0] =	vst v8;
	v4 =	vadd.f32 v6, v4  }
0x3da: {  	s21 =	sor.u32 $0x20, s0;
	s7 =	sor.u32 $0x14000, s1;
	v6 =	vld [tilespmem:s6+$0x1C000];
	s22 =	sor.u32 s3, s5;
	[tilespmem:s19+$0x0] =	vst v7;
	v5 =	vadd.f32 v5, v2  }
0x3db: {  	s23 =	sor.u32 s0, s4;
	s24 =	sor.u32 s0, s7;
	s26 =	sor.u32 s0, s5;
	v7 =	vld [tilespmem:s22+$0x0];
	[tilespmem:s17+$0x0] =	vst v4;
	v4 =	vadd.f32 v10, v2  }
0x3dc: {  	s29 =	sor.u32 s2, s1;
	s30 =	sor.u32 s2, s4;
	s31 =	sor.u32 s2, s7;
	v8 =	vld [tilespmem:s23+$0x0];
	[tilespmem:s14+$0x10000] =	vst v5;
	v11 =	vadd.f32 v11, v2  }
0x3dd: {  	s25 =	sor.u32 s21, s1;
	s28 =	sor.u32 s2, s5;
	s18 =	sor.u32 s21, s4;
	v3 =	vadd.f32 v3, v12;
	v5 =	vadd.f32 v0, v12;
	v0 =	vld [tilespmem:s24+$0x0];
	[tilespmem:s16+$0x0] =	vst v4  }
0x3de: {  	s19 =	sor.u32 s21, s7;
	s17 =	sor.u32 s21, s5;
	s16 =	sor.u32 s3, s4;
	v4 =	vadd.f32 v9, v12;
	v9 =	vadd.f32 v1, v12;
	v1 =	vld [tilespmem:s26+$0x0];
	[tilespmem:s15+$0x0] =	vst v11  }
0x3df: {  	p0 =	slt.u32 s12, $0x1FC0;
	s0 =	sor.u32 s0, s1;
	s15 =	sor.u32 s3, s7;
	v10 =	vld [tilespmem:s29+$0x1C000];
	[tilespmem:s10+$0x0] =	vst v3;
	v2 =	vmov v6  }
0x3e0: {  	s14 =	smov.u32 s6;
	s10 =	smov.u32 s23;
	v6 =	vld [tilespmem:s29+$0x10000];
	v7 =	vadd.f32 v7, v2;
	[tilespmem:s8+$0x0] =	vst v5;
	s8 =	smov.u32 s24  }
0x3e1: {  	v5 =	vld [tilespmem:s30+$0x0];
	[tilespmem:s9+$0x0] =	vst v9;
	v3 =	vmov v8;
	s9 =	smov.u32 s26  }
0x3e2: {  	v11 =	vld [tilespmem:s31+$0x0];
	[tilespmem:s22+$0x0] =	vst v7  }
0x3e3: {  	v12 =	vld [tilespmem:s28+$0x0];
	[tilespmem:s13+$0x10000] =	vst v4;
	s13 =	smov.u32 s0  }
0x3e4: {  	v4 =	vld [tilespmem:s25+$0x1C000]  }
.Ltmp14:
0x3e5: {  	v6 =	vadd.f32 v6, v10;
	v9 =	vld [tilespmem:s25+$0x10000];
	(pc) =	sbr.rel @p0 .LBB2_30-.Ltmp14, $4  }
0x3e6: {  	v5 =	vadd.f32 v5, v10;
	v8 =	vld [tilespmem:s18+$0x0]  }
0x3e7: {  	[tilespmem:s29+$0x10000] =	vst v6;
	v11 =	vadd.f32 v11, v10;
	v7 =	vld [tilespmem:s19+$0x0]  }
0x3e8: {  	[tilespmem:s30+$0x0] =	vst v5;
	v10 =	vadd.f32 v12, v10;
	v6 =	vld [tilespmem:s17+$0x0]  }
0x3e9: {  	[tilespmem:s31+$0x0] =	vst v11;
	v5 =	vld [tilespmem:s14+$0x10000]  }
0x3ea: {  	v9 =	vadd.f32 v9, v4;
	v11 =	vld [tilespmem:s16+$0x0]  }
0x3eb: {  	[tilespmem:s28+$0x0] =	vst v10;
	v12 =	vld [tilespmem:s13+$0x1C000];
	v8 =	vadd.f32 v8, v4  }
0x3ec: {  	v10 =	vld [tilespmem:s15+$0x0];
	[tilespmem:s25+$0x10000] =	vst v9;
	v7 =	vadd.f32 v7, v4  }
0x3ed: {  	[tilespmem:s18+$0x0] =	vst v8;
	v4 =	vadd.f32 v6, v4  }
0x3ee: {  	[tilespmem:s19+$0x0] =	vst v7;
	v5 =	vadd.f32 v5, v2  }
0x3ef: {  	v6 =	vld [tilespmem:s13+$0x10000];
	[tilespmem:s17+$0x0] =	vst v4;
	v4 =	vadd.f32 v11, v2  }
0x3f0: {  	v3 =	vadd.f32 v3, v12;
	[tilespmem:s14+$0x10000] =	vst v5  }
0x3f1: {  	v2 =	vadd.f32 v10, v2;
	[tilespmem:s16+$0x0] =	vst v4  }
0x3f2: {  	v0 =	vadd.f32 v0, v12;
	[tilespmem:s10+$0x0] =	vst v3  }
0x3f3: {  	v1 =	vadd.f32 v1, v12;
	[tilespmem:s15+$0x0] =	vst v2  }
0x3f4: {  	v2 =	vadd.f32 v6, v12;
	[tilespmem:s8+$0x0] =	vst v0  }
0x3f5: {  	[tilespmem:s9+$0x0] =	vst v1  }
0x3f6: {  	[tilespmem:s13+$0x10000] =	vst v2  }
0x3f7: {  	s0 =	sld [smem:$0x7FB]  }
0x3f8: {  	s1 =	simm.s32 $0x2000  }
0x3f9: {  	s2 =	simm.s32 $0x400000;
	s3 =	simm.s32 $0x10000;
	s19 =	simm.s32 $0x7  }
0x3fa: {  	[hbm4b:s0+s1] =	stream.strided.scatter [tilespmem:s3], [sflag:$0x6], $0x8000, s2, s1, $0x38;
	[tilespmem:$0x1E000] =	vst v63  }
0x3fb: {  	_ =	swait.ge [sflag:s19], $0x2000  }
0x3fc: {  	s20 =	simm.s32 $0x1;
	s12 =	simm.s32 $0x0;
	[sflag:s19] =	ssyncset.done $0x0  }
0x3fd: {  	s11 =	simm.s32 $0x0;
	s21 =	sand.u32 $0x40, s12;
	[sflag:s19] =	ssyncadd.s32 $0xFFFFE000  }
0x3fe: {  	s22 =	sand.u32 $0x1C00, s11;
	s23 =	sand.u32 $0x380, s11;
	_ =	swait.ge [sflag:s20], $0x8000  }
0x3ff: {  	s24 =	sor.u32 $0x30, s21;
	s1 =	sor.u32 s23, s22;
	[sflag:s20] =	ssyncset.done $0x0  }
0x400: {  	s26 =	sor.u32 $0x6000, s1;
	s14 =	sor.u32 s24, s1;
	[sflag:s20] =	ssyncadd.s32 $0xFFFF8000  }
0x401: {  	s4 =	sor.u32 $0x2000, s1;
	s5 =	sor.u32 s24, s26;
	v2 =	vld [tilespmem:s14+$0x18000]  }
0x402: {  	s6 =	sor.u32 $0x4000, s1;
	s10 =	sor.u32 s21, s4;
	v4 =	vld [tilespmem:s5+$0x0]  }
0x403: {  	s8 =	sor.u32 s21, s6;
	v3 =	vld [tilespmem:s10+$0x0]  }
0x404: {  	s7 =	sor.u32 $0x10, s21;
	s9 =	sor.u32 s21, s26;
	v0 =	vld [tilespmem:s8+$0x0]  }
0x405: {  	s29 =	sor.u32 s7, s1;
	v1 =	vld [tilespmem:s9+$0x0]  }
0x406: {  	v5 =	vld [tilespmem:s29+$0x18000]  }
0x407: {  	s30 =	sor.u32 s7, s4;
	v6 =	vld [tilespmem:s29+$0x0]  }
0x408: {  	s20 =	sor.u32 s7, s6;
	v7 =	vld [tilespmem:s30+$0x0]  }
0x409: {  	s31 =	sor.u32 $0x20, s21;
	s28 =	sor.u32 s7, s26;
	v10 =	vld [tilespmem:s20+$0x0]  }
0x40a: {  	s25 =	sor.u32 s31, s1;
	v11 =	vld [tilespmem:s28+$0x0]  }
0x40b: {  	v9 =	vld [tilespmem:s25+$0x0];
	v8 =	vadd.f32 v4, v2  }
0x40c: {  	s18 =	sor.u32 s31, s4;
	v4 =	vld [tilespmem:s25+$0x18000];
	v6 =	vadd.f32 v6, v5  }
0x40d: {  	s19 =	sor.u32 s31, s6;
	v63 =	vadd.f32 v7, v5;
	[tilespmem:s5+$0x0] =	vst v8;
	v8 =	vld [tilespmem:s18+$0x0]  }
0x40e: {  	s17 =	sor.u32 s31, s26;
	v13 =	vadd.f32 v10, v5;
	v7 =	vld [tilespmem:s19+$0x0];
	[tilespmem:s29+$0x0] =	vst v6  }
0x40f: {  	s13 =	sor.u32 s21, s1;
	v10 =	vadd.f32 v11, v5;
	v6 =	vld [tilespmem:s17+$0x0];
	[tilespmem:s30+$0x0] =	vst v63  }
0x410: {  	s16 =	sor.u32 s24, s4;
	s15 =	sor.u32 s24, s6;
	v5 =	vld [tilespmem:s14+$0x0];
	[tilespmem:s20+$0x0] =	vst v13;
	s20 =	simm.s32 $0x0  }
.LBB2_32:
0x411: {  	s12 =	sadd.s32 $0x40, s12;
	[tilespmem:s28+$0x0] =	vst v10;
	v9 =	vadd.f32 v9, v4;
	v10 =	vld [tilespmem:s16+$0x0];
	s11 =	sadd.s32 $0x8, s11;
	s20 =	sadd.s32 $0x200, s20  }
0x412: {  	s0 =	sand.u32 $0x40, s12;
	s1 =	sand.u32 $0x1C00, s20;
	s2 =	sand.u32 $0x380, s11;
	v8 =	vadd.f32 v8, v4;
	v11 =	vld [tilespmem:s15+$0x0]  }
0x413: {  	s1 =	sor.u32 s2, s1;
	s2 =	sor.u32 $0x10, s0;
	s3 =	sor.u32 $0x30, s0;
	v12 =	vld [tilespmem:s13+$0x18000];
	[tilespmem:s25+$0x0] =	vst v9;
	v7 =	vadd.f32 v7, v4  }
0x414: {  	s4 =	sor.u32 $0x2000, s1;
	s5 =	sor.u32 $0x6000, s1;
	s6 =	sor.u32 s3, s1;
	v9 =	vld [tilespmem:s13+$0x0];
	[tilespmem:s18+$0x0] =	vst v8;
	v4 =	vadd.f32 v6, v4  }
0x415: {  	s21 =	sor.u32 $0x20, s0;
	s7 =	sor.u32 $0x4000, s1;
	v6 =	vld [tilespmem:s6+$0x18000];
	s22 =	sor.u32 s3, s5;
	[tilespmem:s19+$0x0] =	vst v7;
	v5 =	vadd.f32 v5, v2  }
0x416: {  	s23 =	sor.u32 s0, s4;
	s24 =	sor.u32 s0, s7;
	s26 =	sor.u32 s0, s5;
	v7 =	vld [tilespmem:s22+$0x0];
	[tilespmem:s17+$0x0] =	vst v4;
	v4 =	vadd.f32 v10, v2  }
0x417: {  	s29 =	sor.u32 s2, s1;
	s30 =	sor.u32 s2, s4;
	s31 =	sor.u32 s2, s7;
	v8 =	vld [tilespmem:s23+$0x0];
	[tilespmem:s14+$0x0] =	vst v5;
	v11 =	vadd.f32 v11, v2  }
0x418: {  	s25 =	sor.u32 s21, s1;
	s28 =	sor.u32 s2, s5;
	s18 =	sor.u32 s21, s4;
	v3 =	vadd.f32 v3, v12;
	v5 =	vadd.f32 v0, v12;
	v0 =	vld [tilespmem:s24+$0x0];
	[tilespmem:s16+$0x0] =	vst v4  }
0x419: {  	s19 =	sor.u32 s21, s7;
	s17 =	sor.u32 s21, s5;
	s16 =	sor.u32 s3, s4;
	v4 =	vadd.f32 v9, v12;
	v9 =	vadd.f32 v1, v12;
	v1 =	vld [tilespmem:s26+$0x0];
	[tilespmem:s15+$0x0] =	vst v11  }
0x41a: {  	p0 =	slt.u32 s12, $0x1FC0;
	s0 =	sor.u32 s0, s1;
	s15 =	sor.u32 s3, s7;
	v10 =	vld [tilespmem:s29+$0x18000];
	[tilespmem:s10+$0x0] =	vst v3;
	v2 =	vmov v6  }
0x41b: {  	s14 =	smov.u32 s6;
	s10 =	smov.u32 s23;
	v6 =	vld [tilespmem:s29+$0x0];
	v7 =	vadd.f32 v7, v2;
	[tilespmem:s8+$0x0] =	vst v5;
	s8 =	smov.u32 s24  }
0x41c: {  	v5 =	vld [tilespmem:s30+$0x0];
	[tilespmem:s9+$0x0] =	vst v9;
	v3 =	vmov v8;
	s9 =	smov.u32 s26  }
0x41d: {  	v11 =	vld [tilespmem:s31+$0x0];
	[tilespmem:s22+$0x0] =	vst v7  }
0x41e: {  	v12 =	vld [tilespmem:s28+$0x0];
	[tilespmem:s13+$0x0] =	vst v4;
	s13 =	smov.u32 s0  }
0x41f: {  	v4 =	vld [tilespmem:s25+$0x18000]  }
.Ltmp15:
0x420: {  	v6 =	vadd.f32 v6, v10;
	v9 =	vld [tilespmem:s25+$0x0];
	(pc) =	sbr.rel @p0 .LBB2_32-.Ltmp15, $4  }
0x421: {  	v5 =	vadd.f32 v5, v10;
	v8 =	vld [tilespmem:s18+$0x0]  }
0x422: {  	[tilespmem:s29+$0x0] =	vst v6;
	v11 =	vadd.f32 v11, v10;
	v7 =	vld [tilespmem:s19+$0x0]  }
0x423: {  	[tilespmem:s30+$0x0] =	vst v5;
	v10 =	vadd.f32 v12, v10;
	v6 =	vld [tilespmem:s17+$0x0]  }
0x424: {  	[tilespmem:s31+$0x0] =	vst v11;
	v5 =	vld [tilespmem:s14+$0x0]  }
0x425: {  	v9 =	vadd.f32 v9, v4;
	v11 =	vld [tilespmem:s16+$0x0]  }
0x426: {  	[tilespmem:s28+$0x0] =	vst v10;
	v12 =	vld [tilespmem:s13+$0x18000];
	v8 =	vadd.f32 v8, v4  }
0x427: {  	v58 =	vld [tilespmem:s15+$0x0];
	[tilespmem:s25+$0x0] =	vst v9;
	v7 =	vadd.f32 v7, v4  }
0x428: {  	[tilespmem:s18+$0x0] =	vst v8;
	v59 =	vadd.f32 v6, v4  }
0x429: {  	[tilespmem:s19+$0x0] =	vst v7;
	v5 =	vadd.f32 v5, v2  }
0x42a: {  	v60 =	vld [tilespmem:s13+$0x0];
	[tilespmem:s17+$0x0] =	vst v59;
	v61 =	vadd.f32 v11, v2  }
0x42b: {  	v3 =	vadd.f32 v3, v12;
	[tilespmem:s14+$0x0] =	vst v5  }
0x42c: {  	v62 =	vadd.f32 v58, v2;
	[tilespmem:s16+$0x0] =	vst v61  }
0x42d: {  	v0 =	vadd.f32 v0, v12;
	[tilespmem:s10+$0x0] =	vst v3  }
0x42e: {  	v1 =	vadd.f32 v1, v12;
	[tilespmem:s15+$0x0] =	vst v62  }
0x42f: {  	v63 =	vadd.f32 v60, v12;
	[tilespmem:s8+$0x0] =	vst v0  }
0x430: {  	[tilespmem:s9+$0x0] =	vst v1  }
0x431: {  	[tilespmem:s13+$0x0] =	vst v63  }
0x432: {  	s0 =	sld [smem:$0x7FC]  }
0x433: {  	s1 =	simm.s32 $0x0  }
0x434: {  	s2 =	simm.s32 $0x2000;
	s3 =	simm.s32 $0x400000;
	s29 =	simm.s32 $0x5  }
0x435: {  	[hbm4b:s0+s2] =	stream.strided.scatter [tilespmem:s1], [sflag:$0x4], $0x8000, s3, s2, $0x38;
	[tilespmem:$0x1E000] =	vst v63  }
0x436: {  	_ =	swait.ge [sflag:s29], $0x8000  }
0x437: {  	[sflag:s29] =	ssyncset.done $0x0  }
0x438: {  	s30 =	simm.s32 $0x6;
	[sflag:s29] =	ssyncadd.s32 $0xFFFF8000  }
0x439: {  	_ =	swait.ge [sflag:s30], $0x8000  }
0x43a: {  	[sflag:s30] =	ssyncset.done $0x0  }
0x43b: {  	s4 =	simm.s32 $0x4;
	[sflag:s30] =	ssyncadd.s32 $0xFFFF8000  }
0x43c: {  	_ =	swait.ge [sflag:s4], $0x8000  }
0x43d: {  	s5 =	sld [smem:$0x7E8]  }
0x43e: {  	s31 =	sld [smem:$0x7FD];
	_ =	sdelay $0x1  }
0x43f: {  	s5 =	sadd.s32 $0x1, s5  }
0x440: {  	p0 =	sne.s32 s5, s31  }
.Ltmp16:
0x441: {  	_ = 	snop;
	(pc) =	sbr.rel @p0 .LBB2_1-.Ltmp16, $3  }
0x442: {  	_ =	sdelay $0x1  }
0x443: {  	[sflag:s4] =	ssyncset.done $0x0  }
0x444: {  	[sflag:s4] =	ssyncadd.s32 $0xFFFF8000  }
0x445: {  	_ =	sfence.sel $0x180000  }
0x446: {  	[bflag:$0x0] =	sbarrier.arrive $0xFFFF  }
0x447: {  	_ =	strace $0x90000047  }
0x448: {  	s0 =	stileid.u32;
	[bflag:$0x2] =	sbarrier.arrive $0xFFFF  }
0x449: {  	p0 =	sne.s32 s0, $0x0;
	s0 =	rddreg [dreg:$0x3]  }
0x44a: {  	s0 =	sadd.s32 @!p0 $0x100000, s0  }
0x44b: {  	[sflag:s0] =	ssyncadd.tile.s32 @!p0 $0x1;
	_ =	shalt  }
.Lfunc_end2:
_tile_overlayer_lowered:
.L_overlay_start_2:
0x44c: {  	(tag) =	ssettag $0x2  }
0x44d: {  	s0 =	rddreg [dreg:$0x0];
	s2 =	stileid.u32  }
0x44e: {  	s1 =	rddreg [dreg:$0x1];
	p0 =	sne.s32 s2, $0x0  }
0x44f: {  	s3 =	rddreg [dreg:$0x2];
	[bflag:$0x3] =	sbarrier.arrive $0xFFFF;
	s2 =	simm.s32 @!p0 $0x1C0A  }
0x450: {  	[timem:s3], [sflag:s2] =	dma.local @!p0 [hbm:s0], s1  }
0x451: {  	s0 =	simm.s32 @!p0 $0xA  }
0x452: {  	_ =	swait.ge @!p0 [sflag:s0], s1  }
0x453: {  	s1 =	ssub.s32 @!p0 $0x0, s1;
	[sflag:s0] =	ssyncset.done @!p0 $0x0  }
0x454: {  	[sflag:s0] =	ssyncadd.s32 @!p0 s1  }
0x455: {  	[bflag:$0x3] =	sbarrier.arrive $0xFFFF  }
0x456: {  	_ =	shalt  }

</sc_bundles>
